<compile_context>
chip_gen: v7x
topology: tpu7x:2x2x1
jax: 0.10.2.dev20260603
libtpu: 0.0.44.dev20260713+nightly
codegen_flags: <defaults>
</compile_context>

<pallas_src>
import functools

import jax
import jax.numpy as jnp
from jax import lax
from jax.experimental import pallas as pl
from jax.experimental.pallas import tpu as pltpu
from jax.experimental.pallas import tpu_sc as plsc

DELTA = 2.772588722239781

NT = 4
DT = 64
NW = 32
NB = 320
N_PAD = NW * NB
CS = 2048
FQ = 256
C = 256
MB = 512
BIG = 3.0e38


def _tc1_body(h_ref, wt_ref, wb_ref, bp_ref, a_ref, b_ref):
    hblk = h_ref[...]
    for t in range(NT):
        ht = hblk[:, t * DT:(t + 1) * DT]
        a_ref[t] = jnp.dot(ht, wt_ref[t], preferred_element_type=jnp.float32)
        b_ref[t] = (jnp.dot(ht, wb_ref[t], preferred_element_type=jnp.float32)
                    + bp_ref[t])


def _tc1(hp, wtop, wbot, b_pre):
    nm = N_PAD // MB
    return pl.pallas_call(
        _tc1_body,
        grid=(nm,),
        in_specs=[
            pl.BlockSpec((MB, NT * DT), lambda m: (m, 0)),
            pl.BlockSpec((NT, DT, DT), lambda m: (0, 0, 0)),
            pl.BlockSpec((NT, DT, DT), lambda m: (0, 0, 0)),
            pl.BlockSpec((NT, DT), lambda m: (0, 0)),
        ],
        out_specs=[
            pl.BlockSpec((NT, MB, DT), lambda m: (0, m, 0)),
            pl.BlockSpec((NT, MB, DT), lambda m: (0, m, 0)),
        ],
        out_shape=[
            jax.ShapeDtypeStruct((NT, N_PAD, DT), jnp.float32),
            jax.ShapeDtypeStruct((NT, N_PAD, DT), jnp.float32),
        ],
    )(hp, wtop, wbot, b_pre)


def _make_sc(n_chunks, sc_len):
    mesh = plsc.VectorSubcoreMesh(core_axis_name="c", subcore_axis_name="s")

    @functools.partial(
        pl.kernel,
        mesh=mesh,
        compiler_params=pltpu.CompilerParams(needs_layout_passes=False, use_tc_tiling_on_sc=False),
        out_type=[
            jax.ShapeDtypeStruct((NT, N_PAD, DT), jnp.float32),
            jax.ShapeDtypeStruct((NT, N_PAD, DT), jnp.float32),
            jax.ShapeDtypeStruct((NT, N_PAD, DT), jnp.float32),
            jax.ShapeDtypeStruct((NT, N_PAD, DT), jnp.float32),
            jax.ShapeDtypeStruct((N_PAD,), jnp.float32),
            jax.ShapeDtypeStruct((NW * sc_len,), jnp.int32),
            jax.ShapeDtypeStruct((NW * sc_len,), jnp.int32),
        ],
        scratch_types=[
            pltpu.VMEM((CS,), jnp.int32),
            pltpu.VMEM((CS,), jnp.int32),
            pltpu.VMEM((FQ + 16,), jnp.int32),
            pltpu.VMEM((FQ + 16,), jnp.int32),
            pltpu.VMEM((16,), jnp.int32),
            pltpu.VMEM((16,), jnp.int32),
            pltpu.VMEM((C,), jnp.int32),
            pltpu.VMEM((C + 16,), jnp.int32),
            pltpu.VMEM((C,), jnp.int32),
            pltpu.VMEM((C, DT), jnp.float32),
            pltpu.VMEM((NB, DT), jnp.float32),
            pltpu.VMEM((NB, DT), jnp.float32),
            pltpu.VMEM((NB, DT), jnp.float32),
            pltpu.VMEM((NB, DT), jnp.float32),
            pltpu.VMEM((NB, DT), jnp.float32),
            pltpu.VMEM((NB,), jnp.float32),
            pltpu.SemaphoreType.DMA,
        ],
    )
    def sc_kernel(src_h, dst_h, a4, b4,
                  o_s, o_q, o_x, o_n, o_d, scr_s, scr_d,
                  dstg, srcg, cbuf_s, cbuf_d, tmp_s, tmp_d, sbuf, dlbuf, ibuf, gbuf,
                  bblk, acc_s, acc_q, acc_x, acc_n, dega, sem):
        w = lax.axis_index("s") * 2 + lax.axis_index("c")
        lo = w * NB
        hi = lo + NB
        sbase = w * sc_len

        def chunk_body(ch, carry):
            pltpu.sync_copy(dst_h.at[pl.ds(pl.multiple_of(ch * CS, CS), CS)], dstg)
            pltpu.sync_copy(src_h.at[pl.ds(pl.multiple_of(ch * CS, CS), CS)], srcg)

            def vec_body(i, fw):
                f, woff = fw
                dv = dstg[pl.ds(i * 16, 16)]
                sv = srcg[pl.ds(i * 16, 16)]
                m = (dv >= lo) & (dv < hi)
                plsc.store_compressed(tmp_d.at[pl.ds(0, 16)], dv - lo, mask=m)
                plsc.store_compressed(tmp_s.at[pl.ds(0, 16)], sv, mask=m)
                cbuf_d[pl.ds(f, 16)] = tmp_d[...]
                cbuf_s[pl.ds(f, 16)] = tmp_s[...]
                f = f + plsc.all_reduce_population_count(m)[0]

                def flush(fw2):
                    f2, wo2 = fw2
                    pltpu.sync_copy(cbuf_s.at[pl.ds(0, FQ)],
                                    scr_s.at[pl.ds(pl.multiple_of(sbase + wo2, FQ), FQ)])
                    pltpu.sync_copy(cbuf_d.at[pl.ds(0, FQ)],
                                    scr_d.at[pl.ds(pl.multiple_of(sbase + wo2, FQ), FQ)])
                    cbuf_s[pl.ds(0, 16)] = cbuf_s[pl.ds(FQ, 16)]
                    cbuf_d[pl.ds(0, 16)] = cbuf_d[pl.ds(FQ, 16)]
                    return f2 - FQ, wo2 + FQ

                return lax.cond(f >= FQ, flush, lambda fw2: fw2, (f, woff))

            return lax.fori_loop(0, CS // 16, vec_body, carry)

        f, woff = lax.fori_loop(0, n_chunks, chunk_body,
                                (jnp.int32(0), jnp.int32(0)))
        pltpu.sync_copy(cbuf_s.at[pl.ds(0, FQ)], scr_s.at[pl.ds(pl.multiple_of(sbase + woff, FQ), FQ)])
        pltpu.sync_copy(cbuf_d.at[pl.ds(0, FQ)], scr_d.at[pl.ds(pl.multiple_of(sbase + woff, FQ), FQ)])
        cnt = woff + f

        for p in range(NT):
            zero = jnp.zeros((16,), jnp.float32)
            big = jnp.full((16,), BIG, jnp.float32)

            def init_body(i, _, p=p):
                for k in range(DT // 16):
                    acc_s[i, pl.ds(k * 16, 16)] = zero
                    acc_q[i, pl.ds(k * 16, 16)] = zero
                    acc_x[i, pl.ds(k * 16, 16)] = zero
                    acc_n[i, pl.ds(k * 16, 16)] = big
                return 0

            lax.fori_loop(0, NB, init_body, 0)
            if p == 0:
                def dinit_body(i, _):
                    dega[pl.ds(i * 16, 16)] = jnp.zeros((16,), jnp.float32)
                    return 0
                lax.fori_loop(0, NB // 16, dinit_body, 0)

            pltpu.sync_copy(b4.at[pl.ds(pl.multiple_of(p * N_PAD + lo, NB), NB)], bblk)

            n_gc = (cnt + C - 1) // C

            def gchunk_body(g, _, p=p):
                base = g * C
                pltpu.sync_copy(scr_s.at[pl.ds(pl.multiple_of(sbase + base, C), C)], sbuf)
                pltpu.sync_copy(scr_d.at[pl.ds(pl.multiple_of(sbase + base, C), C)], dlbuf.at[pl.ds(0, C)])

                def adj_body(i, _):
                    v = sbuf[pl.ds(i * 16, 16)]
                    v = jnp.clip(v, 0, N_PAD - 1) + p * N_PAD
                    ibuf[pl.ds(i * 16, 16)] = v
                    return 0

                lax.fori_loop(0, C // 16, adj_body, 0)
                nc = jnp.minimum(C, cnt - base)
                if p == 0:
                    ones = jnp.ones((16,), jnp.float32)

                    def deg_body(i, _):
                        dlv = dlbuf[pl.ds(i * 16, 16)]
                        valid = (lax.iota(jnp.int32, 16) + i * 16) < nc
                        plsc.addupdate_scatter(dega, [dlv], ones, mask=valid)
                        return 0

                    lax.fori_loop(0, C // 16, deg_body, 0)
                cp0 = pltpu.async_copy(a4.at[ibuf.at[pl.ds(0, 128)]],
                                       gbuf.at[pl.ds(0, 128)], sem)
                cp1 = pltpu.async_copy(a4.at[ibuf.at[pl.ds(128, 128)]],
                                       gbuf.at[pl.ds(128, 128)], sem)
                cp0.wait()
                cp1.wait()

                def edge_body(j, _, p=p):
                    d = dlbuf[pl.ds(j, 16)][0]
                    for k in range(DT // 16):
                        sl = pl.ds(k * 16, 16)
                        msg = jnp.maximum(gbuf[j, sl] + bblk[d, sl], 0.0)
                        plsc.addupdate(acc_s.at[d, sl], msg)
                        plsc.addupdate(acc_q.at[d, sl], msg * msg)
                        acc_x[d, sl] = jnp.maximum(acc_x[d, sl], msg)
                        acc_n[d, sl] = jnp.minimum(acc_n[d, sl], msg)
                    return 0

                lax.fori_loop(0, nc, edge_body, 0)
                return 0

            lax.fori_loop(0, n_gc, gchunk_body, 0)

            pltpu.sync_copy(acc_s, o_s.at[p, pl.ds(pl.multiple_of(lo, NB), NB)])
            pltpu.sync_copy(acc_q, o_q.at[p, pl.ds(pl.multiple_of(lo, NB), NB)])
            pltpu.sync_copy(acc_x, o_x.at[p, pl.ds(pl.multiple_of(lo, NB), NB)])
            pltpu.sync_copy(acc_n, o_n.at[p, pl.ds(pl.multiple_of(lo, NB), NB)])
            if p == 0:
                pltpu.sync_copy(dega, o_d.at[pl.ds(pl.multiple_of(lo, NB), NB)])

    return sc_kernel


def _tc2_body(h_ref, s_ref, q_ref, x_ref, n_ref, dg_ref, wp_ref, bp_ref,
              wm_ref, bm_ref, out_ref):
    deg = dg_ref[:, 0:1]
    denom = jnp.maximum(deg, 1.0)
    has = deg > 0.0
    logd = jnp.log(deg + 1.0)
    amp = logd * (1.0 / DELTA)
    att = jnp.where(has, DELTA / jnp.maximum(logd, 1e-6), 0.0)
    hblk = h_ref[...]
    outs = []
    for p in range(NT):
        mean = s_ref[p] / denom
        sqm = q_ref[p] / denom
        var = jnp.maximum(sqm - mean * mean, 0.0)
        std = jnp.sqrt(var + 1e-5)
        mxp = jnp.where(has, x_ref[p], 0.0)
        mnp = jnp.where(has, n_ref[p], 0.0)
        xp = jnp.concatenate([mean, mxp, mnp, std], axis=1)
        pre = (jnp.dot(hblk[:, p * DT:(p + 1) * DT], wp_ref[p, 0:DT, :],
                       preferred_element_type=jnp.float32)
               + jnp.dot(xp, wp_ref[p, DT:DT + 256, :],
                         preferred_element_type=jnp.float32)
               + amp * jnp.dot(xp, wp_ref[p, DT + 256:DT + 512, :],
                               preferred_element_type=jnp.float32)
               + att * jnp.dot(xp, wp_ref[p, DT + 512:DT + 768, :],
                               preferred_element_type=jnp.float32)
               + bp_ref[p])
        outs.append(jnp.maximum(pre, 0.0))
    tcat = jnp.concatenate(outs, axis=1)
    mix = jnp.dot(tcat, wm_ref[...], preferred_element_type=jnp.float32)
    out_ref[...] = hblk + jnp.maximum(mix + bm_ref[0], 0.0)


def _tc2(hp, s4, q4, x4, n4, degb, w_post, b_post, w_mix, b_mix2):
    nm = N_PAD // MB
    return pl.pallas_call(
        _tc2_body,
        grid=(nm,),
        in_specs=[
            pl.BlockSpec((MB, NT * DT), lambda m: (m, 0)),
            pl.BlockSpec((NT, MB, DT), lambda m: (0, m, 0)),
            pl.BlockSpec((NT, MB, DT), lambda m: (0, m, 0)),
            pl.BlockSpec((NT, MB, DT), lambda m: (0, m, 0)),
            pl.BlockSpec((NT, MB, DT), lambda m: (0, m, 0)),
            pl.BlockSpec((MB, 128), lambda m: (m, 0)),
            pl.BlockSpec((NT, 832, DT), lambda m: (0, 0, 0)),
            pl.BlockSpec((NT, DT), lambda m: (0, 0)),
            pl.BlockSpec((NT * DT, NT * DT), lambda m: (0, 0)),
            pl.BlockSpec((1, NT * DT), lambda m: (0, 0)),
        ],
        out_specs=pl.BlockSpec((MB, NT * DT), lambda m: (m, 0)),
        out_shape=jax.ShapeDtypeStruct((N_PAD, NT * DT), jnp.float32),
    )(hp, s4, q4, x4, n4, degb, w_post, b_post, w_mix, b_mix2)


def kernel(h, edge_index, e, W_pre, b_pre, W_post, b_post, W_mix, b_mix):
    n, _ = h.shape
    n_edges = edge_index.shape[1]
    src = edge_index[0].astype(jnp.int32)
    dst = edge_index[1].astype(jnp.int32)

    n_chunks = -(-n_edges // CS)
    e_pad = n_chunks * CS
    sc_len = e_pad + FQ + C
    src_p = jnp.pad(src, (0, e_pad - n_edges))
    dst_p = jnp.pad(dst, (0, e_pad - n_edges), constant_values=2 ** 30)

    hp = jnp.pad(h, ((0, N_PAD - n), (0, 0)))
    wtop = W_pre[:, :DT, :]
    wbot = W_pre[:, DT:, :]

    a4, b4 = _tc1(hp, wtop, wbot, b_pre)
    a4f = a4.reshape(NT * N_PAD, DT)
    b4f = b4.reshape(NT * N_PAD, DT)

    sc = _make_sc(n_chunks, sc_len)
    s4, q4, x4, n4, deg, _, _ = sc(src_p, dst_p, a4f, b4f)

    degb = jnp.broadcast_to(deg[:, None], (N_PAD, 128))
    out = _tc2(hp, s4, q4, x4, n4, degb, W_post, b_post, W_mix,
               b_mix.reshape(1, NT * DT))
    return out[:n]

# --- scband reference (transcript-rebuilt; emitter-appended) ---
"""Pipeline reference for scband-pnalayer-8418135900209 (READ-ONLY COPY).

The authoritative reference and input builder live on the scoring server;
editing this copy changes nothing except your own understanding.
"""

import jax, jax.numpy as jnp
import numpy as np

DELTA = 2.772588722239781  # avg_d['log'] = log(16), avg in-degree of the graph

N_NODES = 10000
N_EDGES = 160000
INDIM = 256
NUM_TOWER = 4
DT = INDIM // NUM_TOWER  # 64 per-tower dim
POST_IN = DT * (1 + 4 * 3)  # indim_t * (1 + n_aggr * n_scalers) = 832


def setup_inputs(seed: int = 0) -> dict:
    key = jax.random.key(seed)
    ks = jax.random.split(key, 8)
    h = jax.random.normal(ks[0], (N_NODES, INDIM), dtype=jnp.float32)
    edge_index = jax.random.randint(ks[1], (2, N_EDGES), 0, N_NODES, dtype=jnp.int64 if jax.config.jax_enable_x64 else jnp.int32)
    e = jnp.zeros((N_EDGES, 4), dtype=jnp.float32)  # unused: edge_features=False
    W_pre = jax.random.normal(ks[2], (NUM_TOWER, 2 * DT, DT), dtype=jnp.float32) * 0.1
    b_pre = jnp.zeros((NUM_TOWER, DT), dtype=jnp.float32)
    W_post = jax.random.normal(ks[3], (NUM_TOWER, POST_IN, DT), dtype=jnp.float32) * 0.05
    b_post = jnp.zeros((NUM_TOWER, DT), dtype=jnp.float32)
    W_mix = jax.random.normal(ks[4], (INDIM, INDIM), dtype=jnp.float32) * 0.05
    b_mix = jnp.zeros((INDIM,), dtype=jnp.float32)
    return {"h": h, "edge_index": edge_index, "e": e, "W_pre": W_pre, "b_pre": b_pre,
            "W_post": W_post, "b_post": b_post, "W_mix": W_mix, "b_mix": b_mix}


def _pna_forward(h, edge_index, W_pre, b_pre, W_post, b_post, W_mix, b_mix):
    N = h.shape[0]
    src = edge_index[0]
    dst = edge_index[1]
    ones = jnp.ones((src.shape[0],), dtype=h.dtype)
    deg = jax.ops.segment_sum(ones, dst, num_segments=N)
    denom = jnp.maximum(deg, 1.0)[:, None]
    has = (deg > 0)[:, None]
    logd = jnp.log(deg + 1.0)
    amp = (logd / DELTA)[:, None]            # amplification scaler
    att = jnp.where(deg > 0, DELTA / jnp.maximum(logd, 1e-6), 0.0)[:, None]  # attenuation scaler
    num_tower = W_pre.shape[0]
    dt = h.shape[1] // num_tower
    towers = []
    for t in range(num_tower):
        ht = h[:, t * dt:(t + 1) * dt]
        # pretrans over edges: cat(src_h, dst_h) -> Linear -> relu
        z = jnp.concatenate([ht[src], ht[dst]], axis=1)
        msg = jax.nn.relu(z @ W_pre[t] + b_pre[t])
        # aggregators: mean / max / min / std over incoming messages per dst node
        s = jax.ops.segment_sum(msg, dst, num_segments=N)
        mean = s / denom
        mx = jnp.where(has, jax.ops.segment_max(msg, dst, num_segments=N), 0.0)
        mn = jnp.where(has, -jax.ops.segment_max(-msg, dst, num_segments=N), 0.0)
        sq = jax.ops.segment_sum(msg * msg, dst, num_segments=N) / denom
        var = jax.nn.relu(sq - mean * mean)
        std = jnp.sqrt(var + 1e-5)
        agg = jnp.concatenate([mean, mx, mn, std], axis=1)
        # scalers: identity / amplification / attenuation
        scaled = jnp.concatenate([agg, agg * amp, agg * att], axis=1)
        # posttrans: cat(h, aggregated) -> Linear -> relu
        post_in = jnp.concatenate([ht, scaled], axis=1)
        towers.append(jax.nn.relu(post_in @ W_post[t] + b_post[t]))
    h_cat = jnp.concatenate(towers, axis=1)
    h_out = jax.nn.relu(h_cat @ W_mix + b_mix)  # mixing network + activation
    return h + h_out  # residual (indim == outdim)


def reference(h, edge_index, e, W_pre, b_pre, W_post, b_post, W_mix, b_mix):
    # e is ignored: edge_features=False
    return _pna_forward(h, edge_index, W_pre, b_pre, W_post, b_post, W_mix, b_mix)

if __name__ == "__main__":
    import jax
    _d = setup_inputs()
    print(jax.jit(kernel)(*tuple(_d.values())))

</pallas_src>

<mosaic_0001>
#map = affine_map<(d0, d1) -> (0)>
#map1 = affine_map<(d0, d1) -> (0, 0)>
#map2 = affine_map<(d0, d1) -> (0, 0, 0)>
module attributes {stable_mosaic.version = 14 : i64} {
  func.func @sc_kernel(%arg0: i32, %arg1: i32, %arg2: memref<161792xi32, #tpu.memory_space<hbm>>, %arg3: memref<161792xi32, #tpu.memory_space<hbm>>, %arg4: memref<40960x64xf32, #tpu.memory_space<hbm>>, %arg5: memref<40960x64xf32, #tpu.memory_space<hbm>>, %arg6: memref<4x10240x64xf32, #tpu.memory_space<hbm>>, %arg7: memref<4x10240x64xf32, #tpu.memory_space<hbm>>, %arg8: memref<4x10240x64xf32, #tpu.memory_space<hbm>>, %arg9: memref<4x10240x64xf32, #tpu.memory_space<hbm>>, %arg10: memref<10240xf32, #tpu.memory_space<hbm>>, %arg11: memref<5193728xi32, #tpu.memory_space<hbm>>, %arg12: memref<5193728xi32, #tpu.memory_space<hbm>>, %arg13: memref<2048xi32, #tpu.memory_space<vmem>>, %arg14: memref<2048xi32, #tpu.memory_space<vmem>>, %arg15: memref<272xi32, #tpu.memory_space<vmem>>, %arg16: memref<272xi32, #tpu.memory_space<vmem>>, %arg17: memref<16xi32, #tpu.memory_space<vmem>>, %arg18: memref<16xi32, #tpu.memory_space<vmem>>, %arg19: memref<256xi32, #tpu.memory_space<vmem>>, %arg20: memref<272xi32, #tpu.memory_space<vmem>>, %arg21: memref<256xi32, #tpu.memory_space<vmem>>, %arg22: memref<256x64xf32, #tpu.memory_space<vmem>>, %arg23: memref<320x64xf32, #tpu.memory_space<vmem>>, %arg24: memref<320x64xf32, #tpu.memory_space<vmem>>, %arg25: memref<320x64xf32, #tpu.memory_space<vmem>>, %arg26: memref<320x64xf32, #tpu.memory_space<vmem>>, %arg27: memref<320x64xf32, #tpu.memory_space<vmem>>, %arg28: memref<320xf32, #tpu.memory_space<vmem>>, %arg29: memref<!tpu.dma_semaphore, #tpu.memory_space<semaphore_mem>>) attributes {dimension_semantics = [#tpu.dimension_semantics<core_parallel>, #tpu.dimension_semantics<subcore_parallel>], iteration_bounds = array<i64: 2, 16>, scalar_prefetch = 0 : i64, scratch_operands = 17 : i64, tpu.core_type = #tpu.core_type<sc_vector_subcore>, window_params = [{transform_indices = #map}, {transform_indices = #map}, {transform_indices = #map1}, {transform_indices = #map1}, {transform_indices = #map2}, {transform_indices = #map2}, {transform_indices = #map2}, {transform_indices = #map2}, {transform_indices = #map}, {transform_indices = #map}, {transform_indices = #map}]} {
    %mul3A = arith.constant 2 : i32
    %mul3A_0 = arith.muli %arg1, %mul3A : i32
    %add3A = arith.addi %mul3A_0, %arg0 : i32
    %mul3A_1 = arith.constant 320 : i32
    %mul3A_2 = arith.muli %add3A, %mul3A_1 : i32
    %add3A_3 = arith.constant 320 : i32
    %add3A_4 = arith.addi %mul3A_2, %add3A_3 : i32
    %mul3A_5 = arith.constant 162304 : i32
    %mul3A_6 = arith.muli %add3A, %mul3A_5 : i32
    %scan3A = arith.constant 0 : i32
    %scan3A_7 = arith.constant 0 : i32
    %scan3A_8 = arith.constant 0 : i32
    %scan3A_9 = arith.constant 79 : i32
    %scan3A_10 = arith.addi %scan3A_8, %scan3A_9 : i32
    %scan3A_11 = arith.constant 1 : i32
    %scan3A_12:2 = scf.for %scan3A_263 = %scan3A_8 to %scan3A_10 step %scan3A_11 iter_args(%scan3A_264 = %scan3A, %scan3A_265 = %scan3A_7) -> (i32, i32)  : i32 {
      %mul3A_266 = arith.constant 2048 : i32
      %mul3A_267 = arith.muli %scan3A_263, %mul3A_266 : i32
      %multiple_of3A_268 = tpu.assume_multiple %mul3A_267, 2048 : i32
      "tpu.region"() ({
        %run_scoped3A_278 = tpu.sem_alloc : memref<!tpu.dma_semaphore, #tpu.memory_space<semaphore_mem>>
        %dma_start3A = tpu.memref_slice %arg3[%multiple_of3A_268] : memref<161792xi32, #tpu.memory_space<hbm>> -> memref<2048xi32, #tpu.memory_space<hbm>>
        %dma_start3A_279 = tpu.memref_slice %arg3[%multiple_of3A_268] : memref<161792xi32, #tpu.memory_space<hbm>> -> memref<2048xi32, #tpu.memory_space<hbm>>
        tpu.enqueue_dma source(%dma_start3A_279 : memref<2048xi32, #tpu.memory_space<hbm>>) target(%arg13 : memref<2048xi32, #tpu.memory_space<vmem>>) target_semaphore(%run_scoped3A_278 : memref<!tpu.dma_semaphore, #tpu.memory_space<semaphore_mem>>)
        %dma_wait3A = tpu.memref_slice %arg3[%multiple_of3A_268] : memref<161792xi32, #tpu.memory_space<hbm>> -> memref<2048xi32, #tpu.memory_space<hbm>>
        %dma_wait3A_280 = tpu.memref_slice %arg3[%multiple_of3A_268] : memref<161792xi32, #tpu.memory_space<hbm>> -> memref<2048xi32, #tpu.memory_space<hbm>>
        tpu.wait_dma2 semaphore(%run_scoped3A_278 : memref<!tpu.dma_semaphore, #tpu.memory_space<semaphore_mem>>) src(%dma_wait3A_280 : memref<2048xi32, #tpu.memory_space<hbm>>) dst(%arg13 : memref<2048xi32, #tpu.memory_space<vmem>>)
        tpu.yield
      }) : () -> ()
      %mul3A_269 = arith.constant 2048 : i32
      %mul3A_270 = arith.muli %scan3A_263, %mul3A_269 : i32
      %multiple_of3A_271 = tpu.assume_multiple %mul3A_270, 2048 : i32
      "tpu.region"() ({
        %run_scoped3A_278 = tpu.sem_alloc : memref<!tpu.dma_semaphore, #tpu.memory_space<semaphore_mem>>
        %dma_start3A = tpu.memref_slice %arg2[%multiple_of3A_271] : memref<161792xi32, #tpu.memory_space<hbm>> -> memref<2048xi32, #tpu.memory_space<hbm>>
        %dma_start3A_279 = tpu.memref_slice %arg2[%multiple_of3A_271] : memref<161792xi32, #tpu.memory_space<hbm>> -> memref<2048xi32, #tpu.memory_space<hbm>>
        tpu.enqueue_dma source(%dma_start3A_279 : memref<2048xi32, #tpu.memory_space<hbm>>) target(%arg14 : memref<2048xi32, #tpu.memory_space<vmem>>) target_semaphore(%run_scoped3A_278 : memref<!tpu.dma_semaphore, #tpu.memory_space<semaphore_mem>>)
        %dma_wait3A = tpu.memref_slice %arg2[%multiple_of3A_271] : memref<161792xi32, #tpu.memory_space<hbm>> -> memref<2048xi32, #tpu.memory_space<hbm>>
        %dma_wait3A_280 = tpu.memref_slice %arg2[%multiple_of3A_271] : memref<161792xi32, #tpu.memory_space<hbm>> -> memref<2048xi32, #tpu.memory_space<hbm>>
        tpu.wait_dma2 semaphore(%run_scoped3A_278 : memref<!tpu.dma_semaphore, #tpu.memory_space<semaphore_mem>>) src(%dma_wait3A_280 : memref<2048xi32, #tpu.memory_space<hbm>>) dst(%arg14 : memref<2048xi32, #tpu.memory_space<vmem>>)
        tpu.yield
      }) : () -> ()
      %scan3A_272 = arith.constant 0 : i32
      %scan3A_273 = arith.constant 128 : i32
      %scan3A_274 = arith.addi %scan3A_272, %scan3A_273 : i32
      %scan3A_275 = arith.constant 1 : i32
      %scan3A_276:2 = scf.for %scan3A_278 = %scan3A_272 to %scan3A_274 step %scan3A_275 iter_args(%scan3A_279 = %scan3A_264, %scan3A_280 = %scan3A_265) -> (i32, i32)  : i32 {
        %mul3A_281 = arith.constant 16 : i32
        %mul3A_282 = arith.muli %scan3A_278, %mul3A_281 : i32
        %get3A = arith.index_cast %mul3A_282 : i32 to index
        %get3A_283 = tpu.vector_load %arg13[%get3A] {strides = array<i32>} : memref<2048xi32, #tpu.memory_space<vmem>>, vector<16xi32>,
        %mul3A_284 = arith.constant 16 : i32
        %mul3A_285 = arith.muli %scan3A_278, %mul3A_284 : i32
        %get3A_286 = arith.index_cast %mul3A_285 : i32 to index
        %get3A_287 = tpu.vector_load %arg14[%get3A_286] {strides = array<i32>} : memref<2048xi32, #tpu.memory_space<vmem>>, vector<16xi32>,
        %ge3A = vector.broadcast %mul3A_2 : i32 to vector<16xi32>
        %ge3A_288 = arith.cmpi sge, %get3A_283, %ge3A : vector<16xi32>
        %lt3A = vector.broadcast %add3A_4 : i32 to vector<16xi32>
        %lt3A_289 = arith.cmpi slt, %get3A_283, %lt3A : vector<16xi32>
        %and3A_290 = arith.andi %ge3A_288, %lt3A_289 : vector<16xi1>
        %sub3A_291 = vector.broadcast %mul3A_2 : i32 to vector<16xi32>
        %sub3A_292 = arith.subi %get3A_283, %sub3A_291 : vector<16xi32>
        %swap3A = arith.constant 0 : index
        %swap3A_293 = tpu.vector_load %arg18[%swap3A] masked %and3A_290 {strides = array<i32>} : memref<16xi32, #tpu.memory_space<vmem>>, vector<16xi32>, vector<16xi1>
        tpu.vector_store %arg18[%swap3A], %sub3A_292 masked %and3A_290 {strides = array<i32>} : memref<16xi32, #tpu.memory_space<vmem>>, vector<16xi32>, vector<16xi1>
        %swap3A_294 = arith.constant 0 : index
        %swap3A_295 = tpu.vector_load %arg17[%swap3A_294] masked %and3A_290 {strides = array<i32>} : memref<16xi32, #tpu.memory_space<vmem>>, vector<16xi32>, vector<16xi1>
        tpu.vector_store %arg17[%swap3A_294], %get3A_287 masked %and3A_290 {strides = array<i32>} : memref<16xi32, #tpu.memory_space<vmem>>, vector<16xi32>, vector<16xi1>
        %get3A_296 = arith.constant 0 : index
        %get3A_297 = tpu.vector_load %arg18[%get3A_296] {strides = array<i32>} : memref<16xi32, #tpu.memory_space<vmem>>, vector<16xi32>,
        %swap3A_298 = arith.index_cast %scan3A_279 : i32 to index
        %swap3A_299 = tpu.vector_load %arg16[%swap3A_298] {strides = array<i32>} : memref<272xi32, #tpu.memory_space<vmem>>, vector<16xi32>,
        tpu.vector_store %arg16[%swap3A_298], %get3A_297 {strides = array<i32>} : memref<272xi32, #tpu.memory_space<vmem>>, vector<16xi32>,
        %get3A_300 = arith.constant 0 : index
        %get3A_301 = tpu.vector_load %arg17[%get3A_300] {strides = array<i32>} : memref<16xi32, #tpu.memory_space<vmem>>, vector<16xi32>,
        %swap3A_302 = arith.index_cast %scan3A_279 : i32 to index
        %swap3A_303 = tpu.vector_load %arg15[%swap3A_302] {strides = array<i32>} : memref<272xi32, #tpu.memory_space<vmem>>, vector<16xi32>,
        tpu.vector_store %arg15[%swap3A_302], %get3A_301 {strides = array<i32>} : memref<272xi32, #tpu.memory_space<vmem>>, vector<16xi32>,
        %all_reduce_population_count3A = tpu.all_reduce %and3A_290 {dim = 0 : i64, kind = #tpu.reduction_kind<sum>} : vector<16xi1> -> vector<16xi32>
        %slice3A = vector.extract_strided_slice %all_reduce_population_count3A {offsets = [0], sizes = [1], strides = [1]} : vector<16xi32> to vector<1xi32>
        %squeeze3A = vector.extract %slice3A[0] : i32 from vector<1xi32>
        %add3A_304 = arith.addi %scan3A_279, %squeeze3A : i32
        %ge3A_305 = arith.constant 256 : i32
        %ge3A_306 = arith.cmpi sge, %add3A_304, %ge3A_305 : i32
        %convert_element_type3A = arith.extui %ge3A_306 : i1 to i32
        %cond3A = arith.constant 0 : i32
        %cond3A_307 = arith.cmpi ne, %convert_element_type3A, %cond3A : i32
        %cond3A_308:2 = scf.if %cond3A_307 -> (i32, i32) {
          %add3A_309 = arith.addi %mul3A_6, %scan3A_280 : i32
          %multiple_of3A_310 = tpu.assume_multiple %add3A_309, 256 : i32
          "tpu.region"() ({
            %run_scoped3A_325 = tpu.sem_alloc : memref<!tpu.dma_semaphore, #tpu.memory_space<semaphore_mem>>
            %dma_start3A = arith.constant 0 : i32
            %dma_start3A_326 = tpu.memref_slice %arg15[%dma_start3A] : memref<272xi32, #tpu.memory_space<vmem>> -> memref<256xi32, #tpu.memory_space<vmem>>
            %dma_start3A_327 = tpu.memref_slice %arg11[%multiple_of3A_310] : memref<5193728xi32, #tpu.memory_space<hbm>> -> memref<256xi32, #tpu.memory_space<hbm>>
            %dma_start3A_328 = tpu.memref_slice %arg11[%multiple_of3A_310] : memref<5193728xi32, #tpu.memory_space<hbm>> -> memref<256xi32, #tpu.memory_space<hbm>>
            %dma_start3A_329 = arith.constant 0 : i32
            %dma_start3A_330 = tpu.memref_slice %arg15[%dma_start3A_329] : memref<272xi32, #tpu.memory_space<vmem>> -> memref<256xi32, #tpu.memory_space<vmem>>
            tpu.enqueue_dma source(%dma_start3A_330 : memref<256xi32, #tpu.memory_space<vmem>>) target(%dma_start3A_328 : memref<256xi32, #tpu.memory_space<hbm>>) target_semaphore(%run_scoped3A_325 : memref<!tpu.dma_semaphore, #tpu.memory_space<semaphore_mem>>)
            %dma_wait3A = arith.constant 0 : i32
            %dma_wait3A_331 = tpu.memref_slice %arg15[%dma_wait3A] : memref<272xi32, #tpu.memory_space<vmem>> -> memref<256xi32, #tpu.memory_space<vmem>>
            %dma_wait3A_332 = tpu.memref_slice %arg11[%multiple_of3A_310] : memref<5193728xi32, #tpu.memory_space<hbm>> -> memref<256xi32, #tpu.memory_space<hbm>>
            %dma_wait3A_333 = tpu.memref_slice %arg11[%multiple_of3A_310] : memref<5193728xi32, #tpu.memory_space<hbm>> -> memref<256xi32, #tpu.memory_space<hbm>>
            %dma_wait3A_334 = arith.constant 0 : i32
            %dma_wait3A_335 = tpu.memref_slice %arg15[%dma_wait3A_334] : memref<272xi32, #tpu.memory_space<vmem>> -> memref<256xi32, #tpu.memory_space<vmem>>
            tpu.wait_dma2 semaphore(%run_scoped3A_325 : memref<!tpu.dma_semaphore, #tpu.memory_space<semaphore_mem>>) src(%dma_wait3A_335 : memref<256xi32, #tpu.memory_space<vmem>>) dst(%dma_wait3A_333 : memref<256xi32, #tpu.memory_space<hbm>>)
            tpu.yield
          }) : () -> ()
          %add3A_311 = arith.addi %mul3A_6, %scan3A_280 : i32
          %multiple_of3A_312 = tpu.assume_multiple %add3A_311, 256 : i32
          "tpu.region"() ({
            %run_scoped3A_325 = tpu.sem_alloc : memref<!tpu.dma_semaphore, #tpu.memory_space<semaphore_mem>>
            %dma_start3A = arith.constant 0 : i32
            %dma_start3A_326 = tpu.memref_slice %arg16[%dma_start3A] : memref<272xi32, #tpu.memory_space<vmem>> -> memref<256xi32, #tpu.memory_space<vmem>>
            %dma_start3A_327 = tpu.memref_slice %arg12[%multiple_of3A_312] : memref<5193728xi32, #tpu.memory_space<hbm>> -> memref<256xi32, #tpu.memory_space<hbm>>
            %dma_start3A_328 = tpu.memref_slice %arg12[%multiple_of3A_312] : memref<5193728xi32, #tpu.memory_space<hbm>> -> memref<256xi32, #tpu.memory_space<hbm>>
            %dma_start3A_329 = arith.constant 0 : i32
            %dma_start3A_330 = tpu.memref_slice %arg16[%dma_start3A_329] : memref<272xi32, #tpu.memory_space<vmem>> -> memref<256xi32, #tpu.memory_space<vmem>>
            tpu.enqueue_dma source(%dma_start3A_330 : memref<256xi32, #tpu.memory_space<vmem>>) target(%dma_start3A_328 : memref<256xi32, #tpu.memory_space<hbm>>) target_semaphore(%run_scoped3A_325 : memref<!tpu.dma_semaphore, #tpu.memory_space<semaphore_mem>>)
            %dma_wait3A = arith.constant 0 : i32
            %dma_wait3A_331 = tpu.memref_slice %arg16[%dma_wait3A] : memref<272xi32, #tpu.memory_space<vmem>> -> memref<256xi32, #tpu.memory_space<vmem>>
            %dma_wait3A_332 = tpu.memref_slice %arg12[%multiple_of3A_312] : memref<5193728xi32, #tpu.memory_space<hbm>> -> memref<256xi32, #tpu.memory_space<hbm>>
            %dma_wait3A_333 = tpu.memref_slice %arg12[%multiple_of3A_312] : memref<5193728xi32, #tpu.memory_space<hbm>> -> memref<256xi32, #tpu.memory_space<hbm>>
            %dma_wait3A_334 = arith.constant 0 : i32
            %dma_wait3A_335 = tpu.memref_slice %arg16[%dma_wait3A_334] : memref<272xi32, #tpu.memory_space<vmem>> -> memref<256xi32, #tpu.memory_space<vmem>>
            tpu.wait_dma2 semaphore(%run_scoped3A_325 : memref<!tpu.dma_semaphore, #tpu.memory_space<semaphore_mem>>) src(%dma_wait3A_335 : memref<256xi32, #tpu.memory_space<vmem>>) dst(%dma_wait3A_333 : memref<256xi32, #tpu.memory_space<hbm>>)
            tpu.yield
          }) : () -> ()
          %get3A_313 = arith.constant 256 : index
          %get3A_314 = tpu.vector_load %arg15[%get3A_313] {strides = array<i32>} : memref<272xi32, #tpu.memory_space<vmem>>, vector<16xi32>,
          %swap3A_315 = arith.constant 0 : index
          %swap3A_316 = tpu.vector_load %arg15[%swap3A_315] {strides = array<i32>} : memref<272xi32, #tpu.memory_space<vmem>>, vector<16xi32>,
          tpu.vector_store %arg15[%swap3A_315], %get3A_314 {strides = array<i32>} : memref<272xi32, #tpu.memory_space<vmem>>, vector<16xi32>,
          %get3A_317 = arith.constant 256 : index
          %get3A_318 = tpu.vector_load %arg16[%get3A_317] {strides = array<i32>} : memref<272xi32, #tpu.memory_space<vmem>>, vector<16xi32>,
          %swap3A_319 = arith.constant 0 : index
          %swap3A_320 = tpu.vector_load %arg16[%swap3A_319] {strides = array<i32>} : memref<272xi32, #tpu.memory_space<vmem>>, vector<16xi32>,
          tpu.vector_store %arg16[%swap3A_319], %get3A_318 {strides = array<i32>} : memref<272xi32, #tpu.memory_space<vmem>>, vector<16xi32>,
          %sub3A_321 = arith.constant 256 : i32
          %sub3A_322 = arith.subi %add3A_304, %sub3A_321 : i32
          %add3A_323 = arith.constant 256 : i32
          %add3A_324 = arith.addi %scan3A_280, %add3A_323 : i32
          scf.yield %sub3A_322, %add3A_324 : i32, i32
        } else {
          scf.yield %add3A_304, %scan3A_280 : i32, i32
        }
        scf.yield %cond3A_308#0, %cond3A_308#1 : i32, i32
      }
      %scan3A_277 = arith.constant 128 : i32
      scf.yield %scan3A_276#0, %scan3A_276#1 : i32, i32
    }
    %scan3A_13 = arith.constant 79 : i32
    %add3A_14 = arith.addi %mul3A_6, %scan3A_12#1 : i32
    %multiple_of3A = tpu.assume_multiple %add3A_14, 256 : i32
    "tpu.region"() ({
      %run_scoped3A_263 = tpu.sem_alloc : memref<!tpu.dma_semaphore, #tpu.memory_space<semaphore_mem>>
      %dma_start3A = arith.constant 0 : i32
      %dma_start3A_264 = tpu.memref_slice %arg15[%dma_start3A] : memref<272xi32, #tpu.memory_space<vmem>> -> memref<256xi32, #tpu.memory_space<vmem>>
      %dma_start3A_265 = tpu.memref_slice %arg11[%multiple_of3A] : memref<5193728xi32, #tpu.memory_space<hbm>> -> memref<256xi32, #tpu.memory_space<hbm>>
      %dma_start3A_266 = tpu.memref_slice %arg11[%multiple_of3A] : memref<5193728xi32, #tpu.memory_space<hbm>> -> memref<256xi32, #tpu.memory_space<hbm>>
      %dma_start3A_267 = arith.constant 0 : i32
      %dma_start3A_268 = tpu.memref_slice %arg15[%dma_start3A_267] : memref<272xi32, #tpu.memory_space<vmem>> -> memref<256xi32, #tpu.memory_space<vmem>>
      tpu.enqueue_dma source(%dma_start3A_268 : memref<256xi32, #tpu.memory_space<vmem>>) target(%dma_start3A_266 : memref<256xi32, #tpu.memory_space<hbm>>) target_semaphore(%run_scoped3A_263 : memref<!tpu.dma_semaphore, #tpu.memory_space<semaphore_mem>>)
      %dma_wait3A = arith.constant 0 : i32
      %dma_wait3A_269 = tpu.memref_slice %arg15[%dma_wait3A] : memref<272xi32, #tpu.memory_space<vmem>> -> memref<256xi32, #tpu.memory_space<vmem>>
      %dma_wait3A_270 = tpu.memref_slice %arg11[%multiple_of3A] : memref<5193728xi32, #tpu.memory_space<hbm>> -> memref<256xi32, #tpu.memory_space<hbm>>
      %dma_wait3A_271 = tpu.memref_slice %arg11[%multiple_of3A] : memref<5193728xi32, #tpu.memory_space<hbm>> -> memref<256xi32, #tpu.memory_space<hbm>>
      %dma_wait3A_272 = arith.constant 0 : i32
      %dma_wait3A_273 = tpu.memref_slice %arg15[%dma_wait3A_272] : memref<272xi32, #tpu.memory_space<vmem>> -> memref<256xi32, #tpu.memory_space<vmem>>
      tpu.wait_dma2 semaphore(%run_scoped3A_263 : memref<!tpu.dma_semaphore, #tpu.memory_space<semaphore_mem>>) src(%dma_wait3A_273 : memref<256xi32, #tpu.memory_space<vmem>>) dst(%dma_wait3A_271 : memref<256xi32, #tpu.memory_space<hbm>>)
      tpu.yield
    }) : () -> ()
    %add3A_15 = arith.addi %mul3A_6, %scan3A_12#1 : i32
    %multiple_of3A_16 = tpu.assume_multiple %add3A_15, 256 : i32
    "tpu.region"() ({
      %run_scoped3A_263 = tpu.sem_alloc : memref<!tpu.dma_semaphore, #tpu.memory_space<semaphore_mem>>
      %dma_start3A = arith.constant 0 : i32
      %dma_start3A_264 = tpu.memref_slice %arg16[%dma_start3A] : memref<272xi32, #tpu.memory_space<vmem>> -> memref<256xi32, #tpu.memory_space<vmem>>
      %dma_start3A_265 = tpu.memref_slice %arg12[%multiple_of3A_16] : memref<5193728xi32, #tpu.memory_space<hbm>> -> memref<256xi32, #tpu.memory_space<hbm>>
      %dma_start3A_266 = tpu.memref_slice %arg12[%multiple_of3A_16] : memref<5193728xi32, #tpu.memory_space<hbm>> -> memref<256xi32, #tpu.memory_space<hbm>>
      %dma_start3A_267 = arith.constant 0 : i32
      %dma_start3A_268 = tpu.memref_slice %arg16[%dma_start3A_267] : memref<272xi32, #tpu.memory_space<vmem>> -> memref<256xi32, #tpu.memory_space<vmem>>
      tpu.enqueue_dma source(%dma_start3A_268 : memref<256xi32, #tpu.memory_space<vmem>>) target(%dma_start3A_266 : memref<256xi32, #tpu.memory_space<hbm>>) target_semaphore(%run_scoped3A_263 : memref<!tpu.dma_semaphore, #tpu.memory_space<semaphore_mem>>)
      %dma_wait3A = arith.constant 0 : i32
      %dma_wait3A_269 = tpu.memref_slice %arg16[%dma_wait3A] : memref<272xi32, #tpu.memory_space<vmem>> -> memref<256xi32, #tpu.memory_space<vmem>>
      %dma_wait3A_270 = tpu.memref_slice %arg12[%multiple_of3A_16] : memref<5193728xi32, #tpu.memory_space<hbm>> -> memref<256xi32, #tpu.memory_space<hbm>>
      %dma_wait3A_271 = tpu.memref_slice %arg12[%multiple_of3A_16] : memref<5193728xi32, #tpu.memory_space<hbm>> -> memref<256xi32, #tpu.memory_space<hbm>>
      %dma_wait3A_272 = arith.constant 0 : i32
      %dma_wait3A_273 = tpu.memref_slice %arg16[%dma_wait3A_272] : memref<272xi32, #tpu.memory_space<vmem>> -> memref<256xi32, #tpu.memory_space<vmem>>
      tpu.wait_dma2 semaphore(%run_scoped3A_263 : memref<!tpu.dma_semaphore, #tpu.memory_space<semaphore_mem>>) src(%dma_wait3A_273 : memref<256xi32, #tpu.memory_space<vmem>>) dst(%dma_wait3A_271 : memref<256xi32, #tpu.memory_space<hbm>>)
      tpu.yield
    }) : () -> ()
    %add3A_17 = arith.addi %scan3A_12#1, %scan3A_12#0 : i32
    %broadcast_in_dim3A = arith.constant 0.000000e+00 : f32
    %broadcast_in_dim3A_18 = vector.broadcast %broadcast_in_dim3A : f32 to vector<16xf32>
    %broadcast_in_dim3A_19 = arith.constant 3.000000e+38 : f32
    %broadcast_in_dim3A_20 = vector.broadcast %broadcast_in_dim3A_19 : f32 to vector<16xf32>
    %scan3A_21 = arith.constant 0 : i32
    %scan3A_22 = arith.constant 0 : i32
    %scan3A_23 = arith.constant 320 : i32
    %scan3A_24 = arith.addi %scan3A_22, %scan3A_23 : i32
    %scan3A_25 = arith.constant 1 : i32
    %scan3A_26 = scf.for %scan3A_263 = %scan3A_22 to %scan3A_24 step %scan3A_25 iter_args(%scan3A_264 = %scan3A_21) -> (i32)  : i32 {
      %swap3A = arith.index_cast %scan3A_263 : i32 to index
      %swap3A_265 = arith.constant 0 : index
      %swap3A_266 = tpu.vector_load %arg24[%swap3A, %swap3A_265] {strides = array<i32>} : memref<320x64xf32, #tpu.memory_space<vmem>>, vector<16xf32>,
      tpu.vector_store %arg24[%swap3A, %swap3A_265], %broadcast_in_dim3A_18 {strides = array<i32>} : memref<320x64xf32, #tpu.memory_space<vmem>>, vector<16xf32>,
      %swap3A_267 = arith.index_cast %scan3A_263 : i32 to index
      %swap3A_268 = arith.constant 0 : index
      %swap3A_269 = tpu.vector_load %arg25[%swap3A_267, %swap3A_268] {strides = array<i32>} : memref<320x64xf32, #tpu.memory_space<vmem>>, vector<16xf32>,
      tpu.vector_store %arg25[%swap3A_267, %swap3A_268], %broadcast_in_dim3A_18 {strides = array<i32>} : memref<320x64xf32, #tpu.memory_space<vmem>>, vector<16xf32>,
      %swap3A_270 = arith.index_cast %scan3A_263 : i32 to index
      %swap3A_271 = arith.constant 0 : index
      %swap3A_272 = tpu.vector_load %arg26[%swap3A_270, %swap3A_271] {strides = array<i32>} : memref<320x64xf32, #tpu.memory_space<vmem>>, vector<16xf32>,
      tpu.vector_store %arg26[%swap3A_270, %swap3A_271], %broadcast_in_dim3A_18 {strides = array<i32>} : memref<320x64xf32, #tpu.memory_space<vmem>>, vector<16xf32>,
      %swap3A_273 = arith.index_cast %scan3A_263 : i32 to index
      %swap3A_274 = arith.constant 0 : index
      %swap3A_275 = tpu.vector_load %arg27[%swap3A_273, %swap3A_274] {strides = array<i32>} : memref<320x64xf32, #tpu.memory_space<vmem>>, vector<16xf32>,
      tpu.vector_store %arg27[%swap3A_273, %swap3A_274], %broadcast_in_dim3A_20 {strides = array<i32>} : memref<320x64xf32, #tpu.memory_space<vmem>>, vector<16xf32>,
      %swap3A_276 = arith.index_cast %scan3A_263 : i32 to index
      %swap3A_277 = arith.constant 16 : index
      %swap3A_278 = tpu.vector_load %arg24[%swap3A_276, %swap3A_277] {strides = array<i32>} : memref<320x64xf32, #tpu.memory_space<vmem>>, vector<16xf32>,
      tpu.vector_store %arg24[%swap3A_276, %swap3A_277], %broadcast_in_dim3A_18 {strides = array<i32>} : memref<320x64xf32, #tpu.memory_space<vmem>>, vector<16xf32>,
      %swap3A_279 = arith.index_cast %scan3A_263 : i32 to index
      %swap3A_280 = arith.constant 16 : index
      %swap3A_281 = tpu.vector_load %arg25[%swap3A_279, %swap3A_280] {strides = array<i32>} : memref<320x64xf32, #tpu.memory_space<vmem>>, vector<16xf32>,
      tpu.vector_store %arg25[%swap3A_279, %swap3A_280], %broadcast_in_dim3A_18 {strides = array<i32>} : memref<320x64xf32, #tpu.memory_space<vmem>>, vector<16xf32>,
      %swap3A_282 = arith.index_cast %scan3A_263 : i32 to index
      %swap3A_283 = arith.constant 16 : index
      %swap3A_284 = tpu.vector_load %arg26[%swap3A_282, %swap3A_283] {strides = array<i32>} : memref<320x64xf32, #tpu.memory_space<vmem>>, vector<16xf32>,
      tpu.vector_store %arg26[%swap3A_282, %swap3A_283], %broadcast_in_dim3A_18 {strides = array<i32>} : memref<320x64xf32, #tpu.memory_space<vmem>>, vector<16xf32>,
      %swap3A_285 = arith.index_cast %scan3A_263 : i32 to index
      %swap3A_286 = arith.constant 16 : index
      %swap3A_287 = tpu.vector_load %arg27[%swap3A_285, %swap3A_286] {strides = array<i32>} : memref<320x64xf32, #tpu.memory_space<vmem>>, vector<16xf32>,
      tpu.vector_store %arg27[%swap3A_285, %swap3A_286], %broadcast_in_dim3A_20 {strides = array<i32>} : memref<320x64xf32, #tpu.memory_space<vmem>>, vector<16xf32>,
      %swap3A_288 = arith.index_cast %scan3A_263 : i32 to index
      %swap3A_289 = arith.constant 32 : index
      %swap3A_290 = tpu.vector_load %arg24[%swap3A_288, %swap3A_289] {strides = array<i32>} : memref<320x64xf32, #tpu.memory_space<vmem>>, vector<16xf32>,
      tpu.vector_store %arg24[%swap3A_288, %swap3A_289], %broadcast_in_dim3A_18 {strides = array<i32>} : memref<320x64xf32, #tpu.memory_space<vmem>>, vector<16xf32>,
      %swap3A_291 = arith.index_cast %scan3A_263 : i32 to index
      %swap3A_292 = arith.constant 32 : index
      %swap3A_293 = tpu.vector_load %arg25[%swap3A_291, %swap3A_292] {strides = array<i32>} : memref<320x64xf32, #tpu.memory_space<vmem>>, vector<16xf32>,
      tpu.vector_store %arg25[%swap3A_291, %swap3A_292], %broadcast_in_dim3A_18 {strides = array<i32>} : memref<320x64xf32, #tpu.memory_space<vmem>>, vector<16xf32>,
      %swap3A_294 = arith.index_cast %scan3A_263 : i32 to index
      %swap3A_295 = arith.constant 32 : index
      %swap3A_296 = tpu.vector_load %arg26[%swap3A_294, %swap3A_295] {strides = array<i32>} : memref<320x64xf32, #tpu.memory_space<vmem>>, vector<16xf32>,
      tpu.vector_store %arg26[%swap3A_294, %swap3A_295], %broadcast_in_dim3A_18 {strides = array<i32>} : memref<320x64xf32, #tpu.memory_space<vmem>>, vector<16xf32>,
      %swap3A_297 = arith.index_cast %scan3A_263 : i32 to index
      %swap3A_298 = arith.constant 32 : index
      %swap3A_299 = tpu.vector_load %arg27[%swap3A_297, %swap3A_298] {strides = array<i32>} : memref<320x64xf32, #tpu.memory_space<vmem>>, vector<16xf32>,
      tpu.vector_store %arg27[%swap3A_297, %swap3A_298], %broadcast_in_dim3A_20 {strides = array<i32>} : memref<320x64xf32, #tpu.memory_space<vmem>>, vector<16xf32>,
      %swap3A_300 = arith.index_cast %scan3A_263 : i32 to index
      %swap3A_301 = arith.constant 48 : index
      %swap3A_302 = tpu.vector_load %arg24[%swap3A_300, %swap3A_301] {strides = array<i32>} : memref<320x64xf32, #tpu.memory_space<vmem>>, vector<16xf32>,
      tpu.vector_store %arg24[%swap3A_300, %swap3A_301], %broadcast_in_dim3A_18 {strides = array<i32>} : memref<320x64xf32, #tpu.memory_space<vmem>>, vector<16xf32>,
      %swap3A_303 = arith.index_cast %scan3A_263 : i32 to index
      %swap3A_304 = arith.constant 48 : index
      %swap3A_305 = tpu.vector_load %arg25[%swap3A_303, %swap3A_304] {strides = array<i32>} : memref<320x64xf32, #tpu.memory_space<vmem>>, vector<16xf32>,
      tpu.vector_store %arg25[%swap3A_303, %swap3A_304], %broadcast_in_dim3A_18 {strides = array<i32>} : memref<320x64xf32, #tpu.memory_space<vmem>>, vector<16xf32>,
      %swap3A_306 = arith.index_cast %scan3A_263 : i32 to index
      %swap3A_307 = arith.constant 48 : index
      %swap3A_308 = tpu.vector_load %arg26[%swap3A_306, %swap3A_307] {strides = array<i32>} : memref<320x64xf32, #tpu.memory_space<vmem>>, vector<16xf32>,
      tpu.vector_store %arg26[%swap3A_306, %swap3A_307], %broadcast_in_dim3A_18 {strides = array<i32>} : memref<320x64xf32, #tpu.memory_space<vmem>>, vector<16xf32>,
      %swap3A_309 = arith.index_cast %scan3A_263 : i32 to index
      %swap3A_310 = arith.constant 48 : index
      %swap3A_311 = tpu.vector_load %arg27[%swap3A_309, %swap3A_310] {strides = array<i32>} : memref<320x64xf32, #tpu.memory_space<vmem>>, vector<16xf32>,
      tpu.vector_store %arg27[%swap3A_309, %swap3A_310], %broadcast_in_dim3A_20 {strides = array<i32>} : memref<320x64xf32, #tpu.memory_space<vmem>>, vector<16xf32>,
      %scan3A_312 = arith.constant 0 : i32
      scf.yield %scan3A_312 : i32
    }
    %scan3A_27 = arith.constant 320 : i32
    %scan3A_28 = arith.constant 0 : i32
    %scan3A_29 = arith.constant 0 : i32
    %scan3A_30 = arith.constant 20 : i32
    %scan3A_31 = arith.addi %scan3A_29, %scan3A_30 : i32
    %scan3A_32 = arith.constant 1 : i32
    %scan3A_33 = scf.for %scan3A_263 = %scan3A_29 to %scan3A_31 step %scan3A_32 iter_args(%scan3A_264 = %scan3A_28) -> (i32)  : i32 {
      %broadcast_in_dim3A_265 = arith.constant 0.000000e+00 : f32
      %broadcast_in_dim3A_266 = vector.broadcast %broadcast_in_dim3A_265 : f32 to vector<16xf32>
      %mul3A_267 = arith.constant 16 : i32
      %mul3A_268 = arith.muli %scan3A_263, %mul3A_267 : i32
      %swap3A = arith.index_cast %mul3A_268 : i32 to index
      %swap3A_269 = tpu.vector_load %arg28[%swap3A] {strides = array<i32>} : memref<320xf32, #tpu.memory_space<vmem>>, vector<16xf32>,
      tpu.vector_store %arg28[%swap3A], %broadcast_in_dim3A_266 {strides = array<i32>} : memref<320xf32, #tpu.memory_space<vmem>>, vector<16xf32>,
      %scan3A_270 = arith.constant 0 : i32
      scf.yield %scan3A_270 : i32
    }
    %scan3A_34 = arith.constant 20 : i32
    %add3A_35 = arith.constant 0 : i32
    %add3A_36 = arith.addi %add3A_35, %mul3A_2 : i32
    %multiple_of3A_37 = tpu.assume_multiple %add3A_36, 320 : i32
    "tpu.region"() ({
      %run_scoped3A_263 = tpu.sem_alloc : memref<!tpu.dma_semaphore, #tpu.memory_space<semaphore_mem>>
      %dma_start3A = arith.constant 0 : i32
      %dma_start3A_264 = tpu.memref_slice %arg5[%multiple_of3A_37, %dma_start3A] : memref<40960x64xf32, #tpu.memory_space<hbm>> -> memref<320x64xf32, #tpu.memory_space<hbm>>
      %dma_start3A_265 = arith.constant 0 : i32
      %dma_start3A_266 = tpu.memref_slice %arg5[%multiple_of3A_37, %dma_start3A_265] : memref<40960x64xf32, #tpu.memory_space<hbm>> -> memref<320x64xf32, #tpu.memory_space<hbm>>
      tpu.enqueue_dma source(%dma_start3A_266 : memref<320x64xf32, #tpu.memory_space<hbm>>) target(%arg23 : memref<320x64xf32, #tpu.memory_space<vmem>>) target_semaphore(%run_scoped3A_263 : memref<!tpu.dma_semaphore, #tpu.memory_space<semaphore_mem>>)
      %dma_wait3A = arith.constant 0 : i32
      %dma_wait3A_267 = tpu.memref_slice %arg5[%multiple_of3A_37, %dma_wait3A] : memref<40960x64xf32, #tpu.memory_space<hbm>> -> memref<320x64xf32, #tpu.memory_space<hbm>>
      %dma_wait3A_268 = arith.constant 0 : i32
      %dma_wait3A_269 = tpu.memref_slice %arg5[%multiple_of3A_37, %dma_wait3A_268] : memref<40960x64xf32, #tpu.memory_space<hbm>> -> memref<320x64xf32, #tpu.memory_space<hbm>>
      tpu.wait_dma2 semaphore(%run_scoped3A_263 : memref<!tpu.dma_semaphore, #tpu.memory_space<semaphore_mem>>) src(%dma_wait3A_269 : memref<320x64xf32, #tpu.memory_space<hbm>>) dst(%arg23 : memref<320x64xf32, #tpu.memory_space<vmem>>)
      tpu.yield
    }) : () -> ()
    %add3A_38 = arith.constant 256 : i32
    %add3A_39 = arith.addi %add3A_17, %add3A_38 : i32
    %sub3A = arith.constant 1 : i32
    %sub3A_40 = arith.subi %add3A_39, %sub3A : i32
    %jit3A = arith.constant 256 : i32
    %div3A = arith.divsi %sub3A_40, %jit3A : i32
    %sign3A = arith.constant 0 : i32
    %sign3A_41 = arith.cmpi sgt, %sub3A_40, %sign3A : i32
    %sign3A_42 = arith.extui %sign3A_41 : i1 to i32
    %sign3A_43 = arith.constant 0 : i32
    %sign3A_44 = arith.cmpi slt, %sub3A_40, %sign3A_43 : i32
    %sign3A_45 = arith.extui %sign3A_44 : i1 to i32
    %sign3A_46 = arith.subi %sign3A_42, %sign3A_45 : i32
    %sign3A_47 = arith.constant 0 : i32
    %sign3A_48 = arith.cmpi sgt, %jit3A, %sign3A_47 : i32
    %sign3A_49 = arith.extui %sign3A_48 : i1 to i32
    %sign3A_50 = arith.constant 0 : i32
    %sign3A_51 = arith.cmpi slt, %jit3A, %sign3A_50 : i32
    %sign3A_52 = arith.extui %sign3A_51 : i1 to i32
    %sign3A_53 = arith.subi %sign3A_49, %sign3A_52 : i32
    %ne3A = arith.cmpi ne, %sign3A_46, %sign3A_53 : i32
    %rem3A = arith.remsi %sub3A_40, %jit3A : i32
    %ne3A_54 = arith.constant 0 : i32
    %ne3A_55 = arith.cmpi ne, %rem3A, %ne3A_54 : i32
    %and3A = arith.andi %ne3A, %ne3A_55 : i1
    %sub3A_56 = arith.constant 1 : i32
    %sub3A_57 = arith.subi %div3A, %sub3A_56 : i32
    %select_n3A = arith.select %and3A, %sub3A_57, %div3A : i32
    %while3A = arith.constant 0 : i32
    %while3A_58 = arith.constant 0 : i32
    %while3A_59 = arith.subi %select_n3A, %while3A : i32
    %while3A_60 = arith.addi %while3A, %while3A_59 : i32
    %while3A_61 = arith.constant 1 : i32
    %while3A_62 = arith.divsi %while3A_59, %while3A_61 : i32
    %while3A_63 = arith.muli %while3A_62, %while3A_61 : i32
    %while3A_64 = arith.addi %while3A, %while3A_63 : i32
    %while3A_65 = arith.constant 1 : i32
    %while3A_66 = scf.for %while3A_263 = %while3A to %while3A_64 step %while3A_65 iter_args(%while3A_264 = %while3A_58) -> (i32)  : i32 {
      %mul3A_265 = arith.constant 256 : i32
      %mul3A_266 = arith.muli %while3A_263, %mul3A_265 : i32
      %add3A_267 = arith.addi %mul3A_6, %mul3A_266 : i32
      %multiple_of3A_268 = tpu.assume_multiple %add3A_267, 256 : i32
      "tpu.region"() ({
        %run_scoped3A_332 = tpu.sem_alloc : memref<!tpu.dma_semaphore, #tpu.memory_space<semaphore_mem>>
        %dma_start3A_333 = tpu.memref_slice %arg11[%multiple_of3A_268] : memref<5193728xi32, #tpu.memory_space<hbm>> -> memref<256xi32, #tpu.memory_space<hbm>>
        %dma_start3A_334 = tpu.memref_slice %arg11[%multiple_of3A_268] : memref<5193728xi32, #tpu.memory_space<hbm>> -> memref<256xi32, #tpu.memory_space<hbm>>
        tpu.enqueue_dma source(%dma_start3A_334 : memref<256xi32, #tpu.memory_space<hbm>>) target(%arg19 : memref<256xi32, #tpu.memory_space<vmem>>) target_semaphore(%run_scoped3A_332 : memref<!tpu.dma_semaphore, #tpu.memory_space<semaphore_mem>>)
        %dma_wait3A_335 = tpu.memref_slice %arg11[%multiple_of3A_268] : memref<5193728xi32, #tpu.memory_space<hbm>> -> memref<256xi32, #tpu.memory_space<hbm>>
        %dma_wait3A_336 = tpu.memref_slice %arg11[%multiple_of3A_268] : memref<5193728xi32, #tpu.memory_space<hbm>> -> memref<256xi32, #tpu.memory_space<hbm>>
        tpu.wait_dma2 semaphore(%run_scoped3A_332 : memref<!tpu.dma_semaphore, #tpu.memory_space<semaphore_mem>>) src(%dma_wait3A_336 : memref<256xi32, #tpu.memory_space<hbm>>) dst(%arg19 : memref<256xi32, #tpu.memory_space<vmem>>)
        tpu.yield
      }) : () -> ()
      %add3A_269 = arith.addi %mul3A_6, %mul3A_266 : i32
      %multiple_of3A_270 = tpu.assume_multiple %add3A_269, 256 : i32
      "tpu.region"() ({
        %run_scoped3A_332 = tpu.sem_alloc : memref<!tpu.dma_semaphore, #tpu.memory_space<semaphore_mem>>
        %dma_start3A_333 = arith.constant 0 : i32
        %dma_start3A_334 = tpu.memref_slice %arg20[%dma_start3A_333] : memref<272xi32, #tpu.memory_space<vmem>> -> memref<256xi32, #tpu.memory_space<vmem>>
        %dma_start3A_335 = tpu.memref_slice %arg12[%multiple_of3A_270] : memref<5193728xi32, #tpu.memory_space<hbm>> -> memref<256xi32, #tpu.memory_space<hbm>>
        %dma_start3A_336 = arith.constant 0 : i32
        %dma_start3A_337 = tpu.memref_slice %arg20[%dma_start3A_336] : memref<272xi32, #tpu.memory_space<vmem>> -> memref<256xi32, #tpu.memory_space<vmem>>
        %dma_start3A_338 = tpu.memref_slice %arg12[%multiple_of3A_270] : memref<5193728xi32, #tpu.memory_space<hbm>> -> memref<256xi32, #tpu.memory_space<hbm>>
        tpu.enqueue_dma source(%dma_start3A_338 : memref<256xi32, #tpu.memory_space<hbm>>) target(%dma_start3A_337 : memref<256xi32, #tpu.memory_space<vmem>>) target_semaphore(%run_scoped3A_332 : memref<!tpu.dma_semaphore, #tpu.memory_space<semaphore_mem>>)
        %dma_wait3A_339 = arith.constant 0 : i32
        %dma_wait3A_340 = tpu.memref_slice %arg20[%dma_wait3A_339] : memref<272xi32, #tpu.memory_space<vmem>> -> memref<256xi32, #tpu.memory_space<vmem>>
        %dma_wait3A_341 = tpu.memref_slice %arg12[%multiple_of3A_270] : memref<5193728xi32, #tpu.memory_space<hbm>> -> memref<256xi32, #tpu.memory_space<hbm>>
        %dma_wait3A_342 = arith.constant 0 : i32
        %dma_wait3A_343 = tpu.memref_slice %arg20[%dma_wait3A_342] : memref<272xi32, #tpu.memory_space<vmem>> -> memref<256xi32, #tpu.memory_space<vmem>>
        %dma_wait3A_344 = tpu.memref_slice %arg12[%multiple_of3A_270] : memref<5193728xi32, #tpu.memory_space<hbm>> -> memref<256xi32, #tpu.memory_space<hbm>>
        tpu.wait_dma2 semaphore(%run_scoped3A_332 : memref<!tpu.dma_semaphore, #tpu.memory_space<semaphore_mem>>) src(%dma_wait3A_344 : memref<256xi32, #tpu.memory_space<hbm>>) dst(%dma_wait3A_343 : memref<256xi32, #tpu.memory_space<vmem>>)
        tpu.yield
      }) : () -> ()
      %scan3A_271 = arith.constant 0 : i32
      %scan3A_272 = arith.constant 0 : i32
      %scan3A_273 = arith.constant 16 : i32
      %scan3A_274 = arith.addi %scan3A_272, %scan3A_273 : i32
      %scan3A_275 = arith.constant 1 : i32
      %scan3A_276 = scf.for %scan3A_332 = %scan3A_272 to %scan3A_274 step %scan3A_275 iter_args(%scan3A_333 = %scan3A_271) -> (i32)  : i32 {
        %mul3A_334 = arith.constant 16 : i32
        %mul3A_335 = arith.muli %scan3A_332, %mul3A_334 : i32
        %get3A = arith.index_cast %mul3A_335 : i32 to index
        %get3A_336 = tpu.vector_load %arg19[%get3A] {strides = array<i32>} : memref<256xi32, #tpu.memory_space<vmem>>, vector<16xi32>,
        %jit3A_337 = arith.constant 0 : i32
        %jit3A_338 = arith.constant 10239 : i32
        %max3A = vector.broadcast %jit3A_337 : i32 to vector<16xi32>
        %max3A_339 = arith.maxsi %max3A, %get3A_336 : vector<16xi32>
        %min3A_340 = vector.broadcast %jit3A_338 : i32 to vector<16xi32>
        %min3A_341 = arith.minsi %min3A_340, %max3A_339 : vector<16xi32>
        %add3A_342 = arith.constant 0 : i32
        %add3A_343 = vector.broadcast %add3A_342 : i32 to vector<16xi32>
        %add3A_344 = arith.addi %min3A_341, %add3A_343 : vector<16xi32>
        %mul3A_345 = arith.constant 16 : i32
        %mul3A_346 = arith.muli %scan3A_332, %mul3A_345 : i32
        %swap3A = arith.index_cast %mul3A_346 : i32 to index
        %swap3A_347 = tpu.vector_load %arg21[%swap3A] {strides = array<i32>} : memref<256xi32, #tpu.memory_space<vmem>>, vector<16xi32>,
        tpu.vector_store %arg21[%swap3A], %add3A_344 {strides = array<i32>} : memref<256xi32, #tpu.memory_space<vmem>>, vector<16xi32>,
        %scan3A_348 = arith.constant 0 : i32
        scf.yield %scan3A_348 : i32
      }
      %scan3A_277 = arith.constant 16 : i32
      %sub3A_278 = arith.subi %add3A_17, %mul3A_266 : i32
      %min3A = arith.constant 256 : i32
      %min3A_279 = arith.minsi %min3A, %sub3A_278 : i32
      %broadcast_in_dim3A_280 = arith.constant 1.000000e+00 : f32
      %broadcast_in_dim3A_281 = vector.broadcast %broadcast_in_dim3A_280 : f32 to vector<16xf32>
      %scan3A_282 = arith.constant 0 : i32
      %scan3A_283 = arith.constant 0 : i32
      %scan3A_284 = arith.constant 16 : i32
      %scan3A_285 = arith.addi %scan3A_283, %scan3A_284 : i32
      %scan3A_286 = arith.constant 1 : i32
      %scan3A_287 = scf.for %scan3A_332 = %scan3A_283 to %scan3A_285 step %scan3A_286 iter_args(%scan3A_333 = %scan3A_282) -> (i32)  : i32 {
        %mul3A_334 = arith.constant 16 : i32
        %mul3A_335 = arith.muli %scan3A_332, %mul3A_334 : i32
        %get3A = arith.index_cast %mul3A_335 : i32 to index
        %get3A_336 = tpu.vector_load %arg20[%get3A] {strides = array<i32>} : memref<272xi32, #tpu.memory_space<vmem>>, vector<16xi32>,
        %iota3A = tpu.iota {dimensions = array<i32: 0>} : vector<16xi32>
        %mul3A_337 = arith.constant 16 : i32
        %mul3A_338 = arith.muli %scan3A_332, %mul3A_337 : i32
        %add3A_339 = vector.broadcast %mul3A_338 : i32 to vector<16xi32>
        %add3A_340 = arith.addi %iota3A, %add3A_339 : vector<16xi32>
        %lt3A = vector.broadcast %min3A_279 : i32 to vector<16xi32>
        %lt3A_341 = arith.cmpi slt, %add3A_340, %lt3A : vector<16xi32>
        tpu.vector_store_idx %arg28[%get3A_336], %broadcast_in_dim3A_281 masked %lt3A_341 {add = true} : memref<320xf32, #tpu.memory_space<vmem>>[vector<16xi32>], vector<16xf32>, vector<16xi1>
        %scan3A_342 = arith.constant 0 : i32
        scf.yield %scan3A_342 : i32
      }
      %scan3A_288 = arith.constant 16 : i32
      %dma_start3A = arith.constant 0 : i32
      %dma_start3A_289 = arith.constant 0 : i32
      %dma_start3A_290 = tpu.memref_slice %arg22[%dma_start3A, %dma_start3A_289] : memref<256x64xf32, #tpu.memory_space<vmem>> -> memref<128x64xf32, #tpu.memory_space<vmem>>
      %dma_start3A_291 = arith.constant 0 : i32
      %dma_start3A_292 = tpu.memref_slice %arg21[%dma_start3A_291] : memref<256xi32, #tpu.memory_space<vmem>> -> memref<128xi32, #tpu.memory_space<vmem>>
      %dma_start3A_293 = arith.constant 0 : i32
      %dma_start3A_294 = arith.constant 0 : i32
      %dma_start3A_295 = tpu.memref_slice %arg4[%dma_start3A_293, %dma_start3A_294] : memref<40960x64xf32, #tpu.memory_space<hbm>> -> memref<40960x64xf32, #tpu.memory_space<hbm>>
      tpu.enqueue_indirect_dma source(%dma_start3A_295 : memref<40960x64xf32, #tpu.memory_space<hbm>>) target(%dma_start3A_290 : memref<128x64xf32, #tpu.memory_space<vmem>>) offsets(%dma_start3A_292 : memref<128xi32, #tpu.memory_space<vmem>>) semaphore(%arg29 : memref<!tpu.dma_semaphore, #tpu.memory_space<semaphore_mem>>)
      %dma_start3A_296 = arith.constant 128 : i32
      %dma_start3A_297 = arith.constant 0 : i32
      %dma_start3A_298 = tpu.memref_slice %arg22[%dma_start3A_296, %dma_start3A_297] : memref<256x64xf32, #tpu.memory_space<vmem>> -> memref<128x64xf32, #tpu.memory_space<vmem>>
      %dma_start3A_299 = arith.constant 128 : i32
      %dma_start3A_300 = tpu.memref_slice %arg21[%dma_start3A_299] : memref<256xi32, #tpu.memory_space<vmem>> -> memref<128xi32, #tpu.memory_space<vmem>>
      %dma_start3A_301 = arith.constant 0 : i32
      %dma_start3A_302 = arith.constant 0 : i32
      %dma_start3A_303 = tpu.memref_slice %arg4[%dma_start3A_301, %dma_start3A_302] : memref<40960x64xf32, #tpu.memory_space<hbm>> -> memref<40960x64xf32, #tpu.memory_space<hbm>>
      tpu.enqueue_indirect_dma source(%dma_start3A_303 : memref<40960x64xf32, #tpu.memory_space<hbm>>) target(%dma_start3A_298 : memref<128x64xf32, #tpu.memory_space<vmem>>) offsets(%dma_start3A_300 : memref<128xi32, #tpu.memory_space<vmem>>) semaphore(%arg29 : memref<!tpu.dma_semaphore, #tpu.memory_space<semaphore_mem>>)
      %dma_wait3A = arith.constant 0 : i32
      %dma_wait3A_304 = arith.constant 0 : i32
      %dma_wait3A_305 = tpu.memref_slice %arg22[%dma_wait3A, %dma_wait3A_304] : memref<256x64xf32, #tpu.memory_space<vmem>> -> memref<128x64xf32, #tpu.memory_space<vmem>>
      %dma_wait3A_306 = arith.constant 0 : i32
      %dma_wait3A_307 = tpu.memref_slice %arg21[%dma_wait3A_306] : memref<256xi32, #tpu.memory_space<vmem>> -> memref<128xi32, #tpu.memory_space<vmem>>
      %dma_wait3A_308 = arith.constant 0 : i32
      %dma_wait3A_309 = arith.constant 0 : i32
      %dma_wait3A_310 = tpu.memref_slice %arg4[%dma_wait3A_308, %dma_wait3A_309] : memref<40960x64xf32, #tpu.memory_space<hbm>> -> memref<40960x64xf32, #tpu.memory_space<hbm>>
      tpu.wait_indirect_dma semaphore(%arg29 : memref<!tpu.dma_semaphore, #tpu.memory_space<semaphore_mem>>) src(%dma_wait3A_310 : memref<40960x64xf32, #tpu.memory_space<hbm>>) dst(%dma_wait3A_305 : memref<128x64xf32, #tpu.memory_space<vmem>>)
      %dma_wait3A_311 = arith.constant 128 : i32
      %dma_wait3A_312 = arith.constant 0 : i32
      %dma_wait3A_313 = tpu.memref_slice %arg22[%dma_wait3A_311, %dma_wait3A_312] : memref<256x64xf32, #tpu.memory_space<vmem>> -> memref<128x64xf32, #tpu.memory_space<vmem>>
      %dma_wait3A_314 = arith.constant 128 : i32
      %dma_wait3A_315 = tpu.memref_slice %arg21[%dma_wait3A_314] : memref<256xi32, #tpu.memory_space<vmem>> -> memref<128xi32, #tpu.memory_space<vmem>>
      %dma_wait3A_316 = arith.constant 0 : i32
      %dma_wait3A_317 = arith.constant 0 : i32
      %dma_wait3A_318 = tpu.memref_slice %arg4[%dma_wait3A_316, %dma_wait3A_317] : memref<40960x64xf32, #tpu.memory_space<hbm>> -> memref<40960x64xf32, #tpu.memory_space<hbm>>
      tpu.wait_indirect_dma semaphore(%arg29 : memref<!tpu.dma_semaphore, #tpu.memory_space<semaphore_mem>>) src(%dma_wait3A_318 : memref<40960x64xf32, #tpu.memory_space<hbm>>) dst(%dma_wait3A_313 : memref<128x64xf32, #tpu.memory_space<vmem>>)
      %while3A_319 = arith.constant 0 : i32
      %while3A_320 = arith.constant 0 : i32
      %while3A_321 = arith.subi %min3A_279, %while3A_319 : i32
      %while3A_322 = arith.addi %while3A_319, %while3A_321 : i32
      %while3A_323 = arith.constant 1 : i32
      %while3A_324 = arith.divsi %while3A_321, %while3A_323 : i32
      %while3A_325 = arith.muli %while3A_324, %while3A_323 : i32
      %while3A_326 = arith.addi %while3A_319, %while3A_325 : i32
      %while3A_327 = arith.constant 1 : i32
      %while3A_328 = scf.for %while3A_332 = %while3A_319 to %while3A_326 step %while3A_327 iter_args(%while3A_333 = %while3A_320) -> (i32)  : i32 {
        %get3A = arith.index_cast %while3A_332 : i32 to index
        %get3A_334 = tpu.vector_load %arg20[%get3A] {strides = array<i32>} : memref<272xi32, #tpu.memory_space<vmem>>, vector<16xi32>,
        %slice3A = vector.extract_strided_slice %get3A_334 {offsets = [0], sizes = [1], strides = [1]} : vector<16xi32> to vector<1xi32>
        %squeeze3A = vector.extract %slice3A[0] : i32 from vector<1xi32>
        %get3A_335 = arith.index_cast %while3A_332 : i32 to index
        %get3A_336 = arith.constant 0 : index
        %get3A_337 = tpu.vector_load %arg22[%get3A_335, %get3A_336] {strides = array<i32>} : memref<256x64xf32, #tpu.memory_space<vmem>>, vector<16xf32>,
        %get3A_338 = arith.index_cast %squeeze3A : i32 to index
        %get3A_339 = arith.constant 0 : index
        %get3A_340 = tpu.vector_load %arg23[%get3A_338, %get3A_339] {strides = array<i32>} : memref<320x64xf32, #tpu.memory_space<vmem>>, vector<16xf32>,
        %add3A_341 = arith.addf %get3A_337, %get3A_340 : vector<16xf32>
        %max3A = arith.constant 0.000000e+00 : f32
        %max3A_342 = vector.broadcast %max3A : f32 to vector<16xf32>
        %max3A_343 = arith.maximumf %add3A_341, %max3A_342 : vector<16xf32>
        %swap3A = arith.index_cast %squeeze3A : i32 to index
        %swap3A_344 = arith.constant 0 : index
        %swap3A_345 = tpu.vector_load %arg24[%swap3A, %swap3A_344] {strides = array<i32>} : memref<320x64xf32, #tpu.memory_space<vmem>>, vector<16xf32>,
        tpu.vector_store %arg24[%swap3A, %swap3A_344], %max3A_343 {add = true, strides = array<i32>} : memref<320x64xf32, #tpu.memory_space<vmem>>, vector<16xf32>,
        %mul3A_346 = arith.mulf %max3A_343, %max3A_343 : vector<16xf32>
        %swap3A_347 = arith.index_cast %squeeze3A : i32 to index
        %swap3A_348 = arith.constant 0 : index
        %swap3A_349 = tpu.vector_load %arg25[%swap3A_347, %swap3A_348] {strides = array<i32>} : memref<320x64xf32, #tpu.memory_space<vmem>>, vector<16xf32>,
        tpu.vector_store %arg25[%swap3A_347, %swap3A_348], %mul3A_346 {add = true, strides = array<i32>} : memref<320x64xf32, #tpu.memory_space<vmem>>, vector<16xf32>,
        %get3A_350 = arith.index_cast %squeeze3A : i32 to index
        %get3A_351 = arith.constant 0 : index
        %get3A_352 = tpu.vector_load %arg26[%get3A_350, %get3A_351] {strides = array<i32>} : memref<320x64xf32, #tpu.memory_space<vmem>>, vector<16xf32>,
        %max3A_353 = arith.maximumf %get3A_352, %max3A_343 : vector<16xf32>
        %swap3A_354 = arith.index_cast %squeeze3A : i32 to index
        %swap3A_355 = arith.constant 0 : index
        %swap3A_356 = tpu.vector_load %arg26[%swap3A_354, %swap3A_355] {strides = array<i32>} : memref<320x64xf32, #tpu.memory_space<vmem>>, vector<16xf32>,
        tpu.vector_store %arg26[%swap3A_354, %swap3A_355], %max3A_353 {strides = array<i32>} : memref<320x64xf32, #tpu.memory_space<vmem>>, vector<16xf32>,
        %get3A_357 = arith.index_cast %squeeze3A : i32 to index
        %get3A_358 = arith.constant 0 : index
        %get3A_359 = tpu.vector_load %arg27[%get3A_357, %get3A_358] {strides = array<i32>} : memref<320x64xf32, #tpu.memory_space<vmem>>, vector<16xf32>,
        %min3A_360 = arith.minimumf %get3A_359, %max3A_343 : vector<16xf32>
        %swap3A_361 = arith.index_cast %squeeze3A : i32 to index
        %swap3A_362 = arith.constant 0 : index
        %swap3A_363 = tpu.vector_load %arg27[%swap3A_361, %swap3A_362] {strides = array<i32>} : memref<320x64xf32, #tpu.memory_space<vmem>>, vector<16xf32>,
        tpu.vector_store %arg27[%swap3A_361, %swap3A_362], %min3A_360 {strides = array<i32>} : memref<320x64xf32, #tpu.memory_space<vmem>>, vector<16xf32>,
        %get3A_364 = arith.index_cast %while3A_332 : i32 to index
        %get3A_365 = arith.constant 16 : index
        %get3A_366 = tpu.vector_load %arg22[%get3A_364, %get3A_365] {strides = array<i32>} : memref<256x64xf32, #tpu.memory_space<vmem>>, vector<16xf32>,
        %get3A_367 = arith.index_cast %squeeze3A : i32 to index
        %get3A_368 = arith.constant 16 : index
        %get3A_369 = tpu.vector_load %arg23[%get3A_367, %get3A_368] {strides = array<i32>} : memref<320x64xf32, #tpu.memory_space<vmem>>, vector<16xf32>,
        %add3A_370 = arith.addf %get3A_366, %get3A_369 : vector<16xf32>
        %max3A_371 = arith.constant 0.000000e+00 : f32
        %max3A_372 = vector.broadcast %max3A_371 : f32 to vector<16xf32>
        %max3A_373 = arith.maximumf %add3A_370, %max3A_372 : vector<16xf32>
        %swap3A_374 = arith.index_cast %squeeze3A : i32 to index
        %swap3A_375 = arith.constant 16 : index
        %swap3A_376 = tpu.vector_load %arg24[%swap3A_374, %swap3A_375] {strides = array<i32>} : memref<320x64xf32, #tpu.memory_space<vmem>>, vector<16xf32>,
        tpu.vector_store %arg24[%swap3A_374, %swap3A_375], %max3A_373 {add = true, strides = array<i32>} : memref<320x64xf32, #tpu.memory_space<vmem>>, vector<16xf32>,
        %mul3A_377 = arith.mulf %max3A_373, %max3A_373 : vector<16xf32>
        %swap3A_378 = arith.index_cast %squeeze3A : i32 to index
        %swap3A_379 = arith.constant 16 : index
        %swap3A_380 = tpu.vector_load %arg25[%swap3A_378, %swap3A_379] {strides = array<i32>} : memref<320x64xf32, #tpu.memory_space<vmem>>, vector<16xf32>,
        tpu.vector_store %arg25[%swap3A_378, %swap3A_379], %mul3A_377 {add = true, strides = array<i32>} : memref<320x64xf32, #tpu.memory_space<vmem>>, vector<16xf32>,
        %get3A_381 = arith.index_cast %squeeze3A : i32 to index
        %get3A_382 = arith.constant 16 : index
        %get3A_383 = tpu.vector_load %arg26[%get3A_381, %get3A_382] {strides = array<i32>} : memref<320x64xf32, #tpu.memory_space<vmem>>, vector<16xf32>,
        %max3A_384 = arith.maximumf %get3A_383, %max3A_373 : vector<16xf32>
        %swap3A_385 = arith.index_cast %squeeze3A : i32 to index
        %swap3A_386 = arith.constant 16 : index
        %swap3A_387 = tpu.vector_load %arg26[%swap3A_385, %swap3A_386] {strides = array<i32>} : memref<320x64xf32, #tpu.memory_space<vmem>>, vector<16xf32>,
        tpu.vector_store %arg26[%swap3A_385, %swap3A_386], %max3A_384 {strides = array<i32>} : memref<320x64xf32, #tpu.memory_space<vmem>>, vector<16xf32>,
        %get3A_388 = arith.index_cast %squeeze3A : i32 to index
        %get3A_389 = arith.constant 16 : index
        %get3A_390 = tpu.vector_load %arg27[%get3A_388, %get3A_389] {strides = array<i32>} : memref<320x64xf32, #tpu.memory_space<vmem>>, vector<16xf32>,
        %min3A_391 = arith.minimumf %get3A_390, %max3A_373 : vector<16xf32>
        %swap3A_392 = arith.index_cast %squeeze3A : i32 to index
        %swap3A_393 = arith.constant 16 : index
        %swap3A_394 = tpu.vector_load %arg27[%swap3A_392, %swap3A_393] {strides = array<i32>} : memref<320x64xf32, #tpu.memory_space<vmem>>, vector<16xf32>,
        tpu.vector_store %arg27[%swap3A_392, %swap3A_393], %min3A_391 {strides = array<i32>} : memref<320x64xf32, #tpu.memory_space<vmem>>, vector<16xf32>,
        %get3A_395 = arith.index_cast %while3A_332 : i32 to index
        %get3A_396 = arith.constant 32 : index
        %get3A_397 = tpu.vector_load %arg22[%get3A_395, %get3A_396] {strides = array<i32>} : memref<256x64xf32, #tpu.memory_space<vmem>>, vector<16xf32>,
        %get3A_398 = arith.index_cast %squeeze3A : i32 to index
        %get3A_399 = arith.constant 32 : index
        %get3A_400 = tpu.vector_load %arg23[%get3A_398, %get3A_399] {strides = array<i32>} : memref<320x64xf32, #tpu.memory_space<vmem>>, vector<16xf32>,
        %add3A_401 = arith.addf %get3A_397, %get3A_400 : vector<16xf32>
        %max3A_402 = arith.constant 0.000000e+00 : f32
        %max3A_403 = vector.broadcast %max3A_402 : f32 to vector<16xf32>
        %max3A_404 = arith.maximumf %add3A_401, %max3A_403 : vector<16xf32>
        %swap3A_405 = arith.index_cast %squeeze3A : i32 to index
        %swap3A_406 = arith.constant 32 : index
        %swap3A_407 = tpu.vector_load %arg24[%swap3A_405, %swap3A_406] {strides = array<i32>} : memref<320x64xf32, #tpu.memory_space<vmem>>, vector<16xf32>,
        tpu.vector_store %arg24[%swap3A_405, %swap3A_406], %max3A_404 {add = true, strides = array<i32>} : memref<320x64xf32, #tpu.memory_space<vmem>>, vector<16xf32>,
        %mul3A_408 = arith.mulf %max3A_404, %max3A_404 : vector<16xf32>
        %swap3A_409 = arith.index_cast %squeeze3A : i32 to index
        %swap3A_410 = arith.constant 32 : index
        %swap3A_411 = tpu.vector_load %arg25[%swap3A_409, %swap3A_410] {strides = array<i32>} : memref<320x64xf32, #tpu.memory_space<vmem>>, vector<16xf32>,
        tpu.vector_store %arg25[%swap3A_409, %swap3A_410], %mul3A_408 {add = true, strides = array<i32>} : memref<320x64xf32, #tpu.memory_space<vmem>>, vector<16xf32>,
        %get3A_412 = arith.index_cast %squeeze3A : i32 to index
        %get3A_413 = arith.constant 32 : index
        %get3A_414 = tpu.vector_load %arg26[%get3A_412, %get3A_413] {strides = array<i32>} : memref<320x64xf32, #tpu.memory_space<vmem>>, vector<16xf32>,
        %max3A_415 = arith.maximumf %get3A_414, %max3A_404 : vector<16xf32>
        %swap3A_416 = arith.index_cast %squeeze3A : i32 to index
        %swap3A_417 = arith.constant 32 : index
        %swap3A_418 = tpu.vector_load %arg26[%swap3A_416, %swap3A_417] {strides = array<i32>} : memref<320x64xf32, #tpu.memory_space<vmem>>, vector<16xf32>,
        tpu.vector_store %arg26[%swap3A_416, %swap3A_417], %max3A_415 {strides = array<i32>} : memref<320x64xf32, #tpu.memory_space<vmem>>, vector<16xf32>,
        %get3A_419 = arith.index_cast %squeeze3A : i32 to index
        %get3A_420 = arith.constant 32 : index
        %get3A_421 = tpu.vector_load %arg27[%get3A_419, %get3A_420] {strides = array<i32>} : memref<320x64xf32, #tpu.memory_space<vmem>>, vector<16xf32>,
        %min3A_422 = arith.minimumf %get3A_421, %max3A_404 : vector<16xf32>
        %swap3A_423 = arith.index_cast %squeeze3A : i32 to index
        %swap3A_424 = arith.constant 32 : index
        %swap3A_425 = tpu.vector_load %arg27[%swap3A_423, %swap3A_424] {strides = array<i32>} : memref<320x64xf32, #tpu.memory_space<vmem>>, vector<16xf32>,
        tpu.vector_store %arg27[%swap3A_423, %swap3A_424], %min3A_422 {strides = array<i32>} : memref<320x64xf32, #tpu.memory_space<vmem>>, vector<16xf32>,
        %get3A_426 = arith.index_cast %while3A_332 : i32 to index
        %get3A_427 = arith.constant 48 : index
        %get3A_428 = tpu.vector_load %arg22[%get3A_426, %get3A_427] {strides = array<i32>} : memref<256x64xf32, #tpu.memory_space<vmem>>, vector<16xf32>,
        %get3A_429 = arith.index_cast %squeeze3A : i32 to index
        %get3A_430 = arith.constant 48 : index
        %get3A_431 = tpu.vector_load %arg23[%get3A_429, %get3A_430] {strides = array<i32>} : memref<320x64xf32, #tpu.memory_space<vmem>>, vector<16xf32>,
        %add3A_432 = arith.addf %get3A_428, %get3A_431 : vector<16xf32>
        %max3A_433 = arith.constant 0.000000e+00 : f32
        %max3A_434 = vector.broadcast %max3A_433 : f32 to vector<16xf32>
        %max3A_435 = arith.maximumf %add3A_432, %max3A_434 : vector<16xf32>
        %swap3A_436 = arith.index_cast %squeeze3A : i32 to index
        %swap3A_437 = arith.constant 48 : index
        %swap3A_438 = tpu.vector_load %arg24[%swap3A_436, %swap3A_437] {strides = array<i32>} : memref<320x64xf32, #tpu.memory_space<vmem>>, vector<16xf32>,
        tpu.vector_store %arg24[%swap3A_436, %swap3A_437], %max3A_435 {add = true, strides = array<i32>} : memref<320x64xf32, #tpu.memory_space<vmem>>, vector<16xf32>,
        %mul3A_439 = arith.mulf %max3A_435, %max3A_435 : vector<16xf32>
        %swap3A_440 = arith.index_cast %squeeze3A : i32 to index
        %swap3A_441 = arith.constant 48 : index
        %swap3A_442 = tpu.vector_load %arg25[%swap3A_440, %swap3A_441] {strides = array<i32>} : memref<320x64xf32, #tpu.memory_space<vmem>>, vector<16xf32>,
        tpu.vector_store %arg25[%swap3A_440, %swap3A_441], %mul3A_439 {add = true, strides = array<i32>} : memref<320x64xf32, #tpu.memory_space<vmem>>, vector<16xf32>,
        %get3A_443 = arith.index_cast %squeeze3A : i32 to index
        %get3A_444 = arith.constant 48 : index
        %get3A_445 = tpu.vector_load %arg26[%get3A_443, %get3A_444] {strides = array<i32>} : memref<320x64xf32, #tpu.memory_space<vmem>>, vector<16xf32>,
        %max3A_446 = arith.maximumf %get3A_445, %max3A_435 : vector<16xf32>
        %swap3A_447 = arith.index_cast %squeeze3A : i32 to index
        %swap3A_448 = arith.constant 48 : index
        %swap3A_449 = tpu.vector_load %arg26[%swap3A_447, %swap3A_448] {strides = array<i32>} : memref<320x64xf32, #tpu.memory_space<vmem>>, vector<16xf32>,
        tpu.vector_store %arg26[%swap3A_447, %swap3A_448], %max3A_446 {strides = array<i32>} : memref<320x64xf32, #tpu.memory_space<vmem>>, vector<16xf32>,
        %get3A_450 = arith.index_cast %squeeze3A : i32 to index
        %get3A_451 = arith.constant 48 : index
        %get3A_452 = tpu.vector_load %arg27[%get3A_450, %get3A_451] {strides = array<i32>} : memref<320x64xf32, #tpu.memory_space<vmem>>, vector<16xf32>,
        %min3A_453 = arith.minimumf %get3A_452, %max3A_435 : vector<16xf32>
        %swap3A_454 = arith.index_cast %squeeze3A : i32 to index
        %swap3A_455 = arith.constant 48 : index
        %swap3A_456 = tpu.vector_load %arg27[%swap3A_454, %swap3A_455] {strides = array<i32>} : memref<320x64xf32, #tpu.memory_space<vmem>>, vector<16xf32>,
        tpu.vector_store %arg27[%swap3A_454, %swap3A_455], %min3A_453 {strides = array<i32>} : memref<320x64xf32, #tpu.memory_space<vmem>>, vector<16xf32>,
        %while3A_457 = arith.constant 0 : i32
        scf.yield %while3A_457 : i32
      }
      %while3A_329 = arith.constant 1 : i32
      %while3A_330 = scf.for %while3A_332 = %while3A_326 to %while3A_322 step %while3A_329 iter_args(%while3A_333 = %while3A_328) -> (i32)  : i32 {
        %get3A = arith.index_cast %while3A_332 : i32 to index
        %get3A_334 = tpu.vector_load %arg20[%get3A] {strides = array<i32>} : memref<272xi32, #tpu.memory_space<vmem>>, vector<16xi32>,
        %slice3A = vector.extract_strided_slice %get3A_334 {offsets = [0], sizes = [1], strides = [1]} : vector<16xi32> to vector<1xi32>
        %squeeze3A = vector.extract %slice3A[0] : i32 from vector<1xi32>
        %get3A_335 = arith.index_cast %while3A_332 : i32 to index
        %get3A_336 = arith.constant 0 : index
        %get3A_337 = tpu.vector_load %arg22[%get3A_335, %get3A_336] {strides = array<i32>} : memref<256x64xf32, #tpu.memory_space<vmem>>, vector<16xf32>,
        %get3A_338 = arith.index_cast %squeeze3A : i32 to index
        %get3A_339 = arith.constant 0 : index
        %get3A_340 = tpu.vector_load %arg23[%get3A_338, %get3A_339] {strides = array<i32>} : memref<320x64xf32, #tpu.memory_space<vmem>>, vector<16xf32>,
        %add3A_341 = arith.addf %get3A_337, %get3A_340 : vector<16xf32>
        %max3A = arith.constant 0.000000e+00 : f32
        %max3A_342 = vector.broadcast %max3A : f32 to vector<16xf32>
        %max3A_343 = arith.maximumf %add3A_341, %max3A_342 : vector<16xf32>
        %swap3A = arith.index_cast %squeeze3A : i32 to index
        %swap3A_344 = arith.constant 0 : index
        %swap3A_345 = tpu.vector_load %arg24[%swap3A, %swap3A_344] {strides = array<i32>} : memref<320x64xf32, #tpu.memory_space<vmem>>, vector<16xf32>,
        tpu.vector_store %arg24[%swap3A, %swap3A_344], %max3A_343 {add = true, strides = array<i32>} : memref<320x64xf32, #tpu.memory_space<vmem>>, vector<16xf32>,
        %mul3A_346 = arith.mulf %max3A_343, %max3A_343 : vector<16xf32>
        %swap3A_347 = arith.index_cast %squeeze3A : i32 to index
        %swap3A_348 = arith.constant 0 : index
        %swap3A_349 = tpu.vector_load %arg25[%swap3A_347, %swap3A_348] {strides = array<i32>} : memref<320x64xf32, #tpu.memory_space<vmem>>, vector<16xf32>,
        tpu.vector_store %arg25[%swap3A_347, %swap3A_348], %mul3A_346 {add = true, strides = array<i32>} : memref<320x64xf32, #tpu.memory_space<vmem>>, vector<16xf32>,
        %get3A_350 = arith.index_cast %squeeze3A : i32 to index
        %get3A_351 = arith.constant 0 : index
        %get3A_352 = tpu.vector_load %arg26[%get3A_350, %get3A_351] {strides = array<i32>} : memref<320x64xf32, #tpu.memory_space<vmem>>, vector<16xf32>,
        %max3A_353 = arith.maximumf %get3A_352, %max3A_343 : vector<16xf32>
        %swap3A_354 = arith.index_cast %squeeze3A : i32 to index
        %swap3A_355 = arith.constant 0 : index
        %swap3A_356 = tpu.vector_load %arg26[%swap3A_354, %swap3A_355] {strides = array<i32>} : memref<320x64xf32, #tpu.memory_space<vmem>>, vector<16xf32>,
        tpu.vector_store %arg26[%swap3A_354, %swap3A_355], %max3A_353 {strides = array<i32>} : memref<320x64xf32, #tpu.memory_space<vmem>>, vector<16xf32>,
        %get3A_357 = arith.index_cast %squeeze3A : i32 to index
        %get3A_358 = arith.constant 0 : index
        %get3A_359 = tpu.vector_load %arg27[%get3A_357, %get3A_358] {strides = array<i32>} : memref<320x64xf32, #tpu.memory_space<vmem>>, vector<16xf32>,
        %min3A_360 = arith.minimumf %get3A_359, %max3A_343 : vector<16xf32>
        %swap3A_361 = arith.index_cast %squeeze3A : i32 to index
        %swap3A_362 = arith.constant 0 : index
        %swap3A_363 = tpu.vector_load %arg27[%swap3A_361, %swap3A_362] {strides = array<i32>} : memref<320x64xf32, #tpu.memory_space<vmem>>, vector<16xf32>,
        tpu.vector_store %arg27[%swap3A_361, %swap3A_362], %min3A_360 {strides = array<i32>} : memref<320x64xf32, #tpu.memory_space<vmem>>, vector<16xf32>,
        %get3A_364 = arith.index_cast %while3A_332 : i32 to index
        %get3A_365 = arith.constant 16 : index
        %get3A_366 = tpu.vector_load %arg22[%get3A_364, %get3A_365] {strides = array<i32>} : memref<256x64xf32, #tpu.memory_space<vmem>>, vector<16xf32>,
        %get3A_367 = arith.index_cast %squeeze3A : i32 to index
        %get3A_368 = arith.constant 16 : index
        %get3A_369 = tpu.vector_load %arg23[%get3A_367, %get3A_368] {strides = array<i32>} : memref<320x64xf32, #tpu.memory_space<vmem>>, vector<16xf32>,
        %add3A_370 = arith.addf %get3A_366, %get3A_369 : vector<16xf32>
        %max3A_371 = arith.constant 0.000000e+00 : f32
        %max3A_372 = vector.broadcast %max3A_371 : f32 to vector<16xf32>
        %max3A_373 = arith.maximumf %add3A_370, %max3A_372 : vector<16xf32>
        %swap3A_374 = arith.index_cast %squeeze3A : i32 to index
        %swap3A_375 = arith.constant 16 : index
        %swap3A_376 = tpu.vector_load %arg24[%swap3A_374, %swap3A_375] {strides = array<i32>} : memref<320x64xf32, #tpu.memory_space<vmem>>, vector<16xf32>,
        tpu.vector_store %arg24[%swap3A_374, %swap3A_375], %max3A_373 {add = true, strides = array<i32>} : memref<320x64xf32, #tpu.memory_space<vmem>>, vector<16xf32>,
        %mul3A_377 = arith.mulf %max3A_373, %max3A_373 : vector<16xf32>
        %swap3A_378 = arith.index_cast %squeeze3A : i32 to index
        %swap3A_379 = arith.constant 16 : index
        %swap3A_380 = tpu.vector_load %arg25[%swap3A_378, %swap3A_379] {strides = array<i32>} : memref<320x64xf32, #tpu.memory_space<vmem>>, vector<16xf32>,
        tpu.vector_store %arg25[%swap3A_378, %swap3A_379], %mul3A_377 {add = true, strides = array<i32>} : memref<320x64xf32, #tpu.memory_space<vmem>>, vector<16xf32>,
        %get3A_381 = arith.index_cast %squeeze3A : i32 to index
        %get3A_382 = arith.constant 16 : index
        %get3A_383 = tpu.vector_load %arg26[%get3A_381, %get3A_382] {strides = array<i32>} : memref<320x64xf32, #tpu.memory_space<vmem>>, vector<16xf32>,
        %max3A_384 = arith.maximumf %get3A_383, %max3A_373 : vector<16xf32>
        %swap3A_385 = arith.index_cast %squeeze3A : i32 to index
        %swap3A_386 = arith.constant 16 : index
        %swap3A_387 = tpu.vector_load %arg26[%swap3A_385, %swap3A_386] {strides = array<i32>} : memref<320x64xf32, #tpu.memory_space<vmem>>, vector<16xf32>,
        tpu.vector_store %arg26[%swap3A_385, %swap3A_386], %max3A_384 {strides = array<i32>} : memref<320x64xf32, #tpu.memory_space<vmem>>, vector<16xf32>,
        %get3A_388 = arith.index_cast %squeeze3A : i32 to index
        %get3A_389 = arith.constant 16 : index
        %get3A_390 = tpu.vector_load %arg27[%get3A_388, %get3A_389] {strides = array<i32>} : memref<320x64xf32, #tpu.memory_space<vmem>>, vector<16xf32>,
        %min3A_391 = arith.minimumf %get3A_390, %max3A_373 : vector<16xf32>
        %swap3A_392 = arith.index_cast %squeeze3A : i32 to index
        %swap3A_393 = arith.constant 16 : index
        %swap3A_394 = tpu.vector_load %arg27[%swap3A_392, %swap3A_393] {strides = array<i32>} : memref<320x64xf32, #tpu.memory_space<vmem>>, vector<16xf32>,
        tpu.vector_store %arg27[%swap3A_392, %swap3A_393], %min3A_391 {strides = array<i32>} : memref<320x64xf32, #tpu.memory_space<vmem>>, vector<16xf32>,
        %get3A_395 = arith.index_cast %while3A_332 : i32 to index
        %get3A_396 = arith.constant 32 : index
        %get3A_397 = tpu.vector_load %arg22[%get3A_395, %get3A_396] {strides = array<i32>} : memref<256x64xf32, #tpu.memory_space<vmem>>, vector<16xf32>,
        %get3A_398 = arith.index_cast %squeeze3A : i32 to index
        %get3A_399 = arith.constant 32 : index
        %get3A_400 = tpu.vector_load %arg23[%get3A_398, %get3A_399] {strides = array<i32>} : memref<320x64xf32, #tpu.memory_space<vmem>>, vector<16xf32>,
        %add3A_401 = arith.addf %get3A_397, %get3A_400 : vector<16xf32>
        %max3A_402 = arith.constant 0.000000e+00 : f32
        %max3A_403 = vector.broadcast %max3A_402 : f32 to vector<16xf32>
        %max3A_404 = arith.maximumf %add3A_401, %max3A_403 : vector<16xf32>
        %swap3A_405 = arith.index_cast %squeeze3A : i32 to index
        %swap3A_406 = arith.constant 32 : index
        %swap3A_407 = tpu.vector_load %arg24[%swap3A_405, %swap3A_406] {strides = array<i32>} : memref<320x64xf32, #tpu.memory_space<vmem>>, vector<16xf32>,
        tpu.vector_store %arg24[%swap3A_405, %swap3A_406], %max3A_404 {add = true, strides = array<i32>} : memref<320x64xf32, #tpu.memory_space<vmem>>, vector<16xf32>,
        %mul3A_408 = arith.mulf %max3A_404, %max3A_404 : vector<16xf32>
        %swap3A_409 = arith.index_cast %squeeze3A : i32 to index
        %swap3A_410 = arith.constant 32 : index
        %swap3A_411 = tpu.vector_load %arg25[%swap3A_409, %swap3A_410] {strides = array<i32>} : memref<320x64xf32, #tpu.memory_space<vmem>>, vector<16xf32>,
        tpu.vector_store %arg25[%swap3A_409, %swap3A_410], %mul3A_408 {add = true, strides = array<i32>} : memref<320x64xf32, #tpu.memory_space<vmem>>, vector<16xf32>,
        %get3A_412 = arith.index_cast %squeeze3A : i32 to index
        %get3A_413 = arith.constant 32 : index
        %get3A_414 = tpu.vector_load %arg26[%get3A_412, %get3A_413] {strides = array<i32>} : memref<320x64xf32, #tpu.memory_space<vmem>>, vector<16xf32>,
        %max3A_415 = arith.maximumf %get3A_414, %max3A_404 : vector<16xf32>
        %swap3A_416 = arith.index_cast %squeeze3A : i32 to index
        %swap3A_417 = arith.constant 32 : index
        %swap3A_418 = tpu.vector_load %arg26[%swap3A_416, %swap3A_417] {strides = array<i32>} : memref<320x64xf32, #tpu.memory_space<vmem>>, vector<16xf32>,
        tpu.vector_store %arg26[%swap3A_416, %swap3A_417], %max3A_415 {strides = array<i32>} : memref<320x64xf32, #tpu.memory_space<vmem>>, vector<16xf32>,
        %get3A_419 = arith.index_cast %squeeze3A : i32 to index
        %get3A_420 = arith.constant 32 : index
        %get3A_421 = tpu.vector_load %arg27[%get3A_419, %get3A_420] {strides = array<i32>} : memref<320x64xf32, #tpu.memory_space<vmem>>, vector<16xf32>,
        %min3A_422 = arith.minimumf %get3A_421, %max3A_404 : vector<16xf32>
        %swap3A_423 = arith.index_cast %squeeze3A : i32 to index
        %swap3A_424 = arith.constant 32 : index
        %swap3A_425 = tpu.vector_load %arg27[%swap3A_423, %swap3A_424] {strides = array<i32>} : memref<320x64xf32, #tpu.memory_space<vmem>>, vector<16xf32>,
        tpu.vector_store %arg27[%swap3A_423, %swap3A_424], %min3A_422 {strides = array<i32>} : memref<320x64xf32, #tpu.memory_space<vmem>>, vector<16xf32>,
        %get3A_426 = arith.index_cast %while3A_332 : i32 to index
        %get3A_427 = arith.constant 48 : index
        %get3A_428 = tpu.vector_load %arg22[%get3A_426, %get3A_427] {strides = array<i32>} : memref<256x64xf32, #tpu.memory_space<vmem>>, vector<16xf32>,
        %get3A_429 = arith.index_cast %squeeze3A : i32 to index
        %get3A_430 = arith.constant 48 : index
        %get3A_431 = tpu.vector_load %arg23[%get3A_429, %get3A_430] {strides = array<i32>} : memref<320x64xf32, #tpu.memory_space<vmem>>, vector<16xf32>,
        %add3A_432 = arith.addf %get3A_428, %get3A_431 : vector<16xf32>
        %max3A_433 = arith.constant 0.000000e+00 : f32
        %max3A_434 = vector.broadcast %max3A_433 : f32 to vector<16xf32>
        %max3A_435 = arith.maximumf %add3A_432, %max3A_434 : vector<16xf32>
        %swap3A_436 = arith.index_cast %squeeze3A : i32 to index
        %swap3A_437 = arith.constant 48 : index
        %swap3A_438 = tpu.vector_load %arg24[%swap3A_436, %swap3A_437] {strides = array<i32>} : memref<320x64xf32, #tpu.memory_space<vmem>>, vector<16xf32>,
        tpu.vector_store %arg24[%swap3A_436, %swap3A_437], %max3A_435 {add = true, strides = array<i32>} : memref<320x64xf32, #tpu.memory_space<vmem>>, vector<16xf32>,
        %mul3A_439 = arith.mulf %max3A_435, %max3A_435 : vector<16xf32>
        %swap3A_440 = arith.index_cast %squeeze3A : i32 to index
        %swap3A_441 = arith.constant 48 : index
        %swap3A_442 = tpu.vector_load %arg25[%swap3A_440, %swap3A_441] {strides = array<i32>} : memref<320x64xf32, #tpu.memory_space<vmem>>, vector<16xf32>,
        tpu.vector_store %arg25[%swap3A_440, %swap3A_441], %mul3A_439 {add = true, strides = array<i32>} : memref<320x64xf32, #tpu.memory_space<vmem>>, vector<16xf32>,
        %get3A_443 = arith.index_cast %squeeze3A : i32 to index
        %get3A_444 = arith.constant 48 : index
        %get3A_445 = tpu.vector_load %arg26[%get3A_443, %get3A_444] {strides = array<i32>} : memref<320x64xf32, #tpu.memory_space<vmem>>, vector<16xf32>,
        %max3A_446 = arith.maximumf %get3A_445, %max3A_435 : vector<16xf32>
        %swap3A_447 = arith.index_cast %squeeze3A : i32 to index
        %swap3A_448 = arith.constant 48 : index
        %swap3A_449 = tpu.vector_load %arg26[%swap3A_447, %swap3A_448] {strides = array<i32>} : memref<320x64xf32, #tpu.memory_space<vmem>>, vector<16xf32>,
        tpu.vector_store %arg26[%swap3A_447, %swap3A_448], %max3A_446 {strides = array<i32>} : memref<320x64xf32, #tpu.memory_space<vmem>>, vector<16xf32>,
        %get3A_450 = arith.index_cast %squeeze3A : i32 to index
        %get3A_451 = arith.constant 48 : index
        %get3A_452 = tpu.vector_load %arg27[%get3A_450, %get3A_451] {strides = array<i32>} : memref<320x64xf32, #tpu.memory_space<vmem>>, vector<16xf32>,
        %min3A_453 = arith.minimumf %get3A_452, %max3A_435 : vector<16xf32>
        %swap3A_454 = arith.index_cast %squeeze3A : i32 to index
        %swap3A_455 = arith.constant 48 : index
        %swap3A_456 = tpu.vector_load %arg27[%swap3A_454, %swap3A_455] {strides = array<i32>} : memref<320x64xf32, #tpu.memory_space<vmem>>, vector<16xf32>,
        tpu.vector_store %arg27[%swap3A_454, %swap3A_455], %min3A_453 {strides = array<i32>} : memref<320x64xf32, #tpu.memory_space<vmem>>, vector<16xf32>,
        %while3A_457 = arith.constant 0 : i32
        scf.yield %while3A_457 : i32
      }
      %while3A_331 = arith.constant 0 : i32
      scf.yield %while3A_331 : i32
    }
    %while3A_67 = arith.constant 1 : i32
    %while3A_68 = scf.for %while3A_263 = %while3A_64 to %while3A_60 step %while3A_67 iter_args(%while3A_264 = %while3A_66) -> (i32)  : i32 {
      %mul3A_265 = arith.constant 256 : i32
      %mul3A_266 = arith.muli %while3A_263, %mul3A_265 : i32
      %add3A_267 = arith.addi %mul3A_6, %mul3A_266 : i32
      %multiple_of3A_268 = tpu.assume_multiple %add3A_267, 256 : i32
      "tpu.region"() ({
        %run_scoped3A_332 = tpu.sem_alloc : memref<!tpu.dma_semaphore, #tpu.memory_space<semaphore_mem>>
        %dma_start3A_333 = tpu.memref_slice %arg11[%multiple_of3A_268] : memref<5193728xi32, #tpu.memory_space<hbm>> -> memref<256xi32, #tpu.memory_space<hbm>>
        %dma_start3A_334 = tpu.memref_slice %arg11[%multiple_of3A_268] : memref<5193728xi32, #tpu.memory_space<hbm>> -> memref<256xi32, #tpu.memory_space<hbm>>
        tpu.enqueue_dma source(%dma_start3A_334 : memref<256xi32, #tpu.memory_space<hbm>>) target(%arg19 : memref<256xi32, #tpu.memory_space<vmem>>) target_semaphore(%run_scoped3A_332 : memref<!tpu.dma_semaphore, #tpu.memory_space<semaphore_mem>>)
        %dma_wait3A_335 = tpu.memref_slice %arg11[%multiple_of3A_268] : memref<5193728xi32, #tpu.memory_space<hbm>> -> memref<256xi32, #tpu.memory_space<hbm>>
        %dma_wait3A_336 = tpu.memref_slice %arg11[%multiple_of3A_268] : memref<5193728xi32, #tpu.memory_space<hbm>> -> memref<256xi32, #tpu.memory_space<hbm>>
        tpu.wait_dma2 semaphore(%run_scoped3A_332 : memref<!tpu.dma_semaphore, #tpu.memory_space<semaphore_mem>>) src(%dma_wait3A_336 : memref<256xi32, #tpu.memory_space<hbm>>) dst(%arg19 : memref<256xi32, #tpu.memory_space<vmem>>)
        tpu.yield
      }) : () -> ()
      %add3A_269 = arith.addi %mul3A_6, %mul3A_266 : i32
      %multiple_of3A_270 = tpu.assume_multiple %add3A_269, 256 : i32
      "tpu.region"() ({
        %run_scoped3A_332 = tpu.sem_alloc : memref<!tpu.dma_semaphore, #tpu.memory_space<semaphore_mem>>
        %dma_start3A_333 = arith.constant 0 : i32
        %dma_start3A_334 = tpu.memref_slice %arg20[%dma_start3A_333] : memref<272xi32, #tpu.memory_space<vmem>> -> memref<256xi32, #tpu.memory_space<vmem>>
        %dma_start3A_335 = tpu.memref_slice %arg12[%multiple_of3A_270] : memref<5193728xi32, #tpu.memory_space<hbm>> -> memref<256xi32, #tpu.memory_space<hbm>>
        %dma_start3A_336 = arith.constant 0 : i32
        %dma_start3A_337 = tpu.memref_slice %arg20[%dma_start3A_336] : memref<272xi32, #tpu.memory_space<vmem>> -> memref<256xi32, #tpu.memory_space<vmem>>
        %dma_start3A_338 = tpu.memref_slice %arg12[%multiple_of3A_270] : memref<5193728xi32, #tpu.memory_space<hbm>> -> memref<256xi32, #tpu.memory_space<hbm>>
        tpu.enqueue_dma source(%dma_start3A_338 : memref<256xi32, #tpu.memory_space<hbm>>) target(%dma_start3A_337 : memref<256xi32, #tpu.memory_space<vmem>>) target_semaphore(%run_scoped3A_332 : memref<!tpu.dma_semaphore, #tpu.memory_space<semaphore_mem>>)
        %dma_wait3A_339 = arith.constant 0 : i32
        %dma_wait3A_340 = tpu.memref_slice %arg20[%dma_wait3A_339] : memref<272xi32, #tpu.memory_space<vmem>> -> memref<256xi32, #tpu.memory_space<vmem>>
        %dma_wait3A_341 = tpu.memref_slice %arg12[%multiple_of3A_270] : memref<5193728xi32, #tpu.memory_space<hbm>> -> memref<256xi32, #tpu.memory_space<hbm>>
        %dma_wait3A_342 = arith.constant 0 : i32
        %dma_wait3A_343 = tpu.memref_slice %arg20[%dma_wait3A_342] : memref<272xi32, #tpu.memory_space<vmem>> -> memref<256xi32, #tpu.memory_space<vmem>>
        %dma_wait3A_344 = tpu.memref_slice %arg12[%multiple_of3A_270] : memref<5193728xi32, #tpu.memory_space<hbm>> -> memref<256xi32, #tpu.memory_space<hbm>>
        tpu.wait_dma2 semaphore(%run_scoped3A_332 : memref<!tpu.dma_semaphore, #tpu.memory_space<semaphore_mem>>) src(%dma_wait3A_344 : memref<256xi32, #tpu.memory_space<hbm>>) dst(%dma_wait3A_343 : memref<256xi32, #tpu.memory_space<vmem>>)
        tpu.yield
      }) : () -> ()
      %scan3A_271 = arith.constant 0 : i32
      %scan3A_272 = arith.constant 0 : i32
      %scan3A_273 = arith.constant 16 : i32
      %scan3A_274 = arith.addi %scan3A_272, %scan3A_273 : i32
      %scan3A_275 = arith.constant 1 : i32
      %scan3A_276 = scf.for %scan3A_332 = %scan3A_272 to %scan3A_274 step %scan3A_275 iter_args(%scan3A_333 = %scan3A_271) -> (i32)  : i32 {
        %mul3A_334 = arith.constant 16 : i32
        %mul3A_335 = arith.muli %scan3A_332, %mul3A_334 : i32
        %get3A = arith.index_cast %mul3A_335 : i32 to index
        %get3A_336 = tpu.vector_load %arg19[%get3A] {strides = array<i32>} : memref<256xi32, #tpu.memory_space<vmem>>, vector<16xi32>,
        %jit3A_337 = arith.constant 0 : i32
        %jit3A_338 = arith.constant 10239 : i32
        %max3A = vector.broadcast %jit3A_337 : i32 to vector<16xi32>
        %max3A_339 = arith.maxsi %max3A, %get3A_336 : vector<16xi32>
        %min3A_340 = vector.broadcast %jit3A_338 : i32 to vector<16xi32>
        %min3A_341 = arith.minsi %min3A_340, %max3A_339 : vector<16xi32>
        %add3A_342 = arith.constant 0 : i32
        %add3A_343 = vector.broadcast %add3A_342 : i32 to vector<16xi32>
        %add3A_344 = arith.addi %min3A_341, %add3A_343 : vector<16xi32>
        %mul3A_345 = arith.constant 16 : i32
        %mul3A_346 = arith.muli %scan3A_332, %mul3A_345 : i32
        %swap3A = arith.index_cast %mul3A_346 : i32 to index
        %swap3A_347 = tpu.vector_load %arg21[%swap3A] {strides = array<i32>} : memref<256xi32, #tpu.memory_space<vmem>>, vector<16xi32>,
        tpu.vector_store %arg21[%swap3A], %add3A_344 {strides = array<i32>} : memref<256xi32, #tpu.memory_space<vmem>>, vector<16xi32>,
        %scan3A_348 = arith.constant 0 : i32
        scf.yield %scan3A_348 : i32
      }
      %scan3A_277 = arith.constant 16 : i32
      %sub3A_278 = arith.subi %add3A_17, %mul3A_266 : i32
      %min3A = arith.constant 256 : i32
      %min3A_279 = arith.minsi %min3A, %sub3A_278 : i32
      %broadcast_in_dim3A_280 = arith.constant 1.000000e+00 : f32
      %broadcast_in_dim3A_281 = vector.broadcast %broadcast_in_dim3A_280 : f32 to vector<16xf32>
      %scan3A_282 = arith.constant 0 : i32
      %scan3A_283 = arith.constant 0 : i32
      %scan3A_284 = arith.constant 16 : i32
      %scan3A_285 = arith.addi %scan3A_283, %scan3A_284 : i32
      %scan3A_286 = arith.constant 1 : i32
      %scan3A_287 = scf.for %scan3A_332 = %scan3A_283 to %scan3A_285 step %scan3A_286 iter_args(%scan3A_333 = %scan3A_282) -> (i32)  : i32 {
        %mul3A_334 = arith.constant 16 : i32
        %mul3A_335 = arith.muli %scan3A_332, %mul3A_334 : i32
        %get3A = arith.index_cast %mul3A_335 : i32 to index
        %get3A_336 = tpu.vector_load %arg20[%get3A] {strides = array<i32>} : memref<272xi32, #tpu.memory_space<vmem>>, vector<16xi32>,
        %iota3A = tpu.iota {dimensions = array<i32: 0>} : vector<16xi32>
        %mul3A_337 = arith.constant 16 : i32
        %mul3A_338 = arith.muli %scan3A_332, %mul3A_337 : i32
        %add3A_339 = vector.broadcast %mul3A_338 : i32 to vector<16xi32>
        %add3A_340 = arith.addi %iota3A, %add3A_339 : vector<16xi32>
        %lt3A = vector.broadcast %min3A_279 : i32 to vector<16xi32>
        %lt3A_341 = arith.cmpi slt, %add3A_340, %lt3A : vector<16xi32>
        tpu.vector_store_idx %arg28[%get3A_336], %broadcast_in_dim3A_281 masked %lt3A_341 {add = true} : memref<320xf32, #tpu.memory_space<vmem>>[vector<16xi32>], vector<16xf32>, vector<16xi1>
        %scan3A_342 = arith.constant 0 : i32
        scf.yield %scan3A_342 : i32
      }
      %scan3A_288 = arith.constant 16 : i32
      %dma_start3A = arith.constant 0 : i32
      %dma_start3A_289 = arith.constant 0 : i32
      %dma_start3A_290 = tpu.memref_slice %arg22[%dma_start3A, %dma_start3A_289] : memref<256x64xf32, #tpu.memory_space<vmem>> -> memref<128x64xf32, #tpu.memory_space<vmem>>
      %dma_start3A_291 = arith.constant 0 : i32
      %dma_start3A_292 = tpu.memref_slice %arg21[%dma_start3A_291] : memref<256xi32, #tpu.memory_space<vmem>> -> memref<128xi32, #tpu.memory_space<vmem>>
      %dma_start3A_293 = arith.constant 0 : i32
      %dma_start3A_294 = arith.constant 0 : i32
      %dma_start3A_295 = tpu.memref_slice %arg4[%dma_start3A_293, %dma_start3A_294] : memref<40960x64xf32, #tpu.memory_space<hbm>> -> memref<40960x64xf32, #tpu.memory_space<hbm>>
      tpu.enqueue_indirect_dma source(%dma_start3A_295 : memref<40960x64xf32, #tpu.memory_space<hbm>>) target(%dma_start3A_290 : memref<128x64xf32, #tpu.memory_space<vmem>>) offsets(%dma_start3A_292 : memref<128xi32, #tpu.memory_space<vmem>>) semaphore(%arg29 : memref<!tpu.dma_semaphore, #tpu.memory_space<semaphore_mem>>)
      %dma_start3A_296 = arith.constant 128 : i32
      %dma_start3A_297 = arith.constant 0 : i32
      %dma_start3A_298 = tpu.memref_slice %arg22[%dma_start3A_296, %dma_start3A_297] : memref<256x64xf32, #tpu.memory_space<vmem>> -> memref<128x64xf32, #tpu.memory_space<vmem>>
      %dma_start3A_299 = arith.constant 128 : i32
      %dma_start3A_300 = tpu.memref_slice %arg21[%dma_start3A_299] : memref<256xi32, #tpu.memory_space<vmem>> -> memref<128xi32, #tpu.memory_space<vmem>>
      %dma_start3A_301 = arith.constant 0 : i32
      %dma_start3A_302 = arith.constant 0 : i32
      %dma_start3A_303 = tpu.memref_slice %arg4[%dma_start3A_301, %dma_start3A_302] : memref<40960x64xf32, #tpu.memory_space<hbm>> -> memref<40960x64xf32, #tpu.memory_space<hbm>>
      tpu.enqueue_indirect_dma source(%dma_start3A_303 : memref<40960x64xf32, #tpu.memory_space<hbm>>) target(%dma_start3A_298 : memref<128x64xf32, #tpu.memory_space<vmem>>) offsets(%dma_start3A_300 : memref<128xi32, #tpu.memory_space<vmem>>) semaphore(%arg29 : memref<!tpu.dma_semaphore, #tpu.memory_space<semaphore_mem>>)
      %dma_wait3A = arith.constant 0 : i32
      %dma_wait3A_304 = arith.constant 0 : i32
      %dma_wait3A_305 = tpu.memref_slice %arg22[%dma_wait3A, %dma_wait3A_304] : memref<256x64xf32, #tpu.memory_space<vmem>> -> memref<128x64xf32, #tpu.memory_space<vmem>>
      %dma_wait3A_306 = arith.constant 0 : i32
      %dma_wait3A_307 = tpu.memref_slice %arg21[%dma_wait3A_306] : memref<256xi32, #tpu.memory_space<vmem>> -> memref<128xi32, #tpu.memory_space<vmem>>
      %dma_wait3A_308 = arith.constant 0 : i32
      %dma_wait3A_309 = arith.constant 0 : i32
      %dma_wait3A_310 = tpu.memref_slice %arg4[%dma_wait3A_308, %dma_wait3A_309] : memref<40960x64xf32, #tpu.memory_space<hbm>> -> memref<40960x64xf32, #tpu.memory_space<hbm>>
      tpu.wait_indirect_dma semaphore(%arg29 : memref<!tpu.dma_semaphore, #tpu.memory_space<semaphore_mem>>) src(%dma_wait3A_310 : memref<40960x64xf32, #tpu.memory_space<hbm>>) dst(%dma_wait3A_305 : memref<128x64xf32, #tpu.memory_space<vmem>>)
      %dma_wait3A_311 = arith.constant 128 : i32
      %dma_wait3A_312 = arith.constant 0 : i32
      %dma_wait3A_313 = tpu.memref_slice %arg22[%dma_wait3A_311, %dma_wait3A_312] : memref<256x64xf32, #tpu.memory_space<vmem>> -> memref<128x64xf32, #tpu.memory_space<vmem>>
      %dma_wait3A_314 = arith.constant 128 : i32
      %dma_wait3A_315 = tpu.memref_slice %arg21[%dma_wait3A_314] : memref<256xi32, #tpu.memory_space<vmem>> -> memref<128xi32, #tpu.memory_space<vmem>>
      %dma_wait3A_316 = arith.constant 0 : i32
      %dma_wait3A_317 = arith.constant 0 : i32
      %dma_wait3A_318 = tpu.memref_slice %arg4[%dma_wait3A_316, %dma_wait3A_317] : memref<40960x64xf32, #tpu.memory_space<hbm>> -> memref<40960x64xf32, #tpu.memory_space<hbm>>
      tpu.wait_indirect_dma semaphore(%arg29 : memref<!tpu.dma_semaphore, #tpu.memory_space<semaphore_mem>>) src(%dma_wait3A_318 : memref<40960x64xf32, #tpu.memory_space<hbm>>) dst(%dma_wait3A_313 : memref<128x64xf32, #tpu.memory_space<vmem>>)
      %while3A_319 = arith.constant 0 : i32
      %while3A_320 = arith.constant 0 : i32
      %while3A_321 = arith.subi %min3A_279, %while3A_319 : i32
      %while3A_322 = arith.addi %while3A_319, %while3A_321 : i32
      %while3A_323 = arith.constant 1 : i32
      %while3A_324 = arith.divsi %while3A_321, %while3A_323 : i32
      %while3A_325 = arith.muli %while3A_324, %while3A_323 : i32
      %while3A_326 = arith.addi %while3A_319, %while3A_325 : i32
      %while3A_327 = arith.constant 1 : i32
      %while3A_328 = scf.for %while3A_332 = %while3A_319 to %while3A_326 step %while3A_327 iter_args(%while3A_333 = %while3A_320) -> (i32)  : i32 {
        %get3A = arith.index_cast %while3A_332 : i32 to index
        %get3A_334 = tpu.vector_load %arg20[%get3A] {strides = array<i32>} : memref<272xi32, #tpu.memory_space<vmem>>, vector<16xi32>,
        %slice3A = vector.extract_strided_slice %get3A_334 {offsets = [0], sizes = [1], strides = [1]} : vector<16xi32> to vector<1xi32>
        %squeeze3A = vector.extract %slice3A[0] : i32 from vector<1xi32>
        %get3A_335 = arith.index_cast %while3A_332 : i32 to index
        %get3A_336 = arith.constant 0 : index
        %get3A_337 = tpu.vector_load %arg22[%get3A_335, %get3A_336] {strides = array<i32>} : memref<256x64xf32, #tpu.memory_space<vmem>>, vector<16xf32>,
        %get3A_338 = arith.index_cast %squeeze3A : i32 to index
        %get3A_339 = arith.constant 0 : index
        %get3A_340 = tpu.vector_load %arg23[%get3A_338, %get3A_339] {strides = array<i32>} : memref<320x64xf32, #tpu.memory_space<vmem>>, vector<16xf32>,
        %add3A_341 = arith.addf %get3A_337, %get3A_340 : vector<16xf32>
        %max3A = arith.constant 0.000000e+00 : f32
        %max3A_342 = vector.broadcast %max3A : f32 to vector<16xf32>
        %max3A_343 = arith.maximumf %add3A_341, %max3A_342 : vector<16xf32>
        %swap3A = arith.index_cast %squeeze3A : i32 to index
        %swap3A_344 = arith.constant 0 : index
        %swap3A_345 = tpu.vector_load %arg24[%swap3A, %swap3A_344] {strides = array<i32>} : memref<320x64xf32, #tpu.memory_space<vmem>>, vector<16xf32>,
        tpu.vector_store %arg24[%swap3A, %swap3A_344], %max3A_343 {add = true, strides = array<i32>} : memref<320x64xf32, #tpu.memory_space<vmem>>, vector<16xf32>,
        %mul3A_346 = arith.mulf %max3A_343, %max3A_343 : vector<16xf32>
        %swap3A_347 = arith.index_cast %squeeze3A : i32 to index
        %swap3A_348 = arith.constant 0 : index
        %swap3A_349 = tpu.vector_load %arg25[%swap3A_347, %swap3A_348] {strides = array<i32>} : memref<320x64xf32, #tpu.memory_space<vmem>>, vector<16xf32>,
        tpu.vector_store %arg25[%swap3A_347, %swap3A_348], %mul3A_346 {add = true, strides = array<i32>} : memref<320x64xf32, #tpu.memory_space<vmem>>, vector<16xf32>,
        %get3A_350 = arith.index_cast %squeeze3A : i32 to index
        %get3A_351 = arith.constant 0 : index
        %get3A_352 = tpu.vector_load %arg26[%get3A_350, %get3A_351] {strides = array<i32>} : memref<320x64xf32, #tpu.memory_space<vmem>>, vector<16xf32>,
        %max3A_353 = arith.maximumf %get3A_352, %max3A_343 : vector<16xf32>
        %swap3A_354 = arith.index_cast %squeeze3A : i32 to index
        %swap3A_355 = arith.constant 0 : index
        %swap3A_356 = tpu.vector_load %arg26[%swap3A_354, %swap3A_355] {strides = array<i32>} : memref<320x64xf32, #tpu.memory_space<vmem>>, vector<16xf32>,
        tpu.vector_store %arg26[%swap3A_354, %swap3A_355], %max3A_353 {strides = array<i32>} : memref<320x64xf32, #tpu.memory_space<vmem>>, vector<16xf32>,
        %get3A_357 = arith.index_cast %squeeze3A : i32 to index
        %get3A_358 = arith.constant 0 : index
        %get3A_359 = tpu.vector_load %arg27[%get3A_357, %get3A_358] {strides = array<i32>} : memref<320x64xf32, #tpu.memory_space<vmem>>, vector<16xf32>,
        %min3A_360 = arith.minimumf %get3A_359, %max3A_343 : vector<16xf32>
        %swap3A_361 = arith.index_cast %squeeze3A : i32 to index
        %swap3A_362 = arith.constant 0 : index
        %swap3A_363 = tpu.vector_load %arg27[%swap3A_361, %swap3A_362] {strides = array<i32>} : memref<320x64xf32, #tpu.memory_space<vmem>>, vector<16xf32>,
        tpu.vector_store %arg27[%swap3A_361, %swap3A_362], %min3A_360 {strides = array<i32>} : memref<320x64xf32, #tpu.memory_space<vmem>>, vector<16xf32>,
        %get3A_364 = arith.index_cast %while3A_332 : i32 to index
        %get3A_365 = arith.constant 16 : index
        %get3A_366 = tpu.vector_load %arg22[%get3A_364, %get3A_365] {strides = array<i32>} : memref<256x64xf32, #tpu.memory_space<vmem>>, vector<16xf32>,
        %get3A_367 = arith.index_cast %squeeze3A : i32 to index
        %get3A_368 = arith.constant 16 : index
        %get3A_369 = tpu.vector_load %arg23[%get3A_367, %get3A_368] {strides = array<i32>} : memref<320x64xf32, #tpu.memory_space<vmem>>, vector<16xf32>,
        %add3A_370 = arith.addf %get3A_366, %get3A_369 : vector<16xf32>
        %max3A_371 = arith.constant 0.000000e+00 : f32
        %max3A_372 = vector.broadcast %max3A_371 : f32 to vector<16xf32>
        %max3A_373 = arith.maximumf %add3A_370, %max3A_372 : vector<16xf32>
        %swap3A_374 = arith.index_cast %squeeze3A : i32 to index
        %swap3A_375 = arith.constant 16 : index
        %swap3A_376 = tpu.vector_load %arg24[%swap3A_374, %swap3A_375] {strides = array<i32>} : memref<320x64xf32, #tpu.memory_space<vmem>>, vector<16xf32>,
        tpu.vector_store %arg24[%swap3A_374, %swap3A_375], %max3A_373 {add = true, strides = array<i32>} : memref<320x64xf32, #tpu.memory_space<vmem>>, vector<16xf32>,
        %mul3A_377 = arith.mulf %max3A_373, %max3A_373 : vector<16xf32>
        %swap3A_378 = arith.index_cast %squeeze3A : i32 to index
        %swap3A_379 = arith.constant 16 : index
        %swap3A_380 = tpu.vector_load %arg25[%swap3A_378, %swap3A_379] {strides = array<i32>} : memref<320x64xf32, #tpu.memory_space<vmem>>, vector<16xf32>,
        tpu.vector_store %arg25[%swap3A_378, %swap3A_379], %mul3A_377 {add = true, strides = array<i32>} : memref<320x64xf32, #tpu.memory_space<vmem>>, vector<16xf32>,
        %get3A_381 = arith.index_cast %squeeze3A : i32 to index
        %get3A_382 = arith.constant 16 : index
        %get3A_383 = tpu.vector_load %arg26[%get3A_381, %get3A_382] {strides = array<i32>} : memref<320x64xf32, #tpu.memory_space<vmem>>, vector<16xf32>,
        %max3A_384 = arith.maximumf %get3A_383, %max3A_373 : vector<16xf32>
        %swap3A_385 = arith.index_cast %squeeze3A : i32 to index
        %swap3A_386 = arith.constant 16 : index
        %swap3A_387 = tpu.vector_load %arg26[%swap3A_385, %swap3A_386] {strides = array<i32>} : memref<320x64xf32, #tpu.memory_space<vmem>>, vector<16xf32>,
        tpu.vector_store %arg26[%swap3A_385, %swap3A_386], %max3A_384 {strides = array<i32>} : memref<320x64xf32, #tpu.memory_space<vmem>>, vector<16xf32>,
        %get3A_388 = arith.index_cast %squeeze3A : i32 to index
        %get3A_389 = arith.constant 16 : index
        %get3A_390 = tpu.vector_load %arg27[%get3A_388, %get3A_389] {strides = array<i32>} : memref<320x64xf32, #tpu.memory_space<vmem>>, vector<16xf32>,
        %min3A_391 = arith.minimumf %get3A_390, %max3A_373 : vector<16xf32>
        %swap3A_392 = arith.index_cast %squeeze3A : i32 to index
        %swap3A_393 = arith.constant 16 : index
        %swap3A_394 = tpu.vector_load %arg27[%swap3A_392, %swap3A_393] {strides = array<i32>} : memref<320x64xf32, #tpu.memory_space<vmem>>, vector<16xf32>,
        tpu.vector_store %arg27[%swap3A_392, %swap3A_393], %min3A_391 {strides = array<i32>} : memref<320x64xf32, #tpu.memory_space<vmem>>, vector<16xf32>,
        %get3A_395 = arith.index_cast %while3A_332 : i32 to index
        %get3A_396 = arith.constant 32 : index
        %get3A_397 = tpu.vector_load %arg22[%get3A_395, %get3A_396] {strides = array<i32>} : memref<256x64xf32, #tpu.memory_space<vmem>>, vector<16xf32>,
        %get3A_398 = arith.index_cast %squeeze3A : i32 to index
        %get3A_399 = arith.constant 32 : index
        %get3A_400 = tpu.vector_load %arg23[%get3A_398, %get3A_399] {strides = array<i32>} : memref<320x64xf32, #tpu.memory_space<vmem>>, vector<16xf32>,
        %add3A_401 = arith.addf %get3A_397, %get3A_400 : vector<16xf32>
        %max3A_402 = arith.constant 0.000000e+00 : f32
        %max3A_403 = vector.broadcast %max3A_402 : f32 to vector<16xf32>
        %max3A_404 = arith.maximumf %add3A_401, %max3A_403 : vector<16xf32>
        %swap3A_405 = arith.index_cast %squeeze3A : i32 to index
        %swap3A_406 = arith.constant 32 : index
        %swap3A_407 = tpu.vector_load %arg24[%swap3A_405, %swap3A_406] {strides = array<i32>} : memref<320x64xf32, #tpu.memory_space<vmem>>, vector<16xf32>,
        tpu.vector_store %arg24[%swap3A_405, %swap3A_406], %max3A_404 {add = true, strides = array<i32>} : memref<320x64xf32, #tpu.memory_space<vmem>>, vector<16xf32>,
        %mul3A_408 = arith.mulf %max3A_404, %max3A_404 : vector<16xf32>
        %swap3A_409 = arith.index_cast %squeeze3A : i32 to index
        %swap3A_410 = arith.constant 32 : index
        %swap3A_411 = tpu.vector_load %arg25[%swap3A_409, %swap3A_410] {strides = array<i32>} : memref<320x64xf32, #tpu.memory_space<vmem>>, vector<16xf32>,
        tpu.vector_store %arg25[%swap3A_409, %swap3A_410], %mul3A_408 {add = true, strides = array<i32>} : memref<320x64xf32, #tpu.memory_space<vmem>>, vector<16xf32>,
        %get3A_412 = arith.index_cast %squeeze3A : i32 to index
        %get3A_413 = arith.constant 32 : index
        %get3A_414 = tpu.vector_load %arg26[%get3A_412, %get3A_413] {strides = array<i32>} : memref<320x64xf32, #tpu.memory_space<vmem>>, vector<16xf32>,
        %max3A_415 = arith.maximumf %get3A_414, %max3A_404 : vector<16xf32>
        %swap3A_416 = arith.index_cast %squeeze3A : i32 to index
        %swap3A_417 = arith.constant 32 : index
        %swap3A_418 = tpu.vector_load %arg26[%swap3A_416, %swap3A_417] {strides = array<i32>} : memref<320x64xf32, #tpu.memory_space<vmem>>, vector<16xf32>,
        tpu.vector_store %arg26[%swap3A_416, %swap3A_417], %max3A_415 {strides = array<i32>} : memref<320x64xf32, #tpu.memory_space<vmem>>, vector<16xf32>,
        %get3A_419 = arith.index_cast %squeeze3A : i32 to index
        %get3A_420 = arith.constant 32 : index
        %get3A_421 = tpu.vector_load %arg27[%get3A_419, %get3A_420] {strides = array<i32>} : memref<320x64xf32, #tpu.memory_space<vmem>>, vector<16xf32>,
        %min3A_422 = arith.minimumf %get3A_421, %max3A_404 : vector<16xf32>
        %swap3A_423 = arith.index_cast %squeeze3A : i32 to index
        %swap3A_424 = arith.constant 32 : index
        %swap3A_425 = tpu.vector_load %arg27[%swap3A_423, %swap3A_424] {strides = array<i32>} : memref<320x64xf32, #tpu.memory_space<vmem>>, vector<16xf32>,
        tpu.vector_store %arg27[%swap3A_423, %swap3A_424], %min3A_422 {strides = array<i32>} : memref<320x64xf32, #tpu.memory_space<vmem>>, vector<16xf32>,
        %get3A_426 = arith.index_cast %while3A_332 : i32 to index
        %get3A_427 = arith.constant 48 : index
        %get3A_428 = tpu.vector_load %arg22[%get3A_426, %get3A_427] {strides = array<i32>} : memref<256x64xf32, #tpu.memory_space<vmem>>, vector<16xf32>,
        %get3A_429 = arith.index_cast %squeeze3A : i32 to index
        %get3A_430 = arith.constant 48 : index
        %get3A_431 = tpu.vector_load %arg23[%get3A_429, %get3A_430] {strides = array<i32>} : memref<320x64xf32, #tpu.memory_space<vmem>>, vector<16xf32>,
        %add3A_432 = arith.addf %get3A_428, %get3A_431 : vector<16xf32>
        %max3A_433 = arith.constant 0.000000e+00 : f32
        %max3A_434 = vector.broadcast %max3A_433 : f32 to vector<16xf32>
        %max3A_435 = arith.maximumf %add3A_432, %max3A_434 : vector<16xf32>
        %swap3A_436 = arith.index_cast %squeeze3A : i32 to index
        %swap3A_437 = arith.constant 48 : index
        %swap3A_438 = tpu.vector_load %arg24[%swap3A_436, %swap3A_437] {strides = array<i32>} : memref<320x64xf32, #tpu.memory_space<vmem>>, vector<16xf32>,
        tpu.vector_store %arg24[%swap3A_436, %swap3A_437], %max3A_435 {add = true, strides = array<i32>} : memref<320x64xf32, #tpu.memory_space<vmem>>, vector<16xf32>,
        %mul3A_439 = arith.mulf %max3A_435, %max3A_435 : vector<16xf32>
        %swap3A_440 = arith.index_cast %squeeze3A : i32 to index
        %swap3A_441 = arith.constant 48 : index
        %swap3A_442 = tpu.vector_load %arg25[%swap3A_440, %swap3A_441] {strides = array<i32>} : memref<320x64xf32, #tpu.memory_space<vmem>>, vector<16xf32>,
        tpu.vector_store %arg25[%swap3A_440, %swap3A_441], %mul3A_439 {add = true, strides = array<i32>} : memref<320x64xf32, #tpu.memory_space<vmem>>, vector<16xf32>,
        %get3A_443 = arith.index_cast %squeeze3A : i32 to index
        %get3A_444 = arith.constant 48 : index
        %get3A_445 = tpu.vector_load %arg26[%get3A_443, %get3A_444] {strides = array<i32>} : memref<320x64xf32, #tpu.memory_space<vmem>>, vector<16xf32>,
        %max3A_446 = arith.maximumf %get3A_445, %max3A_435 : vector<16xf32>
        %swap3A_447 = arith.index_cast %squeeze3A : i32 to index
        %swap3A_448 = arith.constant 48 : index
        %swap3A_449 = tpu.vector_load %arg26[%swap3A_447, %swap3A_448] {strides = array<i32>} : memref<320x64xf32, #tpu.memory_space<vmem>>, vector<16xf32>,
        tpu.vector_store %arg26[%swap3A_447, %swap3A_448], %max3A_446 {strides = array<i32>} : memref<320x64xf32, #tpu.memory_space<vmem>>, vector<16xf32>,
        %get3A_450 = arith.index_cast %squeeze3A : i32 to index
        %get3A_451 = arith.constant 48 : index
        %get3A_452 = tpu.vector_load %arg27[%get3A_450, %get3A_451] {strides = array<i32>} : memref<320x64xf32, #tpu.memory_space<vmem>>, vector<16xf32>,
        %min3A_453 = arith.minimumf %get3A_452, %max3A_435 : vector<16xf32>
        %swap3A_454 = arith.index_cast %squeeze3A : i32 to index
        %swap3A_455 = arith.constant 48 : index
        %swap3A_456 = tpu.vector_load %arg27[%swap3A_454, %swap3A_455] {strides = array<i32>} : memref<320x64xf32, #tpu.memory_space<vmem>>, vector<16xf32>,
        tpu.vector_store %arg27[%swap3A_454, %swap3A_455], %min3A_453 {strides = array<i32>} : memref<320x64xf32, #tpu.memory_space<vmem>>, vector<16xf32>,
        %while3A_457 = arith.constant 0 : i32
        scf.yield %while3A_457 : i32
      }
      %while3A_329 = arith.constant 1 : i32
      %while3A_330 = scf.for %while3A_332 = %while3A_326 to %while3A_322 step %while3A_329 iter_args(%while3A_333 = %while3A_328) -> (i32)  : i32 {
        %get3A = arith.index_cast %while3A_332 : i32 to index
        %get3A_334 = tpu.vector_load %arg20[%get3A] {strides = array<i32>} : memref<272xi32, #tpu.memory_space<vmem>>, vector<16xi32>,
        %slice3A = vector.extract_strided_slice %get3A_334 {offsets = [0], sizes = [1], strides = [1]} : vector<16xi32> to vector<1xi32>
        %squeeze3A = vector.extract %slice3A[0] : i32 from vector<1xi32>
        %get3A_335 = arith.index_cast %while3A_332 : i32 to index
        %get3A_336 = arith.constant 0 : index
        %get3A_337 = tpu.vector_load %arg22[%get3A_335, %get3A_336] {strides = array<i32>} : memref<256x64xf32, #tpu.memory_space<vmem>>, vector<16xf32>,
        %get3A_338 = arith.index_cast %squeeze3A : i32 to index
        %get3A_339 = arith.constant 0 : index
        %get3A_340 = tpu.vector_load %arg23[%get3A_338, %get3A_339] {strides = array<i32>} : memref<320x64xf32, #tpu.memory_space<vmem>>, vector<16xf32>,
        %add3A_341 = arith.addf %get3A_337, %get3A_340 : vector<16xf32>
        %max3A = arith.constant 0.000000e+00 : f32
        %max3A_342 = vector.broadcast %max3A : f32 to vector<16xf32>
        %max3A_343 = arith.maximumf %add3A_341, %max3A_342 : vector<16xf32>
        %swap3A = arith.index_cast %squeeze3A : i32 to index
        %swap3A_344 = arith.constant 0 : index
        %swap3A_345 = tpu.vector_load %arg24[%swap3A, %swap3A_344] {strides = array<i32>} : memref<320x64xf32, #tpu.memory_space<vmem>>, vector<16xf32>,
        tpu.vector_store %arg24[%swap3A, %swap3A_344], %max3A_343 {add = true, strides = array<i32>} : memref<320x64xf32, #tpu.memory_space<vmem>>, vector<16xf32>,
        %mul3A_346 = arith.mulf %max3A_343, %max3A_343 : vector<16xf32>
        %swap3A_347 = arith.index_cast %squeeze3A : i32 to index
        %swap3A_348 = arith.constant 0 : index
        %swap3A_349 = tpu.vector_load %arg25[%swap3A_347, %swap3A_348] {strides = array<i32>} : memref<320x64xf32, #tpu.memory_space<vmem>>, vector<16xf32>,
        tpu.vector_store %arg25[%swap3A_347, %swap3A_348], %mul3A_346 {add = true, strides = array<i32>} : memref<320x64xf32, #tpu.memory_space<vmem>>, vector<16xf32>,
        %get3A_350 = arith.index_cast %squeeze3A : i32 to index
        %get3A_351 = arith.constant 0 : index
        %get3A_352 = tpu.vector_load %arg26[%get3A_350, %get3A_351] {strides = array<i32>} : memref<320x64xf32, #tpu.memory_space<vmem>>, vector<16xf32>,
        %max3A_353 = arith.maximumf %get3A_352, %max3A_343 : vector<16xf32>
        %swap3A_354 = arith.index_cast %squeeze3A : i32 to index
        %swap3A_355 = arith.constant 0 : index
        %swap3A_356 = tpu.vector_load %arg26[%swap3A_354, %swap3A_355] {strides = array<i32>} : memref<320x64xf32, #tpu.memory_space<vmem>>, vector<16xf32>,
        tpu.vector_store %arg26[%swap3A_354, %swap3A_355], %max3A_353 {strides = array<i32>} : memref<320x64xf32, #tpu.memory_space<vmem>>, vector<16xf32>,
        %get3A_357 = arith.index_cast %squeeze3A : i32 to index
        %get3A_358 = arith.constant 0 : index
        %get3A_359 = tpu.vector_load %arg27[%get3A_357, %get3A_358] {strides = array<i32>} : memref<320x64xf32, #tpu.memory_space<vmem>>, vector<16xf32>,
        %min3A_360 = arith.minimumf %get3A_359, %max3A_343 : vector<16xf32>
        %swap3A_361 = arith.index_cast %squeeze3A : i32 to index
        %swap3A_362 = arith.constant 0 : index
        %swap3A_363 = tpu.vector_load %arg27[%swap3A_361, %swap3A_362] {strides = array<i32>} : memref<320x64xf32, #tpu.memory_space<vmem>>, vector<16xf32>,
        tpu.vector_store %arg27[%swap3A_361, %swap3A_362], %min3A_360 {strides = array<i32>} : memref<320x64xf32, #tpu.memory_space<vmem>>, vector<16xf32>,
        %get3A_364 = arith.index_cast %while3A_332 : i32 to index
        %get3A_365 = arith.constant 16 : index
        %get3A_366 = tpu.vector_load %arg22[%get3A_364, %get3A_365] {strides = array<i32>} : memref<256x64xf32, #tpu.memory_space<vmem>>, vector<16xf32>,
        %get3A_367 = arith.index_cast %squeeze3A : i32 to index
        %get3A_368 = arith.constant 16 : index
        %get3A_369 = tpu.vector_load %arg23[%get3A_367, %get3A_368] {strides = array<i32>} : memref<320x64xf32, #tpu.memory_space<vmem>>, vector<16xf32>,
        %add3A_370 = arith.addf %get3A_366, %get3A_369 : vector<16xf32>
        %max3A_371 = arith.constant 0.000000e+00 : f32
        %max3A_372 = vector.broadcast %max3A_371 : f32 to vector<16xf32>
        %max3A_373 = arith.maximumf %add3A_370, %max3A_372 : vector<16xf32>
        %swap3A_374 = arith.index_cast %squeeze3A : i32 to index
        %swap3A_375 = arith.constant 16 : index
        %swap3A_376 = tpu.vector_load %arg24[%swap3A_374, %swap3A_375] {strides = array<i32>} : memref<320x64xf32, #tpu.memory_space<vmem>>, vector<16xf32>,
        tpu.vector_store %arg24[%swap3A_374, %swap3A_375], %max3A_373 {add = true, strides = array<i32>} : memref<320x64xf32, #tpu.memory_space<vmem>>, vector<16xf32>,
        %mul3A_377 = arith.mulf %max3A_373, %max3A_373 : vector<16xf32>
        %swap3A_378 = arith.index_cast %squeeze3A : i32 to index
        %swap3A_379 = arith.constant 16 : index
        %swap3A_380 = tpu.vector_load %arg25[%swap3A_378, %swap3A_379] {strides = array<i32>} : memref<320x64xf32, #tpu.memory_space<vmem>>, vector<16xf32>,
        tpu.vector_store %arg25[%swap3A_378, %swap3A_379], %mul3A_377 {add = true, strides = array<i32>} : memref<320x64xf32, #tpu.memory_space<vmem>>, vector<16xf32>,
        %get3A_381 = arith.index_cast %squeeze3A : i32 to index
        %get3A_382 = arith.constant 16 : index
        %get3A_383 = tpu.vector_load %arg26[%get3A_381, %get3A_382] {strides = array<i32>} : memref<320x64xf32, #tpu.memory_space<vmem>>, vector<16xf32>,
        %max3A_384 = arith.maximumf %get3A_383, %max3A_373 : vector<16xf32>
        %swap3A_385 = arith.index_cast %squeeze3A : i32 to index
        %swap3A_386 = arith.constant 16 : index
        %swap3A_387 = tpu.vector_load %arg26[%swap3A_385, %swap3A_386] {strides = array<i32>} : memref<320x64xf32, #tpu.memory_space<vmem>>, vector<16xf32>,
        tpu.vector_store %arg26[%swap3A_385, %swap3A_386], %max3A_384 {strides = array<i32>} : memref<320x64xf32, #tpu.memory_space<vmem>>, vector<16xf32>,
        %get3A_388 = arith.index_cast %squeeze3A : i32 to index
        %get3A_389 = arith.constant 16 : index
        %get3A_390 = tpu.vector_load %arg27[%get3A_388, %get3A_389] {strides = array<i32>} : memref<320x64xf32, #tpu.memory_space<vmem>>, vector<16xf32>,
        %min3A_391 = arith.minimumf %get3A_390, %max3A_373 : vector<16xf32>
        %swap3A_392 = arith.index_cast %squeeze3A : i32 to index
        %swap3A_393 = arith.constant 16 : index
        %swap3A_394 = tpu.vector_load %arg27[%swap3A_392, %swap3A_393] {strides = array<i32>} : memref<320x64xf32, #tpu.memory_space<vmem>>, vector<16xf32>,
        tpu.vector_store %arg27[%swap3A_392, %swap3A_393], %min3A_391 {strides = array<i32>} : memref<320x64xf32, #tpu.memory_space<vmem>>, vector<16xf32>,
        %get3A_395 = arith.index_cast %while3A_332 : i32 to index
        %get3A_396 = arith.constant 32 : index
        %get3A_397 = tpu.vector_load %arg22[%get3A_395, %get3A_396] {strides = array<i32>} : memref<256x64xf32, #tpu.memory_space<vmem>>, vector<16xf32>,
        %get3A_398 = arith.index_cast %squeeze3A : i32 to index
        %get3A_399 = arith.constant 32 : index
        %get3A_400 = tpu.vector_load %arg23[%get3A_398, %get3A_399] {strides = array<i32>} : memref<320x64xf32, #tpu.memory_space<vmem>>, vector<16xf32>,
        %add3A_401 = arith.addf %get3A_397, %get3A_400 : vector<16xf32>
        %max3A_402 = arith.constant 0.000000e+00 : f32
        %max3A_403 = vector.broadcast %max3A_402 : f32 to vector<16xf32>
        %max3A_404 = arith.maximumf %add3A_401, %max3A_403 : vector<16xf32>
        %swap3A_405 = arith.index_cast %squeeze3A : i32 to index
        %swap3A_406 = arith.constant 32 : index
        %swap3A_407 = tpu.vector_load %arg24[%swap3A_405, %swap3A_406] {strides = array<i32>} : memref<320x64xf32, #tpu.memory_space<vmem>>, vector<16xf32>,
        tpu.vector_store %arg24[%swap3A_405, %swap3A_406], %max3A_404 {add = true, strides = array<i32>} : memref<320x64xf32, #tpu.memory_space<vmem>>, vector<16xf32>,
        %mul3A_408 = arith.mulf %max3A_404, %max3A_404 : vector<16xf32>
        %swap3A_409 = arith.index_cast %squeeze3A : i32 to index
        %swap3A_410 = arith.constant 32 : index
        %swap3A_411 = tpu.vector_load %arg25[%swap3A_409, %swap3A_410] {strides = array<i32>} : memref<320x64xf32, #tpu.memory_space<vmem>>, vector<16xf32>,
        tpu.vector_store %arg25[%swap3A_409, %swap3A_410], %mul3A_408 {add = true, strides = array<i32>} : memref<320x64xf32, #tpu.memory_space<vmem>>, vector<16xf32>,
        %get3A_412 = arith.index_cast %squeeze3A : i32 to index
        %get3A_413 = arith.constant 32 : index
        %get3A_414 = tpu.vector_load %arg26[%get3A_412, %get3A_413] {strides = array<i32>} : memref<320x64xf32, #tpu.memory_space<vmem>>, vector<16xf32>,
        %max3A_415 = arith.maximumf %get3A_414, %max3A_404 : vector<16xf32>
        %swap3A_416 = arith.index_cast %squeeze3A : i32 to index
        %swap3A_417 = arith.constant 32 : index
        %swap3A_418 = tpu.vector_load %arg26[%swap3A_416, %swap3A_417] {strides = array<i32>} : memref<320x64xf32, #tpu.memory_space<vmem>>, vector<16xf32>,
        tpu.vector_store %arg26[%swap3A_416, %swap3A_417], %max3A_415 {strides = array<i32>} : memref<320x64xf32, #tpu.memory_space<vmem>>, vector<16xf32>,
        %get3A_419 = arith.index_cast %squeeze3A : i32 to index
        %get3A_420 = arith.constant 32 : index
        %get3A_421 = tpu.vector_load %arg27[%get3A_419, %get3A_420] {strides = array<i32>} : memref<320x64xf32, #tpu.memory_space<vmem>>, vector<16xf32>,
        %min3A_422 = arith.minimumf %get3A_421, %max3A_404 : vector<16xf32>
        %swap3A_423 = arith.index_cast %squeeze3A : i32 to index
        %swap3A_424 = arith.constant 32 : index
        %swap3A_425 = tpu.vector_load %arg27[%swap3A_423, %swap3A_424] {strides = array<i32>} : memref<320x64xf32, #tpu.memory_space<vmem>>, vector<16xf32>,
        tpu.vector_store %arg27[%swap3A_423, %swap3A_424], %min3A_422 {strides = array<i32>} : memref<320x64xf32, #tpu.memory_space<vmem>>, vector<16xf32>,
        %get3A_426 = arith.index_cast %while3A_332 : i32 to index
        %get3A_427 = arith.constant 48 : index
        %get3A_428 = tpu.vector_load %arg22[%get3A_426, %get3A_427] {strides = array<i32>} : memref<256x64xf32, #tpu.memory_space<vmem>>, vector<16xf32>,
        %get3A_429 = arith.index_cast %squeeze3A : i32 to index
        %get3A_430 = arith.constant 48 : index
        %get3A_431 = tpu.vector_load %arg23[%get3A_429, %get3A_430] {strides = array<i32>} : memref<320x64xf32, #tpu.memory_space<vmem>>, vector<16xf32>,
        %add3A_432 = arith.addf %get3A_428, %get3A_431 : vector<16xf32>
        %max3A_433 = arith.constant 0.000000e+00 : f32
        %max3A_434 = vector.broadcast %max3A_433 : f32 to vector<16xf32>
        %max3A_435 = arith.maximumf %add3A_432, %max3A_434 : vector<16xf32>
        %swap3A_436 = arith.index_cast %squeeze3A : i32 to index
        %swap3A_437 = arith.constant 48 : index
        %swap3A_438 = tpu.vector_load %arg24[%swap3A_436, %swap3A_437] {strides = array<i32>} : memref<320x64xf32, #tpu.memory_space<vmem>>, vector<16xf32>,
        tpu.vector_store %arg24[%swap3A_436, %swap3A_437], %max3A_435 {add = true, strides = array<i32>} : memref<320x64xf32, #tpu.memory_space<vmem>>, vector<16xf32>,
        %mul3A_439 = arith.mulf %max3A_435, %max3A_435 : vector<16xf32>
        %swap3A_440 = arith.index_cast %squeeze3A : i32 to index
        %swap3A_441 = arith.constant 48 : index
        %swap3A_442 = tpu.vector_load %arg25[%swap3A_440, %swap3A_441] {strides = array<i32>} : memref<320x64xf32, #tpu.memory_space<vmem>>, vector<16xf32>,
        tpu.vector_store %arg25[%swap3A_440, %swap3A_441], %mul3A_439 {add = true, strides = array<i32>} : memref<320x64xf32, #tpu.memory_space<vmem>>, vector<16xf32>,
        %get3A_443 = arith.index_cast %squeeze3A : i32 to index
        %get3A_444 = arith.constant 48 : index
        %get3A_445 = tpu.vector_load %arg26[%get3A_443, %get3A_444] {strides = array<i32>} : memref<320x64xf32, #tpu.memory_space<vmem>>, vector<16xf32>,
        %max3A_446 = arith.maximumf %get3A_445, %max3A_435 : vector<16xf32>
        %swap3A_447 = arith.index_cast %squeeze3A : i32 to index
        %swap3A_448 = arith.constant 48 : index
        %swap3A_449 = tpu.vector_load %arg26[%swap3A_447, %swap3A_448] {strides = array<i32>} : memref<320x64xf32, #tpu.memory_space<vmem>>, vector<16xf32>,
        tpu.vector_store %arg26[%swap3A_447, %swap3A_448], %max3A_446 {strides = array<i32>} : memref<320x64xf32, #tpu.memory_space<vmem>>, vector<16xf32>,
        %get3A_450 = arith.index_cast %squeeze3A : i32 to index
        %get3A_451 = arith.constant 48 : index
        %get3A_452 = tpu.vector_load %arg27[%get3A_450, %get3A_451] {strides = array<i32>} : memref<320x64xf32, #tpu.memory_space<vmem>>, vector<16xf32>,
        %min3A_453 = arith.minimumf %get3A_452, %max3A_435 : vector<16xf32>
        %swap3A_454 = arith.index_cast %squeeze3A : i32 to index
        %swap3A_455 = arith.constant 48 : index
        %swap3A_456 = tpu.vector_load %arg27[%swap3A_454, %swap3A_455] {strides = array<i32>} : memref<320x64xf32, #tpu.memory_space<vmem>>, vector<16xf32>,
        tpu.vector_store %arg27[%swap3A_454, %swap3A_455], %min3A_453 {strides = array<i32>} : memref<320x64xf32, #tpu.memory_space<vmem>>, vector<16xf32>,
        %while3A_457 = arith.constant 0 : i32
        scf.yield %while3A_457 : i32
      }
      %while3A_331 = arith.constant 0 : i32
      scf.yield %while3A_331 : i32
    }
    %multiple_of3A_69 = tpu.assume_multiple %mul3A_2, 320 : i32
    %run_scoped3A = arith.constant 0 : i32
    "tpu.region"() ({
      %run_scoped3A_263 = tpu.sem_alloc : memref<!tpu.dma_semaphore, #tpu.memory_space<semaphore_mem>>
      %dma_start3A = arith.constant 0 : i32
      %dma_start3A_264 = tpu.memref_slice %arg6[%run_scoped3A, %multiple_of3A_69, %dma_start3A] : memref<4x10240x64xf32, #tpu.memory_space<hbm>> -> memref<1x320x64xf32, #tpu.memory_space<hbm>>
      %dma_start3A_265 = tpu.memref_squeeze %dma_start3A_264 : memref<1x320x64xf32, #tpu.memory_space<hbm>> -> memref<320x64xf32, #tpu.memory_space<hbm>>
      %dma_start3A_266 = arith.constant 0 : i32
      %dma_start3A_267 = tpu.memref_slice %arg6[%run_scoped3A, %multiple_of3A_69, %dma_start3A_266] : memref<4x10240x64xf32, #tpu.memory_space<hbm>> -> memref<1x320x64xf32, #tpu.memory_space<hbm>>
      %dma_start3A_268 = tpu.memref_squeeze %dma_start3A_267 : memref<1x320x64xf32, #tpu.memory_space<hbm>> -> memref<320x64xf32, #tpu.memory_space<hbm>>
      tpu.enqueue_dma source(%arg24 : memref<320x64xf32, #tpu.memory_space<vmem>>) target(%dma_start3A_268 : memref<320x64xf32, #tpu.memory_space<hbm>>) target_semaphore(%run_scoped3A_263 : memref<!tpu.dma_semaphore, #tpu.memory_space<semaphore_mem>>)
      %dma_wait3A = arith.constant 0 : i32
      %dma_wait3A_269 = tpu.memref_slice %arg6[%run_scoped3A, %multiple_of3A_69, %dma_wait3A] : memref<4x10240x64xf32, #tpu.memory_space<hbm>> -> memref<1x320x64xf32, #tpu.memory_space<hbm>>
      %dma_wait3A_270 = tpu.memref_squeeze %dma_wait3A_269 : memref<1x320x64xf32, #tpu.memory_space<hbm>> -> memref<320x64xf32, #tpu.memory_space<hbm>>
      %dma_wait3A_271 = arith.constant 0 : i32
      %dma_wait3A_272 = tpu.memref_slice %arg6[%run_scoped3A, %multiple_of3A_69, %dma_wait3A_271] : memref<4x10240x64xf32, #tpu.memory_space<hbm>> -> memref<1x320x64xf32, #tpu.memory_space<hbm>>
      %dma_wait3A_273 = tpu.memref_squeeze %dma_wait3A_272 : memref<1x320x64xf32, #tpu.memory_space<hbm>> -> memref<320x64xf32, #tpu.memory_space<hbm>>
      tpu.wait_dma2 semaphore(%run_scoped3A_263 : memref<!tpu.dma_semaphore, #tpu.memory_space<semaphore_mem>>) src(%arg24 : memref<320x64xf32, #tpu.memory_space<vmem>>) dst(%dma_wait3A_273 : memref<320x64xf32, #tpu.memory_space<hbm>>)
      tpu.yield
    }) : () -> ()
    %multiple_of3A_70 = tpu.assume_multiple %mul3A_2, 320 : i32
    %run_scoped3A_71 = arith.constant 0 : i32
    "tpu.region"() ({
      %run_scoped3A_263 = tpu.sem_alloc : memref<!tpu.dma_semaphore, #tpu.memory_space<semaphore_mem>>
      %dma_start3A = arith.constant 0 : i32
      %dma_start3A_264 = tpu.memref_slice %arg7[%run_scoped3A_71, %multiple_of3A_70, %dma_start3A] : memref<4x10240x64xf32, #tpu.memory_space<hbm>> -> memref<1x320x64xf32, #tpu.memory_space<hbm>>
      %dma_start3A_265 = tpu.memref_squeeze %dma_start3A_264 : memref<1x320x64xf32, #tpu.memory_space<hbm>> -> memref<320x64xf32, #tpu.memory_space<hbm>>
      %dma_start3A_266 = arith.constant 0 : i32
      %dma_start3A_267 = tpu.memref_slice %arg7[%run_scoped3A_71, %multiple_of3A_70, %dma_start3A_266] : memref<4x10240x64xf32, #tpu.memory_space<hbm>> -> memref<1x320x64xf32, #tpu.memory_space<hbm>>
      %dma_start3A_268 = tpu.memref_squeeze %dma_start3A_267 : memref<1x320x64xf32, #tpu.memory_space<hbm>> -> memref<320x64xf32, #tpu.memory_space<hbm>>
      tpu.enqueue_dma source(%arg25 : memref<320x64xf32, #tpu.memory_space<vmem>>) target(%dma_start3A_268 : memref<320x64xf32, #tpu.memory_space<hbm>>) target_semaphore(%run_scoped3A_263 : memref<!tpu.dma_semaphore, #tpu.memory_space<semaphore_mem>>)
      %dma_wait3A = arith.constant 0 : i32
      %dma_wait3A_269 = tpu.memref_slice %arg7[%run_scoped3A_71, %multiple_of3A_70, %dma_wait3A] : memref<4x10240x64xf32, #tpu.memory_space<hbm>> -> memref<1x320x64xf32, #tpu.memory_space<hbm>>
      %dma_wait3A_270 = tpu.memref_squeeze %dma_wait3A_269 : memref<1x320x64xf32, #tpu.memory_space<hbm>> -> memref<320x64xf32, #tpu.memory_space<hbm>>
      %dma_wait3A_271 = arith.constant 0 : i32
      %dma_wait3A_272 = tpu.memref_slice %arg7[%run_scoped3A_71, %multiple_of3A_70, %dma_wait3A_271] : memref<4x10240x64xf32, #tpu.memory_space<hbm>> -> memref<1x320x64xf32, #tpu.memory_space<hbm>>
      %dma_wait3A_273 = tpu.memref_squeeze %dma_wait3A_272 : memref<1x320x64xf32, #tpu.memory_space<hbm>> -> memref<320x64xf32, #tpu.memory_space<hbm>>
      tpu.wait_dma2 semaphore(%run_scoped3A_263 : memref<!tpu.dma_semaphore, #tpu.memory_space<semaphore_mem>>) src(%arg25 : memref<320x64xf32, #tpu.memory_space<vmem>>) dst(%dma_wait3A_273 : memref<320x64xf32, #tpu.memory_space<hbm>>)
      tpu.yield
    }) : () -> ()
    %multiple_of3A_72 = tpu.assume_multiple %mul3A_2, 320 : i32
    %run_scoped3A_73 = arith.constant 0 : i32
    "tpu.region"() ({
      %run_scoped3A_263 = tpu.sem_alloc : memref<!tpu.dma_semaphore, #tpu.memory_space<semaphore_mem>>
      %dma_start3A = arith.constant 0 : i32
      %dma_start3A_264 = tpu.memref_slice %arg8[%run_scoped3A_73, %multiple_of3A_72, %dma_start3A] : memref<4x10240x64xf32, #tpu.memory_space<hbm>> -> memref<1x320x64xf32, #tpu.memory_space<hbm>>
      %dma_start3A_265 = tpu.memref_squeeze %dma_start3A_264 : memref<1x320x64xf32, #tpu.memory_space<hbm>> -> memref<320x64xf32, #tpu.memory_space<hbm>>
      %dma_start3A_266 = arith.constant 0 : i32
      %dma_start3A_267 = tpu.memref_slice %arg8[%run_scoped3A_73, %multiple_of3A_72, %dma_start3A_266] : memref<4x10240x64xf32, #tpu.memory_space<hbm>> -> memref<1x320x64xf32, #tpu.memory_space<hbm>>
      %dma_start3A_268 = tpu.memref_squeeze %dma_start3A_267 : memref<1x320x64xf32, #tpu.memory_space<hbm>> -> memref<320x64xf32, #tpu.memory_space<hbm>>
      tpu.enqueue_dma source(%arg26 : memref<320x64xf32, #tpu.memory_space<vmem>>) target(%dma_start3A_268 : memref<320x64xf32, #tpu.memory_space<hbm>>) target_semaphore(%run_scoped3A_263 : memref<!tpu.dma_semaphore, #tpu.memory_space<semaphore_mem>>)
      %dma_wait3A = arith.constant 0 : i32
      %dma_wait3A_269 = tpu.memref_slice %arg8[%run_scoped3A_73, %multiple_of3A_72, %dma_wait3A] : memref<4x10240x64xf32, #tpu.memory_space<hbm>> -> memref<1x320x64xf32, #tpu.memory_space<hbm>>
      %dma_wait3A_270 = tpu.memref_squeeze %dma_wait3A_269 : memref<1x320x64xf32, #tpu.memory_space<hbm>> -> memref<320x64xf32, #tpu.memory_space<hbm>>
      %dma_wait3A_271 = arith.constant 0 : i32
      %dma_wait3A_272 = tpu.memref_slice %arg8[%run_scoped3A_73, %multiple_of3A_72, %dma_wait3A_271] : memref<4x10240x64xf32, #tpu.memory_space<hbm>> -> memref<1x320x64xf32, #tpu.memory_space<hbm>>
      %dma_wait3A_273 = tpu.memref_squeeze %dma_wait3A_272 : memref<1x320x64xf32, #tpu.memory_space<hbm>> -> memref<320x64xf32, #tpu.memory_space<hbm>>
      tpu.wait_dma2 semaphore(%run_scoped3A_263 : memref<!tpu.dma_semaphore, #tpu.memory_space<semaphore_mem>>) src(%arg26 : memref<320x64xf32, #tpu.memory_space<vmem>>) dst(%dma_wait3A_273 : memref<320x64xf32, #tpu.memory_space<hbm>>)
      tpu.yield
    }) : () -> ()
    %multiple_of3A_74 = tpu.assume_multiple %mul3A_2, 320 : i32
    %run_scoped3A_75 = arith.constant 0 : i32
    "tpu.region"() ({
      %run_scoped3A_263 = tpu.sem_alloc : memref<!tpu.dma_semaphore, #tpu.memory_space<semaphore_mem>>
      %dma_start3A = arith.constant 0 : i32
      %dma_start3A_264 = tpu.memref_slice %arg9[%run_scoped3A_75, %multiple_of3A_74, %dma_start3A] : memref<4x10240x64xf32, #tpu.memory_space<hbm>> -> memref<1x320x64xf32, #tpu.memory_space<hbm>>
      %dma_start3A_265 = tpu.memref_squeeze %dma_start3A_264 : memref<1x320x64xf32, #tpu.memory_space<hbm>> -> memref<320x64xf32, #tpu.memory_space<hbm>>
      %dma_start3A_266 = arith.constant 0 : i32
      %dma_start3A_267 = tpu.memref_slice %arg9[%run_scoped3A_75, %multiple_of3A_74, %dma_start3A_266] : memref<4x10240x64xf32, #tpu.memory_space<hbm>> -> memref<1x320x64xf32, #tpu.memory_space<hbm>>
      %dma_start3A_268 = tpu.memref_squeeze %dma_start3A_267 : memref<1x320x64xf32, #tpu.memory_space<hbm>> -> memref<320x64xf32, #tpu.memory_space<hbm>>
      tpu.enqueue_dma source(%arg27 : memref<320x64xf32, #tpu.memory_space<vmem>>) target(%dma_start3A_268 : memref<320x64xf32, #tpu.memory_space<hbm>>) target_semaphore(%run_scoped3A_263 : memref<!tpu.dma_semaphore, #tpu.memory_space<semaphore_mem>>)
      %dma_wait3A = arith.constant 0 : i32
      %dma_wait3A_269 = tpu.memref_slice %arg9[%run_scoped3A_75, %multiple_of3A_74, %dma_wait3A] : memref<4x10240x64xf32, #tpu.memory_space<hbm>> -> memref<1x320x64xf32, #tpu.memory_space<hbm>>
      %dma_wait3A_270 = tpu.memref_squeeze %dma_wait3A_269 : memref<1x320x64xf32, #tpu.memory_space<hbm>> -> memref<320x64xf32, #tpu.memory_space<hbm>>
      %dma_wait3A_271 = arith.constant 0 : i32
      %dma_wait3A_272 = tpu.memref_slice %arg9[%run_scoped3A_75, %multiple_of3A_74, %dma_wait3A_271] : memref<4x10240x64xf32, #tpu.memory_space<hbm>> -> memref<1x320x64xf32, #tpu.memory_space<hbm>>
      %dma_wait3A_273 = tpu.memref_squeeze %dma_wait3A_272 : memref<1x320x64xf32, #tpu.memory_space<hbm>> -> memref<320x64xf32, #tpu.memory_space<hbm>>
      tpu.wait_dma2 semaphore(%run_scoped3A_263 : memref<!tpu.dma_semaphore, #tpu.memory_space<semaphore_mem>>) src(%arg27 : memref<320x64xf32, #tpu.memory_space<vmem>>) dst(%dma_wait3A_273 : memref<320x64xf32, #tpu.memory_space<hbm>>)
      tpu.yield
    }) : () -> ()
    %multiple_of3A_76 = tpu.assume_multiple %mul3A_2, 320 : i32
    "tpu.region"() ({
      %run_scoped3A_263 = tpu.sem_alloc : memref<!tpu.dma_semaphore, #tpu.memory_space<semaphore_mem>>
      %dma_start3A = tpu.memref_slice %arg10[%multiple_of3A_76] : memref<10240xf32, #tpu.memory_space<hbm>> -> memref<320xf32, #tpu.memory_space<hbm>>
      %dma_start3A_264 = tpu.memref_slice %arg10[%multiple_of3A_76] : memref<10240xf32, #tpu.memory_space<hbm>> -> memref<320xf32, #tpu.memory_space<hbm>>
      tpu.enqueue_dma source(%arg28 : memref<320xf32, #tpu.memory_space<vmem>>) target(%dma_start3A_264 : memref<320xf32, #tpu.memory_space<hbm>>) target_semaphore(%run_scoped3A_263 : memref<!tpu.dma_semaphore, #tpu.memory_space<semaphore_mem>>)
      %dma_wait3A = tpu.memref_slice %arg10[%multiple_of3A_76] : memref<10240xf32, #tpu.memory_space<hbm>> -> memref<320xf32, #tpu.memory_space<hbm>>
      %dma_wait3A_265 = tpu.memref_slice %arg10[%multiple_of3A_76] : memref<10240xf32, #tpu.memory_space<hbm>> -> memref<320xf32, #tpu.memory_space<hbm>>
      tpu.wait_dma2 semaphore(%run_scoped3A_263 : memref<!tpu.dma_semaphore, #tpu.memory_space<semaphore_mem>>) src(%arg28 : memref<320xf32, #tpu.memory_space<vmem>>) dst(%dma_wait3A_265 : memref<320xf32, #tpu.memory_space<hbm>>)
      tpu.yield
    }) : () -> ()
    %broadcast_in_dim3A_77 = arith.constant 0.000000e+00 : f32
    %broadcast_in_dim3A_78 = vector.broadcast %broadcast_in_dim3A_77 : f32 to vector<16xf32>
    %broadcast_in_dim3A_79 = arith.constant 3.000000e+38 : f32
    %broadcast_in_dim3A_80 = vector.broadcast %broadcast_in_dim3A_79 : f32 to vector<16xf32>
    %scan3A_81 = arith.constant 0 : i32
    %scan3A_82 = arith.constant 0 : i32
    %scan3A_83 = arith.constant 320 : i32
    %scan3A_84 = arith.addi %scan3A_82, %scan3A_83 : i32
    %scan3A_85 = arith.constant 1 : i32
    %scan3A_86 = scf.for %scan3A_263 = %scan3A_82 to %scan3A_84 step %scan3A_85 iter_args(%scan3A_264 = %scan3A_81) -> (i32)  : i32 {
      %swap3A = arith.index_cast %scan3A_263 : i32 to index
      %swap3A_265 = arith.constant 0 : index
      %swap3A_266 = tpu.vector_load %arg24[%swap3A, %swap3A_265] {strides = array<i32>} : memref<320x64xf32, #tpu.memory_space<vmem>>, vector<16xf32>,
      tpu.vector_store %arg24[%swap3A, %swap3A_265], %broadcast_in_dim3A_78 {strides = array<i32>} : memref<320x64xf32, #tpu.memory_space<vmem>>, vector<16xf32>,
      %swap3A_267 = arith.index_cast %scan3A_263 : i32 to index
      %swap3A_268 = arith.constant 0 : index
      %swap3A_269 = tpu.vector_load %arg25[%swap3A_267, %swap3A_268] {strides = array<i32>} : memref<320x64xf32, #tpu.memory_space<vmem>>, vector<16xf32>,
      tpu.vector_store %arg25[%swap3A_267, %swap3A_268], %broadcast_in_dim3A_78 {strides = array<i32>} : memref<320x64xf32, #tpu.memory_space<vmem>>, vector<16xf32>,
      %swap3A_270 = arith.index_cast %scan3A_263 : i32 to index
      %swap3A_271 = arith.constant 0 : index
      %swap3A_272 = tpu.vector_load %arg26[%swap3A_270, %swap3A_271] {strides = array<i32>} : memref<320x64xf32, #tpu.memory_space<vmem>>, vector<16xf32>,
      tpu.vector_store %arg26[%swap3A_270, %swap3A_271], %broadcast_in_dim3A_78 {strides = array<i32>} : memref<320x64xf32, #tpu.memory_space<vmem>>, vector<16xf32>,
      %swap3A_273 = arith.index_cast %scan3A_263 : i32 to index
      %swap3A_274 = arith.constant 0 : index
      %swap3A_275 = tpu.vector_load %arg27[%swap3A_273, %swap3A_274] {strides = array<i32>} : memref<320x64xf32, #tpu.memory_space<vmem>>, vector<16xf32>,
      tpu.vector_store %arg27[%swap3A_273, %swap3A_274], %broadcast_in_dim3A_80 {strides = array<i32>} : memref<320x64xf32, #tpu.memory_space<vmem>>, vector<16xf32>,
      %swap3A_276 = arith.index_cast %scan3A_263 : i32 to index
      %swap3A_277 = arith.constant 16 : index
      %swap3A_278 = tpu.vector_load %arg24[%swap3A_276, %swap3A_277] {strides = array<i32>} : memref<320x64xf32, #tpu.memory_space<vmem>>, vector<16xf32>,
      tpu.vector_store %arg24[%swap3A_276, %swap3A_277], %broadcast_in_dim3A_78 {strides = array<i32>} : memref<320x64xf32, #tpu.memory_space<vmem>>, vector<16xf32>,
      %swap3A_279 = arith.index_cast %scan3A_263 : i32 to index
      %swap3A_280 = arith.constant 16 : index
      %swap3A_281 = tpu.vector_load %arg25[%swap3A_279, %swap3A_280] {strides = array<i32>} : memref<320x64xf32, #tpu.memory_space<vmem>>, vector<16xf32>,
      tpu.vector_store %arg25[%swap3A_279, %swap3A_280], %broadcast_in_dim3A_78 {strides = array<i32>} : memref<320x64xf32, #tpu.memory_space<vmem>>, vector<16xf32>,
      %swap3A_282 = arith.index_cast %scan3A_263 : i32 to index
      %swap3A_283 = arith.constant 16 : index
      %swap3A_284 = tpu.vector_load %arg26[%swap3A_282, %swap3A_283] {strides = array<i32>} : memref<320x64xf32, #tpu.memory_space<vmem>>, vector<16xf32>,
      tpu.vector_store %arg26[%swap3A_282, %swap3A_283], %broadcast_in_dim3A_78 {strides = array<i32>} : memref<320x64xf32, #tpu.memory_space<vmem>>, vector<16xf32>,
      %swap3A_285 = arith.index_cast %scan3A_263 : i32 to index
      %swap3A_286 = arith.constant 16 : index
      %swap3A_287 = tpu.vector_load %arg27[%swap3A_285, %swap3A_286] {strides = array<i32>} : memref<320x64xf32, #tpu.memory_space<vmem>>, vector<16xf32>,
      tpu.vector_store %arg27[%swap3A_285, %swap3A_286], %broadcast_in_dim3A_80 {strides = array<i32>} : memref<320x64xf32, #tpu.memory_space<vmem>>, vector<16xf32>,
      %swap3A_288 = arith.index_cast %scan3A_263 : i32 to index
      %swap3A_289 = arith.constant 32 : index
      %swap3A_290 = tpu.vector_load %arg24[%swap3A_288, %swap3A_289] {strides = array<i32>} : memref<320x64xf32, #tpu.memory_space<vmem>>, vector<16xf32>,
      tpu.vector_store %arg24[%swap3A_288, %swap3A_289], %broadcast_in_dim3A_78 {strides = array<i32>} : memref<320x64xf32, #tpu.memory_space<vmem>>, vector<16xf32>,
      %swap3A_291 = arith.index_cast %scan3A_263 : i32 to index
      %swap3A_292 = arith.constant 32 : index
      %swap3A_293 = tpu.vector_load %arg25[%swap3A_291, %swap3A_292] {strides = array<i32>} : memref<320x64xf32, #tpu.memory_space<vmem>>, vector<16xf32>,
      tpu.vector_store %arg25[%swap3A_291, %swap3A_292], %broadcast_in_dim3A_78 {strides = array<i32>} : memref<320x64xf32, #tpu.memory_space<vmem>>, vector<16xf32>,
      %swap3A_294 = arith.index_cast %scan3A_263 : i32 to index
      %swap3A_295 = arith.constant 32 : index
      %swap3A_296 = tpu.vector_load %arg26[%swap3A_294, %swap3A_295] {strides = array<i32>} : memref<320x64xf32, #tpu.memory_space<vmem>>, vector<16xf32>,
      tpu.vector_store %arg26[%swap3A_294, %swap3A_295], %broadcast_in_dim3A_78 {strides = array<i32>} : memref<320x64xf32, #tpu.memory_space<vmem>>, vector<16xf32>,
      %swap3A_297 = arith.index_cast %scan3A_263 : i32 to index
      %swap3A_298 = arith.constant 32 : index
      %swap3A_299 = tpu.vector_load %arg27[%swap3A_297, %swap3A_298] {strides = array<i32>} : memref<320x64xf32, #tpu.memory_space<vmem>>, vector<16xf32>,
      tpu.vector_store %arg27[%swap3A_297, %swap3A_298], %broadcast_in_dim3A_80 {strides = array<i32>} : memref<320x64xf32, #tpu.memory_space<vmem>>, vector<16xf32>,
      %swap3A_300 = arith.index_cast %scan3A_263 : i32 to index
      %swap3A_301 = arith.constant 48 : index
      %swap3A_302 = tpu.vector_load %arg24[%swap3A_300, %swap3A_301] {strides = array<i32>} : memref<320x64xf32, #tpu.memory_space<vmem>>, vector<16xf32>,
      tpu.vector_store %arg24[%swap3A_300, %swap3A_301], %broadcast_in_dim3A_78 {strides = array<i32>} : memref<320x64xf32, #tpu.memory_space<vmem>>, vector<16xf32>,
      %swap3A_303 = arith.index_cast %scan3A_263 : i32 to index
      %swap3A_304 = arith.constant 48 : index
      %swap3A_305 = tpu.vector_load %arg25[%swap3A_303, %swap3A_304] {strides = array<i32>} : memref<320x64xf32, #tpu.memory_space<vmem>>, vector<16xf32>,
      tpu.vector_store %arg25[%swap3A_303, %swap3A_304], %broadcast_in_dim3A_78 {strides = array<i32>} : memref<320x64xf32, #tpu.memory_space<vmem>>, vector<16xf32>,
      %swap3A_306 = arith.index_cast %scan3A_263 : i32 to index
      %swap3A_307 = arith.constant 48 : index
      %swap3A_308 = tpu.vector_load %arg26[%swap3A_306, %swap3A_307] {strides = array<i32>} : memref<320x64xf32, #tpu.memory_space<vmem>>, vector<16xf32>,
      tpu.vector_store %arg26[%swap3A_306, %swap3A_307], %broadcast_in_dim3A_78 {strides = array<i32>} : memref<320x64xf32, #tpu.memory_space<vmem>>, vector<16xf32>,
      %swap3A_309 = arith.index_cast %scan3A_263 : i32 to index
      %swap3A_310 = arith.constant 48 : index
      %swap3A_311 = tpu.vector_load %arg27[%swap3A_309, %swap3A_310] {strides = array<i32>} : memref<320x64xf32, #tpu.memory_space<vmem>>, vector<16xf32>,
      tpu.vector_store %arg27[%swap3A_309, %swap3A_310], %broadcast_in_dim3A_80 {strides = array<i32>} : memref<320x64xf32, #tpu.memory_space<vmem>>, vector<16xf32>,
      %scan3A_312 = arith.constant 0 : i32
      scf.yield %scan3A_312 : i32
    }
    %scan3A_87 = arith.constant 320 : i32
    %add3A_88 = arith.constant 10240 : i32
    %add3A_89 = arith.addi %add3A_88, %mul3A_2 : i32
    %multiple_of3A_90 = tpu.assume_multiple %add3A_89, 320 : i32
    "tpu.region"() ({
      %run_scoped3A_263 = tpu.sem_alloc : memref<!tpu.dma_semaphore, #tpu.memory_space<semaphore_mem>>
      %dma_start3A = arith.constant 0 : i32
      %dma_start3A_264 = tpu.memref_slice %arg5[%multiple_of3A_90, %dma_start3A] : memref<40960x64xf32, #tpu.memory_space<hbm>> -> memref<320x64xf32, #tpu.memory_space<hbm>>
      %dma_start3A_265 = arith.constant 0 : i32
      %dma_start3A_266 = tpu.memref_slice %arg5[%multiple_of3A_90, %dma_start3A_265] : memref<40960x64xf32, #tpu.memory_space<hbm>> -> memref<320x64xf32, #tpu.memory_space<hbm>>
      tpu.enqueue_dma source(%dma_start3A_266 : memref<320x64xf32, #tpu.memory_space<hbm>>) target(%arg23 : memref<320x64xf32, #tpu.memory_space<vmem>>) target_semaphore(%run_scoped3A_263 : memref<!tpu.dma_semaphore, #tpu.memory_space<semaphore_mem>>)
      %dma_wait3A = arith.constant 0 : i32
      %dma_wait3A_267 = tpu.memref_slice %arg5[%multiple_of3A_90, %dma_wait3A] : memref<40960x64xf32, #tpu.memory_space<hbm>> -> memref<320x64xf32, #tpu.memory_space<hbm>>
      %dma_wait3A_268 = arith.constant 0 : i32
      %dma_wait3A_269 = tpu.memref_slice %arg5[%multiple_of3A_90, %dma_wait3A_268] : memref<40960x64xf32, #tpu.memory_space<hbm>> -> memref<320x64xf32, #tpu.memory_space<hbm>>
      tpu.wait_dma2 semaphore(%run_scoped3A_263 : memref<!tpu.dma_semaphore, #tpu.memory_space<semaphore_mem>>) src(%dma_wait3A_269 : memref<320x64xf32, #tpu.memory_space<hbm>>) dst(%arg23 : memref<320x64xf32, #tpu.memory_space<vmem>>)
      tpu.yield
    }) : () -> ()
    %add3A_91 = arith.constant 256 : i32
    %add3A_92 = arith.addi %add3A_17, %add3A_91 : i32
    %sub3A_93 = arith.constant 1 : i32
    %sub3A_94 = arith.subi %add3A_92, %sub3A_93 : i32
    %jit3A_95 = arith.constant 256 : i32
    %div3A_96 = arith.divsi %sub3A_94, %jit3A_95 : i32
    %sign3A_97 = arith.constant 0 : i32
    %sign3A_98 = arith.cmpi sgt, %sub3A_94, %sign3A_97 : i32
    %sign3A_99 = arith.extui %sign3A_98 : i1 to i32
    %sign3A_100 = arith.constant 0 : i32
    %sign3A_101 = arith.cmpi slt, %sub3A_94, %sign3A_100 : i32
    %sign3A_102 = arith.extui %sign3A_101 : i1 to i32
    %sign3A_103 = arith.subi %sign3A_99, %sign3A_102 : i32
    %sign3A_104 = arith.constant 0 : i32
    %sign3A_105 = arith.cmpi sgt, %jit3A_95, %sign3A_104 : i32
    %sign3A_106 = arith.extui %sign3A_105 : i1 to i32
    %sign3A_107 = arith.constant 0 : i32
    %sign3A_108 = arith.cmpi slt, %jit3A_95, %sign3A_107 : i32
    %sign3A_109 = arith.extui %sign3A_108 : i1 to i32
    %sign3A_110 = arith.subi %sign3A_106, %sign3A_109 : i32
    %ne3A_111 = arith.cmpi ne, %sign3A_103, %sign3A_110 : i32
    %rem3A_112 = arith.remsi %sub3A_94, %jit3A_95 : i32
    %ne3A_113 = arith.constant 0 : i32
    %ne3A_114 = arith.cmpi ne, %rem3A_112, %ne3A_113 : i32
    %and3A_115 = arith.andi %ne3A_111, %ne3A_114 : i1
    %sub3A_116 = arith.constant 1 : i32
    %sub3A_117 = arith.subi %div3A_96, %sub3A_116 : i32
    %select_n3A_118 = arith.select %and3A_115, %sub3A_117, %div3A_96 : i32
    %while3A_119 = arith.constant 0 : i32
    %while3A_120 = arith.constant 0 : i32
    %while3A_121 = arith.subi %select_n3A_118, %while3A_119 : i32
    %while3A_122 = arith.addi %while3A_119, %while3A_121 : i32
    %while3A_123 = arith.constant 1 : i32
    %while3A_124 = arith.divsi %while3A_121, %while3A_123 : i32
    %while3A_125 = arith.muli %while3A_124, %while3A_123 : i32
    %while3A_126 = arith.addi %while3A_119, %while3A_125 : i32
    %while3A_127 = arith.constant 1 : i32
    %while3A_128 = scf.for %while3A_263 = %while3A_119 to %while3A_126 step %while3A_127 iter_args(%while3A_264 = %while3A_120) -> (i32)  : i32 {
      %mul3A_265 = arith.constant 256 : i32
      %mul3A_266 = arith.muli %while3A_263, %mul3A_265 : i32
      %add3A_267 = arith.addi %mul3A_6, %mul3A_266 : i32
      %multiple_of3A_268 = tpu.assume_multiple %add3A_267, 256 : i32
      "tpu.region"() ({
        %run_scoped3A_323 = tpu.sem_alloc : memref<!tpu.dma_semaphore, #tpu.memory_space<semaphore_mem>>
        %dma_start3A_324 = tpu.memref_slice %arg11[%multiple_of3A_268] : memref<5193728xi32, #tpu.memory_space<hbm>> -> memref<256xi32, #tpu.memory_space<hbm>>
        %dma_start3A_325 = tpu.memref_slice %arg11[%multiple_of3A_268] : memref<5193728xi32, #tpu.memory_space<hbm>> -> memref<256xi32, #tpu.memory_space<hbm>>
        tpu.enqueue_dma source(%dma_start3A_325 : memref<256xi32, #tpu.memory_space<hbm>>) target(%arg19 : memref<256xi32, #tpu.memory_space<vmem>>) target_semaphore(%run_scoped3A_323 : memref<!tpu.dma_semaphore, #tpu.memory_space<semaphore_mem>>)
        %dma_wait3A_326 = tpu.memref_slice %arg11[%multiple_of3A_268] : memref<5193728xi32, #tpu.memory_space<hbm>> -> memref<256xi32, #tpu.memory_space<hbm>>
        %dma_wait3A_327 = tpu.memref_slice %arg11[%multiple_of3A_268] : memref<5193728xi32, #tpu.memory_space<hbm>> -> memref<256xi32, #tpu.memory_space<hbm>>
        tpu.wait_dma2 semaphore(%run_scoped3A_323 : memref<!tpu.dma_semaphore, #tpu.memory_space<semaphore_mem>>) src(%dma_wait3A_327 : memref<256xi32, #tpu.memory_space<hbm>>) dst(%arg19 : memref<256xi32, #tpu.memory_space<vmem>>)
        tpu.yield
      }) : () -> ()
      %add3A_269 = arith.addi %mul3A_6, %mul3A_266 : i32
      %multiple_of3A_270 = tpu.assume_multiple %add3A_269, 256 : i32
      "tpu.region"() ({
        %run_scoped3A_323 = tpu.sem_alloc : memref<!tpu.dma_semaphore, #tpu.memory_space<semaphore_mem>>
        %dma_start3A_324 = arith.constant 0 : i32
        %dma_start3A_325 = tpu.memref_slice %arg20[%dma_start3A_324] : memref<272xi32, #tpu.memory_space<vmem>> -> memref<256xi32, #tpu.memory_space<vmem>>
        %dma_start3A_326 = tpu.memref_slice %arg12[%multiple_of3A_270] : memref<5193728xi32, #tpu.memory_space<hbm>> -> memref<256xi32, #tpu.memory_space<hbm>>
        %dma_start3A_327 = arith.constant 0 : i32
        %dma_start3A_328 = tpu.memref_slice %arg20[%dma_start3A_327] : memref<272xi32, #tpu.memory_space<vmem>> -> memref<256xi32, #tpu.memory_space<vmem>>
        %dma_start3A_329 = tpu.memref_slice %arg12[%multiple_of3A_270] : memref<5193728xi32, #tpu.memory_space<hbm>> -> memref<256xi32, #tpu.memory_space<hbm>>
        tpu.enqueue_dma source(%dma_start3A_329 : memref<256xi32, #tpu.memory_space<hbm>>) target(%dma_start3A_328 : memref<256xi32, #tpu.memory_space<vmem>>) target_semaphore(%run_scoped3A_323 : memref<!tpu.dma_semaphore, #tpu.memory_space<semaphore_mem>>)
        %dma_wait3A_330 = arith.constant 0 : i32
        %dma_wait3A_331 = tpu.memref_slice %arg20[%dma_wait3A_330] : memref<272xi32, #tpu.memory_space<vmem>> -> memref<256xi32, #tpu.memory_space<vmem>>
        %dma_wait3A_332 = tpu.memref_slice %arg12[%multiple_of3A_270] : memref<5193728xi32, #tpu.memory_space<hbm>> -> memref<256xi32, #tpu.memory_space<hbm>>
        %dma_wait3A_333 = arith.constant 0 : i32
        %dma_wait3A_334 = tpu.memref_slice %arg20[%dma_wait3A_333] : memref<272xi32, #tpu.memory_space<vmem>> -> memref<256xi32, #tpu.memory_space<vmem>>
        %dma_wait3A_335 = tpu.memref_slice %arg12[%multiple_of3A_270] : memref<5193728xi32, #tpu.memory_space<hbm>> -> memref<256xi32, #tpu.memory_space<hbm>>
        tpu.wait_dma2 semaphore(%run_scoped3A_323 : memref<!tpu.dma_semaphore, #tpu.memory_space<semaphore_mem>>) src(%dma_wait3A_335 : memref<256xi32, #tpu.memory_space<hbm>>) dst(%dma_wait3A_334 : memref<256xi32, #tpu.memory_space<vmem>>)
        tpu.yield
      }) : () -> ()
      %scan3A_271 = arith.constant 0 : i32
      %scan3A_272 = arith.constant 0 : i32
      %scan3A_273 = arith.constant 16 : i32
      %scan3A_274 = arith.addi %scan3A_272, %scan3A_273 : i32
      %scan3A_275 = arith.constant 1 : i32
      %scan3A_276 = scf.for %scan3A_323 = %scan3A_272 to %scan3A_274 step %scan3A_275 iter_args(%scan3A_324 = %scan3A_271) -> (i32)  : i32 {
        %mul3A_325 = arith.constant 16 : i32
        %mul3A_326 = arith.muli %scan3A_323, %mul3A_325 : i32
        %get3A = arith.index_cast %mul3A_326 : i32 to index
        %get3A_327 = tpu.vector_load %arg19[%get3A] {strides = array<i32>} : memref<256xi32, #tpu.memory_space<vmem>>, vector<16xi32>,
        %jit3A_328 = arith.constant 0 : i32
        %jit3A_329 = arith.constant 10239 : i32
        %max3A = vector.broadcast %jit3A_328 : i32 to vector<16xi32>
        %max3A_330 = arith.maxsi %max3A, %get3A_327 : vector<16xi32>
        %min3A_331 = vector.broadcast %jit3A_329 : i32 to vector<16xi32>
        %min3A_332 = arith.minsi %min3A_331, %max3A_330 : vector<16xi32>
        %add3A_333 = arith.constant 10240 : i32
        %add3A_334 = vector.broadcast %add3A_333 : i32 to vector<16xi32>
        %add3A_335 = arith.addi %min3A_332, %add3A_334 : vector<16xi32>
        %mul3A_336 = arith.constant 16 : i32
        %mul3A_337 = arith.muli %scan3A_323, %mul3A_336 : i32
        %swap3A = arith.index_cast %mul3A_337 : i32 to index
        %swap3A_338 = tpu.vector_load %arg21[%swap3A] {strides = array<i32>} : memref<256xi32, #tpu.memory_space<vmem>>, vector<16xi32>,
        tpu.vector_store %arg21[%swap3A], %add3A_335 {strides = array<i32>} : memref<256xi32, #tpu.memory_space<vmem>>, vector<16xi32>,
        %scan3A_339 = arith.constant 0 : i32
        scf.yield %scan3A_339 : i32
      }
      %scan3A_277 = arith.constant 16 : i32
      %sub3A_278 = arith.subi %add3A_17, %mul3A_266 : i32
      %min3A = arith.constant 256 : i32
      %min3A_279 = arith.minsi %min3A, %sub3A_278 : i32
      %dma_start3A = arith.constant 0 : i32
      %dma_start3A_280 = arith.constant 0 : i32
      %dma_start3A_281 = tpu.memref_slice %arg22[%dma_start3A, %dma_start3A_280] : memref<256x64xf32, #tpu.memory_space<vmem>> -> memref<128x64xf32, #tpu.memory_space<vmem>>
      %dma_start3A_282 = arith.constant 0 : i32
      %dma_start3A_283 = tpu.memref_slice %arg21[%dma_start3A_282] : memref<256xi32, #tpu.memory_space<vmem>> -> memref<128xi32, #tpu.memory_space<vmem>>
      %dma_start3A_284 = arith.constant 0 : i32
      %dma_start3A_285 = arith.constant 0 : i32
      %dma_start3A_286 = tpu.memref_slice %arg4[%dma_start3A_284, %dma_start3A_285] : memref<40960x64xf32, #tpu.memory_space<hbm>> -> memref<40960x64xf32, #tpu.memory_space<hbm>>
      tpu.enqueue_indirect_dma source(%dma_start3A_286 : memref<40960x64xf32, #tpu.memory_space<hbm>>) target(%dma_start3A_281 : memref<128x64xf32, #tpu.memory_space<vmem>>) offsets(%dma_start3A_283 : memref<128xi32, #tpu.memory_space<vmem>>) semaphore(%arg29 : memref<!tpu.dma_semaphore, #tpu.memory_space<semaphore_mem>>)
      %dma_start3A_287 = arith.constant 128 : i32
      %dma_start3A_288 = arith.constant 0 : i32
      %dma_start3A_289 = tpu.memref_slice %arg22[%dma_start3A_287, %dma_start3A_288] : memref<256x64xf32, #tpu.memory_space<vmem>> -> memref<128x64xf32, #tpu.memory_space<vmem>>
      %dma_start3A_290 = arith.constant 128 : i32
      %dma_start3A_291 = tpu.memref_slice %arg21[%dma_start3A_290] : memref<256xi32, #tpu.memory_space<vmem>> -> memref<128xi32, #tpu.memory_space<vmem>>
      %dma_start3A_292 = arith.constant 0 : i32
      %dma_start3A_293 = arith.constant 0 : i32
      %dma_start3A_294 = tpu.memref_slice %arg4[%dma_start3A_292, %dma_start3A_293] : memref<40960x64xf32, #tpu.memory_space<hbm>> -> memref<40960x64xf32, #tpu.memory_space<hbm>>
      tpu.enqueue_indirect_dma source(%dma_start3A_294 : memref<40960x64xf32, #tpu.memory_space<hbm>>) target(%dma_start3A_289 : memref<128x64xf32, #tpu.memory_space<vmem>>) offsets(%dma_start3A_291 : memref<128xi32, #tpu.memory_space<vmem>>) semaphore(%arg29 : memref<!tpu.dma_semaphore, #tpu.memory_space<semaphore_mem>>)
      %dma_wait3A = arith.constant 0 : i32
      %dma_wait3A_295 = arith.constant 0 : i32
      %dma_wait3A_296 = tpu.memref_slice %arg22[%dma_wait3A, %dma_wait3A_295] : memref<256x64xf32, #tpu.memory_space<vmem>> -> memref<128x64xf32, #tpu.memory_space<vmem>>
      %dma_wait3A_297 = arith.constant 0 : i32
      %dma_wait3A_298 = tpu.memref_slice %arg21[%dma_wait3A_297] : memref<256xi32, #tpu.memory_space<vmem>> -> memref<128xi32, #tpu.memory_space<vmem>>
      %dma_wait3A_299 = arith.constant 0 : i32
      %dma_wait3A_300 = arith.constant 0 : i32
      %dma_wait3A_301 = tpu.memref_slice %arg4[%dma_wait3A_299, %dma_wait3A_300] : memref<40960x64xf32, #tpu.memory_space<hbm>> -> memref<40960x64xf32, #tpu.memory_space<hbm>>
      tpu.wait_indirect_dma semaphore(%arg29 : memref<!tpu.dma_semaphore, #tpu.memory_space<semaphore_mem>>) src(%dma_wait3A_301 : memref<40960x64xf32, #tpu.memory_space<hbm>>) dst(%dma_wait3A_296 : memref<128x64xf32, #tpu.memory_space<vmem>>)
      %dma_wait3A_302 = arith.constant 128 : i32
      %dma_wait3A_303 = arith.constant 0 : i32
      %dma_wait3A_304 = tpu.memref_slice %arg22[%dma_wait3A_302, %dma_wait3A_303] : memref<256x64xf32, #tpu.memory_space<vmem>> -> memref<128x64xf32, #tpu.memory_space<vmem>>
      %dma_wait3A_305 = arith.constant 128 : i32
      %dma_wait3A_306 = tpu.memref_slice %arg21[%dma_wait3A_305] : memref<256xi32, #tpu.memory_space<vmem>> -> memref<128xi32, #tpu.memory_space<vmem>>
      %dma_wait3A_307 = arith.constant 0 : i32
      %dma_wait3A_308 = arith.constant 0 : i32
      %dma_wait3A_309 = tpu.memref_slice %arg4[%dma_wait3A_307, %dma_wait3A_308] : memref<40960x64xf32, #tpu.memory_space<hbm>> -> memref<40960x64xf32, #tpu.memory_space<hbm>>
      tpu.wait_indirect_dma semaphore(%arg29 : memref<!tpu.dma_semaphore, #tpu.memory_space<semaphore_mem>>) src(%dma_wait3A_309 : memref<40960x64xf32, #tpu.memory_space<hbm>>) dst(%dma_wait3A_304 : memref<128x64xf32, #tpu.memory_space<vmem>>)
      %while3A_310 = arith.constant 0 : i32
      %while3A_311 = arith.constant 0 : i32
      %while3A_312 = arith.subi %min3A_279, %while3A_310 : i32
      %while3A_313 = arith.addi %while3A_310, %while3A_312 : i32
      %while3A_314 = arith.constant 1 : i32
      %while3A_315 = arith.divsi %while3A_312, %while3A_314 : i32
      %while3A_316 = arith.muli %while3A_315, %while3A_314 : i32
      %while3A_317 = arith.addi %while3A_310, %while3A_316 : i32
      %while3A_318 = arith.constant 1 : i32
      %while3A_319 = scf.for %while3A_323 = %while3A_310 to %while3A_317 step %while3A_318 iter_args(%while3A_324 = %while3A_311) -> (i32)  : i32 {
        %get3A = arith.index_cast %while3A_323 : i32 to index
        %get3A_325 = tpu.vector_load %arg20[%get3A] {strides = array<i32>} : memref<272xi32, #tpu.memory_space<vmem>>, vector<16xi32>,
        %slice3A = vector.extract_strided_slice %get3A_325 {offsets = [0], sizes = [1], strides = [1]} : vector<16xi32> to vector<1xi32>
        %squeeze3A = vector.extract %slice3A[0] : i32 from vector<1xi32>
        %get3A_326 = arith.index_cast %while3A_323 : i32 to index
        %get3A_327 = arith.constant 0 : index
        %get3A_328 = tpu.vector_load %arg22[%get3A_326, %get3A_327] {strides = array<i32>} : memref<256x64xf32, #tpu.memory_space<vmem>>, vector<16xf32>,
        %get3A_329 = arith.index_cast %squeeze3A : i32 to index
        %get3A_330 = arith.constant 0 : index
        %get3A_331 = tpu.vector_load %arg23[%get3A_329, %get3A_330] {strides = array<i32>} : memref<320x64xf32, #tpu.memory_space<vmem>>, vector<16xf32>,
        %add3A_332 = arith.addf %get3A_328, %get3A_331 : vector<16xf32>
        %max3A = arith.constant 0.000000e+00 : f32
        %max3A_333 = vector.broadcast %max3A : f32 to vector<16xf32>
        %max3A_334 = arith.maximumf %add3A_332, %max3A_333 : vector<16xf32>
        %swap3A = arith.index_cast %squeeze3A : i32 to index
        %swap3A_335 = arith.constant 0 : index
        %swap3A_336 = tpu.vector_load %arg24[%swap3A, %swap3A_335] {strides = array<i32>} : memref<320x64xf32, #tpu.memory_space<vmem>>, vector<16xf32>,
        tpu.vector_store %arg24[%swap3A, %swap3A_335], %max3A_334 {add = true, strides = array<i32>} : memref<320x64xf32, #tpu.memory_space<vmem>>, vector<16xf32>,
        %mul3A_337 = arith.mulf %max3A_334, %max3A_334 : vector<16xf32>
        %swap3A_338 = arith.index_cast %squeeze3A : i32 to index
        %swap3A_339 = arith.constant 0 : index
        %swap3A_340 = tpu.vector_load %arg25[%swap3A_338, %swap3A_339] {strides = array<i32>} : memref<320x64xf32, #tpu.memory_space<vmem>>, vector<16xf32>,
        tpu.vector_store %arg25[%swap3A_338, %swap3A_339], %mul3A_337 {add = true, strides = array<i32>} : memref<320x64xf32, #tpu.memory_space<vmem>>, vector<16xf32>,
        %get3A_341 = arith.index_cast %squeeze3A : i32 to index
        %get3A_342 = arith.constant 0 : index
        %get3A_343 = tpu.vector_load %arg26[%get3A_341, %get3A_342] {strides = array<i32>} : memref<320x64xf32, #tpu.memory_space<vmem>>, vector<16xf32>,
        %max3A_344 = arith.maximumf %get3A_343, %max3A_334 : vector<16xf32>
        %swap3A_345 = arith.index_cast %squeeze3A : i32 to index
        %swap3A_346 = arith.constant 0 : index
        %swap3A_347 = tpu.vector_load %arg26[%swap3A_345, %swap3A_346] {strides = array<i32>} : memref<320x64xf32, #tpu.memory_space<vmem>>, vector<16xf32>,
        tpu.vector_store %arg26[%swap3A_345, %swap3A_346], %max3A_344 {strides = array<i32>} : memref<320x64xf32, #tpu.memory_space<vmem>>, vector<16xf32>,
        %get3A_348 = arith.index_cast %squeeze3A : i32 to index
        %get3A_349 = arith.constant 0 : index
        %get3A_350 = tpu.vector_load %arg27[%get3A_348, %get3A_349] {strides = array<i32>} : memref<320x64xf32, #tpu.memory_space<vmem>>, vector<16xf32>,
        %min3A_351 = arith.minimumf %get3A_350, %max3A_334 : vector<16xf32>
        %swap3A_352 = arith.index_cast %squeeze3A : i32 to index
        %swap3A_353 = arith.constant 0 : index
        %swap3A_354 = tpu.vector_load %arg27[%swap3A_352, %swap3A_353] {strides = array<i32>} : memref<320x64xf32, #tpu.memory_space<vmem>>, vector<16xf32>,
        tpu.vector_store %arg27[%swap3A_352, %swap3A_353], %min3A_351 {strides = array<i32>} : memref<320x64xf32, #tpu.memory_space<vmem>>, vector<16xf32>,
        %get3A_355 = arith.index_cast %while3A_323 : i32 to index
        %get3A_356 = arith.constant 16 : index
        %get3A_357 = tpu.vector_load %arg22[%get3A_355, %get3A_356] {strides = array<i32>} : memref<256x64xf32, #tpu.memory_space<vmem>>, vector<16xf32>,
        %get3A_358 = arith.index_cast %squeeze3A : i32 to index
        %get3A_359 = arith.constant 16 : index
        %get3A_360 = tpu.vector_load %arg23[%get3A_358, %get3A_359] {strides = array<i32>} : memref<320x64xf32, #tpu.memory_space<vmem>>, vector<16xf32>,
        %add3A_361 = arith.addf %get3A_357, %get3A_360 : vector<16xf32>
        %max3A_362 = arith.constant 0.000000e+00 : f32
        %max3A_363 = vector.broadcast %max3A_362 : f32 to vector<16xf32>
        %max3A_364 = arith.maximumf %add3A_361, %max3A_363 : vector<16xf32>
        %swap3A_365 = arith.index_cast %squeeze3A : i32 to index
        %swap3A_366 = arith.constant 16 : index
        %swap3A_367 = tpu.vector_load %arg24[%swap3A_365, %swap3A_366] {strides = array<i32>} : memref<320x64xf32, #tpu.memory_space<vmem>>, vector<16xf32>,
        tpu.vector_store %arg24[%swap3A_365, %swap3A_366], %max3A_364 {add = true, strides = array<i32>} : memref<320x64xf32, #tpu.memory_space<vmem>>, vector<16xf32>,
        %mul3A_368 = arith.mulf %max3A_364, %max3A_364 : vector<16xf32>
        %swap3A_369 = arith.index_cast %squeeze3A : i32 to index
        %swap3A_370 = arith.constant 16 : index
        %swap3A_371 = tpu.vector_load %arg25[%swap3A_369, %swap3A_370] {strides = array<i32>} : memref<320x64xf32, #tpu.memory_space<vmem>>, vector<16xf32>,
        tpu.vector_store %arg25[%swap3A_369, %swap3A_370], %mul3A_368 {add = true, strides = array<i32>} : memref<320x64xf32, #tpu.memory_space<vmem>>, vector<16xf32>,
        %get3A_372 = arith.index_cast %squeeze3A : i32 to index
        %get3A_373 = arith.constant 16 : index
        %get3A_374 = tpu.vector_load %arg26[%get3A_372, %get3A_373] {strides = array<i32>} : memref<320x64xf32, #tpu.memory_space<vmem>>, vector<16xf32>,
        %max3A_375 = arith.maximumf %get3A_374, %max3A_364 : vector<16xf32>
        %swap3A_376 = arith.index_cast %squeeze3A : i32 to index
        %swap3A_377 = arith.constant 16 : index
        %swap3A_378 = tpu.vector_load %arg26[%swap3A_376, %swap3A_377] {strides = array<i32>} : memref<320x64xf32, #tpu.memory_space<vmem>>, vector<16xf32>,
        tpu.vector_store %arg26[%swap3A_376, %swap3A_377], %max3A_375 {strides = array<i32>} : memref<320x64xf32, #tpu.memory_space<vmem>>, vector<16xf32>,
        %get3A_379 = arith.index_cast %squeeze3A : i32 to index
        %get3A_380 = arith.constant 16 : index
        %get3A_381 = tpu.vector_load %arg27[%get3A_379, %get3A_380] {strides = array<i32>} : memref<320x64xf32, #tpu.memory_space<vmem>>, vector<16xf32>,
        %min3A_382 = arith.minimumf %get3A_381, %max3A_364 : vector<16xf32>
        %swap3A_383 = arith.index_cast %squeeze3A : i32 to index
        %swap3A_384 = arith.constant 16 : index
        %swap3A_385 = tpu.vector_load %arg27[%swap3A_383, %swap3A_384] {strides = array<i32>} : memref<320x64xf32, #tpu.memory_space<vmem>>, vector<16xf32>,
        tpu.vector_store %arg27[%swap3A_383, %swap3A_384], %min3A_382 {strides = array<i32>} : memref<320x64xf32, #tpu.memory_space<vmem>>, vector<16xf32>,
        %get3A_386 = arith.index_cast %while3A_323 : i32 to index
        %get3A_387 = arith.constant 32 : index
        %get3A_388 = tpu.vector_load %arg22[%get3A_386, %get3A_387] {strides = array<i32>} : memref<256x64xf32, #tpu.memory_space<vmem>>, vector<16xf32>,
        %get3A_389 = arith.index_cast %squeeze3A : i32 to index
        %get3A_390 = arith.constant 32 : index
        %get3A_391 = tpu.vector_load %arg23[%get3A_389, %get3A_390] {strides = array<i32>} : memref<320x64xf32, #tpu.memory_space<vmem>>, vector<16xf32>,
        %add3A_392 = arith.addf %get3A_388, %get3A_391 : vector<16xf32>
        %max3A_393 = arith.constant 0.000000e+00 : f32
        %max3A_394 = vector.broadcast %max3A_393 : f32 to vector<16xf32>
        %max3A_395 = arith.maximumf %add3A_392, %max3A_394 : vector<16xf32>
        %swap3A_396 = arith.index_cast %squeeze3A : i32 to index
        %swap3A_397 = arith.constant 32 : index
        %swap3A_398 = tpu.vector_load %arg24[%swap3A_396, %swap3A_397] {strides = array<i32>} : memref<320x64xf32, #tpu.memory_space<vmem>>, vector<16xf32>,
        tpu.vector_store %arg24[%swap3A_396, %swap3A_397], %max3A_395 {add = true, strides = array<i32>} : memref<320x64xf32, #tpu.memory_space<vmem>>, vector<16xf32>,
        %mul3A_399 = arith.mulf %max3A_395, %max3A_395 : vector<16xf32>
        %swap3A_400 = arith.index_cast %squeeze3A : i32 to index
        %swap3A_401 = arith.constant 32 : index
        %swap3A_402 = tpu.vector_load %arg25[%swap3A_400, %swap3A_401] {strides = array<i32>} : memref<320x64xf32, #tpu.memory_space<vmem>>, vector<16xf32>,
        tpu.vector_store %arg25[%swap3A_400, %swap3A_401], %mul3A_399 {add = true, strides = array<i32>} : memref<320x64xf32, #tpu.memory_space<vmem>>, vector<16xf32>,
        %get3A_403 = arith.index_cast %squeeze3A : i32 to index
        %get3A_404 = arith.constant 32 : index
        %get3A_405 = tpu.vector_load %arg26[%get3A_403, %get3A_404] {strides = array<i32>} : memref<320x64xf32, #tpu.memory_space<vmem>>, vector<16xf32>,
        %max3A_406 = arith.maximumf %get3A_405, %max3A_395 : vector<16xf32>
        %swap3A_407 = arith.index_cast %squeeze3A : i32 to index
        %swap3A_408 = arith.constant 32 : index
        %swap3A_409 = tpu.vector_load %arg26[%swap3A_407, %swap3A_408] {strides = array<i32>} : memref<320x64xf32, #tpu.memory_space<vmem>>, vector<16xf32>,
        tpu.vector_store %arg26[%swap3A_407, %swap3A_408], %max3A_406 {strides = array<i32>} : memref<320x64xf32, #tpu.memory_space<vmem>>, vector<16xf32>,
        %get3A_410 = arith.index_cast %squeeze3A : i32 to index
        %get3A_411 = arith.constant 32 : index
        %get3A_412 = tpu.vector_load %arg27[%get3A_410, %get3A_411] {strides = array<i32>} : memref<320x64xf32, #tpu.memory_space<vmem>>, vector<16xf32>,
        %min3A_413 = arith.minimumf %get3A_412, %max3A_395 : vector<16xf32>
        %swap3A_414 = arith.index_cast %squeeze3A : i32 to index
        %swap3A_415 = arith.constant 32 : index
        %swap3A_416 = tpu.vector_load %arg27[%swap3A_414, %swap3A_415] {strides = array<i32>} : memref<320x64xf32, #tpu.memory_space<vmem>>, vector<16xf32>,
        tpu.vector_store %arg27[%swap3A_414, %swap3A_415], %min3A_413 {strides = array<i32>} : memref<320x64xf32, #tpu.memory_space<vmem>>, vector<16xf32>,
        %get3A_417 = arith.index_cast %while3A_323 : i32 to index
        %get3A_418 = arith.constant 48 : index
        %get3A_419 = tpu.vector_load %arg22[%get3A_417, %get3A_418] {strides = array<i32>} : memref<256x64xf32, #tpu.memory_space<vmem>>, vector<16xf32>,
        %get3A_420 = arith.index_cast %squeeze3A : i32 to index
        %get3A_421 = arith.constant 48 : index
        %get3A_422 = tpu.vector_load %arg23[%get3A_420, %get3A_421] {strides = array<i32>} : memref<320x64xf32, #tpu.memory_space<vmem>>, vector<16xf32>,
        %add3A_423 = arith.addf %get3A_419, %get3A_422 : vector<16xf32>
        %max3A_424 = arith.constant 0.000000e+00 : f32
        %max3A_425 = vector.broadcast %max3A_424 : f32 to vector<16xf32>
        %max3A_426 = arith.maximumf %add3A_423, %max3A_425 : vector<16xf32>
        %swap3A_427 = arith.index_cast %squeeze3A : i32 to index
        %swap3A_428 = arith.constant 48 : index
        %swap3A_429 = tpu.vector_load %arg24[%swap3A_427, %swap3A_428] {strides = array<i32>} : memref<320x64xf32, #tpu.memory_space<vmem>>, vector<16xf32>,
        tpu.vector_store %arg24[%swap3A_427, %swap3A_428], %max3A_426 {add = true, strides = array<i32>} : memref<320x64xf32, #tpu.memory_space<vmem>>, vector<16xf32>,
        %mul3A_430 = arith.mulf %max3A_426, %max3A_426 : vector<16xf32>
        %swap3A_431 = arith.index_cast %squeeze3A : i32 to index
        %swap3A_432 = arith.constant 48 : index
        %swap3A_433 = tpu.vector_load %arg25[%swap3A_431, %swap3A_432] {strides = array<i32>} : memref<320x64xf32, #tpu.memory_space<vmem>>, vector<16xf32>,
        tpu.vector_store %arg25[%swap3A_431, %swap3A_432], %mul3A_430 {add = true, strides = array<i32>} : memref<320x64xf32, #tpu.memory_space<vmem>>, vector<16xf32>,
        %get3A_434 = arith.index_cast %squeeze3A : i32 to index
        %get3A_435 = arith.constant 48 : index
        %get3A_436 = tpu.vector_load %arg26[%get3A_434, %get3A_435] {strides = array<i32>} : memref<320x64xf32, #tpu.memory_space<vmem>>, vector<16xf32>,
        %max3A_437 = arith.maximumf %get3A_436, %max3A_426 : vector<16xf32>
        %swap3A_438 = arith.index_cast %squeeze3A : i32 to index
        %swap3A_439 = arith.constant 48 : index
        %swap3A_440 = tpu.vector_load %arg26[%swap3A_438, %swap3A_439] {strides = array<i32>} : memref<320x64xf32, #tpu.memory_space<vmem>>, vector<16xf32>,
        tpu.vector_store %arg26[%swap3A_438, %swap3A_439], %max3A_437 {strides = array<i32>} : memref<320x64xf32, #tpu.memory_space<vmem>>, vector<16xf32>,
        %get3A_441 = arith.index_cast %squeeze3A : i32 to index
        %get3A_442 = arith.constant 48 : index
        %get3A_443 = tpu.vector_load %arg27[%get3A_441, %get3A_442] {strides = array<i32>} : memref<320x64xf32, #tpu.memory_space<vmem>>, vector<16xf32>,
        %min3A_444 = arith.minimumf %get3A_443, %max3A_426 : vector<16xf32>
        %swap3A_445 = arith.index_cast %squeeze3A : i32 to index
        %swap3A_446 = arith.constant 48 : index
        %swap3A_447 = tpu.vector_load %arg27[%swap3A_445, %swap3A_446] {strides = array<i32>} : memref<320x64xf32, #tpu.memory_space<vmem>>, vector<16xf32>,
        tpu.vector_store %arg27[%swap3A_445, %swap3A_446], %min3A_444 {strides = array<i32>} : memref<320x64xf32, #tpu.memory_space<vmem>>, vector<16xf32>,
        %while3A_448 = arith.constant 0 : i32
        scf.yield %while3A_448 : i32
      }
      %while3A_320 = arith.constant 1 : i32
      %while3A_321 = scf.for %while3A_323 = %while3A_317 to %while3A_313 step %while3A_320 iter_args(%while3A_324 = %while3A_319) -> (i32)  : i32 {
        %get3A = arith.index_cast %while3A_323 : i32 to index
        %get3A_325 = tpu.vector_load %arg20[%get3A] {strides = array<i32>} : memref<272xi32, #tpu.memory_space<vmem>>, vector<16xi32>,
        %slice3A = vector.extract_strided_slice %get3A_325 {offsets = [0], sizes = [1], strides = [1]} : vector<16xi32> to vector<1xi32>
        %squeeze3A = vector.extract %slice3A[0] : i32 from vector<1xi32>
        %get3A_326 = arith.index_cast %while3A_323 : i32 to index
        %get3A_327 = arith.constant 0 : index
        %get3A_328 = tpu.vector_load %arg22[%get3A_326, %get3A_327] {strides = array<i32>} : memref<256x64xf32, #tpu.memory_space<vmem>>, vector<16xf32>,
        %get3A_329 = arith.index_cast %squeeze3A : i32 to index
        %get3A_330 = arith.constant 0 : index
        %get3A_331 = tpu.vector_load %arg23[%get3A_329, %get3A_330] {strides = array<i32>} : memref<320x64xf32, #tpu.memory_space<vmem>>, vector<16xf32>,
        %add3A_332 = arith.addf %get3A_328, %get3A_331 : vector<16xf32>
        %max3A = arith.constant 0.000000e+00 : f32
        %max3A_333 = vector.broadcast %max3A : f32 to vector<16xf32>
        %max3A_334 = arith.maximumf %add3A_332, %max3A_333 : vector<16xf32>
        %swap3A = arith.index_cast %squeeze3A : i32 to index
        %swap3A_335 = arith.constant 0 : index
        %swap3A_336 = tpu.vector_load %arg24[%swap3A, %swap3A_335] {strides = array<i32>} : memref<320x64xf32, #tpu.memory_space<vmem>>, vector<16xf32>,
        tpu.vector_store %arg24[%swap3A, %swap3A_335], %max3A_334 {add = true, strides = array<i32>} : memref<320x64xf32, #tpu.memory_space<vmem>>, vector<16xf32>,
        %mul3A_337 = arith.mulf %max3A_334, %max3A_334 : vector<16xf32>
        %swap3A_338 = arith.index_cast %squeeze3A : i32 to index
        %swap3A_339 = arith.constant 0 : index
        %swap3A_340 = tpu.vector_load %arg25[%swap3A_338, %swap3A_339] {strides = array<i32>} : memref<320x64xf32, #tpu.memory_space<vmem>>, vector<16xf32>,
        tpu.vector_store %arg25[%swap3A_338, %swap3A_339], %mul3A_337 {add = true, strides = array<i32>} : memref<320x64xf32, #tpu.memory_space<vmem>>, vector<16xf32>,
        %get3A_341 = arith.index_cast %squeeze3A : i32 to index
        %get3A_342 = arith.constant 0 : index
        %get3A_343 = tpu.vector_load %arg26[%get3A_341, %get3A_342] {strides = array<i32>} : memref<320x64xf32, #tpu.memory_space<vmem>>, vector<16xf32>,
        %max3A_344 = arith.maximumf %get3A_343, %max3A_334 : vector<16xf32>
        %swap3A_345 = arith.index_cast %squeeze3A : i32 to index
        %swap3A_346 = arith.constant 0 : index
        %swap3A_347 = tpu.vector_load %arg26[%swap3A_345, %swap3A_346] {strides = array<i32>} : memref<320x64xf32, #tpu.memory_space<vmem>>, vector<16xf32>,
        tpu.vector_store %arg26[%swap3A_345, %swap3A_346], %max3A_344 {strides = array<i32>} : memref<320x64xf32, #tpu.memory_space<vmem>>, vector<16xf32>,
        %get3A_348 = arith.index_cast %squeeze3A : i32 to index
        %get3A_349 = arith.constant 0 : index
        %get3A_350 = tpu.vector_load %arg27[%get3A_348, %get3A_349] {strides = array<i32>} : memref<320x64xf32, #tpu.memory_space<vmem>>, vector<16xf32>,
        %min3A_351 = arith.minimumf %get3A_350, %max3A_334 : vector<16xf32>
        %swap3A_352 = arith.index_cast %squeeze3A : i32 to index
        %swap3A_353 = arith.constant 0 : index
        %swap3A_354 = tpu.vector_load %arg27[%swap3A_352, %swap3A_353] {strides = array<i32>} : memref<320x64xf32, #tpu.memory_space<vmem>>, vector<16xf32>,
        tpu.vector_store %arg27[%swap3A_352, %swap3A_353], %min3A_351 {strides = array<i32>} : memref<320x64xf32, #tpu.memory_space<vmem>>, vector<16xf32>,
        %get3A_355 = arith.index_cast %while3A_323 : i32 to index
        %get3A_356 = arith.constant 16 : index
        %get3A_357 = tpu.vector_load %arg22[%get3A_355, %get3A_356] {strides = array<i32>} : memref<256x64xf32, #tpu.memory_space<vmem>>, vector<16xf32>,
        %get3A_358 = arith.index_cast %squeeze3A : i32 to index
        %get3A_359 = arith.constant 16 : index
        %get3A_360 = tpu.vector_load %arg23[%get3A_358, %get3A_359] {strides = array<i32>} : memref<320x64xf32, #tpu.memory_space<vmem>>, vector<16xf32>,
        %add3A_361 = arith.addf %get3A_357, %get3A_360 : vector<16xf32>
        %max3A_362 = arith.constant 0.000000e+00 : f32
        %max3A_363 = vector.broadcast %max3A_362 : f32 to vector<16xf32>
        %max3A_364 = arith.maximumf %add3A_361, %max3A_363 : vector<16xf32>
        %swap3A_365 = arith.index_cast %squeeze3A : i32 to index
        %swap3A_366 = arith.constant 16 : index
        %swap3A_367 = tpu.vector_load %arg24[%swap3A_365, %swap3A_366] {strides = array<i32>} : memref<320x64xf32, #tpu.memory_space<vmem>>, vector<16xf32>,
        tpu.vector_store %arg24[%swap3A_365, %swap3A_366], %max3A_364 {add = true, strides = array<i32>} : memref<320x64xf32, #tpu.memory_space<vmem>>, vector<16xf32>,
        %mul3A_368 = arith.mulf %max3A_364, %max3A_364 : vector<16xf32>
        %swap3A_369 = arith.index_cast %squeeze3A : i32 to index
        %swap3A_370 = arith.constant 16 : index
        %swap3A_371 = tpu.vector_load %arg25[%swap3A_369, %swap3A_370] {strides = array<i32>} : memref<320x64xf32, #tpu.memory_space<vmem>>, vector<16xf32>,
        tpu.vector_store %arg25[%swap3A_369, %swap3A_370], %mul3A_368 {add = true, strides = array<i32>} : memref<320x64xf32, #tpu.memory_space<vmem>>, vector<16xf32>,
        %get3A_372 = arith.index_cast %squeeze3A : i32 to index
        %get3A_373 = arith.constant 16 : index
        %get3A_374 = tpu.vector_load %arg26[%get3A_372, %get3A_373] {strides = array<i32>} : memref<320x64xf32, #tpu.memory_space<vmem>>, vector<16xf32>,
        %max3A_375 = arith.maximumf %get3A_374, %max3A_364 : vector<16xf32>
        %swap3A_376 = arith.index_cast %squeeze3A : i32 to index
        %swap3A_377 = arith.constant 16 : index
        %swap3A_378 = tpu.vector_load %arg26[%swap3A_376, %swap3A_377] {strides = array<i32>} : memref<320x64xf32, #tpu.memory_space<vmem>>, vector<16xf32>,
        tpu.vector_store %arg26[%swap3A_376, %swap3A_377], %max3A_375 {strides = array<i32>} : memref<320x64xf32, #tpu.memory_space<vmem>>, vector<16xf32>,
        %get3A_379 = arith.index_cast %squeeze3A : i32 to index
        %get3A_380 = arith.constant 16 : index
        %get3A_381 = tpu.vector_load %arg27[%get3A_379, %get3A_380] {strides = array<i32>} : memref<320x64xf32, #tpu.memory_space<vmem>>, vector<16xf32>,
        %min3A_382 = arith.minimumf %get3A_381, %max3A_364 : vector<16xf32>
        %swap3A_383 = arith.index_cast %squeeze3A : i32 to index
        %swap3A_384 = arith.constant 16 : index
        %swap3A_385 = tpu.vector_load %arg27[%swap3A_383, %swap3A_384] {strides = array<i32>} : memref<320x64xf32, #tpu.memory_space<vmem>>, vector<16xf32>,
        tpu.vector_store %arg27[%swap3A_383, %swap3A_384], %min3A_382 {strides = array<i32>} : memref<320x64xf32, #tpu.memory_space<vmem>>, vector<16xf32>,
        %get3A_386 = arith.index_cast %while3A_323 : i32 to index
        %get3A_387 = arith.constant 32 : index
        %get3A_388 = tpu.vector_load %arg22[%get3A_386, %get3A_387] {strides = array<i32>} : memref<256x64xf32, #tpu.memory_space<vmem>>, vector<16xf32>,
        %get3A_389 = arith.index_cast %squeeze3A : i32 to index
        %get3A_390 = arith.constant 32 : index
        %get3A_391 = tpu.vector_load %arg23[%get3A_389, %get3A_390] {strides = array<i32>} : memref<320x64xf32, #tpu.memory_space<vmem>>, vector<16xf32>,
        %add3A_392 = arith.addf %get3A_388, %get3A_391 : vector<16xf32>
        %max3A_393 = arith.constant 0.000000e+00 : f32
        %max3A_394 = vector.broadcast %max3A_393 : f32 to vector<16xf32>
        %max3A_395 = arith.maximumf %add3A_392, %max3A_394 : vector<16xf32>
        %swap3A_396 = arith.index_cast %squeeze3A : i32 to index
        %swap3A_397 = arith.constant 32 : index
        %swap3A_398 = tpu.vector_load %arg24[%swap3A_396, %swap3A_397] {strides = array<i32>} : memref<320x64xf32, #tpu.memory_space<vmem>>, vector<16xf32>,
        tpu.vector_store %arg24[%swap3A_396, %swap3A_397], %max3A_395 {add = true, strides = array<i32>} : memref<320x64xf32, #tpu.memory_space<vmem>>, vector<16xf32>,
        %mul3A_399 = arith.mulf %max3A_395, %max3A_395 : vector<16xf32>
        %swap3A_400 = arith.index_cast %squeeze3A : i32 to index
        %swap3A_401 = arith.constant 32 : index
        %swap3A_402 = tpu.vector_load %arg25[%swap3A_400, %swap3A_401] {strides = array<i32>} : memref<320x64xf32, #tpu.memory_space<vmem>>, vector<16xf32>,
        tpu.vector_store %arg25[%swap3A_400, %swap3A_401], %mul3A_399 {add = true, strides = array<i32>} : memref<320x64xf32, #tpu.memory_space<vmem>>, vector<16xf32>,
        %get3A_403 = arith.index_cast %squeeze3A : i32 to index
        %get3A_404 = arith.constant 32 : index
        %get3A_405 = tpu.vector_load %arg26[%get3A_403, %get3A_404] {strides = array<i32>} : memref<320x64xf32, #tpu.memory_space<vmem>>, vector<16xf32>,
        %max3A_406 = arith.maximumf %get3A_405, %max3A_395 : vector<16xf32>
        %swap3A_407 = arith.index_cast %squeeze3A : i32 to index
        %swap3A_408 = arith.constant 32 : index
        %swap3A_409 = tpu.vector_load %arg26[%swap3A_407, %swap3A_408] {strides = array<i32>} : memref<320x64xf32, #tpu.memory_space<vmem>>, vector<16xf32>,
        tpu.vector_store %arg26[%swap3A_407, %swap3A_408], %max3A_406 {strides = array<i32>} : memref<320x64xf32, #tpu.memory_space<vmem>>, vector<16xf32>,
        %get3A_410 = arith.index_cast %squeeze3A : i32 to index
        %get3A_411 = arith.constant 32 : index
        %get3A_412 = tpu.vector_load %arg27[%get3A_410, %get3A_411] {strides = array<i32>} : memref<320x64xf32, #tpu.memory_space<vmem>>, vector<16xf32>,
        %min3A_413 = arith.minimumf %get3A_412, %max3A_395 : vector<16xf32>
        %swap3A_414 = arith.index_cast %squeeze3A : i32 to index
        %swap3A_415 = arith.constant 32 : index
        %swap3A_416 = tpu.vector_load %arg27[%swap3A_414, %swap3A_415] {strides = array<i32>} : memref<320x64xf32, #tpu.memory_space<vmem>>, vector<16xf32>,
        tpu.vector_store %arg27[%swap3A_414, %swap3A_415], %min3A_413 {strides = array<i32>} : memref<320x64xf32, #tpu.memory_space<vmem>>, vector<16xf32>,
        %get3A_417 = arith.index_cast %while3A_323 : i32 to index
        %get3A_418 = arith.constant 48 : index
        %get3A_419 = tpu.vector_load %arg22[%get3A_417, %get3A_418] {strides = array<i32>} : memref<256x64xf32, #tpu.memory_space<vmem>>, vector<16xf32>,
        %get3A_420 = arith.index_cast %squeeze3A : i32 to index
        %get3A_421 = arith.constant 48 : index
        %get3A_422 = tpu.vector_load %arg23[%get3A_420, %get3A_421] {strides = array<i32>} : memref<320x64xf32, #tpu.memory_space<vmem>>, vector<16xf32>,
        %add3A_423 = arith.addf %get3A_419, %get3A_422 : vector<16xf32>
        %max3A_424 = arith.constant 0.000000e+00 : f32
        %max3A_425 = vector.broadcast %max3A_424 : f32 to vector<16xf32>
        %max3A_426 = arith.maximumf %add3A_423, %max3A_425 : vector<16xf32>
        %swap3A_427 = arith.index_cast %squeeze3A : i32 to index
        %swap3A_428 = arith.constant 48 : index
        %swap3A_429 = tpu.vector_load %arg24[%swap3A_427, %swap3A_428] {strides = array<i32>} : memref<320x64xf32, #tpu.memory_space<vmem>>, vector<16xf32>,
        tpu.vector_store %arg24[%swap3A_427, %swap3A_428], %max3A_426 {add = true, strides = array<i32>} : memref<320x64xf32, #tpu.memory_space<vmem>>, vector<16xf32>,
        %mul3A_430 = arith.mulf %max3A_426, %max3A_426 : vector<16xf32>
        %swap3A_431 = arith.index_cast %squeeze3A : i32 to index
        %swap3A_432 = arith.constant 48 : index
        %swap3A_433 = tpu.vector_load %arg25[%swap3A_431, %swap3A_432] {strides = array<i32>} : memref<320x64xf32, #tpu.memory_space<vmem>>, vector<16xf32>,
        tpu.vector_store %arg25[%swap3A_431, %swap3A_432], %mul3A_430 {add = true, strides = array<i32>} : memref<320x64xf32, #tpu.memory_space<vmem>>, vector<16xf32>,
        %get3A_434 = arith.index_cast %squeeze3A : i32 to index
        %get3A_435 = arith.constant 48 : index
        %get3A_436 = tpu.vector_load %arg26[%get3A_434, %get3A_435] {strides = array<i32>} : memref<320x64xf32, #tpu.memory_space<vmem>>, vector<16xf32>,
        %max3A_437 = arith.maximumf %get3A_436, %max3A_426 : vector<16xf32>
        %swap3A_438 = arith.index_cast %squeeze3A : i32 to index
        %swap3A_439 = arith.constant 48 : index
        %swap3A_440 = tpu.vector_load %arg26[%swap3A_438, %swap3A_439] {strides = array<i32>} : memref<320x64xf32, #tpu.memory_space<vmem>>, vector<16xf32>,
        tpu.vector_store %arg26[%swap3A_438, %swap3A_439], %max3A_437 {strides = array<i32>} : memref<320x64xf32, #tpu.memory_space<vmem>>, vector<16xf32>,
        %get3A_441 = arith.index_cast %squeeze3A : i32 to index
        %get3A_442 = arith.constant 48 : index
        %get3A_443 = tpu.vector_load %arg27[%get3A_441, %get3A_442] {strides = array<i32>} : memref<320x64xf32, #tpu.memory_space<vmem>>, vector<16xf32>,
        %min3A_444 = arith.minimumf %get3A_443, %max3A_426 : vector<16xf32>
        %swap3A_445 = arith.index_cast %squeeze3A : i32 to index
        %swap3A_446 = arith.constant 48 : index
        %swap3A_447 = tpu.vector_load %arg27[%swap3A_445, %swap3A_446] {strides = array<i32>} : memref<320x64xf32, #tpu.memory_space<vmem>>, vector<16xf32>,
        tpu.vector_store %arg27[%swap3A_445, %swap3A_446], %min3A_444 {strides = array<i32>} : memref<320x64xf32, #tpu.memory_space<vmem>>, vector<16xf32>,
        %while3A_448 = arith.constant 0 : i32
        scf.yield %while3A_448 : i32
      }
      %while3A_322 = arith.constant 0 : i32
      scf.yield %while3A_322 : i32
    }
    %while3A_129 = arith.constant 1 : i32
    %while3A_130 = scf.for %while3A_263 = %while3A_126 to %while3A_122 step %while3A_129 iter_args(%while3A_264 = %while3A_128) -> (i32)  : i32 {
      %mul3A_265 = arith.constant 256 : i32
      %mul3A_266 = arith.muli %while3A_263, %mul3A_265 : i32
      %add3A_267 = arith.addi %mul3A_6, %mul3A_266 : i32
      %multiple_of3A_268 = tpu.assume_multiple %add3A_267, 256 : i32
      "tpu.region"() ({
        %run_scoped3A_323 = tpu.sem_alloc : memref<!tpu.dma_semaphore, #tpu.memory_space<semaphore_mem>>
        %dma_start3A_324 = tpu.memref_slice %arg11[%multiple_of3A_268] : memref<5193728xi32, #tpu.memory_space<hbm>> -> memref<256xi32, #tpu.memory_space<hbm>>
        %dma_start3A_325 = tpu.memref_slice %arg11[%multiple_of3A_268] : memref<5193728xi32, #tpu.memory_space<hbm>> -> memref<256xi32, #tpu.memory_space<hbm>>
        tpu.enqueue_dma source(%dma_start3A_325 : memref<256xi32, #tpu.memory_space<hbm>>) target(%arg19 : memref<256xi32, #tpu.memory_space<vmem>>) target_semaphore(%run_scoped3A_323 : memref<!tpu.dma_semaphore, #tpu.memory_space<semaphore_mem>>)
        %dma_wait3A_326 = tpu.memref_slice %arg11[%multiple_of3A_268] : memref<5193728xi32, #tpu.memory_space<hbm>> -> memref<256xi32, #tpu.memory_space<hbm>>
        %dma_wait3A_327 = tpu.memref_slice %arg11[%multiple_of3A_268] : memref<5193728xi32, #tpu.memory_space<hbm>> -> memref<256xi32, #tpu.memory_space<hbm>>
        tpu.wait_dma2 semaphore(%run_scoped3A_323 : memref<!tpu.dma_semaphore, #tpu.memory_space<semaphore_mem>>) src(%dma_wait3A_327 : memref<256xi32, #tpu.memory_space<hbm>>) dst(%arg19 : memref<256xi32, #tpu.memory_space<vmem>>)
        tpu.yield
      }) : () -> ()
      %add3A_269 = arith.addi %mul3A_6, %mul3A_266 : i32
      %multiple_of3A_270 = tpu.assume_multiple %add3A_269, 256 : i32
      "tpu.region"() ({
        %run_scoped3A_323 = tpu.sem_alloc : memref<!tpu.dma_semaphore, #tpu.memory_space<semaphore_mem>>
        %dma_start3A_324 = arith.constant 0 : i32
        %dma_start3A_325 = tpu.memref_slice %arg20[%dma_start3A_324] : memref<272xi32, #tpu.memory_space<vmem>> -> memref<256xi32, #tpu.memory_space<vmem>>
        %dma_start3A_326 = tpu.memref_slice %arg12[%multiple_of3A_270] : memref<5193728xi32, #tpu.memory_space<hbm>> -> memref<256xi32, #tpu.memory_space<hbm>>
        %dma_start3A_327 = arith.constant 0 : i32
        %dma_start3A_328 = tpu.memref_slice %arg20[%dma_start3A_327] : memref<272xi32, #tpu.memory_space<vmem>> -> memref<256xi32, #tpu.memory_space<vmem>>
        %dma_start3A_329 = tpu.memref_slice %arg12[%multiple_of3A_270] : memref<5193728xi32, #tpu.memory_space<hbm>> -> memref<256xi32, #tpu.memory_space<hbm>>
        tpu.enqueue_dma source(%dma_start3A_329 : memref<256xi32, #tpu.memory_space<hbm>>) target(%dma_start3A_328 : memref<256xi32, #tpu.memory_space<vmem>>) target_semaphore(%run_scoped3A_323 : memref<!tpu.dma_semaphore, #tpu.memory_space<semaphore_mem>>)
        %dma_wait3A_330 = arith.constant 0 : i32
        %dma_wait3A_331 = tpu.memref_slice %arg20[%dma_wait3A_330] : memref<272xi32, #tpu.memory_space<vmem>> -> memref<256xi32, #tpu.memory_space<vmem>>
        %dma_wait3A_332 = tpu.memref_slice %arg12[%multiple_of3A_270] : memref<5193728xi32, #tpu.memory_space<hbm>> -> memref<256xi32, #tpu.memory_space<hbm>>
        %dma_wait3A_333 = arith.constant 0 : i32
        %dma_wait3A_334 = tpu.memref_slice %arg20[%dma_wait3A_333] : memref<272xi32, #tpu.memory_space<vmem>> -> memref<256xi32, #tpu.memory_space<vmem>>
        %dma_wait3A_335 = tpu.memref_slice %arg12[%multiple_of3A_270] : memref<5193728xi32, #tpu.memory_space<hbm>> -> memref<256xi32, #tpu.memory_space<hbm>>
        tpu.wait_dma2 semaphore(%run_scoped3A_323 : memref<!tpu.dma_semaphore, #tpu.memory_space<semaphore_mem>>) src(%dma_wait3A_335 : memref<256xi32, #tpu.memory_space<hbm>>) dst(%dma_wait3A_334 : memref<256xi32, #tpu.memory_space<vmem>>)
        tpu.yield
      }) : () -> ()
      %scan3A_271 = arith.constant 0 : i32
      %scan3A_272 = arith.constant 0 : i32
      %scan3A_273 = arith.constant 16 : i32
      %scan3A_274 = arith.addi %scan3A_272, %scan3A_273 : i32
      %scan3A_275 = arith.constant 1 : i32
      %scan3A_276 = scf.for %scan3A_323 = %scan3A_272 to %scan3A_274 step %scan3A_275 iter_args(%scan3A_324 = %scan3A_271) -> (i32)  : i32 {
        %mul3A_325 = arith.constant 16 : i32
        %mul3A_326 = arith.muli %scan3A_323, %mul3A_325 : i32
        %get3A = arith.index_cast %mul3A_326 : i32 to index
        %get3A_327 = tpu.vector_load %arg19[%get3A] {strides = array<i32>} : memref<256xi32, #tpu.memory_space<vmem>>, vector<16xi32>,
        %jit3A_328 = arith.constant 0 : i32
        %jit3A_329 = arith.constant 10239 : i32
        %max3A = vector.broadcast %jit3A_328 : i32 to vector<16xi32>
        %max3A_330 = arith.maxsi %max3A, %get3A_327 : vector<16xi32>
        %min3A_331 = vector.broadcast %jit3A_329 : i32 to vector<16xi32>
        %min3A_332 = arith.minsi %min3A_331, %max3A_330 : vector<16xi32>
        %add3A_333 = arith.constant 10240 : i32
        %add3A_334 = vector.broadcast %add3A_333 : i32 to vector<16xi32>
        %add3A_335 = arith.addi %min3A_332, %add3A_334 : vector<16xi32>
        %mul3A_336 = arith.constant 16 : i32
        %mul3A_337 = arith.muli %scan3A_323, %mul3A_336 : i32
        %swap3A = arith.index_cast %mul3A_337 : i32 to index
        %swap3A_338 = tpu.vector_load %arg21[%swap3A] {strides = array<i32>} : memref<256xi32, #tpu.memory_space<vmem>>, vector<16xi32>,
        tpu.vector_store %arg21[%swap3A], %add3A_335 {strides = array<i32>} : memref<256xi32, #tpu.memory_space<vmem>>, vector<16xi32>,
        %scan3A_339 = arith.constant 0 : i32
        scf.yield %scan3A_339 : i32
      }
      %scan3A_277 = arith.constant 16 : i32
      %sub3A_278 = arith.subi %add3A_17, %mul3A_266 : i32
      %min3A = arith.constant 256 : i32
      %min3A_279 = arith.minsi %min3A, %sub3A_278 : i32
      %dma_start3A = arith.constant 0 : i32
      %dma_start3A_280 = arith.constant 0 : i32
      %dma_start3A_281 = tpu.memref_slice %arg22[%dma_start3A, %dma_start3A_280] : memref<256x64xf32, #tpu.memory_space<vmem>> -> memref<128x64xf32, #tpu.memory_space<vmem>>
      %dma_start3A_282 = arith.constant 0 : i32
      %dma_start3A_283 = tpu.memref_slice %arg21[%dma_start3A_282] : memref<256xi32, #tpu.memory_space<vmem>> -> memref<128xi32, #tpu.memory_space<vmem>>
      %dma_start3A_284 = arith.constant 0 : i32
      %dma_start3A_285 = arith.constant 0 : i32
      %dma_start3A_286 = tpu.memref_slice %arg4[%dma_start3A_284, %dma_start3A_285] : memref<40960x64xf32, #tpu.memory_space<hbm>> -> memref<40960x64xf32, #tpu.memory_space<hbm>>
      tpu.enqueue_indirect_dma source(%dma_start3A_286 : memref<40960x64xf32, #tpu.memory_space<hbm>>) target(%dma_start3A_281 : memref<128x64xf32, #tpu.memory_space<vmem>>) offsets(%dma_start3A_283 : memref<128xi32, #tpu.memory_space<vmem>>) semaphore(%arg29 : memref<!tpu.dma_semaphore, #tpu.memory_space<semaphore_mem>>)
      %dma_start3A_287 = arith.constant 128 : i32
      %dma_start3A_288 = arith.constant 0 : i32
      %dma_start3A_289 = tpu.memref_slice %arg22[%dma_start3A_287, %dma_start3A_288] : memref<256x64xf32, #tpu.memory_space<vmem>> -> memref<128x64xf32, #tpu.memory_space<vmem>>
      %dma_start3A_290 = arith.constant 128 : i32
      %dma_start3A_291 = tpu.memref_slice %arg21[%dma_start3A_290] : memref<256xi32, #tpu.memory_space<vmem>> -> memref<128xi32, #tpu.memory_space<vmem>>
      %dma_start3A_292 = arith.constant 0 : i32
      %dma_start3A_293 = arith.constant 0 : i32
      %dma_start3A_294 = tpu.memref_slice %arg4[%dma_start3A_292, %dma_start3A_293] : memref<40960x64xf32, #tpu.memory_space<hbm>> -> memref<40960x64xf32, #tpu.memory_space<hbm>>
      tpu.enqueue_indirect_dma source(%dma_start3A_294 : memref<40960x64xf32, #tpu.memory_space<hbm>>) target(%dma_start3A_289 : memref<128x64xf32, #tpu.memory_space<vmem>>) offsets(%dma_start3A_291 : memref<128xi32, #tpu.memory_space<vmem>>) semaphore(%arg29 : memref<!tpu.dma_semaphore, #tpu.memory_space<semaphore_mem>>)
      %dma_wait3A = arith.constant 0 : i32
      %dma_wait3A_295 = arith.constant 0 : i32
      %dma_wait3A_296 = tpu.memref_slice %arg22[%dma_wait3A, %dma_wait3A_295] : memref<256x64xf32, #tpu.memory_space<vmem>> -> memref<128x64xf32, #tpu.memory_space<vmem>>
      %dma_wait3A_297 = arith.constant 0 : i32
      %dma_wait3A_298 = tpu.memref_slice %arg21[%dma_wait3A_297] : memref<256xi32, #tpu.memory_space<vmem>> -> memref<128xi32, #tpu.memory_space<vmem>>
      %dma_wait3A_299 = arith.constant 0 : i32
      %dma_wait3A_300 = arith.constant 0 : i32
      %dma_wait3A_301 = tpu.memref_slice %arg4[%dma_wait3A_299, %dma_wait3A_300] : memref<40960x64xf32, #tpu.memory_space<hbm>> -> memref<40960x64xf32, #tpu.memory_space<hbm>>
      tpu.wait_indirect_dma semaphore(%arg29 : memref<!tpu.dma_semaphore, #tpu.memory_space<semaphore_mem>>) src(%dma_wait3A_301 : memref<40960x64xf32, #tpu.memory_space<hbm>>) dst(%dma_wait3A_296 : memref<128x64xf32, #tpu.memory_space<vmem>>)
      %dma_wait3A_302 = arith.constant 128 : i32
      %dma_wait3A_303 = arith.constant 0 : i32
      %dma_wait3A_304 = tpu.memref_slice %arg22[%dma_wait3A_302, %dma_wait3A_303] : memref<256x64xf32, #tpu.memory_space<vmem>> -> memref<128x64xf32, #tpu.memory_space<vmem>>
      %dma_wait3A_305 = arith.constant 128 : i32
      %dma_wait3A_306 = tpu.memref_slice %arg21[%dma_wait3A_305] : memref<256xi32, #tpu.memory_space<vmem>> -> memref<128xi32, #tpu.memory_space<vmem>>
      %dma_wait3A_307 = arith.constant 0 : i32
      %dma_wait3A_308 = arith.constant 0 : i32
      %dma_wait3A_309 = tpu.memref_slice %arg4[%dma_wait3A_307, %dma_wait3A_308] : memref<40960x64xf32, #tpu.memory_space<hbm>> -> memref<40960x64xf32, #tpu.memory_space<hbm>>
      tpu.wait_indirect_dma semaphore(%arg29 : memref<!tpu.dma_semaphore, #tpu.memory_space<semaphore_mem>>) src(%dma_wait3A_309 : memref<40960x64xf32, #tpu.memory_space<hbm>>) dst(%dma_wait3A_304 : memref<128x64xf32, #tpu.memory_space<vmem>>)
      %while3A_310 = arith.constant 0 : i32
      %while3A_311 = arith.constant 0 : i32
      %while3A_312 = arith.subi %min3A_279, %while3A_310 : i32
      %while3A_313 = arith.addi %while3A_310, %while3A_312 : i32
      %while3A_314 = arith.constant 1 : i32
      %while3A_315 = arith.divsi %while3A_312, %while3A_314 : i32
      %while3A_316 = arith.muli %while3A_315, %while3A_314 : i32
      %while3A_317 = arith.addi %while3A_310, %while3A_316 : i32
      %while3A_318 = arith.constant 1 : i32
      %while3A_319 = scf.for %while3A_323 = %while3A_310 to %while3A_317 step %while3A_318 iter_args(%while3A_324 = %while3A_311) -> (i32)  : i32 {
        %get3A = arith.index_cast %while3A_323 : i32 to index
        %get3A_325 = tpu.vector_load %arg20[%get3A] {strides = array<i32>} : memref<272xi32, #tpu.memory_space<vmem>>, vector<16xi32>,
        %slice3A = vector.extract_strided_slice %get3A_325 {offsets = [0], sizes = [1], strides = [1]} : vector<16xi32> to vector<1xi32>
        %squeeze3A = vector.extract %slice3A[0] : i32 from vector<1xi32>
        %get3A_326 = arith.index_cast %while3A_323 : i32 to index
        %get3A_327 = arith.constant 0 : index
        %get3A_328 = tpu.vector_load %arg22[%get3A_326, %get3A_327] {strides = array<i32>} : memref<256x64xf32, #tpu.memory_space<vmem>>, vector<16xf32>,
        %get3A_329 = arith.index_cast %squeeze3A : i32 to index
        %get3A_330 = arith.constant 0 : index
        %get3A_331 = tpu.vector_load %arg23[%get3A_329, %get3A_330] {strides = array<i32>} : memref<320x64xf32, #tpu.memory_space<vmem>>, vector<16xf32>,
        %add3A_332 = arith.addf %get3A_328, %get3A_331 : vector<16xf32>
        %max3A = arith.constant 0.000000e+00 : f32
        %max3A_333 = vector.broadcast %max3A : f32 to vector<16xf32>
        %max3A_334 = arith.maximumf %add3A_332, %max3A_333 : vector<16xf32>
        %swap3A = arith.index_cast %squeeze3A : i32 to index
        %swap3A_335 = arith.constant 0 : index
        %swap3A_336 = tpu.vector_load %arg24[%swap3A, %swap3A_335] {strides = array<i32>} : memref<320x64xf32, #tpu.memory_space<vmem>>, vector<16xf32>,
        tpu.vector_store %arg24[%swap3A, %swap3A_335], %max3A_334 {add = true, strides = array<i32>} : memref<320x64xf32, #tpu.memory_space<vmem>>, vector<16xf32>,
        %mul3A_337 = arith.mulf %max3A_334, %max3A_334 : vector<16xf32>
        %swap3A_338 = arith.index_cast %squeeze3A : i32 to index
        %swap3A_339 = arith.constant 0 : index
        %swap3A_340 = tpu.vector_load %arg25[%swap3A_338, %swap3A_339] {strides = array<i32>} : memref<320x64xf32, #tpu.memory_space<vmem>>, vector<16xf32>,
        tpu.vector_store %arg25[%swap3A_338, %swap3A_339], %mul3A_337 {add = true, strides = array<i32>} : memref<320x64xf32, #tpu.memory_space<vmem>>, vector<16xf32>,
        %get3A_341 = arith.index_cast %squeeze3A : i32 to index
        %get3A_342 = arith.constant 0 : index
        %get3A_343 = tpu.vector_load %arg26[%get3A_341, %get3A_342] {strides = array<i32>} : memref<320x64xf32, #tpu.memory_space<vmem>>, vector<16xf32>,
        %max3A_344 = arith.maximumf %get3A_343, %max3A_334 : vector<16xf32>
        %swap3A_345 = arith.index_cast %squeeze3A : i32 to index
        %swap3A_346 = arith.constant 0 : index
        %swap3A_347 = tpu.vector_load %arg26[%swap3A_345, %swap3A_346] {strides = array<i32>} : memref<320x64xf32, #tpu.memory_space<vmem>>, vector<16xf32>,
        tpu.vector_store %arg26[%swap3A_345, %swap3A_346], %max3A_344 {strides = array<i32>} : memref<320x64xf32, #tpu.memory_space<vmem>>, vector<16xf32>,
        %get3A_348 = arith.index_cast %squeeze3A : i32 to index
        %get3A_349 = arith.constant 0 : index
        %get3A_350 = tpu.vector_load %arg27[%get3A_348, %get3A_349] {strides = array<i32>} : memref<320x64xf32, #tpu.memory_space<vmem>>, vector<16xf32>,
        %min3A_351 = arith.minimumf %get3A_350, %max3A_334 : vector<16xf32>
        %swap3A_352 = arith.index_cast %squeeze3A : i32 to index
        %swap3A_353 = arith.constant 0 : index
        %swap3A_354 = tpu.vector_load %arg27[%swap3A_352, %swap3A_353] {strides = array<i32>} : memref<320x64xf32, #tpu.memory_space<vmem>>, vector<16xf32>,
        tpu.vector_store %arg27[%swap3A_352, %swap3A_353], %min3A_351 {strides = array<i32>} : memref<320x64xf32, #tpu.memory_space<vmem>>, vector<16xf32>,
        %get3A_355 = arith.index_cast %while3A_323 : i32 to index
        %get3A_356 = arith.constant 16 : index
        %get3A_357 = tpu.vector_load %arg22[%get3A_355, %get3A_356] {strides = array<i32>} : memref<256x64xf32, #tpu.memory_space<vmem>>, vector<16xf32>,
        %get3A_358 = arith.index_cast %squeeze3A : i32 to index
        %get3A_359 = arith.constant 16 : index
        %get3A_360 = tpu.vector_load %arg23[%get3A_358, %get3A_359] {strides = array<i32>} : memref<320x64xf32, #tpu.memory_space<vmem>>, vector<16xf32>,
        %add3A_361 = arith.addf %get3A_357, %get3A_360 : vector<16xf32>
        %max3A_362 = arith.constant 0.000000e+00 : f32
        %max3A_363 = vector.broadcast %max3A_362 : f32 to vector<16xf32>
        %max3A_364 = arith.maximumf %add3A_361, %max3A_363 : vector<16xf32>
        %swap3A_365 = arith.index_cast %squeeze3A : i32 to index
        %swap3A_366 = arith.constant 16 : index
        %swap3A_367 = tpu.vector_load %arg24[%swap3A_365, %swap3A_366] {strides = array<i32>} : memref<320x64xf32, #tpu.memory_space<vmem>>, vector<16xf32>,
        tpu.vector_store %arg24[%swap3A_365, %swap3A_366], %max3A_364 {add = true, strides = array<i32>} : memref<320x64xf32, #tpu.memory_space<vmem>>, vector<16xf32>,
        %mul3A_368 = arith.mulf %max3A_364, %max3A_364 : vector<16xf32>
        %swap3A_369 = arith.index_cast %squeeze3A : i32 to index
        %swap3A_370 = arith.constant 16 : index
        %swap3A_371 = tpu.vector_load %arg25[%swap3A_369, %swap3A_370] {strides = array<i32>} : memref<320x64xf32, #tpu.memory_space<vmem>>, vector<16xf32>,
        tpu.vector_store %arg25[%swap3A_369, %swap3A_370], %mul3A_368 {add = true, strides = array<i32>} : memref<320x64xf32, #tpu.memory_space<vmem>>, vector<16xf32>,
        %get3A_372 = arith.index_cast %squeeze3A : i32 to index
        %get3A_373 = arith.constant 16 : index
        %get3A_374 = tpu.vector_load %arg26[%get3A_372, %get3A_373] {strides = array<i32>} : memref<320x64xf32, #tpu.memory_space<vmem>>, vector<16xf32>,
        %max3A_375 = arith.maximumf %get3A_374, %max3A_364 : vector<16xf32>
        %swap3A_376 = arith.index_cast %squeeze3A : i32 to index
        %swap3A_377 = arith.constant 16 : index
        %swap3A_378 = tpu.vector_load %arg26[%swap3A_376, %swap3A_377] {strides = array<i32>} : memref<320x64xf32, #tpu.memory_space<vmem>>, vector<16xf32>,
        tpu.vector_store %arg26[%swap3A_376, %swap3A_377], %max3A_375 {strides = array<i32>} : memref<320x64xf32, #tpu.memory_space<vmem>>, vector<16xf32>,
        %get3A_379 = arith.index_cast %squeeze3A : i32 to index
        %get3A_380 = arith.constant 16 : index
        %get3A_381 = tpu.vector_load %arg27[%get3A_379, %get3A_380] {strides = array<i32>} : memref<320x64xf32, #tpu.memory_space<vmem>>, vector<16xf32>,
        %min3A_382 = arith.minimumf %get3A_381, %max3A_364 : vector<16xf32>
        %swap3A_383 = arith.index_cast %squeeze3A : i32 to index
        %swap3A_384 = arith.constant 16 : index
        %swap3A_385 = tpu.vector_load %arg27[%swap3A_383, %swap3A_384] {strides = array<i32>} : memref<320x64xf32, #tpu.memory_space<vmem>>, vector<16xf32>,
        tpu.vector_store %arg27[%swap3A_383, %swap3A_384], %min3A_382 {strides = array<i32>} : memref<320x64xf32, #tpu.memory_space<vmem>>, vector<16xf32>,
        %get3A_386 = arith.index_cast %while3A_323 : i32 to index
        %get3A_387 = arith.constant 32 : index
        %get3A_388 = tpu.vector_load %arg22[%get3A_386, %get3A_387] {strides = array<i32>} : memref<256x64xf32, #tpu.memory_space<vmem>>, vector<16xf32>,
        %get3A_389 = arith.index_cast %squeeze3A : i32 to index
        %get3A_390 = arith.constant 32 : index
        %get3A_391 = tpu.vector_load %arg23[%get3A_389, %get3A_390] {strides = array<i32>} : memref<320x64xf32, #tpu.memory_space<vmem>>, vector<16xf32>,
        %add3A_392 = arith.addf %get3A_388, %get3A_391 : vector<16xf32>
        %max3A_393 = arith.constant 0.000000e+00 : f32
        %max3A_394 = vector.broadcast %max3A_393 : f32 to vector<16xf32>
        %max3A_395 = arith.maximumf %add3A_392, %max3A_394 : vector<16xf32>
        %swap3A_396 = arith.index_cast %squeeze3A : i32 to index
        %swap3A_397 = arith.constant 32 : index
        %swap3A_398 = tpu.vector_load %arg24[%swap3A_396, %swap3A_397] {strides = array<i32>} : memref<320x64xf32, #tpu.memory_space<vmem>>, vector<16xf32>,
        tpu.vector_store %arg24[%swap3A_396, %swap3A_397], %max3A_395 {add = true, strides = array<i32>} : memref<320x64xf32, #tpu.memory_space<vmem>>, vector<16xf32>,
        %mul3A_399 = arith.mulf %max3A_395, %max3A_395 : vector<16xf32>
        %swap3A_400 = arith.index_cast %squeeze3A : i32 to index
        %swap3A_401 = arith.constant 32 : index
        %swap3A_402 = tpu.vector_load %arg25[%swap3A_400, %swap3A_401] {strides = array<i32>} : memref<320x64xf32, #tpu.memory_space<vmem>>, vector<16xf32>,
        tpu.vector_store %arg25[%swap3A_400, %swap3A_401], %mul3A_399 {add = true, strides = array<i32>} : memref<320x64xf32, #tpu.memory_space<vmem>>, vector<16xf32>,
        %get3A_403 = arith.index_cast %squeeze3A : i32 to index
        %get3A_404 = arith.constant 32 : index
        %get3A_405 = tpu.vector_load %arg26[%get3A_403, %get3A_404] {strides = array<i32>} : memref<320x64xf32, #tpu.memory_space<vmem>>, vector<16xf32>,
        %max3A_406 = arith.maximumf %get3A_405, %max3A_395 : vector<16xf32>
        %swap3A_407 = arith.index_cast %squeeze3A : i32 to index
        %swap3A_408 = arith.constant 32 : index
        %swap3A_409 = tpu.vector_load %arg26[%swap3A_407, %swap3A_408] {strides = array<i32>} : memref<320x64xf32, #tpu.memory_space<vmem>>, vector<16xf32>,
        tpu.vector_store %arg26[%swap3A_407, %swap3A_408], %max3A_406 {strides = array<i32>} : memref<320x64xf32, #tpu.memory_space<vmem>>, vector<16xf32>,
        %get3A_410 = arith.index_cast %squeeze3A : i32 to index
        %get3A_411 = arith.constant 32 : index
        %get3A_412 = tpu.vector_load %arg27[%get3A_410, %get3A_411] {strides = array<i32>} : memref<320x64xf32, #tpu.memory_space<vmem>>, vector<16xf32>,
        %min3A_413 = arith.minimumf %get3A_412, %max3A_395 : vector<16xf32>
        %swap3A_414 = arith.index_cast %squeeze3A : i32 to index
        %swap3A_415 = arith.constant 32 : index
        %swap3A_416 = tpu.vector_load %arg27[%swap3A_414, %swap3A_415] {strides = array<i32>} : memref<320x64xf32, #tpu.memory_space<vmem>>, vector<16xf32>,
        tpu.vector_store %arg27[%swap3A_414, %swap3A_415], %min3A_413 {strides = array<i32>} : memref<320x64xf32, #tpu.memory_space<vmem>>, vector<16xf32>,
        %get3A_417 = arith.index_cast %while3A_323 : i32 to index
        %get3A_418 = arith.constant 48 : index
        %get3A_419 = tpu.vector_load %arg22[%get3A_417, %get3A_418] {strides = array<i32>} : memref<256x64xf32, #tpu.memory_space<vmem>>, vector<16xf32>,
        %get3A_420 = arith.index_cast %squeeze3A : i32 to index
        %get3A_421 = arith.constant 48 : index
        %get3A_422 = tpu.vector_load %arg23[%get3A_420, %get3A_421] {strides = array<i32>} : memref<320x64xf32, #tpu.memory_space<vmem>>, vector<16xf32>,
        %add3A_423 = arith.addf %get3A_419, %get3A_422 : vector<16xf32>
        %max3A_424 = arith.constant 0.000000e+00 : f32
        %max3A_425 = vector.broadcast %max3A_424 : f32 to vector<16xf32>
        %max3A_426 = arith.maximumf %add3A_423, %max3A_425 : vector<16xf32>
        %swap3A_427 = arith.index_cast %squeeze3A : i32 to index
        %swap3A_428 = arith.constant 48 : index
        %swap3A_429 = tpu.vector_load %arg24[%swap3A_427, %swap3A_428] {strides = array<i32>} : memref<320x64xf32, #tpu.memory_space<vmem>>, vector<16xf32>,
        tpu.vector_store %arg24[%swap3A_427, %swap3A_428], %max3A_426 {add = true, strides = array<i32>} : memref<320x64xf32, #tpu.memory_space<vmem>>, vector<16xf32>,
        %mul3A_430 = arith.mulf %max3A_426, %max3A_426 : vector<16xf32>
        %swap3A_431 = arith.index_cast %squeeze3A : i32 to index
        %swap3A_432 = arith.constant 48 : index
        %swap3A_433 = tpu.vector_load %arg25[%swap3A_431, %swap3A_432] {strides = array<i32>} : memref<320x64xf32, #tpu.memory_space<vmem>>, vector<16xf32>,
        tpu.vector_store %arg25[%swap3A_431, %swap3A_432], %mul3A_430 {add = true, strides = array<i32>} : memref<320x64xf32, #tpu.memory_space<vmem>>, vector<16xf32>,
        %get3A_434 = arith.index_cast %squeeze3A : i32 to index
        %get3A_435 = arith.constant 48 : index
        %get3A_436 = tpu.vector_load %arg26[%get3A_434, %get3A_435] {strides = array<i32>} : memref<320x64xf32, #tpu.memory_space<vmem>>, vector<16xf32>,
        %max3A_437 = arith.maximumf %get3A_436, %max3A_426 : vector<16xf32>
        %swap3A_438 = arith.index_cast %squeeze3A : i32 to index
        %swap3A_439 = arith.constant 48 : index
        %swap3A_440 = tpu.vector_load %arg26[%swap3A_438, %swap3A_439] {strides = array<i32>} : memref<320x64xf32, #tpu.memory_space<vmem>>, vector<16xf32>,
        tpu.vector_store %arg26[%swap3A_438, %swap3A_439], %max3A_437 {strides = array<i32>} : memref<320x64xf32, #tpu.memory_space<vmem>>, vector<16xf32>,
        %get3A_441 = arith.index_cast %squeeze3A : i32 to index
        %get3A_442 = arith.constant 48 : index
        %get3A_443 = tpu.vector_load %arg27[%get3A_441, %get3A_442] {strides = array<i32>} : memref<320x64xf32, #tpu.memory_space<vmem>>, vector<16xf32>,
        %min3A_444 = arith.minimumf %get3A_443, %max3A_426 : vector<16xf32>
        %swap3A_445 = arith.index_cast %squeeze3A : i32 to index
        %swap3A_446 = arith.constant 48 : index
        %swap3A_447 = tpu.vector_load %arg27[%swap3A_445, %swap3A_446] {strides = array<i32>} : memref<320x64xf32, #tpu.memory_space<vmem>>, vector<16xf32>,
        tpu.vector_store %arg27[%swap3A_445, %swap3A_446], %min3A_444 {strides = array<i32>} : memref<320x64xf32, #tpu.memory_space<vmem>>, vector<16xf32>,
        %while3A_448 = arith.constant 0 : i32
        scf.yield %while3A_448 : i32
      }
      %while3A_320 = arith.constant 1 : i32
      %while3A_321 = scf.for %while3A_323 = %while3A_317 to %while3A_313 step %while3A_320 iter_args(%while3A_324 = %while3A_319) -> (i32)  : i32 {
        %get3A = arith.index_cast %while3A_323 : i32 to index
        %get3A_325 = tpu.vector_load %arg20[%get3A] {strides = array<i32>} : memref<272xi32, #tpu.memory_space<vmem>>, vector<16xi32>,
        %slice3A = vector.extract_strided_slice %get3A_325 {offsets = [0], sizes = [1], strides = [1]} : vector<16xi32> to vector<1xi32>
        %squeeze3A = vector.extract %slice3A[0] : i32 from vector<1xi32>
        %get3A_326 = arith.index_cast %while3A_323 : i32 to index
        %get3A_327 = arith.constant 0 : index
        %get3A_328 = tpu.vector_load %arg22[%get3A_326, %get3A_327] {strides = array<i32>} : memref<256x64xf32, #tpu.memory_space<vmem>>, vector<16xf32>,
        %get3A_329 = arith.index_cast %squeeze3A : i32 to index
        %get3A_330 = arith.constant 0 : index
        %get3A_331 = tpu.vector_load %arg23[%get3A_329, %get3A_330] {strides = array<i32>} : memref<320x64xf32, #tpu.memory_space<vmem>>, vector<16xf32>,
        %add3A_332 = arith.addf %get3A_328, %get3A_331 : vector<16xf32>
        %max3A = arith.constant 0.000000e+00 : f32
        %max3A_333 = vector.broadcast %max3A : f32 to vector<16xf32>
        %max3A_334 = arith.maximumf %add3A_332, %max3A_333 : vector<16xf32>
        %swap3A = arith.index_cast %squeeze3A : i32 to index
        %swap3A_335 = arith.constant 0 : index
        %swap3A_336 = tpu.vector_load %arg24[%swap3A, %swap3A_335] {strides = array<i32>} : memref<320x64xf32, #tpu.memory_space<vmem>>, vector<16xf32>,
        tpu.vector_store %arg24[%swap3A, %swap3A_335], %max3A_334 {add = true, strides = array<i32>} : memref<320x64xf32, #tpu.memory_space<vmem>>, vector<16xf32>,
        %mul3A_337 = arith.mulf %max3A_334, %max3A_334 : vector<16xf32>
        %swap3A_338 = arith.index_cast %squeeze3A : i32 to index
        %swap3A_339 = arith.constant 0 : index
        %swap3A_340 = tpu.vector_load %arg25[%swap3A_338, %swap3A_339] {strides = array<i32>} : memref<320x64xf32, #tpu.memory_space<vmem>>, vector<16xf32>,
        tpu.vector_store %arg25[%swap3A_338, %swap3A_339], %mul3A_337 {add = true, strides = array<i32>} : memref<320x64xf32, #tpu.memory_space<vmem>>, vector<16xf32>,
        %get3A_341 = arith.index_cast %squeeze3A : i32 to index
        %get3A_342 = arith.constant 0 : index
        %get3A_343 = tpu.vector_load %arg26[%get3A_341, %get3A_342] {strides = array<i32>} : memref<320x64xf32, #tpu.memory_space<vmem>>, vector<16xf32>,
        %max3A_344 = arith.maximumf %get3A_343, %max3A_334 : vector<16xf32>
        %swap3A_345 = arith.index_cast %squeeze3A : i32 to index
        %swap3A_346 = arith.constant 0 : index
        %swap3A_347 = tpu.vector_load %arg26[%swap3A_345, %swap3A_346] {strides = array<i32>} : memref<320x64xf32, #tpu.memory_space<vmem>>, vector<16xf32>,
        tpu.vector_store %arg26[%swap3A_345, %swap3A_346], %max3A_344 {strides = array<i32>} : memref<320x64xf32, #tpu.memory_space<vmem>>, vector<16xf32>,
        %get3A_348 = arith.index_cast %squeeze3A : i32 to index
        %get3A_349 = arith.constant 0 : index
        %get3A_350 = tpu.vector_load %arg27[%get3A_348, %get3A_349] {strides = array<i32>} : memref<320x64xf32, #tpu.memory_space<vmem>>, vector<16xf32>,
        %min3A_351 = arith.minimumf %get3A_350, %max3A_334 : vector<16xf32>
        %swap3A_352 = arith.index_cast %squeeze3A : i32 to index
        %swap3A_353 = arith.constant 0 : index
        %swap3A_354 = tpu.vector_load %arg27[%swap3A_352, %swap3A_353] {strides = array<i32>} : memref<320x64xf32, #tpu.memory_space<vmem>>, vector<16xf32>,
        tpu.vector_store %arg27[%swap3A_352, %swap3A_353], %min3A_351 {strides = array<i32>} : memref<320x64xf32, #tpu.memory_space<vmem>>, vector<16xf32>,
        %get3A_355 = arith.index_cast %while3A_323 : i32 to index
        %get3A_356 = arith.constant 16 : index
        %get3A_357 = tpu.vector_load %arg22[%get3A_355, %get3A_356] {strides = array<i32>} : memref<256x64xf32, #tpu.memory_space<vmem>>, vector<16xf32>,
        %get3A_358 = arith.index_cast %squeeze3A : i32 to index
        %get3A_359 = arith.constant 16 : index
        %get3A_360 = tpu.vector_load %arg23[%get3A_358, %get3A_359] {strides = array<i32>} : memref<320x64xf32, #tpu.memory_space<vmem>>, vector<16xf32>,
        %add3A_361 = arith.addf %get3A_357, %get3A_360 : vector<16xf32>
        %max3A_362 = arith.constant 0.000000e+00 : f32
        %max3A_363 = vector.broadcast %max3A_362 : f32 to vector<16xf32>
        %max3A_364 = arith.maximumf %add3A_361, %max3A_363 : vector<16xf32>
        %swap3A_365 = arith.index_cast %squeeze3A : i32 to index
        %swap3A_366 = arith.constant 16 : index
        %swap3A_367 = tpu.vector_load %arg24[%swap3A_365, %swap3A_366] {strides = array<i32>} : memref<320x64xf32, #tpu.memory_space<vmem>>, vector<16xf32>,
        tpu.vector_store %arg24[%swap3A_365, %swap3A_366], %max3A_364 {add = true, strides = array<i32>} : memref<320x64xf32, #tpu.memory_space<vmem>>, vector<16xf32>,
        %mul3A_368 = arith.mulf %max3A_364, %max3A_364 : vector<16xf32>
        %swap3A_369 = arith.index_cast %squeeze3A : i32 to index
        %swap3A_370 = arith.constant 16 : index
        %swap3A_371 = tpu.vector_load %arg25[%swap3A_369, %swap3A_370] {strides = array<i32>} : memref<320x64xf32, #tpu.memory_space<vmem>>, vector<16xf32>,
        tpu.vector_store %arg25[%swap3A_369, %swap3A_370], %mul3A_368 {add = true, strides = array<i32>} : memref<320x64xf32, #tpu.memory_space<vmem>>, vector<16xf32>,
        %get3A_372 = arith.index_cast %squeeze3A : i32 to index
        %get3A_373 = arith.constant 16 : index
        %get3A_374 = tpu.vector_load %arg26[%get3A_372, %get3A_373] {strides = array<i32>} : memref<320x64xf32, #tpu.memory_space<vmem>>, vector<16xf32>,
        %max3A_375 = arith.maximumf %get3A_374, %max3A_364 : vector<16xf32>
        %swap3A_376 = arith.index_cast %squeeze3A : i32 to index
        %swap3A_377 = arith.constant 16 : index
        %swap3A_378 = tpu.vector_load %arg26[%swap3A_376, %swap3A_377] {strides = array<i32>} : memref<320x64xf32, #tpu.memory_space<vmem>>, vector<16xf32>,
        tpu.vector_store %arg26[%swap3A_376, %swap3A_377], %max3A_375 {strides = array<i32>} : memref<320x64xf32, #tpu.memory_space<vmem>>, vector<16xf32>,
        %get3A_379 = arith.index_cast %squeeze3A : i32 to index
        %get3A_380 = arith.constant 16 : index
        %get3A_381 = tpu.vector_load %arg27[%get3A_379, %get3A_380] {strides = array<i32>} : memref<320x64xf32, #tpu.memory_space<vmem>>, vector<16xf32>,
        %min3A_382 = arith.minimumf %get3A_381, %max3A_364 : vector<16xf32>
        %swap3A_383 = arith.index_cast %squeeze3A : i32 to index
        %swap3A_384 = arith.constant 16 : index
        %swap3A_385 = tpu.vector_load %arg27[%swap3A_383, %swap3A_384] {strides = array<i32>} : memref<320x64xf32, #tpu.memory_space<vmem>>, vector<16xf32>,
        tpu.vector_store %arg27[%swap3A_383, %swap3A_384], %min3A_382 {strides = array<i32>} : memref<320x64xf32, #tpu.memory_space<vmem>>, vector<16xf32>,
        %get3A_386 = arith.index_cast %while3A_323 : i32 to index
        %get3A_387 = arith.constant 32 : index
        %get3A_388 = tpu.vector_load %arg22[%get3A_386, %get3A_387] {strides = array<i32>} : memref<256x64xf32, #tpu.memory_space<vmem>>, vector<16xf32>,
        %get3A_389 = arith.index_cast %squeeze3A : i32 to index
        %get3A_390 = arith.constant 32 : index
        %get3A_391 = tpu.vector_load %arg23[%get3A_389, %get3A_390] {strides = array<i32>} : memref<320x64xf32, #tpu.memory_space<vmem>>, vector<16xf32>,
        %add3A_392 = arith.addf %get3A_388, %get3A_391 : vector<16xf32>
        %max3A_393 = arith.constant 0.000000e+00 : f32
        %max3A_394 = vector.broadcast %max3A_393 : f32 to vector<16xf32>
        %max3A_395 = arith.maximumf %add3A_392, %max3A_394 : vector<16xf32>
        %swap3A_396 = arith.index_cast %squeeze3A : i32 to index
        %swap3A_397 = arith.constant 32 : index
        %swap3A_398 = tpu.vector_load %arg24[%swap3A_396, %swap3A_397] {strides = array<i32>} : memref<320x64xf32, #tpu.memory_space<vmem>>, vector<16xf32>,
        tpu.vector_store %arg24[%swap3A_396, %swap3A_397], %max3A_395 {add = true, strides = array<i32>} : memref<320x64xf32, #tpu.memory_space<vmem>>, vector<16xf32>,
        %mul3A_399 = arith.mulf %max3A_395, %max3A_395 : vector<16xf32>
        %swap3A_400 = arith.index_cast %squeeze3A : i32 to index
        %swap3A_401 = arith.constant 32 : index
        %swap3A_402 = tpu.vector_load %arg25[%swap3A_400, %swap3A_401] {strides = array<i32>} : memref<320x64xf32, #tpu.memory_space<vmem>>, vector<16xf32>,
        tpu.vector_store %arg25[%swap3A_400, %swap3A_401], %mul3A_399 {add = true, strides = array<i32>} : memref<320x64xf32, #tpu.memory_space<vmem>>, vector<16xf32>,
        %get3A_403 = arith.index_cast %squeeze3A : i32 to index
        %get3A_404 = arith.constant 32 : index
        %get3A_405 = tpu.vector_load %arg26[%get3A_403, %get3A_404] {strides = array<i32>} : memref<320x64xf32, #tpu.memory_space<vmem>>, vector<16xf32>,
        %max3A_406 = arith.maximumf %get3A_405, %max3A_395 : vector<16xf32>
        %swap3A_407 = arith.index_cast %squeeze3A : i32 to index
        %swap3A_408 = arith.constant 32 : index
        %swap3A_409 = tpu.vector_load %arg26[%swap3A_407, %swap3A_408] {strides = array<i32>} : memref<320x64xf32, #tpu.memory_space<vmem>>, vector<16xf32>,
        tpu.vector_store %arg26[%swap3A_407, %swap3A_408], %max3A_406 {strides = array<i32>} : memref<320x64xf32, #tpu.memory_space<vmem>>, vector<16xf32>,
        %get3A_410 = arith.index_cast %squeeze3A : i32 to index
        %get3A_411 = arith.constant 32 : index
        %get3A_412 = tpu.vector_load %arg27[%get3A_410, %get3A_411] {strides = array<i32>} : memref<320x64xf32, #tpu.memory_space<vmem>>, vector<16xf32>,
        %min3A_413 = arith.minimumf %get3A_412, %max3A_395 : vector<16xf32>
        %swap3A_414 = arith.index_cast %squeeze3A : i32 to index
        %swap3A_415 = arith.constant 32 : index
        %swap3A_416 = tpu.vector_load %arg27[%swap3A_414, %swap3A_415] {strides = array<i32>} : memref<320x64xf32, #tpu.memory_space<vmem>>, vector<16xf32>,
        tpu.vector_store %arg27[%swap3A_414, %swap3A_415], %min3A_413 {strides = array<i32>} : memref<320x64xf32, #tpu.memory_space<vmem>>, vector<16xf32>,
        %get3A_417 = arith.index_cast %while3A_323 : i32 to index
        %get3A_418 = arith.constant 48 : index
        %get3A_419 = tpu.vector_load %arg22[%get3A_417, %get3A_418] {strides = array<i32>} : memref<256x64xf32, #tpu.memory_space<vmem>>, vector<16xf32>,
        %get3A_420 = arith.index_cast %squeeze3A : i32 to index
        %get3A_421 = arith.constant 48 : index
        %get3A_422 = tpu.vector_load %arg23[%get3A_420, %get3A_421] {strides = array<i32>} : memref<320x64xf32, #tpu.memory_space<vmem>>, vector<16xf32>,
        %add3A_423 = arith.addf %get3A_419, %get3A_422 : vector<16xf32>
        %max3A_424 = arith.constant 0.000000e+00 : f32
        %max3A_425 = vector.broadcast %max3A_424 : f32 to vector<16xf32>
        %max3A_426 = arith.maximumf %add3A_423, %max3A_425 : vector<16xf32>
        %swap3A_427 = arith.index_cast %squeeze3A : i32 to index
        %swap3A_428 = arith.constant 48 : index
        %swap3A_429 = tpu.vector_load %arg24[%swap3A_427, %swap3A_428] {strides = array<i32>} : memref<320x64xf32, #tpu.memory_space<vmem>>, vector<16xf32>,
        tpu.vector_store %arg24[%swap3A_427, %swap3A_428], %max3A_426 {add = true, strides = array<i32>} : memref<320x64xf32, #tpu.memory_space<vmem>>, vector<16xf32>,
        %mul3A_430 = arith.mulf %max3A_426, %max3A_426 : vector<16xf32>
        %swap3A_431 = arith.index_cast %squeeze3A : i32 to index
        %swap3A_432 = arith.constant 48 : index
        %swap3A_433 = tpu.vector_load %arg25[%swap3A_431, %swap3A_432] {strides = array<i32>} : memref<320x64xf32, #tpu.memory_space<vmem>>, vector<16xf32>,
        tpu.vector_store %arg25[%swap3A_431, %swap3A_432], %mul3A_430 {add = true, strides = array<i32>} : memref<320x64xf32, #tpu.memory_space<vmem>>, vector<16xf32>,
        %get3A_434 = arith.index_cast %squeeze3A : i32 to index
        %get3A_435 = arith.constant 48 : index
        %get3A_436 = tpu.vector_load %arg26[%get3A_434, %get3A_435] {strides = array<i32>} : memref<320x64xf32, #tpu.memory_space<vmem>>, vector<16xf32>,
        %max3A_437 = arith.maximumf %get3A_436, %max3A_426 : vector<16xf32>
        %swap3A_438 = arith.index_cast %squeeze3A : i32 to index
        %swap3A_439 = arith.constant 48 : index
        %swap3A_440 = tpu.vector_load %arg26[%swap3A_438, %swap3A_439] {strides = array<i32>} : memref<320x64xf32, #tpu.memory_space<vmem>>, vector<16xf32>,
        tpu.vector_store %arg26[%swap3A_438, %swap3A_439], %max3A_437 {strides = array<i32>} : memref<320x64xf32, #tpu.memory_space<vmem>>, vector<16xf32>,
        %get3A_441 = arith.index_cast %squeeze3A : i32 to index
        %get3A_442 = arith.constant 48 : index
        %get3A_443 = tpu.vector_load %arg27[%get3A_441, %get3A_442] {strides = array<i32>} : memref<320x64xf32, #tpu.memory_space<vmem>>, vector<16xf32>,
        %min3A_444 = arith.minimumf %get3A_443, %max3A_426 : vector<16xf32>
        %swap3A_445 = arith.index_cast %squeeze3A : i32 to index
        %swap3A_446 = arith.constant 48 : index
        %swap3A_447 = tpu.vector_load %arg27[%swap3A_445, %swap3A_446] {strides = array<i32>} : memref<320x64xf32, #tpu.memory_space<vmem>>, vector<16xf32>,
        tpu.vector_store %arg27[%swap3A_445, %swap3A_446], %min3A_444 {strides = array<i32>} : memref<320x64xf32, #tpu.memory_space<vmem>>, vector<16xf32>,
        %while3A_448 = arith.constant 0 : i32
        scf.yield %while3A_448 : i32
      }
      %while3A_322 = arith.constant 0 : i32
      scf.yield %while3A_322 : i32
    }
    %multiple_of3A_131 = tpu.assume_multiple %mul3A_2, 320 : i32
    %run_scoped3A_132 = arith.constant 1 : i32
    "tpu.region"() ({
      %run_scoped3A_263 = tpu.sem_alloc : memref<!tpu.dma_semaphore, #tpu.memory_space<semaphore_mem>>
      %dma_start3A = arith.constant 0 : i32
      %dma_start3A_264 = tpu.memref_slice %arg6[%run_scoped3A_132, %multiple_of3A_131, %dma_start3A] : memref<4x10240x64xf32, #tpu.memory_space<hbm>> -> memref<1x320x64xf32, #tpu.memory_space<hbm>>
      %dma_start3A_265 = tpu.memref_squeeze %dma_start3A_264 : memref<1x320x64xf32, #tpu.memory_space<hbm>> -> memref<320x64xf32, #tpu.memory_space<hbm>>
      %dma_start3A_266 = arith.constant 0 : i32
      %dma_start3A_267 = tpu.memref_slice %arg6[%run_scoped3A_132, %multiple_of3A_131, %dma_start3A_266] : memref<4x10240x64xf32, #tpu.memory_space<hbm>> -> memref<1x320x64xf32, #tpu.memory_space<hbm>>
      %dma_start3A_268 = tpu.memref_squeeze %dma_start3A_267 : memref<1x320x64xf32, #tpu.memory_space<hbm>> -> memref<320x64xf32, #tpu.memory_space<hbm>>
      tpu.enqueue_dma source(%arg24 : memref<320x64xf32, #tpu.memory_space<vmem>>) target(%dma_start3A_268 : memref<320x64xf32, #tpu.memory_space<hbm>>) target_semaphore(%run_scoped3A_263 : memref<!tpu.dma_semaphore, #tpu.memory_space<semaphore_mem>>)
      %dma_wait3A = arith.constant 0 : i32
      %dma_wait3A_269 = tpu.memref_slice %arg6[%run_scoped3A_132, %multiple_of3A_131, %dma_wait3A] : memref<4x10240x64xf32, #tpu.memory_space<hbm>> -> memref<1x320x64xf32, #tpu.memory_space<hbm>>
      %dma_wait3A_270 = tpu.memref_squeeze %dma_wait3A_269 : memref<1x320x64xf32, #tpu.memory_space<hbm>> -> memref<320x64xf32, #tpu.memory_space<hbm>>
      %dma_wait3A_271 = arith.constant 0 : i32
      %dma_wait3A_272 = tpu.memref_slice %arg6[%run_scoped3A_132, %multiple_of3A_131, %dma_wait3A_271] : memref<4x10240x64xf32, #tpu.memory_space<hbm>> -> memref<1x320x64xf32, #tpu.memory_space<hbm>>
      %dma_wait3A_273 = tpu.memref_squeeze %dma_wait3A_272 : memref<1x320x64xf32, #tpu.memory_space<hbm>> -> memref<320x64xf32, #tpu.memory_space<hbm>>
      tpu.wait_dma2 semaphore(%run_scoped3A_263 : memref<!tpu.dma_semaphore, #tpu.memory_space<semaphore_mem>>) src(%arg24 : memref<320x64xf32, #tpu.memory_space<vmem>>) dst(%dma_wait3A_273 : memref<320x64xf32, #tpu.memory_space<hbm>>)
      tpu.yield
    }) : () -> ()
    %multiple_of3A_133 = tpu.assume_multiple %mul3A_2, 320 : i32
    %run_scoped3A_134 = arith.constant 1 : i32
    "tpu.region"() ({
      %run_scoped3A_263 = tpu.sem_alloc : memref<!tpu.dma_semaphore, #tpu.memory_space<semaphore_mem>>
      %dma_start3A = arith.constant 0 : i32
      %dma_start3A_264 = tpu.memref_slice %arg7[%run_scoped3A_134, %multiple_of3A_133, %dma_start3A] : memref<4x10240x64xf32, #tpu.memory_space<hbm>> -> memref<1x320x64xf32, #tpu.memory_space<hbm>>
      %dma_start3A_265 = tpu.memref_squeeze %dma_start3A_264 : memref<1x320x64xf32, #tpu.memory_space<hbm>> -> memref<320x64xf32, #tpu.memory_space<hbm>>
      %dma_start3A_266 = arith.constant 0 : i32
      %dma_start3A_267 = tpu.memref_slice %arg7[%run_scoped3A_134, %multiple_of3A_133, %dma_start3A_266] : memref<4x10240x64xf32, #tpu.memory_space<hbm>> -> memref<1x320x64xf32, #tpu.memory_space<hbm>>
      %dma_start3A_268 = tpu.memref_squeeze %dma_start3A_267 : memref<1x320x64xf32, #tpu.memory_space<hbm>> -> memref<320x64xf32, #tpu.memory_space<hbm>>
      tpu.enqueue_dma source(%arg25 : memref<320x64xf32, #tpu.memory_space<vmem>>) target(%dma_start3A_268 : memref<320x64xf32, #tpu.memory_space<hbm>>) target_semaphore(%run_scoped3A_263 : memref<!tpu.dma_semaphore, #tpu.memory_space<semaphore_mem>>)
      %dma_wait3A = arith.constant 0 : i32
      %dma_wait3A_269 = tpu.memref_slice %arg7[%run_scoped3A_134, %multiple_of3A_133, %dma_wait3A] : memref<4x10240x64xf32, #tpu.memory_space<hbm>> -> memref<1x320x64xf32, #tpu.memory_space<hbm>>
      %dma_wait3A_270 = tpu.memref_squeeze %dma_wait3A_269 : memref<1x320x64xf32, #tpu.memory_space<hbm>> -> memref<320x64xf32, #tpu.memory_space<hbm>>
      %dma_wait3A_271 = arith.constant 0 : i32
      %dma_wait3A_272 = tpu.memref_slice %arg7[%run_scoped3A_134, %multiple_of3A_133, %dma_wait3A_271] : memref<4x10240x64xf32, #tpu.memory_space<hbm>> -> memref<1x320x64xf32, #tpu.memory_space<hbm>>
      %dma_wait3A_273 = tpu.memref_squeeze %dma_wait3A_272 : memref<1x320x64xf32, #tpu.memory_space<hbm>> -> memref<320x64xf32, #tpu.memory_space<hbm>>
      tpu.wait_dma2 semaphore(%run_scoped3A_263 : memref<!tpu.dma_semaphore, #tpu.memory_space<semaphore_mem>>) src(%arg25 : memref<320x64xf32, #tpu.memory_space<vmem>>) dst(%dma_wait3A_273 : memref<320x64xf32, #tpu.memory_space<hbm>>)
      tpu.yield
    }) : () -> ()
    %multiple_of3A_135 = tpu.assume_multiple %mul3A_2, 320 : i32
    %run_scoped3A_136 = arith.constant 1 : i32
    "tpu.region"() ({
      %run_scoped3A_263 = tpu.sem_alloc : memref<!tpu.dma_semaphore, #tpu.memory_space<semaphore_mem>>
      %dma_start3A = arith.constant 0 : i32
      %dma_start3A_264 = tpu.memref_slice %arg8[%run_scoped3A_136, %multiple_of3A_135, %dma_start3A] : memref<4x10240x64xf32, #tpu.memory_space<hbm>> -> memref<1x320x64xf32, #tpu.memory_space<hbm>>
      %dma_start3A_265 = tpu.memref_squeeze %dma_start3A_264 : memref<1x320x64xf32, #tpu.memory_space<hbm>> -> memref<320x64xf32, #tpu.memory_space<hbm>>
      %dma_start3A_266 = arith.constant 0 : i32
      %dma_start3A_267 = tpu.memref_slice %arg8[%run_scoped3A_136, %multiple_of3A_135, %dma_start3A_266] : memref<4x10240x64xf32, #tpu.memory_space<hbm>> -> memref<1x320x64xf32, #tpu.memory_space<hbm>>
      %dma_start3A_268 = tpu.memref_squeeze %dma_start3A_267 : memref<1x320x64xf32, #tpu.memory_space<hbm>> -> memref<320x64xf32, #tpu.memory_space<hbm>>
      tpu.enqueue_dma source(%arg26 : memref<320x64xf32, #tpu.memory_space<vmem>>) target(%dma_start3A_268 : memref<320x64xf32, #tpu.memory_space<hbm>>) target_semaphore(%run_scoped3A_263 : memref<!tpu.dma_semaphore, #tpu.memory_space<semaphore_mem>>)
      %dma_wait3A = arith.constant 0 : i32
      %dma_wait3A_269 = tpu.memref_slice %arg8[%run_scoped3A_136, %multiple_of3A_135, %dma_wait3A] : memref<4x10240x64xf32, #tpu.memory_space<hbm>> -> memref<1x320x64xf32, #tpu.memory_space<hbm>>
      %dma_wait3A_270 = tpu.memref_squeeze %dma_wait3A_269 : memref<1x320x64xf32, #tpu.memory_space<hbm>> -> memref<320x64xf32, #tpu.memory_space<hbm>>
      %dma_wait3A_271 = arith.constant 0 : i32
      %dma_wait3A_272 = tpu.memref_slice %arg8[%run_scoped3A_136, %multiple_of3A_135, %dma_wait3A_271] : memref<4x10240x64xf32, #tpu.memory_space<hbm>> -> memref<1x320x64xf32, #tpu.memory_space<hbm>>
      %dma_wait3A_273 = tpu.memref_squeeze %dma_wait3A_272 : memref<1x320x64xf32, #tpu.memory_space<hbm>> -> memref<320x64xf32, #tpu.memory_space<hbm>>
      tpu.wait_dma2 semaphore(%run_scoped3A_263 : memref<!tpu.dma_semaphore, #tpu.memory_space<semaphore_mem>>) src(%arg26 : memref<320x64xf32, #tpu.memory_space<vmem>>) dst(%dma_wait3A_273 : memref<320x64xf32, #tpu.memory_space<hbm>>)
      tpu.yield
    }) : () -> ()
    %multiple_of3A_137 = tpu.assume_multiple %mul3A_2, 320 : i32
    %run_scoped3A_138 = arith.constant 1 : i32
    "tpu.region"() ({
      %run_scoped3A_263 = tpu.sem_alloc : memref<!tpu.dma_semaphore, #tpu.memory_space<semaphore_mem>>
      %dma_start3A = arith.constant 0 : i32
      %dma_start3A_264 = tpu.memref_slice %arg9[%run_scoped3A_138, %multiple_of3A_137, %dma_start3A] : memref<4x10240x64xf32, #tpu.memory_space<hbm>> -> memref<1x320x64xf32, #tpu.memory_space<hbm>>
      %dma_start3A_265 = tpu.memref_squeeze %dma_start3A_264 : memref<1x320x64xf32, #tpu.memory_space<hbm>> -> memref<320x64xf32, #tpu.memory_space<hbm>>
      %dma_start3A_266 = arith.constant 0 : i32
      %dma_start3A_267 = tpu.memref_slice %arg9[%run_scoped3A_138, %multiple_of3A_137, %dma_start3A_266] : memref<4x10240x64xf32, #tpu.memory_space<hbm>> -> memref<1x320x64xf32, #tpu.memory_space<hbm>>
      %dma_start3A_268 = tpu.memref_squeeze %dma_start3A_267 : memref<1x320x64xf32, #tpu.memory_space<hbm>> -> memref<320x64xf32, #tpu.memory_space<hbm>>
      tpu.enqueue_dma source(%arg27 : memref<320x64xf32, #tpu.memory_space<vmem>>) target(%dma_start3A_268 : memref<320x64xf32, #tpu.memory_space<hbm>>) target_semaphore(%run_scoped3A_263 : memref<!tpu.dma_semaphore, #tpu.memory_space<semaphore_mem>>)
      %dma_wait3A = arith.constant 0 : i32
      %dma_wait3A_269 = tpu.memref_slice %arg9[%run_scoped3A_138, %multiple_of3A_137, %dma_wait3A] : memref<4x10240x64xf32, #tpu.memory_space<hbm>> -> memref<1x320x64xf32, #tpu.memory_space<hbm>>
      %dma_wait3A_270 = tpu.memref_squeeze %dma_wait3A_269 : memref<1x320x64xf32, #tpu.memory_space<hbm>> -> memref<320x64xf32, #tpu.memory_space<hbm>>
      %dma_wait3A_271 = arith.constant 0 : i32
      %dma_wait3A_272 = tpu.memref_slice %arg9[%run_scoped3A_138, %multiple_of3A_137, %dma_wait3A_271] : memref<4x10240x64xf32, #tpu.memory_space<hbm>> -> memref<1x320x64xf32, #tpu.memory_space<hbm>>
      %dma_wait3A_273 = tpu.memref_squeeze %dma_wait3A_272 : memref<1x320x64xf32, #tpu.memory_space<hbm>> -> memref<320x64xf32, #tpu.memory_space<hbm>>
      tpu.wait_dma2 semaphore(%run_scoped3A_263 : memref<!tpu.dma_semaphore, #tpu.memory_space<semaphore_mem>>) src(%arg27 : memref<320x64xf32, #tpu.memory_space<vmem>>) dst(%dma_wait3A_273 : memref<320x64xf32, #tpu.memory_space<hbm>>)
      tpu.yield
    }) : () -> ()
    %broadcast_in_dim3A_139 = arith.constant 0.000000e+00 : f32
    %broadcast_in_dim3A_140 = vector.broadcast %broadcast_in_dim3A_139 : f32 to vector<16xf32>
    %broadcast_in_dim3A_141 = arith.constant 3.000000e+38 : f32
    %broadcast_in_dim3A_142 = vector.broadcast %broadcast_in_dim3A_141 : f32 to vector<16xf32>
    %scan3A_143 = arith.constant 0 : i32
    %scan3A_144 = arith.constant 0 : i32
    %scan3A_145 = arith.constant 320 : i32
    %scan3A_146 = arith.addi %scan3A_144, %scan3A_145 : i32
    %scan3A_147 = arith.constant 1 : i32
    %scan3A_148 = scf.for %scan3A_263 = %scan3A_144 to %scan3A_146 step %scan3A_147 iter_args(%scan3A_264 = %scan3A_143) -> (i32)  : i32 {
      %swap3A = arith.index_cast %scan3A_263 : i32 to index
      %swap3A_265 = arith.constant 0 : index
      %swap3A_266 = tpu.vector_load %arg24[%swap3A, %swap3A_265] {strides = array<i32>} : memref<320x64xf32, #tpu.memory_space<vmem>>, vector<16xf32>,
      tpu.vector_store %arg24[%swap3A, %swap3A_265], %broadcast_in_dim3A_140 {strides = array<i32>} : memref<320x64xf32, #tpu.memory_space<vmem>>, vector<16xf32>,
      %swap3A_267 = arith.index_cast %scan3A_263 : i32 to index
      %swap3A_268 = arith.constant 0 : index
      %swap3A_269 = tpu.vector_load %arg25[%swap3A_267, %swap3A_268] {strides = array<i32>} : memref<320x64xf32, #tpu.memory_space<vmem>>, vector<16xf32>,
      tpu.vector_store %arg25[%swap3A_267, %swap3A_268], %broadcast_in_dim3A_140 {strides = array<i32>} : memref<320x64xf32, #tpu.memory_space<vmem>>, vector<16xf32>,
      %swap3A_270 = arith.index_cast %scan3A_263 : i32 to index
      %swap3A_271 = arith.constant 0 : index
      %swap3A_272 = tpu.vector_load %arg26[%swap3A_270, %swap3A_271] {strides = array<i32>} : memref<320x64xf32, #tpu.memory_space<vmem>>, vector<16xf32>,
      tpu.vector_store %arg26[%swap3A_270, %swap3A_271], %broadcast_in_dim3A_140 {strides = array<i32>} : memref<320x64xf32, #tpu.memory_space<vmem>>, vector<16xf32>,
      %swap3A_273 = arith.index_cast %scan3A_263 : i32 to index
      %swap3A_274 = arith.constant 0 : index
      %swap3A_275 = tpu.vector_load %arg27[%swap3A_273, %swap3A_274] {strides = array<i32>} : memref<320x64xf32, #tpu.memory_space<vmem>>, vector<16xf32>,
      tpu.vector_store %arg27[%swap3A_273, %swap3A_274], %broadcast_in_dim3A_142 {strides = array<i32>} : memref<320x64xf32, #tpu.memory_space<vmem>>, vector<16xf32>,
      %swap3A_276 = arith.index_cast %scan3A_263 : i32 to index
      %swap3A_277 = arith.constant 16 : index
      %swap3A_278 = tpu.vector_load %arg24[%swap3A_276, %swap3A_277] {strides = array<i32>} : memref<320x64xf32, #tpu.memory_space<vmem>>, vector<16xf32>,
      tpu.vector_store %arg24[%swap3A_276, %swap3A_277], %broadcast_in_dim3A_140 {strides = array<i32>} : memref<320x64xf32, #tpu.memory_space<vmem>>, vector<16xf32>,
      %swap3A_279 = arith.index_cast %scan3A_263 : i32 to index
      %swap3A_280 = arith.constant 16 : index
      %swap3A_281 = tpu.vector_load %arg25[%swap3A_279, %swap3A_280] {strides = array<i32>} : memref<320x64xf32, #tpu.memory_space<vmem>>, vector<16xf32>,
      tpu.vector_store %arg25[%swap3A_279, %swap3A_280], %broadcast_in_dim3A_140 {strides = array<i32>} : memref<320x64xf32, #tpu.memory_space<vmem>>, vector<16xf32>,
      %swap3A_282 = arith.index_cast %scan3A_263 : i32 to index
      %swap3A_283 = arith.constant 16 : index
      %swap3A_284 = tpu.vector_load %arg26[%swap3A_282, %swap3A_283] {strides = array<i32>} : memref<320x64xf32, #tpu.memory_space<vmem>>, vector<16xf32>,
      tpu.vector_store %arg26[%swap3A_282, %swap3A_283], %broadcast_in_dim3A_140 {strides = array<i32>} : memref<320x64xf32, #tpu.memory_space<vmem>>, vector<16xf32>,
      %swap3A_285 = arith.index_cast %scan3A_263 : i32 to index
      %swap3A_286 = arith.constant 16 : index
      %swap3A_287 = tpu.vector_load %arg27[%swap3A_285, %swap3A_286] {strides = array<i32>} : memref<320x64xf32, #tpu.memory_space<vmem>>, vector<16xf32>,
      tpu.vector_store %arg27[%swap3A_285, %swap3A_286], %broadcast_in_dim3A_142 {strides = array<i32>} : memref<320x64xf32, #tpu.memory_space<vmem>>, vector<16xf32>,
      %swap3A_288 = arith.index_cast %scan3A_263 : i32 to index
      %swap3A_289 = arith.constant 32 : index
      %swap3A_290 = tpu.vector_load %arg24[%swap3A_288, %swap3A_289] {strides = array<i32>} : memref<320x64xf32, #tpu.memory_space<vmem>>, vector<16xf32>,
      tpu.vector_store %arg24[%swap3A_288, %swap3A_289], %broadcast_in_dim3A_140 {strides = array<i32>} : memref<320x64xf32, #tpu.memory_space<vmem>>, vector<16xf32>,
      %swap3A_291 = arith.index_cast %scan3A_263 : i32 to index
      %swap3A_292 = arith.constant 32 : index
      %swap3A_293 = tpu.vector_load %arg25[%swap3A_291, %swap3A_292] {strides = array<i32>} : memref<320x64xf32, #tpu.memory_space<vmem>>, vector<16xf32>,
      tpu.vector_store %arg25[%swap3A_291, %swap3A_292], %broadcast_in_dim3A_140 {strides = array<i32>} : memref<320x64xf32, #tpu.memory_space<vmem>>, vector<16xf32>,
      %swap3A_294 = arith.index_cast %scan3A_263 : i32 to index
      %swap3A_295 = arith.constant 32 : index
      %swap3A_296 = tpu.vector_load %arg26[%swap3A_294, %swap3A_295] {strides = array<i32>} : memref<320x64xf32, #tpu.memory_space<vmem>>, vector<16xf32>,
      tpu.vector_store %arg26[%swap3A_294, %swap3A_295], %broadcast_in_dim3A_140 {strides = array<i32>} : memref<320x64xf32, #tpu.memory_space<vmem>>, vector<16xf32>,
      %swap3A_297 = arith.index_cast %scan3A_263 : i32 to index
      %swap3A_298 = arith.constant 32 : index
      %swap3A_299 = tpu.vector_load %arg27[%swap3A_297, %swap3A_298] {strides = array<i32>} : memref<320x64xf32, #tpu.memory_space<vmem>>, vector<16xf32>,
      tpu.vector_store %arg27[%swap3A_297, %swap3A_298], %broadcast_in_dim3A_142 {strides = array<i32>} : memref<320x64xf32, #tpu.memory_space<vmem>>, vector<16xf32>,
      %swap3A_300 = arith.index_cast %scan3A_263 : i32 to index
      %swap3A_301 = arith.constant 48 : index
      %swap3A_302 = tpu.vector_load %arg24[%swap3A_300, %swap3A_301] {strides = array<i32>} : memref<320x64xf32, #tpu.memory_space<vmem>>, vector<16xf32>,
      tpu.vector_store %arg24[%swap3A_300, %swap3A_301], %broadcast_in_dim3A_140 {strides = array<i32>} : memref<320x64xf32, #tpu.memory_space<vmem>>, vector<16xf32>,
      %swap3A_303 = arith.index_cast %scan3A_263 : i32 to index
      %swap3A_304 = arith.constant 48 : index
      %swap3A_305 = tpu.vector_load %arg25[%swap3A_303, %swap3A_304] {strides = array<i32>} : memref<320x64xf32, #tpu.memory_space<vmem>>, vector<16xf32>,
      tpu.vector_store %arg25[%swap3A_303, %swap3A_304], %broadcast_in_dim3A_140 {strides = array<i32>} : memref<320x64xf32, #tpu.memory_space<vmem>>, vector<16xf32>,
      %swap3A_306 = arith.index_cast %scan3A_263 : i32 to index
      %swap3A_307 = arith.constant 48 : index
      %swap3A_308 = tpu.vector_load %arg26[%swap3A_306, %swap3A_307] {strides = array<i32>} : memref<320x64xf32, #tpu.memory_space<vmem>>, vector<16xf32>,
      tpu.vector_store %arg26[%swap3A_306, %swap3A_307], %broadcast_in_dim3A_140 {strides = array<i32>} : memref<320x64xf32, #tpu.memory_space<vmem>>, vector<16xf32>,
      %swap3A_309 = arith.index_cast %scan3A_263 : i32 to index
      %swap3A_310 = arith.constant 48 : index
      %swap3A_311 = tpu.vector_load %arg27[%swap3A_309, %swap3A_310] {strides = array<i32>} : memref<320x64xf32, #tpu.memory_space<vmem>>, vector<16xf32>,
      tpu.vector_store %arg27[%swap3A_309, %swap3A_310], %broadcast_in_dim3A_142 {strides = array<i32>} : memref<320x64xf32, #tpu.memory_space<vmem>>, vector<16xf32>,
      %scan3A_312 = arith.constant 0 : i32
      scf.yield %scan3A_312 : i32
    }
    %scan3A_149 = arith.constant 320 : i32
    %add3A_150 = arith.constant 20480 : i32
    %add3A_151 = arith.addi %add3A_150, %mul3A_2 : i32
    %multiple_of3A_152 = tpu.assume_multiple %add3A_151, 320 : i32
    "tpu.region"() ({
      %run_scoped3A_263 = tpu.sem_alloc : memref<!tpu.dma_semaphore, #tpu.memory_space<semaphore_mem>>
      %dma_start3A = arith.constant 0 : i32
      %dma_start3A_264 = tpu.memref_slice %arg5[%multiple_of3A_152, %dma_start3A] : memref<40960x64xf32, #tpu.memory_space<hbm>> -> memref<320x64xf32, #tpu.memory_space<hbm>>
      %dma_start3A_265 = arith.constant 0 : i32
      %dma_start3A_266 = tpu.memref_slice %arg5[%multiple_of3A_152, %dma_start3A_265] : memref<40960x64xf32, #tpu.memory_space<hbm>> -> memref<320x64xf32, #tpu.memory_space<hbm>>
      tpu.enqueue_dma source(%dma_start3A_266 : memref<320x64xf32, #tpu.memory_space<hbm>>) target(%arg23 : memref<320x64xf32, #tpu.memory_space<vmem>>) target_semaphore(%run_scoped3A_263 : memref<!tpu.dma_semaphore, #tpu.memory_space<semaphore_mem>>)
      %dma_wait3A = arith.constant 0 : i32
      %dma_wait3A_267 = tpu.memref_slice %arg5[%multiple_of3A_152, %dma_wait3A] : memref<40960x64xf32, #tpu.memory_space<hbm>> -> memref<320x64xf32, #tpu.memory_space<hbm>>
      %dma_wait3A_268 = arith.constant 0 : i32
      %dma_wait3A_269 = tpu.memref_slice %arg5[%multiple_of3A_152, %dma_wait3A_268] : memref<40960x64xf32, #tpu.memory_space<hbm>> -> memref<320x64xf32, #tpu.memory_space<hbm>>
      tpu.wait_dma2 semaphore(%run_scoped3A_263 : memref<!tpu.dma_semaphore, #tpu.memory_space<semaphore_mem>>) src(%dma_wait3A_269 : memref<320x64xf32, #tpu.memory_space<hbm>>) dst(%arg23 : memref<320x64xf32, #tpu.memory_space<vmem>>)
      tpu.yield
    }) : () -> ()
    %add3A_153 = arith.constant 256 : i32
    %add3A_154 = arith.addi %add3A_17, %add3A_153 : i32
    %sub3A_155 = arith.constant 1 : i32
    %sub3A_156 = arith.subi %add3A_154, %sub3A_155 : i32
    %jit3A_157 = arith.constant 256 : i32
    %div3A_158 = arith.divsi %sub3A_156, %jit3A_157 : i32
    %sign3A_159 = arith.constant 0 : i32
    %sign3A_160 = arith.cmpi sgt, %sub3A_156, %sign3A_159 : i32
    %sign3A_161 = arith.extui %sign3A_160 : i1 to i32
    %sign3A_162 = arith.constant 0 : i32
    %sign3A_163 = arith.cmpi slt, %sub3A_156, %sign3A_162 : i32
    %sign3A_164 = arith.extui %sign3A_163 : i1 to i32
    %sign3A_165 = arith.subi %sign3A_161, %sign3A_164 : i32
    %sign3A_166 = arith.constant 0 : i32
    %sign3A_167 = arith.cmpi sgt, %jit3A_157, %sign3A_166 : i32
    %sign3A_168 = arith.extui %sign3A_167 : i1 to i32
    %sign3A_169 = arith.constant 0 : i32
    %sign3A_170 = arith.cmpi slt, %jit3A_157, %sign3A_169 : i32
    %sign3A_171 = arith.extui %sign3A_170 : i1 to i32
    %sign3A_172 = arith.subi %sign3A_168, %sign3A_171 : i32
    %ne3A_173 = arith.cmpi ne, %sign3A_165, %sign3A_172 : i32
    %rem3A_174 = arith.remsi %sub3A_156, %jit3A_157 : i32
    %ne3A_175 = arith.constant 0 : i32
    %ne3A_176 = arith.cmpi ne, %rem3A_174, %ne3A_175 : i32
    %and3A_177 = arith.andi %ne3A_173, %ne3A_176 : i1
    %sub3A_178 = arith.constant 1 : i32
    %sub3A_179 = arith.subi %div3A_158, %sub3A_178 : i32
    %select_n3A_180 = arith.select %and3A_177, %sub3A_179, %div3A_158 : i32
    %while3A_181 = arith.constant 0 : i32
    %while3A_182 = arith.constant 0 : i32
    %while3A_183 = arith.subi %select_n3A_180, %while3A_181 : i32
    %while3A_184 = arith.addi %while3A_181, %while3A_183 : i32
    %while3A_185 = arith.constant 1 : i32
    %while3A_186 = arith.divsi %while3A_183, %while3A_185 : i32
    %while3A_187 = arith.muli %while3A_186, %while3A_185 : i32
    %while3A_188 = arith.addi %while3A_181, %while3A_187 : i32
    %while3A_189 = arith.constant 1 : i32
    %while3A_190 = scf.for %while3A_263 = %while3A_181 to %while3A_188 step %while3A_189 iter_args(%while3A_264 = %while3A_182) -> (i32)  : i32 {
      %mul3A_265 = arith.constant 256 : i32
      %mul3A_266 = arith.muli %while3A_263, %mul3A_265 : i32
      %add3A_267 = arith.addi %mul3A_6, %mul3A_266 : i32
      %multiple_of3A_268 = tpu.assume_multiple %add3A_267, 256 : i32
      "tpu.region"() ({
        %run_scoped3A_323 = tpu.sem_alloc : memref<!tpu.dma_semaphore, #tpu.memory_space<semaphore_mem>>
        %dma_start3A_324 = tpu.memref_slice %arg11[%multiple_of3A_268] : memref<5193728xi32, #tpu.memory_space<hbm>> -> memref<256xi32, #tpu.memory_space<hbm>>
        %dma_start3A_325 = tpu.memref_slice %arg11[%multiple_of3A_268] : memref<5193728xi32, #tpu.memory_space<hbm>> -> memref<256xi32, #tpu.memory_space<hbm>>
        tpu.enqueue_dma source(%dma_start3A_325 : memref<256xi32, #tpu.memory_space<hbm>>) target(%arg19 : memref<256xi32, #tpu.memory_space<vmem>>) target_semaphore(%run_scoped3A_323 : memref<!tpu.dma_semaphore, #tpu.memory_space<semaphore_mem>>)
        %dma_wait3A_326 = tpu.memref_slice %arg11[%multiple_of3A_268] : memref<5193728xi32, #tpu.memory_space<hbm>> -> memref<256xi32, #tpu.memory_space<hbm>>
        %dma_wait3A_327 = tpu.memref_slice %arg11[%multiple_of3A_268] : memref<5193728xi32, #tpu.memory_space<hbm>> -> memref<256xi32, #tpu.memory_space<hbm>>
        tpu.wait_dma2 semaphore(%run_scoped3A_323 : memref<!tpu.dma_semaphore, #tpu.memory_space<semaphore_mem>>) src(%dma_wait3A_327 : memref<256xi32, #tpu.memory_space<hbm>>) dst(%arg19 : memref<256xi32, #tpu.memory_space<vmem>>)
        tpu.yield
      }) : () -> ()
      %add3A_269 = arith.addi %mul3A_6, %mul3A_266 : i32
      %multiple_of3A_270 = tpu.assume_multiple %add3A_269, 256 : i32
      "tpu.region"() ({
        %run_scoped3A_323 = tpu.sem_alloc : memref<!tpu.dma_semaphore, #tpu.memory_space<semaphore_mem>>
        %dma_start3A_324 = arith.constant 0 : i32
        %dma_start3A_325 = tpu.memref_slice %arg20[%dma_start3A_324] : memref<272xi32, #tpu.memory_space<vmem>> -> memref<256xi32, #tpu.memory_space<vmem>>
        %dma_start3A_326 = tpu.memref_slice %arg12[%multiple_of3A_270] : memref<5193728xi32, #tpu.memory_space<hbm>> -> memref<256xi32, #tpu.memory_space<hbm>>
        %dma_start3A_327 = arith.constant 0 : i32
        %dma_start3A_328 = tpu.memref_slice %arg20[%dma_start3A_327] : memref<272xi32, #tpu.memory_space<vmem>> -> memref<256xi32, #tpu.memory_space<vmem>>
        %dma_start3A_329 = tpu.memref_slice %arg12[%multiple_of3A_270] : memref<5193728xi32, #tpu.memory_space<hbm>> -> memref<256xi32, #tpu.memory_space<hbm>>
        tpu.enqueue_dma source(%dma_start3A_329 : memref<256xi32, #tpu.memory_space<hbm>>) target(%dma_start3A_328 : memref<256xi32, #tpu.memory_space<vmem>>) target_semaphore(%run_scoped3A_323 : memref<!tpu.dma_semaphore, #tpu.memory_space<semaphore_mem>>)
        %dma_wait3A_330 = arith.constant 0 : i32
        %dma_wait3A_331 = tpu.memref_slice %arg20[%dma_wait3A_330] : memref<272xi32, #tpu.memory_space<vmem>> -> memref<256xi32, #tpu.memory_space<vmem>>
        %dma_wait3A_332 = tpu.memref_slice %arg12[%multiple_of3A_270] : memref<5193728xi32, #tpu.memory_space<hbm>> -> memref<256xi32, #tpu.memory_space<hbm>>
        %dma_wait3A_333 = arith.constant 0 : i32
        %dma_wait3A_334 = tpu.memref_slice %arg20[%dma_wait3A_333] : memref<272xi32, #tpu.memory_space<vmem>> -> memref<256xi32, #tpu.memory_space<vmem>>
        %dma_wait3A_335 = tpu.memref_slice %arg12[%multiple_of3A_270] : memref<5193728xi32, #tpu.memory_space<hbm>> -> memref<256xi32, #tpu.memory_space<hbm>>
        tpu.wait_dma2 semaphore(%run_scoped3A_323 : memref<!tpu.dma_semaphore, #tpu.memory_space<semaphore_mem>>) src(%dma_wait3A_335 : memref<256xi32, #tpu.memory_space<hbm>>) dst(%dma_wait3A_334 : memref<256xi32, #tpu.memory_space<vmem>>)
        tpu.yield
      }) : () -> ()
      %scan3A_271 = arith.constant 0 : i32
      %scan3A_272 = arith.constant 0 : i32
      %scan3A_273 = arith.constant 16 : i32
      %scan3A_274 = arith.addi %scan3A_272, %scan3A_273 : i32
      %scan3A_275 = arith.constant 1 : i32
      %scan3A_276 = scf.for %scan3A_323 = %scan3A_272 to %scan3A_274 step %scan3A_275 iter_args(%scan3A_324 = %scan3A_271) -> (i32)  : i32 {
        %mul3A_325 = arith.constant 16 : i32
        %mul3A_326 = arith.muli %scan3A_323, %mul3A_325 : i32
        %get3A = arith.index_cast %mul3A_326 : i32 to index
        %get3A_327 = tpu.vector_load %arg19[%get3A] {strides = array<i32>} : memref<256xi32, #tpu.memory_space<vmem>>, vector<16xi32>,
        %jit3A_328 = arith.constant 0 : i32
        %jit3A_329 = arith.constant 10239 : i32
        %max3A = vector.broadcast %jit3A_328 : i32 to vector<16xi32>
        %max3A_330 = arith.maxsi %max3A, %get3A_327 : vector<16xi32>
        %min3A_331 = vector.broadcast %jit3A_329 : i32 to vector<16xi32>
        %min3A_332 = arith.minsi %min3A_331, %max3A_330 : vector<16xi32>
        %add3A_333 = arith.constant 20480 : i32
        %add3A_334 = vector.broadcast %add3A_333 : i32 to vector<16xi32>
        %add3A_335 = arith.addi %min3A_332, %add3A_334 : vector<16xi32>
        %mul3A_336 = arith.constant 16 : i32
        %mul3A_337 = arith.muli %scan3A_323, %mul3A_336 : i32
        %swap3A = arith.index_cast %mul3A_337 : i32 to index
        %swap3A_338 = tpu.vector_load %arg21[%swap3A] {strides = array<i32>} : memref<256xi32, #tpu.memory_space<vmem>>, vector<16xi32>,
        tpu.vector_store %arg21[%swap3A], %add3A_335 {strides = array<i32>} : memref<256xi32, #tpu.memory_space<vmem>>, vector<16xi32>,
        %scan3A_339 = arith.constant 0 : i32
        scf.yield %scan3A_339 : i32
      }
      %scan3A_277 = arith.constant 16 : i32
      %sub3A_278 = arith.subi %add3A_17, %mul3A_266 : i32
      %min3A = arith.constant 256 : i32
      %min3A_279 = arith.minsi %min3A, %sub3A_278 : i32
      %dma_start3A = arith.constant 0 : i32
      %dma_start3A_280 = arith.constant 0 : i32
      %dma_start3A_281 = tpu.memref_slice %arg22[%dma_start3A, %dma_start3A_280] : memref<256x64xf32, #tpu.memory_space<vmem>> -> memref<128x64xf32, #tpu.memory_space<vmem>>
      %dma_start3A_282 = arith.constant 0 : i32
      %dma_start3A_283 = tpu.memref_slice %arg21[%dma_start3A_282] : memref<256xi32, #tpu.memory_space<vmem>> -> memref<128xi32, #tpu.memory_space<vmem>>
      %dma_start3A_284 = arith.constant 0 : i32
      %dma_start3A_285 = arith.constant 0 : i32
      %dma_start3A_286 = tpu.memref_slice %arg4[%dma_start3A_284, %dma_start3A_285] : memref<40960x64xf32, #tpu.memory_space<hbm>> -> memref<40960x64xf32, #tpu.memory_space<hbm>>
      tpu.enqueue_indirect_dma source(%dma_start3A_286 : memref<40960x64xf32, #tpu.memory_space<hbm>>) target(%dma_start3A_281 : memref<128x64xf32, #tpu.memory_space<vmem>>) offsets(%dma_start3A_283 : memref<128xi32, #tpu.memory_space<vmem>>) semaphore(%arg29 : memref<!tpu.dma_semaphore, #tpu.memory_space<semaphore_mem>>)
      %dma_start3A_287 = arith.constant 128 : i32
      %dma_start3A_288 = arith.constant 0 : i32
      %dma_start3A_289 = tpu.memref_slice %arg22[%dma_start3A_287, %dma_start3A_288] : memref<256x64xf32, #tpu.memory_space<vmem>> -> memref<128x64xf32, #tpu.memory_space<vmem>>
      %dma_start3A_290 = arith.constant 128 : i32
      %dma_start3A_291 = tpu.memref_slice %arg21[%dma_start3A_290] : memref<256xi32, #tpu.memory_space<vmem>> -> memref<128xi32, #tpu.memory_space<vmem>>
      %dma_start3A_292 = arith.constant 0 : i32
      %dma_start3A_293 = arith.constant 0 : i32
      %dma_start3A_294 = tpu.memref_slice %arg4[%dma_start3A_292, %dma_start3A_293] : memref<40960x64xf32, #tpu.memory_space<hbm>> -> memref<40960x64xf32, #tpu.memory_space<hbm>>
      tpu.enqueue_indirect_dma source(%dma_start3A_294 : memref<40960x64xf32, #tpu.memory_space<hbm>>) target(%dma_start3A_289 : memref<128x64xf32, #tpu.memory_space<vmem>>) offsets(%dma_start3A_291 : memref<128xi32, #tpu.memory_space<vmem>>) semaphore(%arg29 : memref<!tpu.dma_semaphore, #tpu.memory_space<semaphore_mem>>)
      %dma_wait3A = arith.constant 0 : i32
      %dma_wait3A_295 = arith.constant 0 : i32
      %dma_wait3A_296 = tpu.memref_slice %arg22[%dma_wait3A, %dma_wait3A_295] : memref<256x64xf32, #tpu.memory_space<vmem>> -> memref<128x64xf32, #tpu.memory_space<vmem>>
      %dma_wait3A_297 = arith.constant 0 : i32
      %dma_wait3A_298 = tpu.memref_slice %arg21[%dma_wait3A_297] : memref<256xi32, #tpu.memory_space<vmem>> -> memref<128xi32, #tpu.memory_space<vmem>>
      %dma_wait3A_299 = arith.constant 0 : i32
      %dma_wait3A_300 = arith.constant 0 : i32
      %dma_wait3A_301 = tpu.memref_slice %arg4[%dma_wait3A_299, %dma_wait3A_300] : memref<40960x64xf32, #tpu.memory_space<hbm>> -> memref<40960x64xf32, #tpu.memory_space<hbm>>
      tpu.wait_indirect_dma semaphore(%arg29 : memref<!tpu.dma_semaphore, #tpu.memory_space<semaphore_mem>>) src(%dma_wait3A_301 : memref<40960x64xf32, #tpu.memory_space<hbm>>) dst(%dma_wait3A_296 : memref<128x64xf32, #tpu.memory_space<vmem>>)
      %dma_wait3A_302 = arith.constant 128 : i32
      %dma_wait3A_303 = arith.constant 0 : i32
      %dma_wait3A_304 = tpu.memref_slice %arg22[%dma_wait3A_302, %dma_wait3A_303] : memref<256x64xf32, #tpu.memory_space<vmem>> -> memref<128x64xf32, #tpu.memory_space<vmem>>
      %dma_wait3A_305 = arith.constant 128 : i32
      %dma_wait3A_306 = tpu.memref_slice %arg21[%dma_wait3A_305] : memref<256xi32, #tpu.memory_space<vmem>> -> memref<128xi32, #tpu.memory_space<vmem>>
      %dma_wait3A_307 = arith.constant 0 : i32
      %dma_wait3A_308 = arith.constant 0 : i32
      %dma_wait3A_309 = tpu.memref_slice %arg4[%dma_wait3A_307, %dma_wait3A_308] : memref<40960x64xf32, #tpu.memory_space<hbm>> -> memref<40960x64xf32, #tpu.memory_space<hbm>>
      tpu.wait_indirect_dma semaphore(%arg29 : memref<!tpu.dma_semaphore, #tpu.memory_space<semaphore_mem>>) src(%dma_wait3A_309 : memref<40960x64xf32, #tpu.memory_space<hbm>>) dst(%dma_wait3A_304 : memref<128x64xf32, #tpu.memory_space<vmem>>)
      %while3A_310 = arith.constant 0 : i32
      %while3A_311 = arith.constant 0 : i32
      %while3A_312 = arith.subi %min3A_279, %while3A_310 : i32
      %while3A_313 = arith.addi %while3A_310, %while3A_312 : i32
      %while3A_314 = arith.constant 1 : i32
      %while3A_315 = arith.divsi %while3A_312, %while3A_314 : i32
      %while3A_316 = arith.muli %while3A_315, %while3A_314 : i32
      %while3A_317 = arith.addi %while3A_310, %while3A_316 : i32
      %while3A_318 = arith.constant 1 : i32
      %while3A_319 = scf.for %while3A_323 = %while3A_310 to %while3A_317 step %while3A_318 iter_args(%while3A_324 = %while3A_311) -> (i32)  : i32 {
        %get3A = arith.index_cast %while3A_323 : i32 to index
        %get3A_325 = tpu.vector_load %arg20[%get3A] {strides = array<i32>} : memref<272xi32, #tpu.memory_space<vmem>>, vector<16xi32>,
        %slice3A = vector.extract_strided_slice %get3A_325 {offsets = [0], sizes = [1], strides = [1]} : vector<16xi32> to vector<1xi32>
        %squeeze3A = vector.extract %slice3A[0] : i32 from vector<1xi32>
        %get3A_326 = arith.index_cast %while3A_323 : i32 to index
        %get3A_327 = arith.constant 0 : index
        %get3A_328 = tpu.vector_load %arg22[%get3A_326, %get3A_327] {strides = array<i32>} : memref<256x64xf32, #tpu.memory_space<vmem>>, vector<16xf32>,
        %get3A_329 = arith.index_cast %squeeze3A : i32 to index
        %get3A_330 = arith.constant 0 : index
        %get3A_331 = tpu.vector_load %arg23[%get3A_329, %get3A_330] {strides = array<i32>} : memref<320x64xf32, #tpu.memory_space<vmem>>, vector<16xf32>,
        %add3A_332 = arith.addf %get3A_328, %get3A_331 : vector<16xf32>
        %max3A = arith.constant 0.000000e+00 : f32
        %max3A_333 = vector.broadcast %max3A : f32 to vector<16xf32>
        %max3A_334 = arith.maximumf %add3A_332, %max3A_333 : vector<16xf32>
        %swap3A = arith.index_cast %squeeze3A : i32 to index
        %swap3A_335 = arith.constant 0 : index
        %swap3A_336 = tpu.vector_load %arg24[%swap3A, %swap3A_335] {strides = array<i32>} : memref<320x64xf32, #tpu.memory_space<vmem>>, vector<16xf32>,
        tpu.vector_store %arg24[%swap3A, %swap3A_335], %max3A_334 {add = true, strides = array<i32>} : memref<320x64xf32, #tpu.memory_space<vmem>>, vector<16xf32>,
        %mul3A_337 = arith.mulf %max3A_334, %max3A_334 : vector<16xf32>
        %swap3A_338 = arith.index_cast %squeeze3A : i32 to index
        %swap3A_339 = arith.constant 0 : index
        %swap3A_340 = tpu.vector_load %arg25[%swap3A_338, %swap3A_339] {strides = array<i32>} : memref<320x64xf32, #tpu.memory_space<vmem>>, vector<16xf32>,
        tpu.vector_store %arg25[%swap3A_338, %swap3A_339], %mul3A_337 {add = true, strides = array<i32>} : memref<320x64xf32, #tpu.memory_space<vmem>>, vector<16xf32>,
        %get3A_341 = arith.index_cast %squeeze3A : i32 to index
        %get3A_342 = arith.constant 0 : index
        %get3A_343 = tpu.vector_load %arg26[%get3A_341, %get3A_342] {strides = array<i32>} : memref<320x64xf32, #tpu.memory_space<vmem>>, vector<16xf32>,
        %max3A_344 = arith.maximumf %get3A_343, %max3A_334 : vector<16xf32>
        %swap3A_345 = arith.index_cast %squeeze3A : i32 to index
        %swap3A_346 = arith.constant 0 : index
        %swap3A_347 = tpu.vector_load %arg26[%swap3A_345, %swap3A_346] {strides = array<i32>} : memref<320x64xf32, #tpu.memory_space<vmem>>, vector<16xf32>,
        tpu.vector_store %arg26[%swap3A_345, %swap3A_346], %max3A_344 {strides = array<i32>} : memref<320x64xf32, #tpu.memory_space<vmem>>, vector<16xf32>,
        %get3A_348 = arith.index_cast %squeeze3A : i32 to index
        %get3A_349 = arith.constant 0 : index
        %get3A_350 = tpu.vector_load %arg27[%get3A_348, %get3A_349] {strides = array<i32>} : memref<320x64xf32, #tpu.memory_space<vmem>>, vector<16xf32>,
        %min3A_351 = arith.minimumf %get3A_350, %max3A_334 : vector<16xf32>
        %swap3A_352 = arith.index_cast %squeeze3A : i32 to index
        %swap3A_353 = arith.constant 0 : index
        %swap3A_354 = tpu.vector_load %arg27[%swap3A_352, %swap3A_353] {strides = array<i32>} : memref<320x64xf32, #tpu.memory_space<vmem>>, vector<16xf32>,
        tpu.vector_store %arg27[%swap3A_352, %swap3A_353], %min3A_351 {strides = array<i32>} : memref<320x64xf32, #tpu.memory_space<vmem>>, vector<16xf32>,
        %get3A_355 = arith.index_cast %while3A_323 : i32 to index
        %get3A_356 = arith.constant 16 : index
        %get3A_357 = tpu.vector_load %arg22[%get3A_355, %get3A_356] {strides = array<i32>} : memref<256x64xf32, #tpu.memory_space<vmem>>, vector<16xf32>,
        %get3A_358 = arith.index_cast %squeeze3A : i32 to index
        %get3A_359 = arith.constant 16 : index
        %get3A_360 = tpu.vector_load %arg23[%get3A_358, %get3A_359] {strides = array<i32>} : memref<320x64xf32, #tpu.memory_space<vmem>>, vector<16xf32>,
        %add3A_361 = arith.addf %get3A_357, %get3A_360 : vector<16xf32>
        %max3A_362 = arith.constant 0.000000e+00 : f32
        %max3A_363 = vector.broadcast %max3A_362 : f32 to vector<16xf32>
        %max3A_364 = arith.maximumf %add3A_361, %max3A_363 : vector<16xf32>
        %swap3A_365 = arith.index_cast %squeeze3A : i32 to index
        %swap3A_366 = arith.constant 16 : index
        %swap3A_367 = tpu.vector_load %arg24[%swap3A_365, %swap3A_366] {strides = array<i32>} : memref<320x64xf32, #tpu.memory_space<vmem>>, vector<16xf32>,
        tpu.vector_store %arg24[%swap3A_365, %swap3A_366], %max3A_364 {add = true, strides = array<i32>} : memref<320x64xf32, #tpu.memory_space<vmem>>, vector<16xf32>,
        %mul3A_368 = arith.mulf %max3A_364, %max3A_364 : vector<16xf32>
        %swap3A_369 = arith.index_cast %squeeze3A : i32 to index
        %swap3A_370 = arith.constant 16 : index
        %swap3A_371 = tpu.vector_load %arg25[%swap3A_369, %swap3A_370] {strides = array<i32>} : memref<320x64xf32, #tpu.memory_space<vmem>>, vector<16xf32>,
        tpu.vector_store %arg25[%swap3A_369, %swap3A_370], %mul3A_368 {add = true, strides = array<i32>} : memref<320x64xf32, #tpu.memory_space<vmem>>, vector<16xf32>,
        %get3A_372 = arith.index_cast %squeeze3A : i32 to index
        %get3A_373 = arith.constant 16 : index
        %get3A_374 = tpu.vector_load %arg26[%get3A_372, %get3A_373] {strides = array<i32>} : memref<320x64xf32, #tpu.memory_space<vmem>>, vector<16xf32>,
        %max3A_375 = arith.maximumf %get3A_374, %max3A_364 : vector<16xf32>
        %swap3A_376 = arith.index_cast %squeeze3A : i32 to index
        %swap3A_377 = arith.constant 16 : index
        %swap3A_378 = tpu.vector_load %arg26[%swap3A_376, %swap3A_377] {strides = array<i32>} : memref<320x64xf32, #tpu.memory_space<vmem>>, vector<16xf32>,
        tpu.vector_store %arg26[%swap3A_376, %swap3A_377], %max3A_375 {strides = array<i32>} : memref<320x64xf32, #tpu.memory_space<vmem>>, vector<16xf32>,
        %get3A_379 = arith.index_cast %squeeze3A : i32 to index
        %get3A_380 = arith.constant 16 : index
        %get3A_381 = tpu.vector_load %arg27[%get3A_379, %get3A_380] {strides = array<i32>} : memref<320x64xf32, #tpu.memory_space<vmem>>, vector<16xf32>,
        %min3A_382 = arith.minimumf %get3A_381, %max3A_364 : vector<16xf32>
        %swap3A_383 = arith.index_cast %squeeze3A : i32 to index
        %swap3A_384 = arith.constant 16 : index
        %swap3A_385 = tpu.vector_load %arg27[%swap3A_383, %swap3A_384] {strides = array<i32>} : memref<320x64xf32, #tpu.memory_space<vmem>>, vector<16xf32>,
        tpu.vector_store %arg27[%swap3A_383, %swap3A_384], %min3A_382 {strides = array<i32>} : memref<320x64xf32, #tpu.memory_space<vmem>>, vector<16xf32>,
        %get3A_386 = arith.index_cast %while3A_323 : i32 to index
        %get3A_387 = arith.constant 32 : index
        %get3A_388 = tpu.vector_load %arg22[%get3A_386, %get3A_387] {strides = array<i32>} : memref<256x64xf32, #tpu.memory_space<vmem>>, vector<16xf32>,
        %get3A_389 = arith.index_cast %squeeze3A : i32 to index
        %get3A_390 = arith.constant 32 : index
        %get3A_391 = tpu.vector_load %arg23[%get3A_389, %get3A_390] {strides = array<i32>} : memref<320x64xf32, #tpu.memory_space<vmem>>, vector<16xf32>,
        %add3A_392 = arith.addf %get3A_388, %get3A_391 : vector<16xf32>
        %max3A_393 = arith.constant 0.000000e+00 : f32
        %max3A_394 = vector.broadcast %max3A_393 : f32 to vector<16xf32>
        %max3A_395 = arith.maximumf %add3A_392, %max3A_394 : vector<16xf32>
        %swap3A_396 = arith.index_cast %squeeze3A : i32 to index
        %swap3A_397 = arith.constant 32 : index
        %swap3A_398 = tpu.vector_load %arg24[%swap3A_396, %swap3A_397] {strides = array<i32>} : memref<320x64xf32, #tpu.memory_space<vmem>>, vector<16xf32>,
        tpu.vector_store %arg24[%swap3A_396, %swap3A_397], %max3A_395 {add = true, strides = array<i32>} : memref<320x64xf32, #tpu.memory_space<vmem>>, vector<16xf32>,
        %mul3A_399 = arith.mulf %max3A_395, %max3A_395 : vector<16xf32>
        %swap3A_400 = arith.index_cast %squeeze3A : i32 to index
        %swap3A_401 = arith.constant 32 : index
        %swap3A_402 = tpu.vector_load %arg25[%swap3A_400, %swap3A_401] {strides = array<i32>} : memref<320x64xf32, #tpu.memory_space<vmem>>, vector<16xf32>,
        tpu.vector_store %arg25[%swap3A_400, %swap3A_401], %mul3A_399 {add = true, strides = array<i32>} : memref<320x64xf32, #tpu.memory_space<vmem>>, vector<16xf32>,
        %get3A_403 = arith.index_cast %squeeze3A : i32 to index
        %get3A_404 = arith.constant 32 : index
        %get3A_405 = tpu.vector_load %arg26[%get3A_403, %get3A_404] {strides = array<i32>} : memref<320x64xf32, #tpu.memory_space<vmem>>, vector<16xf32>,
        %max3A_406 = arith.maximumf %get3A_405, %max3A_395 : vector<16xf32>
        %swap3A_407 = arith.index_cast %squeeze3A : i32 to index
        %swap3A_408 = arith.constant 32 : index
        %swap3A_409 = tpu.vector_load %arg26[%swap3A_407, %swap3A_408] {strides = array<i32>} : memref<320x64xf32, #tpu.memory_space<vmem>>, vector<16xf32>,
        tpu.vector_store %arg26[%swap3A_407, %swap3A_408], %max3A_406 {strides = array<i32>} : memref<320x64xf32, #tpu.memory_space<vmem>>, vector<16xf32>,
        %get3A_410 = arith.index_cast %squeeze3A : i32 to index
        %get3A_411 = arith.constant 32 : index
        %get3A_412 = tpu.vector_load %arg27[%get3A_410, %get3A_411] {strides = array<i32>} : memref<320x64xf32, #tpu.memory_space<vmem>>, vector<16xf32>,
        %min3A_413 = arith.minimumf %get3A_412, %max3A_395 : vector<16xf32>
        %swap3A_414 = arith.index_cast %squeeze3A : i32 to index
        %swap3A_415 = arith.constant 32 : index
        %swap3A_416 = tpu.vector_load %arg27[%swap3A_414, %swap3A_415] {strides = array<i32>} : memref<320x64xf32, #tpu.memory_space<vmem>>, vector<16xf32>,
        tpu.vector_store %arg27[%swap3A_414, %swap3A_415], %min3A_413 {strides = array<i32>} : memref<320x64xf32, #tpu.memory_space<vmem>>, vector<16xf32>,
        %get3A_417 = arith.index_cast %while3A_323 : i32 to index
        %get3A_418 = arith.constant 48 : index
        %get3A_419 = tpu.vector_load %arg22[%get3A_417, %get3A_418] {strides = array<i32>} : memref<256x64xf32, #tpu.memory_space<vmem>>, vector<16xf32>,
        %get3A_420 = arith.index_cast %squeeze3A : i32 to index
        %get3A_421 = arith.constant 48 : index
        %get3A_422 = tpu.vector_load %arg23[%get3A_420, %get3A_421] {strides = array<i32>} : memref<320x64xf32, #tpu.memory_space<vmem>>, vector<16xf32>,
        %add3A_423 = arith.addf %get3A_419, %get3A_422 : vector<16xf32>
        %max3A_424 = arith.constant 0.000000e+00 : f32
        %max3A_425 = vector.broadcast %max3A_424 : f32 to vector<16xf32>
        %max3A_426 = arith.maximumf %add3A_423, %max3A_425 : vector<16xf32>
        %swap3A_427 = arith.index_cast %squeeze3A : i32 to index
        %swap3A_428 = arith.constant 48 : index
        %swap3A_429 = tpu.vector_load %arg24[%swap3A_427, %swap3A_428] {strides = array<i32>} : memref<320x64xf32, #tpu.memory_space<vmem>>, vector<16xf32>,
        tpu.vector_store %arg24[%swap3A_427, %swap3A_428], %max3A_426 {add = true, strides = array<i32>} : memref<320x64xf32, #tpu.memory_space<vmem>>, vector<16xf32>,
        %mul3A_430 = arith.mulf %max3A_426, %max3A_426 : vector<16xf32>
        %swap3A_431 = arith.index_cast %squeeze3A : i32 to index
        %swap3A_432 = arith.constant 48 : index
        %swap3A_433 = tpu.vector_load %arg25[%swap3A_431, %swap3A_432] {strides = array<i32>} : memref<320x64xf32, #tpu.memory_space<vmem>>, vector<16xf32>,
        tpu.vector_store %arg25[%swap3A_431, %swap3A_432], %mul3A_430 {add = true, strides = array<i32>} : memref<320x64xf32, #tpu.memory_space<vmem>>, vector<16xf32>,
        %get3A_434 = arith.index_cast %squeeze3A : i32 to index
        %get3A_435 = arith.constant 48 : index
        %get3A_436 = tpu.vector_load %arg26[%get3A_434, %get3A_435] {strides = array<i32>} : memref<320x64xf32, #tpu.memory_space<vmem>>, vector<16xf32>,
        %max3A_437 = arith.maximumf %get3A_436, %max3A_426 : vector<16xf32>
        %swap3A_438 = arith.index_cast %squeeze3A : i32 to index
        %swap3A_439 = arith.constant 48 : index
        %swap3A_440 = tpu.vector_load %arg26[%swap3A_438, %swap3A_439] {strides = array<i32>} : memref<320x64xf32, #tpu.memory_space<vmem>>, vector<16xf32>,
        tpu.vector_store %arg26[%swap3A_438, %swap3A_439], %max3A_437 {strides = array<i32>} : memref<320x64xf32, #tpu.memory_space<vmem>>, vector<16xf32>,
        %get3A_441 = arith.index_cast %squeeze3A : i32 to index
        %get3A_442 = arith.constant 48 : index
        %get3A_443 = tpu.vector_load %arg27[%get3A_441, %get3A_442] {strides = array<i32>} : memref<320x64xf32, #tpu.memory_space<vmem>>, vector<16xf32>,
        %min3A_444 = arith.minimumf %get3A_443, %max3A_426 : vector<16xf32>
        %swap3A_445 = arith.index_cast %squeeze3A : i32 to index
        %swap3A_446 = arith.constant 48 : index
        %swap3A_447 = tpu.vector_load %arg27[%swap3A_445, %swap3A_446] {strides = array<i32>} : memref<320x64xf32, #tpu.memory_space<vmem>>, vector<16xf32>,
        tpu.vector_store %arg27[%swap3A_445, %swap3A_446], %min3A_444 {strides = array<i32>} : memref<320x64xf32, #tpu.memory_space<vmem>>, vector<16xf32>,
        %while3A_448 = arith.constant 0 : i32
        scf.yield %while3A_448 : i32
      }
      %while3A_320 = arith.constant 1 : i32
      %while3A_321 = scf.for %while3A_323 = %while3A_317 to %while3A_313 step %while3A_320 iter_args(%while3A_324 = %while3A_319) -> (i32)  : i32 {
        %get3A = arith.index_cast %while3A_323 : i32 to index
        %get3A_325 = tpu.vector_load %arg20[%get3A] {strides = array<i32>} : memref<272xi32, #tpu.memory_space<vmem>>, vector<16xi32>,
        %slice3A = vector.extract_strided_slice %get3A_325 {offsets = [0], sizes = [1], strides = [1]} : vector<16xi32> to vector<1xi32>
        %squeeze3A = vector.extract %slice3A[0] : i32 from vector<1xi32>
        %get3A_326 = arith.index_cast %while3A_323 : i32 to index
        %get3A_327 = arith.constant 0 : index
        %get3A_328 = tpu.vector_load %arg22[%get3A_326, %get3A_327] {strides = array<i32>} : memref<256x64xf32, #tpu.memory_space<vmem>>, vector<16xf32>,
        %get3A_329 = arith.index_cast %squeeze3A : i32 to index
        %get3A_330 = arith.constant 0 : index
        %get3A_331 = tpu.vector_load %arg23[%get3A_329, %get3A_330] {strides = array<i32>} : memref<320x64xf32, #tpu.memory_space<vmem>>, vector<16xf32>,
        %add3A_332 = arith.addf %get3A_328, %get3A_331 : vector<16xf32>
        %max3A = arith.constant 0.000000e+00 : f32
        %max3A_333 = vector.broadcast %max3A : f32 to vector<16xf32>
        %max3A_334 = arith.maximumf %add3A_332, %max3A_333 : vector<16xf32>
        %swap3A = arith.index_cast %squeeze3A : i32 to index
        %swap3A_335 = arith.constant 0 : index
        %swap3A_336 = tpu.vector_load %arg24[%swap3A, %swap3A_335] {strides = array<i32>} : memref<320x64xf32, #tpu.memory_space<vmem>>, vector<16xf32>,
        tpu.vector_store %arg24[%swap3A, %swap3A_335], %max3A_334 {add = true, strides = array<i32>} : memref<320x64xf32, #tpu.memory_space<vmem>>, vector<16xf32>,
        %mul3A_337 = arith.mulf %max3A_334, %max3A_334 : vector<16xf32>
        %swap3A_338 = arith.index_cast %squeeze3A : i32 to index
        %swap3A_339 = arith.constant 0 : index
        %swap3A_340 = tpu.vector_load %arg25[%swap3A_338, %swap3A_339] {strides = array<i32>} : memref<320x64xf32, #tpu.memory_space<vmem>>, vector<16xf32>,
        tpu.vector_store %arg25[%swap3A_338, %swap3A_339], %mul3A_337 {add = true, strides = array<i32>} : memref<320x64xf32, #tpu.memory_space<vmem>>, vector<16xf32>,
        %get3A_341 = arith.index_cast %squeeze3A : i32 to index
        %get3A_342 = arith.constant 0 : index
        %get3A_343 = tpu.vector_load %arg26[%get3A_341, %get3A_342] {strides = array<i32>} : memref<320x64xf32, #tpu.memory_space<vmem>>, vector<16xf32>,
        %max3A_344 = arith.maximumf %get3A_343, %max3A_334 : vector<16xf32>
        %swap3A_345 = arith.index_cast %squeeze3A : i32 to index
        %swap3A_346 = arith.constant 0 : index
        %swap3A_347 = tpu.vector_load %arg26[%swap3A_345, %swap3A_346] {strides = array<i32>} : memref<320x64xf32, #tpu.memory_space<vmem>>, vector<16xf32>,
        tpu.vector_store %arg26[%swap3A_345, %swap3A_346], %max3A_344 {strides = array<i32>} : memref<320x64xf32, #tpu.memory_space<vmem>>, vector<16xf32>,
        %get3A_348 = arith.index_cast %squeeze3A : i32 to index
        %get3A_349 = arith.constant 0 : index
        %get3A_350 = tpu.vector_load %arg27[%get3A_348, %get3A_349] {strides = array<i32>} : memref<320x64xf32, #tpu.memory_space<vmem>>, vector<16xf32>,
        %min3A_351 = arith.minimumf %get3A_350, %max3A_334 : vector<16xf32>
        %swap3A_352 = arith.index_cast %squeeze3A : i32 to index
        %swap3A_353 = arith.constant 0 : index
        %swap3A_354 = tpu.vector_load %arg27[%swap3A_352, %swap3A_353] {strides = array<i32>} : memref<320x64xf32, #tpu.memory_space<vmem>>, vector<16xf32>,
        tpu.vector_store %arg27[%swap3A_352, %swap3A_353], %min3A_351 {strides = array<i32>} : memref<320x64xf32, #tpu.memory_space<vmem>>, vector<16xf32>,
        %get3A_355 = arith.index_cast %while3A_323 : i32 to index
        %get3A_356 = arith.constant 16 : index
        %get3A_357 = tpu.vector_load %arg22[%get3A_355, %get3A_356] {strides = array<i32>} : memref<256x64xf32, #tpu.memory_space<vmem>>, vector<16xf32>,
        %get3A_358 = arith.index_cast %squeeze3A : i32 to index
        %get3A_359 = arith.constant 16 : index
        %get3A_360 = tpu.vector_load %arg23[%get3A_358, %get3A_359] {strides = array<i32>} : memref<320x64xf32, #tpu.memory_space<vmem>>, vector<16xf32>,
        %add3A_361 = arith.addf %get3A_357, %get3A_360 : vector<16xf32>
        %max3A_362 = arith.constant 0.000000e+00 : f32
        %max3A_363 = vector.broadcast %max3A_362 : f32 to vector<16xf32>
        %max3A_364 = arith.maximumf %add3A_361, %max3A_363 : vector<16xf32>
        %swap3A_365 = arith.index_cast %squeeze3A : i32 to index
        %swap3A_366 = arith.constant 16 : index
        %swap3A_367 = tpu.vector_load %arg24[%swap3A_365, %swap3A_366] {strides = array<i32>} : memref<320x64xf32, #tpu.memory_space<vmem>>, vector<16xf32>,
        tpu.vector_store %arg24[%swap3A_365, %swap3A_366], %max3A_364 {add = true, strides = array<i32>} : memref<320x64xf32, #tpu.memory_space<vmem>>, vector<16xf32>,
        %mul3A_368 = arith.mulf %max3A_364, %max3A_364 : vector<16xf32>
        %swap3A_369 = arith.index_cast %squeeze3A : i32 to index
        %swap3A_370 = arith.constant 16 : index
        %swap3A_371 = tpu.vector_load %arg25[%swap3A_369, %swap3A_370] {strides = array<i32>} : memref<320x64xf32, #tpu.memory_space<vmem>>, vector<16xf32>,
        tpu.vector_store %arg25[%swap3A_369, %swap3A_370], %mul3A_368 {add = true, strides = array<i32>} : memref<320x64xf32, #tpu.memory_space<vmem>>, vector<16xf32>,
        %get3A_372 = arith.index_cast %squeeze3A : i32 to index
        %get3A_373 = arith.constant 16 : index
        %get3A_374 = tpu.vector_load %arg26[%get3A_372, %get3A_373] {strides = array<i32>} : memref<320x64xf32, #tpu.memory_space<vmem>>, vector<16xf32>,
        %max3A_375 = arith.maximumf %get3A_374, %max3A_364 : vector<16xf32>
        %swap3A_376 = arith.index_cast %squeeze3A : i32 to index
        %swap3A_377 = arith.constant 16 : index
        %swap3A_378 = tpu.vector_load %arg26[%swap3A_376, %swap3A_377] {strides = array<i32>} : memref<320x64xf32, #tpu.memory_space<vmem>>, vector<16xf32>,
        tpu.vector_store %arg26[%swap3A_376, %swap3A_377], %max3A_375 {strides = array<i32>} : memref<320x64xf32, #tpu.memory_space<vmem>>, vector<16xf32>,
        %get3A_379 = arith.index_cast %squeeze3A : i32 to index
        %get3A_380 = arith.constant 16 : index
        %get3A_381 = tpu.vector_load %arg27[%get3A_379, %get3A_380] {strides = array<i32>} : memref<320x64xf32, #tpu.memory_space<vmem>>, vector<16xf32>,
        %min3A_382 = arith.minimumf %get3A_381, %max3A_364 : vector<16xf32>
        %swap3A_383 = arith.index_cast %squeeze3A : i32 to index
        %swap3A_384 = arith.constant 16 : index
        %swap3A_385 = tpu.vector_load %arg27[%swap3A_383, %swap3A_384] {strides = array<i32>} : memref<320x64xf32, #tpu.memory_space<vmem>>, vector<16xf32>,
        tpu.vector_store %arg27[%swap3A_383, %swap3A_384], %min3A_382 {strides = array<i32>} : memref<320x64xf32, #tpu.memory_space<vmem>>, vector<16xf32>,
        %get3A_386 = arith.index_cast %while3A_323 : i32 to index
        %get3A_387 = arith.constant 32 : index
        %get3A_388 = tpu.vector_load %arg22[%get3A_386, %get3A_387] {strides = array<i32>} : memref<256x64xf32, #tpu.memory_space<vmem>>, vector<16xf32>,
        %get3A_389 = arith.index_cast %squeeze3A : i32 to index
        %get3A_390 = arith.constant 32 : index
        %get3A_391 = tpu.vector_load %arg23[%get3A_389, %get3A_390] {strides = array<i32>} : memref<320x64xf32, #tpu.memory_space<vmem>>, vector<16xf32>,
        %add3A_392 = arith.addf %get3A_388, %get3A_391 : vector<16xf32>
        %max3A_393 = arith.constant 0.000000e+00 : f32
        %max3A_394 = vector.broadcast %max3A_393 : f32 to vector<16xf32>
        %max3A_395 = arith.maximumf %add3A_392, %max3A_394 : vector<16xf32>
        %swap3A_396 = arith.index_cast %squeeze3A : i32 to index
        %swap3A_397 = arith.constant 32 : index
        %swap3A_398 = tpu.vector_load %arg24[%swap3A_396, %swap3A_397] {strides = array<i32>} : memref<320x64xf32, #tpu.memory_space<vmem>>, vector<16xf32>,
        tpu.vector_store %arg24[%swap3A_396, %swap3A_397], %max3A_395 {add = true, strides = array<i32>} : memref<320x64xf32, #tpu.memory_space<vmem>>, vector<16xf32>,
        %mul3A_399 = arith.mulf %max3A_395, %max3A_395 : vector<16xf32>
        %swap3A_400 = arith.index_cast %squeeze3A : i32 to index
        %swap3A_401 = arith.constant 32 : index
        %swap3A_402 = tpu.vector_load %arg25[%swap3A_400, %swap3A_401] {strides = array<i32>} : memref<320x64xf32, #tpu.memory_space<vmem>>, vector<16xf32>,
        tpu.vector_store %arg25[%swap3A_400, %swap3A_401], %mul3A_399 {add = true, strides = array<i32>} : memref<320x64xf32, #tpu.memory_space<vmem>>, vector<16xf32>,
        %get3A_403 = arith.index_cast %squeeze3A : i32 to index
        %get3A_404 = arith.constant 32 : index
        %get3A_405 = tpu.vector_load %arg26[%get3A_403, %get3A_404] {strides = array<i32>} : memref<320x64xf32, #tpu.memory_space<vmem>>, vector<16xf32>,
        %max3A_406 = arith.maximumf %get3A_405, %max3A_395 : vector<16xf32>
        %swap3A_407 = arith.index_cast %squeeze3A : i32 to index
        %swap3A_408 = arith.constant 32 : index
        %swap3A_409 = tpu.vector_load %arg26[%swap3A_407, %swap3A_408] {strides = array<i32>} : memref<320x64xf32, #tpu.memory_space<vmem>>, vector<16xf32>,
        tpu.vector_store %arg26[%swap3A_407, %swap3A_408], %max3A_406 {strides = array<i32>} : memref<320x64xf32, #tpu.memory_space<vmem>>, vector<16xf32>,
        %get3A_410 = arith.index_cast %squeeze3A : i32 to index
        %get3A_411 = arith.constant 32 : index
        %get3A_412 = tpu.vector_load %arg27[%get3A_410, %get3A_411] {strides = array<i32>} : memref<320x64xf32, #tpu.memory_space<vmem>>, vector<16xf32>,
        %min3A_413 = arith.minimumf %get3A_412, %max3A_395 : vector<16xf32>
        %swap3A_414 = arith.index_cast %squeeze3A : i32 to index
        %swap3A_415 = arith.constant 32 : index
        %swap3A_416 = tpu.vector_load %arg27[%swap3A_414, %swap3A_415] {strides = array<i32>} : memref<320x64xf32, #tpu.memory_space<vmem>>, vector<16xf32>,
        tpu.vector_store %arg27[%swap3A_414, %swap3A_415], %min3A_413 {strides = array<i32>} : memref<320x64xf32, #tpu.memory_space<vmem>>, vector<16xf32>,
        %get3A_417 = arith.index_cast %while3A_323 : i32 to index
        %get3A_418 = arith.constant 48 : index
        %get3A_419 = tpu.vector_load %arg22[%get3A_417, %get3A_418] {strides = array<i32>} : memref<256x64xf32, #tpu.memory_space<vmem>>, vector<16xf32>,
        %get3A_420 = arith.index_cast %squeeze3A : i32 to index
        %get3A_421 = arith.constant 48 : index
        %get3A_422 = tpu.vector_load %arg23[%get3A_420, %get3A_421] {strides = array<i32>} : memref<320x64xf32, #tpu.memory_space<vmem>>, vector<16xf32>,
        %add3A_423 = arith.addf %get3A_419, %get3A_422 : vector<16xf32>
        %max3A_424 = arith.constant 0.000000e+00 : f32
        %max3A_425 = vector.broadcast %max3A_424 : f32 to vector<16xf32>
        %max3A_426 = arith.maximumf %add3A_423, %max3A_425 : vector<16xf32>
        %swap3A_427 = arith.index_cast %squeeze3A : i32 to index
        %swap3A_428 = arith.constant 48 : index
        %swap3A_429 = tpu.vector_load %arg24[%swap3A_427, %swap3A_428] {strides = array<i32>} : memref<320x64xf32, #tpu.memory_space<vmem>>, vector<16xf32>,
        tpu.vector_store %arg24[%swap3A_427, %swap3A_428], %max3A_426 {add = true, strides = array<i32>} : memref<320x64xf32, #tpu.memory_space<vmem>>, vector<16xf32>,
        %mul3A_430 = arith.mulf %max3A_426, %max3A_426 : vector<16xf32>
        %swap3A_431 = arith.index_cast %squeeze3A : i32 to index
        %swap3A_432 = arith.constant 48 : index
        %swap3A_433 = tpu.vector_load %arg25[%swap3A_431, %swap3A_432] {strides = array<i32>} : memref<320x64xf32, #tpu.memory_space<vmem>>, vector<16xf32>,
        tpu.vector_store %arg25[%swap3A_431, %swap3A_432], %mul3A_430 {add = true, strides = array<i32>} : memref<320x64xf32, #tpu.memory_space<vmem>>, vector<16xf32>,
        %get3A_434 = arith.index_cast %squeeze3A : i32 to index
        %get3A_435 = arith.constant 48 : index
        %get3A_436 = tpu.vector_load %arg26[%get3A_434, %get3A_435] {strides = array<i32>} : memref<320x64xf32, #tpu.memory_space<vmem>>, vector<16xf32>,
        %max3A_437 = arith.maximumf %get3A_436, %max3A_426 : vector<16xf32>
        %swap3A_438 = arith.index_cast %squeeze3A : i32 to index
        %swap3A_439 = arith.constant 48 : index
        %swap3A_440 = tpu.vector_load %arg26[%swap3A_438, %swap3A_439] {strides = array<i32>} : memref<320x64xf32, #tpu.memory_space<vmem>>, vector<16xf32>,
        tpu.vector_store %arg26[%swap3A_438, %swap3A_439], %max3A_437 {strides = array<i32>} : memref<320x64xf32, #tpu.memory_space<vmem>>, vector<16xf32>,
        %get3A_441 = arith.index_cast %squeeze3A : i32 to index
        %get3A_442 = arith.constant 48 : index
        %get3A_443 = tpu.vector_load %arg27[%get3A_441, %get3A_442] {strides = array<i32>} : memref<320x64xf32, #tpu.memory_space<vmem>>, vector<16xf32>,
        %min3A_444 = arith.minimumf %get3A_443, %max3A_426 : vector<16xf32>
        %swap3A_445 = arith.index_cast %squeeze3A : i32 to index
        %swap3A_446 = arith.constant 48 : index
        %swap3A_447 = tpu.vector_load %arg27[%swap3A_445, %swap3A_446] {strides = array<i32>} : memref<320x64xf32, #tpu.memory_space<vmem>>, vector<16xf32>,
        tpu.vector_store %arg27[%swap3A_445, %swap3A_446], %min3A_444 {strides = array<i32>} : memref<320x64xf32, #tpu.memory_space<vmem>>, vector<16xf32>,
        %while3A_448 = arith.constant 0 : i32
        scf.yield %while3A_448 : i32
      }
      %while3A_322 = arith.constant 0 : i32
      scf.yield %while3A_322 : i32
    }
    %while3A_191 = arith.constant 1 : i32
    %while3A_192 = scf.for %while3A_263 = %while3A_188 to %while3A_184 step %while3A_191 iter_args(%while3A_264 = %while3A_190) -> (i32)  : i32 {
      %mul3A_265 = arith.constant 256 : i32
      %mul3A_266 = arith.muli %while3A_263, %mul3A_265 : i32
      %add3A_267 = arith.addi %mul3A_6, %mul3A_266 : i32
      %multiple_of3A_268 = tpu.assume_multiple %add3A_267, 256 : i32
      "tpu.region"() ({
        %run_scoped3A_323 = tpu.sem_alloc : memref<!tpu.dma_semaphore, #tpu.memory_space<semaphore_mem>>
        %dma_start3A_324 = tpu.memref_slice %arg11[%multiple_of3A_268] : memref<5193728xi32, #tpu.memory_space<hbm>> -> memref<256xi32, #tpu.memory_space<hbm>>
        %dma_start3A_325 = tpu.memref_slice %arg11[%multiple_of3A_268] : memref<5193728xi32, #tpu.memory_space<hbm>> -> memref<256xi32, #tpu.memory_space<hbm>>
        tpu.enqueue_dma source(%dma_start3A_325 : memref<256xi32, #tpu.memory_space<hbm>>) target(%arg19 : memref<256xi32, #tpu.memory_space<vmem>>) target_semaphore(%run_scoped3A_323 : memref<!tpu.dma_semaphore, #tpu.memory_space<semaphore_mem>>)
        %dma_wait3A_326 = tpu.memref_slice %arg11[%multiple_of3A_268] : memref<5193728xi32, #tpu.memory_space<hbm>> -> memref<256xi32, #tpu.memory_space<hbm>>
        %dma_wait3A_327 = tpu.memref_slice %arg11[%multiple_of3A_268] : memref<5193728xi32, #tpu.memory_space<hbm>> -> memref<256xi32, #tpu.memory_space<hbm>>
        tpu.wait_dma2 semaphore(%run_scoped3A_323 : memref<!tpu.dma_semaphore, #tpu.memory_space<semaphore_mem>>) src(%dma_wait3A_327 : memref<256xi32, #tpu.memory_space<hbm>>) dst(%arg19 : memref<256xi32, #tpu.memory_space<vmem>>)
        tpu.yield
      }) : () -> ()
      %add3A_269 = arith.addi %mul3A_6, %mul3A_266 : i32
      %multiple_of3A_270 = tpu.assume_multiple %add3A_269, 256 : i32
      "tpu.region"() ({
        %run_scoped3A_323 = tpu.sem_alloc : memref<!tpu.dma_semaphore, #tpu.memory_space<semaphore_mem>>
        %dma_start3A_324 = arith.constant 0 : i32
        %dma_start3A_325 = tpu.memref_slice %arg20[%dma_start3A_324] : memref<272xi32, #tpu.memory_space<vmem>> -> memref<256xi32, #tpu.memory_space<vmem>>
        %dma_start3A_326 = tpu.memref_slice %arg12[%multiple_of3A_270] : memref<5193728xi32, #tpu.memory_space<hbm>> -> memref<256xi32, #tpu.memory_space<hbm>>
        %dma_start3A_327 = arith.constant 0 : i32
        %dma_start3A_328 = tpu.memref_slice %arg20[%dma_start3A_327] : memref<272xi32, #tpu.memory_space<vmem>> -> memref<256xi32, #tpu.memory_space<vmem>>
        %dma_start3A_329 = tpu.memref_slice %arg12[%multiple_of3A_270] : memref<5193728xi32, #tpu.memory_space<hbm>> -> memref<256xi32, #tpu.memory_space<hbm>>
        tpu.enqueue_dma source(%dma_start3A_329 : memref<256xi32, #tpu.memory_space<hbm>>) target(%dma_start3A_328 : memref<256xi32, #tpu.memory_space<vmem>>) target_semaphore(%run_scoped3A_323 : memref<!tpu.dma_semaphore, #tpu.memory_space<semaphore_mem>>)
        %dma_wait3A_330 = arith.constant 0 : i32
        %dma_wait3A_331 = tpu.memref_slice %arg20[%dma_wait3A_330] : memref<272xi32, #tpu.memory_space<vmem>> -> memref<256xi32, #tpu.memory_space<vmem>>
        %dma_wait3A_332 = tpu.memref_slice %arg12[%multiple_of3A_270] : memref<5193728xi32, #tpu.memory_space<hbm>> -> memref<256xi32, #tpu.memory_space<hbm>>
        %dma_wait3A_333 = arith.constant 0 : i32
        %dma_wait3A_334 = tpu.memref_slice %arg20[%dma_wait3A_333] : memref<272xi32, #tpu.memory_space<vmem>> -> memref<256xi32, #tpu.memory_space<vmem>>
        %dma_wait3A_335 = tpu.memref_slice %arg12[%multiple_of3A_270] : memref<5193728xi32, #tpu.memory_space<hbm>> -> memref<256xi32, #tpu.memory_space<hbm>>
        tpu.wait_dma2 semaphore(%run_scoped3A_323 : memref<!tpu.dma_semaphore, #tpu.memory_space<semaphore_mem>>) src(%dma_wait3A_335 : memref<256xi32, #tpu.memory_space<hbm>>) dst(%dma_wait3A_334 : memref<256xi32, #tpu.memory_space<vmem>>)
        tpu.yield
      }) : () -> ()
      %scan3A_271 = arith.constant 0 : i32
      %scan3A_272 = arith.constant 0 : i32
      %scan3A_273 = arith.constant 16 : i32
      %scan3A_274 = arith.addi %scan3A_272, %scan3A_273 : i32
      %scan3A_275 = arith.constant 1 : i32
      %scan3A_276 = scf.for %scan3A_323 = %scan3A_272 to %scan3A_274 step %scan3A_275 iter_args(%scan3A_324 = %scan3A_271) -> (i32)  : i32 {
        %mul3A_325 = arith.constant 16 : i32
        %mul3A_326 = arith.muli %scan3A_323, %mul3A_325 : i32
        %get3A = arith.index_cast %mul3A_326 : i32 to index
        %get3A_327 = tpu.vector_load %arg19[%get3A] {strides = array<i32>} : memref<256xi32, #tpu.memory_space<vmem>>, vector<16xi32>,
        %jit3A_328 = arith.constant 0 : i32
        %jit3A_329 = arith.constant 10239 : i32
        %max3A = vector.broadcast %jit3A_328 : i32 to vector<16xi32>
        %max3A_330 = arith.maxsi %max3A, %get3A_327 : vector<16xi32>
        %min3A_331 = vector.broadcast %jit3A_329 : i32 to vector<16xi32>
        %min3A_332 = arith.minsi %min3A_331, %max3A_330 : vector<16xi32>
        %add3A_333 = arith.constant 20480 : i32
        %add3A_334 = vector.broadcast %add3A_333 : i32 to vector<16xi32>
        %add3A_335 = arith.addi %min3A_332, %add3A_334 : vector<16xi32>
        %mul3A_336 = arith.constant 16 : i32
        %mul3A_337 = arith.muli %scan3A_323, %mul3A_336 : i32
        %swap3A = arith.index_cast %mul3A_337 : i32 to index
        %swap3A_338 = tpu.vector_load %arg21[%swap3A] {strides = array<i32>} : memref<256xi32, #tpu.memory_space<vmem>>, vector<16xi32>,
        tpu.vector_store %arg21[%swap3A], %add3A_335 {strides = array<i32>} : memref<256xi32, #tpu.memory_space<vmem>>, vector<16xi32>,
        %scan3A_339 = arith.constant 0 : i32
        scf.yield %scan3A_339 : i32
      }
      %scan3A_277 = arith.constant 16 : i32
      %sub3A_278 = arith.subi %add3A_17, %mul3A_266 : i32
      %min3A = arith.constant 256 : i32
      %min3A_279 = arith.minsi %min3A, %sub3A_278 : i32
      %dma_start3A = arith.constant 0 : i32
      %dma_start3A_280 = arith.constant 0 : i32
      %dma_start3A_281 = tpu.memref_slice %arg22[%dma_start3A, %dma_start3A_280] : memref<256x64xf32, #tpu.memory_space<vmem>> -> memref<128x64xf32, #tpu.memory_space<vmem>>
      %dma_start3A_282 = arith.constant 0 : i32
      %dma_start3A_283 = tpu.memref_slice %arg21[%dma_start3A_282] : memref<256xi32, #tpu.memory_space<vmem>> -> memref<128xi32, #tpu.memory_space<vmem>>
      %dma_start3A_284 = arith.constant 0 : i32
      %dma_start3A_285 = arith.constant 0 : i32
      %dma_start3A_286 = tpu.memref_slice %arg4[%dma_start3A_284, %dma_start3A_285] : memref<40960x64xf32, #tpu.memory_space<hbm>> -> memref<40960x64xf32, #tpu.memory_space<hbm>>
      tpu.enqueue_indirect_dma source(%dma_start3A_286 : memref<40960x64xf32, #tpu.memory_space<hbm>>) target(%dma_start3A_281 : memref<128x64xf32, #tpu.memory_space<vmem>>) offsets(%dma_start3A_283 : memref<128xi32, #tpu.memory_space<vmem>>) semaphore(%arg29 : memref<!tpu.dma_semaphore, #tpu.memory_space<semaphore_mem>>)
      %dma_start3A_287 = arith.constant 128 : i32
      %dma_start3A_288 = arith.constant 0 : i32
      %dma_start3A_289 = tpu.memref_slice %arg22[%dma_start3A_287, %dma_start3A_288] : memref<256x64xf32, #tpu.memory_space<vmem>> -> memref<128x64xf32, #tpu.memory_space<vmem>>
      %dma_start3A_290 = arith.constant 128 : i32
      %dma_start3A_291 = tpu.memref_slice %arg21[%dma_start3A_290] : memref<256xi32, #tpu.memory_space<vmem>> -> memref<128xi32, #tpu.memory_space<vmem>>
      %dma_start3A_292 = arith.constant 0 : i32
      %dma_start3A_293 = arith.constant 0 : i32
      %dma_start3A_294 = tpu.memref_slice %arg4[%dma_start3A_292, %dma_start3A_293] : memref<40960x64xf32, #tpu.memory_space<hbm>> -> memref<40960x64xf32, #tpu.memory_space<hbm>>
      tpu.enqueue_indirect_dma source(%dma_start3A_294 : memref<40960x64xf32, #tpu.memory_space<hbm>>) target(%dma_start3A_289 : memref<128x64xf32, #tpu.memory_space<vmem>>) offsets(%dma_start3A_291 : memref<128xi32, #tpu.memory_space<vmem>>) semaphore(%arg29 : memref<!tpu.dma_semaphore, #tpu.memory_space<semaphore_mem>>)
      %dma_wait3A = arith.constant 0 : i32
      %dma_wait3A_295 = arith.constant 0 : i32
      %dma_wait3A_296 = tpu.memref_slice %arg22[%dma_wait3A, %dma_wait3A_295] : memref<256x64xf32, #tpu.memory_space<vmem>> -> memref<128x64xf32, #tpu.memory_space<vmem>>
      %dma_wait3A_297 = arith.constant 0 : i32
      %dma_wait3A_298 = tpu.memref_slice %arg21[%dma_wait3A_297] : memref<256xi32, #tpu.memory_space<vmem>> -> memref<128xi32, #tpu.memory_space<vmem>>
      %dma_wait3A_299 = arith.constant 0 : i32
      %dma_wait3A_300 = arith.constant 0 : i32
      %dma_wait3A_301 = tpu.memref_slice %arg4[%dma_wait3A_299, %dma_wait3A_300] : memref<40960x64xf32, #tpu.memory_space<hbm>> -> memref<40960x64xf32, #tpu.memory_space<hbm>>
      tpu.wait_indirect_dma semaphore(%arg29 : memref<!tpu.dma_semaphore, #tpu.memory_space<semaphore_mem>>) src(%dma_wait3A_301 : memref<40960x64xf32, #tpu.memory_space<hbm>>) dst(%dma_wait3A_296 : memref<128x64xf32, #tpu.memory_space<vmem>>)
      %dma_wait3A_302 = arith.constant 128 : i32
      %dma_wait3A_303 = arith.constant 0 : i32
      %dma_wait3A_304 = tpu.memref_slice %arg22[%dma_wait3A_302, %dma_wait3A_303] : memref<256x64xf32, #tpu.memory_space<vmem>> -> memref<128x64xf32, #tpu.memory_space<vmem>>
      %dma_wait3A_305 = arith.constant 128 : i32
      %dma_wait3A_306 = tpu.memref_slice %arg21[%dma_wait3A_305] : memref<256xi32, #tpu.memory_space<vmem>> -> memref<128xi32, #tpu.memory_space<vmem>>
      %dma_wait3A_307 = arith.constant 0 : i32
      %dma_wait3A_308 = arith.constant 0 : i32
      %dma_wait3A_309 = tpu.memref_slice %arg4[%dma_wait3A_307, %dma_wait3A_308] : memref<40960x64xf32, #tpu.memory_space<hbm>> -> memref<40960x64xf32, #tpu.memory_space<hbm>>
      tpu.wait_indirect_dma semaphore(%arg29 : memref<!tpu.dma_semaphore, #tpu.memory_space<semaphore_mem>>) src(%dma_wait3A_309 : memref<40960x64xf32, #tpu.memory_space<hbm>>) dst(%dma_wait3A_304 : memref<128x64xf32, #tpu.memory_space<vmem>>)
      %while3A_310 = arith.constant 0 : i32
      %while3A_311 = arith.constant 0 : i32
      %while3A_312 = arith.subi %min3A_279, %while3A_310 : i32
      %while3A_313 = arith.addi %while3A_310, %while3A_312 : i32
      %while3A_314 = arith.constant 1 : i32
      %while3A_315 = arith.divsi %while3A_312, %while3A_314 : i32
      %while3A_316 = arith.muli %while3A_315, %while3A_314 : i32
      %while3A_317 = arith.addi %while3A_310, %while3A_316 : i32
      %while3A_318 = arith.constant 1 : i32
      %while3A_319 = scf.for %while3A_323 = %while3A_310 to %while3A_317 step %while3A_318 iter_args(%while3A_324 = %while3A_311) -> (i32)  : i32 {
        %get3A = arith.index_cast %while3A_323 : i32 to index
        %get3A_325 = tpu.vector_load %arg20[%get3A] {strides = array<i32>} : memref<272xi32, #tpu.memory_space<vmem>>, vector<16xi32>,
        %slice3A = vector.extract_strided_slice %get3A_325 {offsets = [0], sizes = [1], strides = [1]} : vector<16xi32> to vector<1xi32>
        %squeeze3A = vector.extract %slice3A[0] : i32 from vector<1xi32>
        %get3A_326 = arith.index_cast %while3A_323 : i32 to index
        %get3A_327 = arith.constant 0 : index
        %get3A_328 = tpu.vector_load %arg22[%get3A_326, %get3A_327] {strides = array<i32>} : memref<256x64xf32, #tpu.memory_space<vmem>>, vector<16xf32>,
        %get3A_329 = arith.index_cast %squeeze3A : i32 to index
        %get3A_330 = arith.constant 0 : index
        %get3A_331 = tpu.vector_load %arg23[%get3A_329, %get3A_330] {strides = array<i32>} : memref<320x64xf32, #tpu.memory_space<vmem>>, vector<16xf32>,
        %add3A_332 = arith.addf %get3A_328, %get3A_331 : vector<16xf32>
        %max3A = arith.constant 0.000000e+00 : f32
        %max3A_333 = vector.broadcast %max3A : f32 to vector<16xf32>
        %max3A_334 = arith.maximumf %add3A_332, %max3A_333 : vector<16xf32>
        %swap3A = arith.index_cast %squeeze3A : i32 to index
        %swap3A_335 = arith.constant 0 : index
        %swap3A_336 = tpu.vector_load %arg24[%swap3A, %swap3A_335] {strides = array<i32>} : memref<320x64xf32, #tpu.memory_space<vmem>>, vector<16xf32>,
        tpu.vector_store %arg24[%swap3A, %swap3A_335], %max3A_334 {add = true, strides = array<i32>} : memref<320x64xf32, #tpu.memory_space<vmem>>, vector<16xf32>,
        %mul3A_337 = arith.mulf %max3A_334, %max3A_334 : vector<16xf32>
        %swap3A_338 = arith.index_cast %squeeze3A : i32 to index
        %swap3A_339 = arith.constant 0 : index
        %swap3A_340 = tpu.vector_load %arg25[%swap3A_338, %swap3A_339] {strides = array<i32>} : memref<320x64xf32, #tpu.memory_space<vmem>>, vector<16xf32>,
        tpu.vector_store %arg25[%swap3A_338, %swap3A_339], %mul3A_337 {add = true, strides = array<i32>} : memref<320x64xf32, #tpu.memory_space<vmem>>, vector<16xf32>,
        %get3A_341 = arith.index_cast %squeeze3A : i32 to index
        %get3A_342 = arith.constant 0 : index
        %get3A_343 = tpu.vector_load %arg26[%get3A_341, %get3A_342] {strides = array<i32>} : memref<320x64xf32, #tpu.memory_space<vmem>>, vector<16xf32>,
        %max3A_344 = arith.maximumf %get3A_343, %max3A_334 : vector<16xf32>
        %swap3A_345 = arith.index_cast %squeeze3A : i32 to index
        %swap3A_346 = arith.constant 0 : index
        %swap3A_347 = tpu.vector_load %arg26[%swap3A_345, %swap3A_346] {strides = array<i32>} : memref<320x64xf32, #tpu.memory_space<vmem>>, vector<16xf32>,
        tpu.vector_store %arg26[%swap3A_345, %swap3A_346], %max3A_344 {strides = array<i32>} : memref<320x64xf32, #tpu.memory_space<vmem>>, vector<16xf32>,
        %get3A_348 = arith.index_cast %squeeze3A : i32 to index
        %get3A_349 = arith.constant 0 : index
        %get3A_350 = tpu.vector_load %arg27[%get3A_348, %get3A_349] {strides = array<i32>} : memref<320x64xf32, #tpu.memory_space<vmem>>, vector<16xf32>,
        %min3A_351 = arith.minimumf %get3A_350, %max3A_334 : vector<16xf32>
        %swap3A_352 = arith.index_cast %squeeze3A : i32 to index
        %swap3A_353 = arith.constant 0 : index
        %swap3A_354 = tpu.vector_load %arg27[%swap3A_352, %swap3A_353] {strides = array<i32>} : memref<320x64xf32, #tpu.memory_space<vmem>>, vector<16xf32>,
        tpu.vector_store %arg27[%swap3A_352, %swap3A_353], %min3A_351 {strides = array<i32>} : memref<320x64xf32, #tpu.memory_space<vmem>>, vector<16xf32>,
        %get3A_355 = arith.index_cast %while3A_323 : i32 to index
        %get3A_356 = arith.constant 16 : index
        %get3A_357 = tpu.vector_load %arg22[%get3A_355, %get3A_356] {strides = array<i32>} : memref<256x64xf32, #tpu.memory_space<vmem>>, vector<16xf32>,
        %get3A_358 = arith.index_cast %squeeze3A : i32 to index
        %get3A_359 = arith.constant 16 : index
        %get3A_360 = tpu.vector_load %arg23[%get3A_358, %get3A_359] {strides = array<i32>} : memref<320x64xf32, #tpu.memory_space<vmem>>, vector<16xf32>,
        %add3A_361 = arith.addf %get3A_357, %get3A_360 : vector<16xf32>
        %max3A_362 = arith.constant 0.000000e+00 : f32
        %max3A_363 = vector.broadcast %max3A_362 : f32 to vector<16xf32>
        %max3A_364 = arith.maximumf %add3A_361, %max3A_363 : vector<16xf32>
        %swap3A_365 = arith.index_cast %squeeze3A : i32 to index
        %swap3A_366 = arith.constant 16 : index
        %swap3A_367 = tpu.vector_load %arg24[%swap3A_365, %swap3A_366] {strides = array<i32>} : memref<320x64xf32, #tpu.memory_space<vmem>>, vector<16xf32>,
        tpu.vector_store %arg24[%swap3A_365, %swap3A_366], %max3A_364 {add = true, strides = array<i32>} : memref<320x64xf32, #tpu.memory_space<vmem>>, vector<16xf32>,
        %mul3A_368 = arith.mulf %max3A_364, %max3A_364 : vector<16xf32>
        %swap3A_369 = arith.index_cast %squeeze3A : i32 to index
        %swap3A_370 = arith.constant 16 : index
        %swap3A_371 = tpu.vector_load %arg25[%swap3A_369, %swap3A_370] {strides = array<i32>} : memref<320x64xf32, #tpu.memory_space<vmem>>, vector<16xf32>,
        tpu.vector_store %arg25[%swap3A_369, %swap3A_370], %mul3A_368 {add = true, strides = array<i32>} : memref<320x64xf32, #tpu.memory_space<vmem>>, vector<16xf32>,
        %get3A_372 = arith.index_cast %squeeze3A : i32 to index
        %get3A_373 = arith.constant 16 : index
        %get3A_374 = tpu.vector_load %arg26[%get3A_372, %get3A_373] {strides = array<i32>} : memref<320x64xf32, #tpu.memory_space<vmem>>, vector<16xf32>,
        %max3A_375 = arith.maximumf %get3A_374, %max3A_364 : vector<16xf32>
        %swap3A_376 = arith.index_cast %squeeze3A : i32 to index
        %swap3A_377 = arith.constant 16 : index
        %swap3A_378 = tpu.vector_load %arg26[%swap3A_376, %swap3A_377] {strides = array<i32>} : memref<320x64xf32, #tpu.memory_space<vmem>>, vector<16xf32>,
        tpu.vector_store %arg26[%swap3A_376, %swap3A_377], %max3A_375 {strides = array<i32>} : memref<320x64xf32, #tpu.memory_space<vmem>>, vector<16xf32>,
        %get3A_379 = arith.index_cast %squeeze3A : i32 to index
        %get3A_380 = arith.constant 16 : index
        %get3A_381 = tpu.vector_load %arg27[%get3A_379, %get3A_380] {strides = array<i32>} : memref<320x64xf32, #tpu.memory_space<vmem>>, vector<16xf32>,
        %min3A_382 = arith.minimumf %get3A_381, %max3A_364 : vector<16xf32>
        %swap3A_383 = arith.index_cast %squeeze3A : i32 to index
        %swap3A_384 = arith.constant 16 : index
        %swap3A_385 = tpu.vector_load %arg27[%swap3A_383, %swap3A_384] {strides = array<i32>} : memref<320x64xf32, #tpu.memory_space<vmem>>, vector<16xf32>,
        tpu.vector_store %arg27[%swap3A_383, %swap3A_384], %min3A_382 {strides = array<i32>} : memref<320x64xf32, #tpu.memory_space<vmem>>, vector<16xf32>,
        %get3A_386 = arith.index_cast %while3A_323 : i32 to index
        %get3A_387 = arith.constant 32 : index
        %get3A_388 = tpu.vector_load %arg22[%get3A_386, %get3A_387] {strides = array<i32>} : memref<256x64xf32, #tpu.memory_space<vmem>>, vector<16xf32>,
        %get3A_389 = arith.index_cast %squeeze3A : i32 to index
        %get3A_390 = arith.constant 32 : index
        %get3A_391 = tpu.vector_load %arg23[%get3A_389, %get3A_390] {strides = array<i32>} : memref<320x64xf32, #tpu.memory_space<vmem>>, vector<16xf32>,
        %add3A_392 = arith.addf %get3A_388, %get3A_391 : vector<16xf32>
        %max3A_393 = arith.constant 0.000000e+00 : f32
        %max3A_394 = vector.broadcast %max3A_393 : f32 to vector<16xf32>
        %max3A_395 = arith.maximumf %add3A_392, %max3A_394 : vector<16xf32>
        %swap3A_396 = arith.index_cast %squeeze3A : i32 to index
        %swap3A_397 = arith.constant 32 : index
        %swap3A_398 = tpu.vector_load %arg24[%swap3A_396, %swap3A_397] {strides = array<i32>} : memref<320x64xf32, #tpu.memory_space<vmem>>, vector<16xf32>,
        tpu.vector_store %arg24[%swap3A_396, %swap3A_397], %max3A_395 {add = true, strides = array<i32>} : memref<320x64xf32, #tpu.memory_space<vmem>>, vector<16xf32>,
        %mul3A_399 = arith.mulf %max3A_395, %max3A_395 : vector<16xf32>
        %swap3A_400 = arith.index_cast %squeeze3A : i32 to index
        %swap3A_401 = arith.constant 32 : index
        %swap3A_402 = tpu.vector_load %arg25[%swap3A_400, %swap3A_401] {strides = array<i32>} : memref<320x64xf32, #tpu.memory_space<vmem>>, vector<16xf32>,
        tpu.vector_store %arg25[%swap3A_400, %swap3A_401], %mul3A_399 {add = true, strides = array<i32>} : memref<320x64xf32, #tpu.memory_space<vmem>>, vector<16xf32>,
        %get3A_403 = arith.index_cast %squeeze3A : i32 to index
        %get3A_404 = arith.constant 32 : index
        %get3A_405 = tpu.vector_load %arg26[%get3A_403, %get3A_404] {strides = array<i32>} : memref<320x64xf32, #tpu.memory_space<vmem>>, vector<16xf32>,
        %max3A_406 = arith.maximumf %get3A_405, %max3A_395 : vector<16xf32>
        %swap3A_407 = arith.index_cast %squeeze3A : i32 to index
        %swap3A_408 = arith.constant 32 : index
        %swap3A_409 = tpu.vector_load %arg26[%swap3A_407, %swap3A_408] {strides = array<i32>} : memref<320x64xf32, #tpu.memory_space<vmem>>, vector<16xf32>,
        tpu.vector_store %arg26[%swap3A_407, %swap3A_408], %max3A_406 {strides = array<i32>} : memref<320x64xf32, #tpu.memory_space<vmem>>, vector<16xf32>,
        %get3A_410 = arith.index_cast %squeeze3A : i32 to index
        %get3A_411 = arith.constant 32 : index
        %get3A_412 = tpu.vector_load %arg27[%get3A_410, %get3A_411] {strides = array<i32>} : memref<320x64xf32, #tpu.memory_space<vmem>>, vector<16xf32>,
        %min3A_413 = arith.minimumf %get3A_412, %max3A_395 : vector<16xf32>
        %swap3A_414 = arith.index_cast %squeeze3A : i32 to index
        %swap3A_415 = arith.constant 32 : index
        %swap3A_416 = tpu.vector_load %arg27[%swap3A_414, %swap3A_415] {strides = array<i32>} : memref<320x64xf32, #tpu.memory_space<vmem>>, vector<16xf32>,
        tpu.vector_store %arg27[%swap3A_414, %swap3A_415], %min3A_413 {strides = array<i32>} : memref<320x64xf32, #tpu.memory_space<vmem>>, vector<16xf32>,
        %get3A_417 = arith.index_cast %while3A_323 : i32 to index
        %get3A_418 = arith.constant 48 : index
        %get3A_419 = tpu.vector_load %arg22[%get3A_417, %get3A_418] {strides = array<i32>} : memref<256x64xf32, #tpu.memory_space<vmem>>, vector<16xf32>,
        %get3A_420 = arith.index_cast %squeeze3A : i32 to index
        %get3A_421 = arith.constant 48 : index
        %get3A_422 = tpu.vector_load %arg23[%get3A_420, %get3A_421] {strides = array<i32>} : memref<320x64xf32, #tpu.memory_space<vmem>>, vector<16xf32>,
        %add3A_423 = arith.addf %get3A_419, %get3A_422 : vector<16xf32>
        %max3A_424 = arith.constant 0.000000e+00 : f32
        %max3A_425 = vector.broadcast %max3A_424 : f32 to vector<16xf32>
        %max3A_426 = arith.maximumf %add3A_423, %max3A_425 : vector<16xf32>
        %swap3A_427 = arith.index_cast %squeeze3A : i32 to index
        %swap3A_428 = arith.constant 48 : index
        %swap3A_429 = tpu.vector_load %arg24[%swap3A_427, %swap3A_428] {strides = array<i32>} : memref<320x64xf32, #tpu.memory_space<vmem>>, vector<16xf32>,
        tpu.vector_store %arg24[%swap3A_427, %swap3A_428], %max3A_426 {add = true, strides = array<i32>} : memref<320x64xf32, #tpu.memory_space<vmem>>, vector<16xf32>,
        %mul3A_430 = arith.mulf %max3A_426, %max3A_426 : vector<16xf32>
        %swap3A_431 = arith.index_cast %squeeze3A : i32 to index
        %swap3A_432 = arith.constant 48 : index
        %swap3A_433 = tpu.vector_load %arg25[%swap3A_431, %swap3A_432] {strides = array<i32>} : memref<320x64xf32, #tpu.memory_space<vmem>>, vector<16xf32>,
        tpu.vector_store %arg25[%swap3A_431, %swap3A_432], %mul3A_430 {add = true, strides = array<i32>} : memref<320x64xf32, #tpu.memory_space<vmem>>, vector<16xf32>,
        %get3A_434 = arith.index_cast %squeeze3A : i32 to index
        %get3A_435 = arith.constant 48 : index
        %get3A_436 = tpu.vector_load %arg26[%get3A_434, %get3A_435] {strides = array<i32>} : memref<320x64xf32, #tpu.memory_space<vmem>>, vector<16xf32>,
        %max3A_437 = arith.maximumf %get3A_436, %max3A_426 : vector<16xf32>
        %swap3A_438 = arith.index_cast %squeeze3A : i32 to index
        %swap3A_439 = arith.constant 48 : index
        %swap3A_440 = tpu.vector_load %arg26[%swap3A_438, %swap3A_439] {strides = array<i32>} : memref<320x64xf32, #tpu.memory_space<vmem>>, vector<16xf32>,
        tpu.vector_store %arg26[%swap3A_438, %swap3A_439], %max3A_437 {strides = array<i32>} : memref<320x64xf32, #tpu.memory_space<vmem>>, vector<16xf32>,
        %get3A_441 = arith.index_cast %squeeze3A : i32 to index
        %get3A_442 = arith.constant 48 : index
        %get3A_443 = tpu.vector_load %arg27[%get3A_441, %get3A_442] {strides = array<i32>} : memref<320x64xf32, #tpu.memory_space<vmem>>, vector<16xf32>,
        %min3A_444 = arith.minimumf %get3A_443, %max3A_426 : vector<16xf32>
        %swap3A_445 = arith.index_cast %squeeze3A : i32 to index
        %swap3A_446 = arith.constant 48 : index
        %swap3A_447 = tpu.vector_load %arg27[%swap3A_445, %swap3A_446] {strides = array<i32>} : memref<320x64xf32, #tpu.memory_space<vmem>>, vector<16xf32>,
        tpu.vector_store %arg27[%swap3A_445, %swap3A_446], %min3A_444 {strides = array<i32>} : memref<320x64xf32, #tpu.memory_space<vmem>>, vector<16xf32>,
        %while3A_448 = arith.constant 0 : i32
        scf.yield %while3A_448 : i32
      }
      %while3A_320 = arith.constant 1 : i32
      %while3A_321 = scf.for %while3A_323 = %while3A_317 to %while3A_313 step %while3A_320 iter_args(%while3A_324 = %while3A_319) -> (i32)  : i32 {
        %get3A = arith.index_cast %while3A_323 : i32 to index
        %get3A_325 = tpu.vector_load %arg20[%get3A] {strides = array<i32>} : memref<272xi32, #tpu.memory_space<vmem>>, vector<16xi32>,
        %slice3A = vector.extract_strided_slice %get3A_325 {offsets = [0], sizes = [1], strides = [1]} : vector<16xi32> to vector<1xi32>
        %squeeze3A = vector.extract %slice3A[0] : i32 from vector<1xi32>
        %get3A_326 = arith.index_cast %while3A_323 : i32 to index
        %get3A_327 = arith.constant 0 : index
        %get3A_328 = tpu.vector_load %arg22[%get3A_326, %get3A_327] {strides = array<i32>} : memref<256x64xf32, #tpu.memory_space<vmem>>, vector<16xf32>,
        %get3A_329 = arith.index_cast %squeeze3A : i32 to index
        %get3A_330 = arith.constant 0 : index
        %get3A_331 = tpu.vector_load %arg23[%get3A_329, %get3A_330] {strides = array<i32>} : memref<320x64xf32, #tpu.memory_space<vmem>>, vector<16xf32>,
        %add3A_332 = arith.addf %get3A_328, %get3A_331 : vector<16xf32>
        %max3A = arith.constant 0.000000e+00 : f32
        %max3A_333 = vector.broadcast %max3A : f32 to vector<16xf32>
        %max3A_334 = arith.maximumf %add3A_332, %max3A_333 : vector<16xf32>
        %swap3A = arith.index_cast %squeeze3A : i32 to index
        %swap3A_335 = arith.constant 0 : index
        %swap3A_336 = tpu.vector_load %arg24[%swap3A, %swap3A_335] {strides = array<i32>} : memref<320x64xf32, #tpu.memory_space<vmem>>, vector<16xf32>,
        tpu.vector_store %arg24[%swap3A, %swap3A_335], %max3A_334 {add = true, strides = array<i32>} : memref<320x64xf32, #tpu.memory_space<vmem>>, vector<16xf32>,
        %mul3A_337 = arith.mulf %max3A_334, %max3A_334 : vector<16xf32>
        %swap3A_338 = arith.index_cast %squeeze3A : i32 to index
        %swap3A_339 = arith.constant 0 : index
        %swap3A_340 = tpu.vector_load %arg25[%swap3A_338, %swap3A_339] {strides = array<i32>} : memref<320x64xf32, #tpu.memory_space<vmem>>, vector<16xf32>,
        tpu.vector_store %arg25[%swap3A_338, %swap3A_339], %mul3A_337 {add = true, strides = array<i32>} : memref<320x64xf32, #tpu.memory_space<vmem>>, vector<16xf32>,
        %get3A_341 = arith.index_cast %squeeze3A : i32 to index
        %get3A_342 = arith.constant 0 : index
        %get3A_343 = tpu.vector_load %arg26[%get3A_341, %get3A_342] {strides = array<i32>} : memref<320x64xf32, #tpu.memory_space<vmem>>, vector<16xf32>,
        %max3A_344 = arith.maximumf %get3A_343, %max3A_334 : vector<16xf32>
        %swap3A_345 = arith.index_cast %squeeze3A : i32 to index
        %swap3A_346 = arith.constant 0 : index
        %swap3A_347 = tpu.vector_load %arg26[%swap3A_345, %swap3A_346] {strides = array<i32>} : memref<320x64xf32, #tpu.memory_space<vmem>>, vector<16xf32>,
        tpu.vector_store %arg26[%swap3A_345, %swap3A_346], %max3A_344 {strides = array<i32>} : memref<320x64xf32, #tpu.memory_space<vmem>>, vector<16xf32>,
        %get3A_348 = arith.index_cast %squeeze3A : i32 to index
        %get3A_349 = arith.constant 0 : index
        %get3A_350 = tpu.vector_load %arg27[%get3A_348, %get3A_349] {strides = array<i32>} : memref<320x64xf32, #tpu.memory_space<vmem>>, vector<16xf32>,
        %min3A_351 = arith.minimumf %get3A_350, %max3A_334 : vector<16xf32>
        %swap3A_352 = arith.index_cast %squeeze3A : i32 to index
        %swap3A_353 = arith.constant 0 : index
        %swap3A_354 = tpu.vector_load %arg27[%swap3A_352, %swap3A_353] {strides = array<i32>} : memref<320x64xf32, #tpu.memory_space<vmem>>, vector<16xf32>,
        tpu.vector_store %arg27[%swap3A_352, %swap3A_353], %min3A_351 {strides = array<i32>} : memref<320x64xf32, #tpu.memory_space<vmem>>, vector<16xf32>,
        %get3A_355 = arith.index_cast %while3A_323 : i32 to index
        %get3A_356 = arith.constant 16 : index
        %get3A_357 = tpu.vector_load %arg22[%get3A_355, %get3A_356] {strides = array<i32>} : memref<256x64xf32, #tpu.memory_space<vmem>>, vector<16xf32>,
        %get3A_358 = arith.index_cast %squeeze3A : i32 to index
        %get3A_359 = arith.constant 16 : index
        %get3A_360 = tpu.vector_load %arg23[%get3A_358, %get3A_359] {strides = array<i32>} : memref<320x64xf32, #tpu.memory_space<vmem>>, vector<16xf32>,
        %add3A_361 = arith.addf %get3A_357, %get3A_360 : vector<16xf32>
        %max3A_362 = arith.constant 0.000000e+00 : f32
        %max3A_363 = vector.broadcast %max3A_362 : f32 to vector<16xf32>
        %max3A_364 = arith.maximumf %add3A_361, %max3A_363 : vector<16xf32>
        %swap3A_365 = arith.index_cast %squeeze3A : i32 to index
        %swap3A_366 = arith.constant 16 : index
        %swap3A_367 = tpu.vector_load %arg24[%swap3A_365, %swap3A_366] {strides = array<i32>} : memref<320x64xf32, #tpu.memory_space<vmem>>, vector<16xf32>,
        tpu.vector_store %arg24[%swap3A_365, %swap3A_366], %max3A_364 {add = true, strides = array<i32>} : memref<320x64xf32, #tpu.memory_space<vmem>>, vector<16xf32>,
        %mul3A_368 = arith.mulf %max3A_364, %max3A_364 : vector<16xf32>
        %swap3A_369 = arith.index_cast %squeeze3A : i32 to index
        %swap3A_370 = arith.constant 16 : index
        %swap3A_371 = tpu.vector_load %arg25[%swap3A_369, %swap3A_370] {strides = array<i32>} : memref<320x64xf32, #tpu.memory_space<vmem>>, vector<16xf32>,
        tpu.vector_store %arg25[%swap3A_369, %swap3A_370], %mul3A_368 {add = true, strides = array<i32>} : memref<320x64xf32, #tpu.memory_space<vmem>>, vector<16xf32>,
        %get3A_372 = arith.index_cast %squeeze3A : i32 to index
        %get3A_373 = arith.constant 16 : index
        %get3A_374 = tpu.vector_load %arg26[%get3A_372, %get3A_373] {strides = array<i32>} : memref<320x64xf32, #tpu.memory_space<vmem>>, vector<16xf32>,
        %max3A_375 = arith.maximumf %get3A_374, %max3A_364 : vector<16xf32>
        %swap3A_376 = arith.index_cast %squeeze3A : i32 to index
        %swap3A_377 = arith.constant 16 : index
        %swap3A_378 = tpu.vector_load %arg26[%swap3A_376, %swap3A_377] {strides = array<i32>} : memref<320x64xf32, #tpu.memory_space<vmem>>, vector<16xf32>,
        tpu.vector_store %arg26[%swap3A_376, %swap3A_377], %max3A_375 {strides = array<i32>} : memref<320x64xf32, #tpu.memory_space<vmem>>, vector<16xf32>,
        %get3A_379 = arith.index_cast %squeeze3A : i32 to index
        %get3A_380 = arith.constant 16 : index
        %get3A_381 = tpu.vector_load %arg27[%get3A_379, %get3A_380] {strides = array<i32>} : memref<320x64xf32, #tpu.memory_space<vmem>>, vector<16xf32>,
        %min3A_382 = arith.minimumf %get3A_381, %max3A_364 : vector<16xf32>
        %swap3A_383 = arith.index_cast %squeeze3A : i32 to index
        %swap3A_384 = arith.constant 16 : index
        %swap3A_385 = tpu.vector_load %arg27[%swap3A_383, %swap3A_384] {strides = array<i32>} : memref<320x64xf32, #tpu.memory_space<vmem>>, vector<16xf32>,
        tpu.vector_store %arg27[%swap3A_383, %swap3A_384], %min3A_382 {strides = array<i32>} : memref<320x64xf32, #tpu.memory_space<vmem>>, vector<16xf32>,
        %get3A_386 = arith.index_cast %while3A_323 : i32 to index
        %get3A_387 = arith.constant 32 : index
        %get3A_388 = tpu.vector_load %arg22[%get3A_386, %get3A_387] {strides = array<i32>} : memref<256x64xf32, #tpu.memory_space<vmem>>, vector<16xf32>,
        %get3A_389 = arith.index_cast %squeeze3A : i32 to index
        %get3A_390 = arith.constant 32 : index
        %get3A_391 = tpu.vector_load %arg23[%get3A_389, %get3A_390] {strides = array<i32>} : memref<320x64xf32, #tpu.memory_space<vmem>>, vector<16xf32>,
        %add3A_392 = arith.addf %get3A_388, %get3A_391 : vector<16xf32>
        %max3A_393 = arith.constant 0.000000e+00 : f32
        %max3A_394 = vector.broadcast %max3A_393 : f32 to vector<16xf32>
        %max3A_395 = arith.maximumf %add3A_392, %max3A_394 : vector<16xf32>
        %swap3A_396 = arith.index_cast %squeeze3A : i32 to index
        %swap3A_397 = arith.constant 32 : index
        %swap3A_398 = tpu.vector_load %arg24[%swap3A_396, %swap3A_397] {strides = array<i32>} : memref<320x64xf32, #tpu.memory_space<vmem>>, vector<16xf32>,
        tpu.vector_store %arg24[%swap3A_396, %swap3A_397], %max3A_395 {add = true, strides = array<i32>} : memref<320x64xf32, #tpu.memory_space<vmem>>, vector<16xf32>,
        %mul3A_399 = arith.mulf %max3A_395, %max3A_395 : vector<16xf32>
        %swap3A_400 = arith.index_cast %squeeze3A : i32 to index
        %swap3A_401 = arith.constant 32 : index
        %swap3A_402 = tpu.vector_load %arg25[%swap3A_400, %swap3A_401] {strides = array<i32>} : memref<320x64xf32, #tpu.memory_space<vmem>>, vector<16xf32>,
        tpu.vector_store %arg25[%swap3A_400, %swap3A_401], %mul3A_399 {add = true, strides = array<i32>} : memref<320x64xf32, #tpu.memory_space<vmem>>, vector<16xf32>,
        %get3A_403 = arith.index_cast %squeeze3A : i32 to index
        %get3A_404 = arith.constant 32 : index
        %get3A_405 = tpu.vector_load %arg26[%get3A_403, %get3A_404] {strides = array<i32>} : memref<320x64xf32, #tpu.memory_space<vmem>>, vector<16xf32>,
        %max3A_406 = arith.maximumf %get3A_405, %max3A_395 : vector<16xf32>
        %swap3A_407 = arith.index_cast %squeeze3A : i32 to index
        %swap3A_408 = arith.constant 32 : index
        %swap3A_409 = tpu.vector_load %arg26[%swap3A_407, %swap3A_408] {strides = array<i32>} : memref<320x64xf32, #tpu.memory_space<vmem>>, vector<16xf32>,
        tpu.vector_store %arg26[%swap3A_407, %swap3A_408], %max3A_406 {strides = array<i32>} : memref<320x64xf32, #tpu.memory_space<vmem>>, vector<16xf32>,
        %get3A_410 = arith.index_cast %squeeze3A : i32 to index
        %get3A_411 = arith.constant 32 : index
        %get3A_412 = tpu.vector_load %arg27[%get3A_410, %get3A_411] {strides = array<i32>} : memref<320x64xf32, #tpu.memory_space<vmem>>, vector<16xf32>,
        %min3A_413 = arith.minimumf %get3A_412, %max3A_395 : vector<16xf32>
        %swap3A_414 = arith.index_cast %squeeze3A : i32 to index
        %swap3A_415 = arith.constant 32 : index
        %swap3A_416 = tpu.vector_load %arg27[%swap3A_414, %swap3A_415] {strides = array<i32>} : memref<320x64xf32, #tpu.memory_space<vmem>>, vector<16xf32>,
        tpu.vector_store %arg27[%swap3A_414, %swap3A_415], %min3A_413 {strides = array<i32>} : memref<320x64xf32, #tpu.memory_space<vmem>>, vector<16xf32>,
        %get3A_417 = arith.index_cast %while3A_323 : i32 to index
        %get3A_418 = arith.constant 48 : index
        %get3A_419 = tpu.vector_load %arg22[%get3A_417, %get3A_418] {strides = array<i32>} : memref<256x64xf32, #tpu.memory_space<vmem>>, vector<16xf32>,
        %get3A_420 = arith.index_cast %squeeze3A : i32 to index
        %get3A_421 = arith.constant 48 : index
        %get3A_422 = tpu.vector_load %arg23[%get3A_420, %get3A_421] {strides = array<i32>} : memref<320x64xf32, #tpu.memory_space<vmem>>, vector<16xf32>,
        %add3A_423 = arith.addf %get3A_419, %get3A_422 : vector<16xf32>
        %max3A_424 = arith.constant 0.000000e+00 : f32
        %max3A_425 = vector.broadcast %max3A_424 : f32 to vector<16xf32>
        %max3A_426 = arith.maximumf %add3A_423, %max3A_425 : vector<16xf32>
        %swap3A_427 = arith.index_cast %squeeze3A : i32 to index
        %swap3A_428 = arith.constant 48 : index
        %swap3A_429 = tpu.vector_load %arg24[%swap3A_427, %swap3A_428] {strides = array<i32>} : memref<320x64xf32, #tpu.memory_space<vmem>>, vector<16xf32>,
        tpu.vector_store %arg24[%swap3A_427, %swap3A_428], %max3A_426 {add = true, strides = array<i32>} : memref<320x64xf32, #tpu.memory_space<vmem>>, vector<16xf32>,
        %mul3A_430 = arith.mulf %max3A_426, %max3A_426 : vector<16xf32>
        %swap3A_431 = arith.index_cast %squeeze3A : i32 to index
        %swap3A_432 = arith.constant 48 : index
        %swap3A_433 = tpu.vector_load %arg25[%swap3A_431, %swap3A_432] {strides = array<i32>} : memref<320x64xf32, #tpu.memory_space<vmem>>, vector<16xf32>,
        tpu.vector_store %arg25[%swap3A_431, %swap3A_432], %mul3A_430 {add = true, strides = array<i32>} : memref<320x64xf32, #tpu.memory_space<vmem>>, vector<16xf32>,
        %get3A_434 = arith.index_cast %squeeze3A : i32 to index
        %get3A_435 = arith.constant 48 : index
        %get3A_436 = tpu.vector_load %arg26[%get3A_434, %get3A_435] {strides = array<i32>} : memref<320x64xf32, #tpu.memory_space<vmem>>, vector<16xf32>,
        %max3A_437 = arith.maximumf %get3A_436, %max3A_426 : vector<16xf32>
        %swap3A_438 = arith.index_cast %squeeze3A : i32 to index
        %swap3A_439 = arith.constant 48 : index
        %swap3A_440 = tpu.vector_load %arg26[%swap3A_438, %swap3A_439] {strides = array<i32>} : memref<320x64xf32, #tpu.memory_space<vmem>>, vector<16xf32>,
        tpu.vector_store %arg26[%swap3A_438, %swap3A_439], %max3A_437 {strides = array<i32>} : memref<320x64xf32, #tpu.memory_space<vmem>>, vector<16xf32>,
        %get3A_441 = arith.index_cast %squeeze3A : i32 to index
        %get3A_442 = arith.constant 48 : index
        %get3A_443 = tpu.vector_load %arg27[%get3A_441, %get3A_442] {strides = array<i32>} : memref<320x64xf32, #tpu.memory_space<vmem>>, vector<16xf32>,
        %min3A_444 = arith.minimumf %get3A_443, %max3A_426 : vector<16xf32>
        %swap3A_445 = arith.index_cast %squeeze3A : i32 to index
        %swap3A_446 = arith.constant 48 : index
        %swap3A_447 = tpu.vector_load %arg27[%swap3A_445, %swap3A_446] {strides = array<i32>} : memref<320x64xf32, #tpu.memory_space<vmem>>, vector<16xf32>,
        tpu.vector_store %arg27[%swap3A_445, %swap3A_446], %min3A_444 {strides = array<i32>} : memref<320x64xf32, #tpu.memory_space<vmem>>, vector<16xf32>,
        %while3A_448 = arith.constant 0 : i32
        scf.yield %while3A_448 : i32
      }
      %while3A_322 = arith.constant 0 : i32
      scf.yield %while3A_322 : i32
    }
    %multiple_of3A_193 = tpu.assume_multiple %mul3A_2, 320 : i32
    %run_scoped3A_194 = arith.constant 2 : i32
    "tpu.region"() ({
      %run_scoped3A_263 = tpu.sem_alloc : memref<!tpu.dma_semaphore, #tpu.memory_space<semaphore_mem>>
      %dma_start3A = arith.constant 0 : i32
      %dma_start3A_264 = tpu.memref_slice %arg6[%run_scoped3A_194, %multiple_of3A_193, %dma_start3A] : memref<4x10240x64xf32, #tpu.memory_space<hbm>> -> memref<1x320x64xf32, #tpu.memory_space<hbm>>
      %dma_start3A_265 = tpu.memref_squeeze %dma_start3A_264 : memref<1x320x64xf32, #tpu.memory_space<hbm>> -> memref<320x64xf32, #tpu.memory_space<hbm>>
      %dma_start3A_266 = arith.constant 0 : i32
      %dma_start3A_267 = tpu.memref_slice %arg6[%run_scoped3A_194, %multiple_of3A_193, %dma_start3A_266] : memref<4x10240x64xf32, #tpu.memory_space<hbm>> -> memref<1x320x64xf32, #tpu.memory_space<hbm>>
      %dma_start3A_268 = tpu.memref_squeeze %dma_start3A_267 : memref<1x320x64xf32, #tpu.memory_space<hbm>> -> memref<320x64xf32, #tpu.memory_space<hbm>>
      tpu.enqueue_dma source(%arg24 : memref<320x64xf32, #tpu.memory_space<vmem>>) target(%dma_start3A_268 : memref<320x64xf32, #tpu.memory_space<hbm>>) target_semaphore(%run_scoped3A_263 : memref<!tpu.dma_semaphore, #tpu.memory_space<semaphore_mem>>)
      %dma_wait3A = arith.constant 0 : i32
      %dma_wait3A_269 = tpu.memref_slice %arg6[%run_scoped3A_194, %multiple_of3A_193, %dma_wait3A] : memref<4x10240x64xf32, #tpu.memory_space<hbm>> -> memref<1x320x64xf32, #tpu.memory_space<hbm>>
      %dma_wait3A_270 = tpu.memref_squeeze %dma_wait3A_269 : memref<1x320x64xf32, #tpu.memory_space<hbm>> -> memref<320x64xf32, #tpu.memory_space<hbm>>
      %dma_wait3A_271 = arith.constant 0 : i32
      %dma_wait3A_272 = tpu.memref_slice %arg6[%run_scoped3A_194, %multiple_of3A_193, %dma_wait3A_271] : memref<4x10240x64xf32, #tpu.memory_space<hbm>> -> memref<1x320x64xf32, #tpu.memory_space<hbm>>
      %dma_wait3A_273 = tpu.memref_squeeze %dma_wait3A_272 : memref<1x320x64xf32, #tpu.memory_space<hbm>> -> memref<320x64xf32, #tpu.memory_space<hbm>>
      tpu.wait_dma2 semaphore(%run_scoped3A_263 : memref<!tpu.dma_semaphore, #tpu.memory_space<semaphore_mem>>) src(%arg24 : memref<320x64xf32, #tpu.memory_space<vmem>>) dst(%dma_wait3A_273 : memref<320x64xf32, #tpu.memory_space<hbm>>)
      tpu.yield
    }) : () -> ()
    %multiple_of3A_195 = tpu.assume_multiple %mul3A_2, 320 : i32
    %run_scoped3A_196 = arith.constant 2 : i32
    "tpu.region"() ({
      %run_scoped3A_263 = tpu.sem_alloc : memref<!tpu.dma_semaphore, #tpu.memory_space<semaphore_mem>>
      %dma_start3A = arith.constant 0 : i32
      %dma_start3A_264 = tpu.memref_slice %arg7[%run_scoped3A_196, %multiple_of3A_195, %dma_start3A] : memref<4x10240x64xf32, #tpu.memory_space<hbm>> -> memref<1x320x64xf32, #tpu.memory_space<hbm>>
      %dma_start3A_265 = tpu.memref_squeeze %dma_start3A_264 : memref<1x320x64xf32, #tpu.memory_space<hbm>> -> memref<320x64xf32, #tpu.memory_space<hbm>>
      %dma_start3A_266 = arith.constant 0 : i32
      %dma_start3A_267 = tpu.memref_slice %arg7[%run_scoped3A_196, %multiple_of3A_195, %dma_start3A_266] : memref<4x10240x64xf32, #tpu.memory_space<hbm>> -> memref<1x320x64xf32, #tpu.memory_space<hbm>>
      %dma_start3A_268 = tpu.memref_squeeze %dma_start3A_267 : memref<1x320x64xf32, #tpu.memory_space<hbm>> -> memref<320x64xf32, #tpu.memory_space<hbm>>
      tpu.enqueue_dma source(%arg25 : memref<320x64xf32, #tpu.memory_space<vmem>>) target(%dma_start3A_268 : memref<320x64xf32, #tpu.memory_space<hbm>>) target_semaphore(%run_scoped3A_263 : memref<!tpu.dma_semaphore, #tpu.memory_space<semaphore_mem>>)
      %dma_wait3A = arith.constant 0 : i32
      %dma_wait3A_269 = tpu.memref_slice %arg7[%run_scoped3A_196, %multiple_of3A_195, %dma_wait3A] : memref<4x10240x64xf32, #tpu.memory_space<hbm>> -> memref<1x320x64xf32, #tpu.memory_space<hbm>>
      %dma_wait3A_270 = tpu.memref_squeeze %dma_wait3A_269 : memref<1x320x64xf32, #tpu.memory_space<hbm>> -> memref<320x64xf32, #tpu.memory_space<hbm>>
      %dma_wait3A_271 = arith.constant 0 : i32
      %dma_wait3A_272 = tpu.memref_slice %arg7[%run_scoped3A_196, %multiple_of3A_195, %dma_wait3A_271] : memref<4x10240x64xf32, #tpu.memory_space<hbm>> -> memref<1x320x64xf32, #tpu.memory_space<hbm>>
      %dma_wait3A_273 = tpu.memref_squeeze %dma_wait3A_272 : memref<1x320x64xf32, #tpu.memory_space<hbm>> -> memref<320x64xf32, #tpu.memory_space<hbm>>
      tpu.wait_dma2 semaphore(%run_scoped3A_263 : memref<!tpu.dma_semaphore, #tpu.memory_space<semaphore_mem>>) src(%arg25 : memref<320x64xf32, #tpu.memory_space<vmem>>) dst(%dma_wait3A_273 : memref<320x64xf32, #tpu.memory_space<hbm>>)
      tpu.yield
    }) : () -> ()
    %multiple_of3A_197 = tpu.assume_multiple %mul3A_2, 320 : i32
    %run_scoped3A_198 = arith.constant 2 : i32
    "tpu.region"() ({
      %run_scoped3A_263 = tpu.sem_alloc : memref<!tpu.dma_semaphore, #tpu.memory_space<semaphore_mem>>
      %dma_start3A = arith.constant 0 : i32
      %dma_start3A_264 = tpu.memref_slice %arg8[%run_scoped3A_198, %multiple_of3A_197, %dma_start3A] : memref<4x10240x64xf32, #tpu.memory_space<hbm>> -> memref<1x320x64xf32, #tpu.memory_space<hbm>>
      %dma_start3A_265 = tpu.memref_squeeze %dma_start3A_264 : memref<1x320x64xf32, #tpu.memory_space<hbm>> -> memref<320x64xf32, #tpu.memory_space<hbm>>
      %dma_start3A_266 = arith.constant 0 : i32
      %dma_start3A_267 = tpu.memref_slice %arg8[%run_scoped3A_198, %multiple_of3A_197, %dma_start3A_266] : memref<4x10240x64xf32, #tpu.memory_space<hbm>> -> memref<1x320x64xf32, #tpu.memory_space<hbm>>
      %dma_start3A_268 = tpu.memref_squeeze %dma_start3A_267 : memref<1x320x64xf32, #tpu.memory_space<hbm>> -> memref<320x64xf32, #tpu.memory_space<hbm>>
      tpu.enqueue_dma source(%arg26 : memref<320x64xf32, #tpu.memory_space<vmem>>) target(%dma_start3A_268 : memref<320x64xf32, #tpu.memory_space<hbm>>) target_semaphore(%run_scoped3A_263 : memref<!tpu.dma_semaphore, #tpu.memory_space<semaphore_mem>>)
      %dma_wait3A = arith.constant 0 : i32
      %dma_wait3A_269 = tpu.memref_slice %arg8[%run_scoped3A_198, %multiple_of3A_197, %dma_wait3A] : memref<4x10240x64xf32, #tpu.memory_space<hbm>> -> memref<1x320x64xf32, #tpu.memory_space<hbm>>
      %dma_wait3A_270 = tpu.memref_squeeze %dma_wait3A_269 : memref<1x320x64xf32, #tpu.memory_space<hbm>> -> memref<320x64xf32, #tpu.memory_space<hbm>>
      %dma_wait3A_271 = arith.constant 0 : i32
      %dma_wait3A_272 = tpu.memref_slice %arg8[%run_scoped3A_198, %multiple_of3A_197, %dma_wait3A_271] : memref<4x10240x64xf32, #tpu.memory_space<hbm>> -> memref<1x320x64xf32, #tpu.memory_space<hbm>>
      %dma_wait3A_273 = tpu.memref_squeeze %dma_wait3A_272 : memref<1x320x64xf32, #tpu.memory_space<hbm>> -> memref<320x64xf32, #tpu.memory_space<hbm>>
      tpu.wait_dma2 semaphore(%run_scoped3A_263 : memref<!tpu.dma_semaphore, #tpu.memory_space<semaphore_mem>>) src(%arg26 : memref<320x64xf32, #tpu.memory_space<vmem>>) dst(%dma_wait3A_273 : memref<320x64xf32, #tpu.memory_space<hbm>>)
      tpu.yield
    }) : () -> ()
    %multiple_of3A_199 = tpu.assume_multiple %mul3A_2, 320 : i32
    %run_scoped3A_200 = arith.constant 2 : i32
    "tpu.region"() ({
      %run_scoped3A_263 = tpu.sem_alloc : memref<!tpu.dma_semaphore, #tpu.memory_space<semaphore_mem>>
      %dma_start3A = arith.constant 0 : i32
      %dma_start3A_264 = tpu.memref_slice %arg9[%run_scoped3A_200, %multiple_of3A_199, %dma_start3A] : memref<4x10240x64xf32, #tpu.memory_space<hbm>> -> memref<1x320x64xf32, #tpu.memory_space<hbm>>
      %dma_start3A_265 = tpu.memref_squeeze %dma_start3A_264 : memref<1x320x64xf32, #tpu.memory_space<hbm>> -> memref<320x64xf32, #tpu.memory_space<hbm>>
      %dma_start3A_266 = arith.constant 0 : i32
      %dma_start3A_267 = tpu.memref_slice %arg9[%run_scoped3A_200, %multiple_of3A_199, %dma_start3A_266] : memref<4x10240x64xf32, #tpu.memory_space<hbm>> -> memref<1x320x64xf32, #tpu.memory_space<hbm>>
      %dma_start3A_268 = tpu.memref_squeeze %dma_start3A_267 : memref<1x320x64xf32, #tpu.memory_space<hbm>> -> memref<320x64xf32, #tpu.memory_space<hbm>>
      tpu.enqueue_dma source(%arg27 : memref<320x64xf32, #tpu.memory_space<vmem>>) target(%dma_start3A_268 : memref<320x64xf32, #tpu.memory_space<hbm>>) target_semaphore(%run_scoped3A_263 : memref<!tpu.dma_semaphore, #tpu.memory_space<semaphore_mem>>)
      %dma_wait3A = arith.constant 0 : i32
      %dma_wait3A_269 = tpu.memref_slice %arg9[%run_scoped3A_200, %multiple_of3A_199, %dma_wait3A] : memref<4x10240x64xf32, #tpu.memory_space<hbm>> -> memref<1x320x64xf32, #tpu.memory_space<hbm>>
      %dma_wait3A_270 = tpu.memref_squeeze %dma_wait3A_269 : memref<1x320x64xf32, #tpu.memory_space<hbm>> -> memref<320x64xf32, #tpu.memory_space<hbm>>
      %dma_wait3A_271 = arith.constant 0 : i32
      %dma_wait3A_272 = tpu.memref_slice %arg9[%run_scoped3A_200, %multiple_of3A_199, %dma_wait3A_271] : memref<4x10240x64xf32, #tpu.memory_space<hbm>> -> memref<1x320x64xf32, #tpu.memory_space<hbm>>
      %dma_wait3A_273 = tpu.memref_squeeze %dma_wait3A_272 : memref<1x320x64xf32, #tpu.memory_space<hbm>> -> memref<320x64xf32, #tpu.memory_space<hbm>>
      tpu.wait_dma2 semaphore(%run_scoped3A_263 : memref<!tpu.dma_semaphore, #tpu.memory_space<semaphore_mem>>) src(%arg27 : memref<320x64xf32, #tpu.memory_space<vmem>>) dst(%dma_wait3A_273 : memref<320x64xf32, #tpu.memory_space<hbm>>)
      tpu.yield
    }) : () -> ()
    %broadcast_in_dim3A_201 = arith.constant 0.000000e+00 : f32
    %broadcast_in_dim3A_202 = vector.broadcast %broadcast_in_dim3A_201 : f32 to vector<16xf32>
    %broadcast_in_dim3A_203 = arith.constant 3.000000e+38 : f32
    %broadcast_in_dim3A_204 = vector.broadcast %broadcast_in_dim3A_203 : f32 to vector<16xf32>
    %scan3A_205 = arith.constant 0 : i32
    %scan3A_206 = arith.constant 0 : i32
    %scan3A_207 = arith.constant 320 : i32
    %scan3A_208 = arith.addi %scan3A_206, %scan3A_207 : i32
    %scan3A_209 = arith.constant 1 : i32
    %scan3A_210 = scf.for %scan3A_263 = %scan3A_206 to %scan3A_208 step %scan3A_209 iter_args(%scan3A_264 = %scan3A_205) -> (i32)  : i32 {
      %swap3A = arith.index_cast %scan3A_263 : i32 to index
      %swap3A_265 = arith.constant 0 : index
      %swap3A_266 = tpu.vector_load %arg24[%swap3A, %swap3A_265] {strides = array<i32>} : memref<320x64xf32, #tpu.memory_space<vmem>>, vector<16xf32>,
      tpu.vector_store %arg24[%swap3A, %swap3A_265], %broadcast_in_dim3A_202 {strides = array<i32>} : memref<320x64xf32, #tpu.memory_space<vmem>>, vector<16xf32>,
      %swap3A_267 = arith.index_cast %scan3A_263 : i32 to index
      %swap3A_268 = arith.constant 0 : index
      %swap3A_269 = tpu.vector_load %arg25[%swap3A_267, %swap3A_268] {strides = array<i32>} : memref<320x64xf32, #tpu.memory_space<vmem>>, vector<16xf32>,
      tpu.vector_store %arg25[%swap3A_267, %swap3A_268], %broadcast_in_dim3A_202 {strides = array<i32>} : memref<320x64xf32, #tpu.memory_space<vmem>>, vector<16xf32>,
      %swap3A_270 = arith.index_cast %scan3A_263 : i32 to index
      %swap3A_271 = arith.constant 0 : index
      %swap3A_272 = tpu.vector_load %arg26[%swap3A_270, %swap3A_271] {strides = array<i32>} : memref<320x64xf32, #tpu.memory_space<vmem>>, vector<16xf32>,
      tpu.vector_store %arg26[%swap3A_270, %swap3A_271], %broadcast_in_dim3A_202 {strides = array<i32>} : memref<320x64xf32, #tpu.memory_space<vmem>>, vector<16xf32>,
      %swap3A_273 = arith.index_cast %scan3A_263 : i32 to index
      %swap3A_274 = arith.constant 0 : index
      %swap3A_275 = tpu.vector_load %arg27[%swap3A_273, %swap3A_274] {strides = array<i32>} : memref<320x64xf32, #tpu.memory_space<vmem>>, vector<16xf32>,
      tpu.vector_store %arg27[%swap3A_273, %swap3A_274], %broadcast_in_dim3A_204 {strides = array<i32>} : memref<320x64xf32, #tpu.memory_space<vmem>>, vector<16xf32>,
      %swap3A_276 = arith.index_cast %scan3A_263 : i32 to index
      %swap3A_277 = arith.constant 16 : index
      %swap3A_278 = tpu.vector_load %arg24[%swap3A_276, %swap3A_277] {strides = array<i32>} : memref<320x64xf32, #tpu.memory_space<vmem>>, vector<16xf32>,
      tpu.vector_store %arg24[%swap3A_276, %swap3A_277], %broadcast_in_dim3A_202 {strides = array<i32>} : memref<320x64xf32, #tpu.memory_space<vmem>>, vector<16xf32>,
      %swap3A_279 = arith.index_cast %scan3A_263 : i32 to index
      %swap3A_280 = arith.constant 16 : index
      %swap3A_281 = tpu.vector_load %arg25[%swap3A_279, %swap3A_280] {strides = array<i32>} : memref<320x64xf32, #tpu.memory_space<vmem>>, vector<16xf32>,
      tpu.vector_store %arg25[%swap3A_279, %swap3A_280], %broadcast_in_dim3A_202 {strides = array<i32>} : memref<320x64xf32, #tpu.memory_space<vmem>>, vector<16xf32>,
      %swap3A_282 = arith.index_cast %scan3A_263 : i32 to index
      %swap3A_283 = arith.constant 16 : index
      %swap3A_284 = tpu.vector_load %arg26[%swap3A_282, %swap3A_283] {strides = array<i32>} : memref<320x64xf32, #tpu.memory_space<vmem>>, vector<16xf32>,
      tpu.vector_store %arg26[%swap3A_282, %swap3A_283], %broadcast_in_dim3A_202 {strides = array<i32>} : memref<320x64xf32, #tpu.memory_space<vmem>>, vector<16xf32>,
      %swap3A_285 = arith.index_cast %scan3A_263 : i32 to index
      %swap3A_286 = arith.constant 16 : index
      %swap3A_287 = tpu.vector_load %arg27[%swap3A_285, %swap3A_286] {strides = array<i32>} : memref<320x64xf32, #tpu.memory_space<vmem>>, vector<16xf32>,
      tpu.vector_store %arg27[%swap3A_285, %swap3A_286], %broadcast_in_dim3A_204 {strides = array<i32>} : memref<320x64xf32, #tpu.memory_space<vmem>>, vector<16xf32>,
      %swap3A_288 = arith.index_cast %scan3A_263 : i32 to index
      %swap3A_289 = arith.constant 32 : index
      %swap3A_290 = tpu.vector_load %arg24[%swap3A_288, %swap3A_289] {strides = array<i32>} : memref<320x64xf32, #tpu.memory_space<vmem>>, vector<16xf32>,
      tpu.vector_store %arg24[%swap3A_288, %swap3A_289], %broadcast_in_dim3A_202 {strides = array<i32>} : memref<320x64xf32, #tpu.memory_space<vmem>>, vector<16xf32>,
      %swap3A_291 = arith.index_cast %scan3A_263 : i32 to index
      %swap3A_292 = arith.constant 32 : index
      %swap3A_293 = tpu.vector_load %arg25[%swap3A_291, %swap3A_292] {strides = array<i32>} : memref<320x64xf32, #tpu.memory_space<vmem>>, vector<16xf32>,
      tpu.vector_store %arg25[%swap3A_291, %swap3A_292], %broadcast_in_dim3A_202 {strides = array<i32>} : memref<320x64xf32, #tpu.memory_space<vmem>>, vector<16xf32>,
      %swap3A_294 = arith.index_cast %scan3A_263 : i32 to index
      %swap3A_295 = arith.constant 32 : index
      %swap3A_296 = tpu.vector_load %arg26[%swap3A_294, %swap3A_295] {strides = array<i32>} : memref<320x64xf32, #tpu.memory_space<vmem>>, vector<16xf32>,
      tpu.vector_store %arg26[%swap3A_294, %swap3A_295], %broadcast_in_dim3A_202 {strides = array<i32>} : memref<320x64xf32, #tpu.memory_space<vmem>>, vector<16xf32>,
      %swap3A_297 = arith.index_cast %scan3A_263 : i32 to index
      %swap3A_298 = arith.constant 32 : index
      %swap3A_299 = tpu.vector_load %arg27[%swap3A_297, %swap3A_298] {strides = array<i32>} : memref<320x64xf32, #tpu.memory_space<vmem>>, vector<16xf32>,
      tpu.vector_store %arg27[%swap3A_297, %swap3A_298], %broadcast_in_dim3A_204 {strides = array<i32>} : memref<320x64xf32, #tpu.memory_space<vmem>>, vector<16xf32>,
      %swap3A_300 = arith.index_cast %scan3A_263 : i32 to index
      %swap3A_301 = arith.constant 48 : index
      %swap3A_302 = tpu.vector_load %arg24[%swap3A_300, %swap3A_301] {strides = array<i32>} : memref<320x64xf32, #tpu.memory_space<vmem>>, vector<16xf32>,
      tpu.vector_store %arg24[%swap3A_300, %swap3A_301], %broadcast_in_dim3A_202 {strides = array<i32>} : memref<320x64xf32, #tpu.memory_space<vmem>>, vector<16xf32>,
      %swap3A_303 = arith.index_cast %scan3A_263 : i32 to index
      %swap3A_304 = arith.constant 48 : index
      %swap3A_305 = tpu.vector_load %arg25[%swap3A_303, %swap3A_304] {strides = array<i32>} : memref<320x64xf32, #tpu.memory_space<vmem>>, vector<16xf32>,
      tpu.vector_store %arg25[%swap3A_303, %swap3A_304], %broadcast_in_dim3A_202 {strides = array<i32>} : memref<320x64xf32, #tpu.memory_space<vmem>>, vector<16xf32>,
      %swap3A_306 = arith.index_cast %scan3A_263 : i32 to index
      %swap3A_307 = arith.constant 48 : index
      %swap3A_308 = tpu.vector_load %arg26[%swap3A_306, %swap3A_307] {strides = array<i32>} : memref<320x64xf32, #tpu.memory_space<vmem>>, vector<16xf32>,
      tpu.vector_store %arg26[%swap3A_306, %swap3A_307], %broadcast_in_dim3A_202 {strides = array<i32>} : memref<320x64xf32, #tpu.memory_space<vmem>>, vector<16xf32>,
      %swap3A_309 = arith.index_cast %scan3A_263 : i32 to index
      %swap3A_310 = arith.constant 48 : index
      %swap3A_311 = tpu.vector_load %arg27[%swap3A_309, %swap3A_310] {strides = array<i32>} : memref<320x64xf32, #tpu.memory_space<vmem>>, vector<16xf32>,
      tpu.vector_store %arg27[%swap3A_309, %swap3A_310], %broadcast_in_dim3A_204 {strides = array<i32>} : memref<320x64xf32, #tpu.memory_space<vmem>>, vector<16xf32>,
      %scan3A_312 = arith.constant 0 : i32
      scf.yield %scan3A_312 : i32
    }
    %scan3A_211 = arith.constant 320 : i32
    %add3A_212 = arith.constant 30720 : i32
    %add3A_213 = arith.addi %add3A_212, %mul3A_2 : i32
    %multiple_of3A_214 = tpu.assume_multiple %add3A_213, 320 : i32
    "tpu.region"() ({
      %run_scoped3A_263 = tpu.sem_alloc : memref<!tpu.dma_semaphore, #tpu.memory_space<semaphore_mem>>
      %dma_start3A = arith.constant 0 : i32
      %dma_start3A_264 = tpu.memref_slice %arg5[%multiple_of3A_214, %dma_start3A] : memref<40960x64xf32, #tpu.memory_space<hbm>> -> memref<320x64xf32, #tpu.memory_space<hbm>>
      %dma_start3A_265 = arith.constant 0 : i32
      %dma_start3A_266 = tpu.memref_slice %arg5[%multiple_of3A_214, %dma_start3A_265] : memref<40960x64xf32, #tpu.memory_space<hbm>> -> memref<320x64xf32, #tpu.memory_space<hbm>>
      tpu.enqueue_dma source(%dma_start3A_266 : memref<320x64xf32, #tpu.memory_space<hbm>>) target(%arg23 : memref<320x64xf32, #tpu.memory_space<vmem>>) target_semaphore(%run_scoped3A_263 : memref<!tpu.dma_semaphore, #tpu.memory_space<semaphore_mem>>)
      %dma_wait3A = arith.constant 0 : i32
      %dma_wait3A_267 = tpu.memref_slice %arg5[%multiple_of3A_214, %dma_wait3A] : memref<40960x64xf32, #tpu.memory_space<hbm>> -> memref<320x64xf32, #tpu.memory_space<hbm>>
      %dma_wait3A_268 = arith.constant 0 : i32
      %dma_wait3A_269 = tpu.memref_slice %arg5[%multiple_of3A_214, %dma_wait3A_268] : memref<40960x64xf32, #tpu.memory_space<hbm>> -> memref<320x64xf32, #tpu.memory_space<hbm>>
      tpu.wait_dma2 semaphore(%run_scoped3A_263 : memref<!tpu.dma_semaphore, #tpu.memory_space<semaphore_mem>>) src(%dma_wait3A_269 : memref<320x64xf32, #tpu.memory_space<hbm>>) dst(%arg23 : memref<320x64xf32, #tpu.memory_space<vmem>>)
      tpu.yield
    }) : () -> ()
    %add3A_215 = arith.constant 256 : i32
    %add3A_216 = arith.addi %add3A_17, %add3A_215 : i32
    %sub3A_217 = arith.constant 1 : i32
    %sub3A_218 = arith.subi %add3A_216, %sub3A_217 : i32
    %jit3A_219 = arith.constant 256 : i32
    %div3A_220 = arith.divsi %sub3A_218, %jit3A_219 : i32
    %sign3A_221 = arith.constant 0 : i32
    %sign3A_222 = arith.cmpi sgt, %sub3A_218, %sign3A_221 : i32
    %sign3A_223 = arith.extui %sign3A_222 : i1 to i32
    %sign3A_224 = arith.constant 0 : i32
    %sign3A_225 = arith.cmpi slt, %sub3A_218, %sign3A_224 : i32
    %sign3A_226 = arith.extui %sign3A_225 : i1 to i32
    %sign3A_227 = arith.subi %sign3A_223, %sign3A_226 : i32
    %sign3A_228 = arith.constant 0 : i32
    %sign3A_229 = arith.cmpi sgt, %jit3A_219, %sign3A_228 : i32
    %sign3A_230 = arith.extui %sign3A_229 : i1 to i32
    %sign3A_231 = arith.constant 0 : i32
    %sign3A_232 = arith.cmpi slt, %jit3A_219, %sign3A_231 : i32
    %sign3A_233 = arith.extui %sign3A_232 : i1 to i32
    %sign3A_234 = arith.subi %sign3A_230, %sign3A_233 : i32
    %ne3A_235 = arith.cmpi ne, %sign3A_227, %sign3A_234 : i32
    %rem3A_236 = arith.remsi %sub3A_218, %jit3A_219 : i32
    %ne3A_237 = arith.constant 0 : i32
    %ne3A_238 = arith.cmpi ne, %rem3A_236, %ne3A_237 : i32
    %and3A_239 = arith.andi %ne3A_235, %ne3A_238 : i1
    %sub3A_240 = arith.constant 1 : i32
    %sub3A_241 = arith.subi %div3A_220, %sub3A_240 : i32
    %select_n3A_242 = arith.select %and3A_239, %sub3A_241, %div3A_220 : i32
    %while3A_243 = arith.constant 0 : i32
    %while3A_244 = arith.constant 0 : i32
    %while3A_245 = arith.subi %select_n3A_242, %while3A_243 : i32
    %while3A_246 = arith.addi %while3A_243, %while3A_245 : i32
    %while3A_247 = arith.constant 1 : i32
    %while3A_248 = arith.divsi %while3A_245, %while3A_247 : i32
    %while3A_249 = arith.muli %while3A_248, %while3A_247 : i32
    %while3A_250 = arith.addi %while3A_243, %while3A_249 : i32
    %while3A_251 = arith.constant 1 : i32
    %while3A_252 = scf.for %while3A_263 = %while3A_243 to %while3A_250 step %while3A_251 iter_args(%while3A_264 = %while3A_244) -> (i32)  : i32 {
      %mul3A_265 = arith.constant 256 : i32
      %mul3A_266 = arith.muli %while3A_263, %mul3A_265 : i32
      %add3A_267 = arith.addi %mul3A_6, %mul3A_266 : i32
      %multiple_of3A_268 = tpu.assume_multiple %add3A_267, 256 : i32
      "tpu.region"() ({
        %run_scoped3A_323 = tpu.sem_alloc : memref<!tpu.dma_semaphore, #tpu.memory_space<semaphore_mem>>
        %dma_start3A_324 = tpu.memref_slice %arg11[%multiple_of3A_268] : memref<5193728xi32, #tpu.memory_space<hbm>> -> memref<256xi32, #tpu.memory_space<hbm>>
        %dma_start3A_325 = tpu.memref_slice %arg11[%multiple_of3A_268] : memref<5193728xi32, #tpu.memory_space<hbm>> -> memref<256xi32, #tpu.memory_space<hbm>>
        tpu.enqueue_dma source(%dma_start3A_325 : memref<256xi32, #tpu.memory_space<hbm>>) target(%arg19 : memref<256xi32, #tpu.memory_space<vmem>>) target_semaphore(%run_scoped3A_323 : memref<!tpu.dma_semaphore, #tpu.memory_space<semaphore_mem>>)
        %dma_wait3A_326 = tpu.memref_slice %arg11[%multiple_of3A_268] : memref<5193728xi32, #tpu.memory_space<hbm>> -> memref<256xi32, #tpu.memory_space<hbm>>
        %dma_wait3A_327 = tpu.memref_slice %arg11[%multiple_of3A_268] : memref<5193728xi32, #tpu.memory_space<hbm>> -> memref<256xi32, #tpu.memory_space<hbm>>
        tpu.wait_dma2 semaphore(%run_scoped3A_323 : memref<!tpu.dma_semaphore, #tpu.memory_space<semaphore_mem>>) src(%dma_wait3A_327 : memref<256xi32, #tpu.memory_space<hbm>>) dst(%arg19 : memref<256xi32, #tpu.memory_space<vmem>>)
        tpu.yield
      }) : () -> ()
      %add3A_269 = arith.addi %mul3A_6, %mul3A_266 : i32
      %multiple_of3A_270 = tpu.assume_multiple %add3A_269, 256 : i32
      "tpu.region"() ({
        %run_scoped3A_323 = tpu.sem_alloc : memref<!tpu.dma_semaphore, #tpu.memory_space<semaphore_mem>>
        %dma_start3A_324 = arith.constant 0 : i32
        %dma_start3A_325 = tpu.memref_slice %arg20[%dma_start3A_324] : memref<272xi32, #tpu.memory_space<vmem>> -> memref<256xi32, #tpu.memory_space<vmem>>
        %dma_start3A_326 = tpu.memref_slice %arg12[%multiple_of3A_270] : memref<5193728xi32, #tpu.memory_space<hbm>> -> memref<256xi32, #tpu.memory_space<hbm>>
        %dma_start3A_327 = arith.constant 0 : i32
        %dma_start3A_328 = tpu.memref_slice %arg20[%dma_start3A_327] : memref<272xi32, #tpu.memory_space<vmem>> -> memref<256xi32, #tpu.memory_space<vmem>>
        %dma_start3A_329 = tpu.memref_slice %arg12[%multiple_of3A_270] : memref<5193728xi32, #tpu.memory_space<hbm>> -> memref<256xi32, #tpu.memory_space<hbm>>
        tpu.enqueue_dma source(%dma_start3A_329 : memref<256xi32, #tpu.memory_space<hbm>>) target(%dma_start3A_328 : memref<256xi32, #tpu.memory_space<vmem>>) target_semaphore(%run_scoped3A_323 : memref<!tpu.dma_semaphore, #tpu.memory_space<semaphore_mem>>)
        %dma_wait3A_330 = arith.constant 0 : i32
        %dma_wait3A_331 = tpu.memref_slice %arg20[%dma_wait3A_330] : memref<272xi32, #tpu.memory_space<vmem>> -> memref<256xi32, #tpu.memory_space<vmem>>
        %dma_wait3A_332 = tpu.memref_slice %arg12[%multiple_of3A_270] : memref<5193728xi32, #tpu.memory_space<hbm>> -> memref<256xi32, #tpu.memory_space<hbm>>
        %dma_wait3A_333 = arith.constant 0 : i32
        %dma_wait3A_334 = tpu.memref_slice %arg20[%dma_wait3A_333] : memref<272xi32, #tpu.memory_space<vmem>> -> memref<256xi32, #tpu.memory_space<vmem>>
        %dma_wait3A_335 = tpu.memref_slice %arg12[%multiple_of3A_270] : memref<5193728xi32, #tpu.memory_space<hbm>> -> memref<256xi32, #tpu.memory_space<hbm>>
        tpu.wait_dma2 semaphore(%run_scoped3A_323 : memref<!tpu.dma_semaphore, #tpu.memory_space<semaphore_mem>>) src(%dma_wait3A_335 : memref<256xi32, #tpu.memory_space<hbm>>) dst(%dma_wait3A_334 : memref<256xi32, #tpu.memory_space<vmem>>)
        tpu.yield
      }) : () -> ()
      %scan3A_271 = arith.constant 0 : i32
      %scan3A_272 = arith.constant 0 : i32
      %scan3A_273 = arith.constant 16 : i32
      %scan3A_274 = arith.addi %scan3A_272, %scan3A_273 : i32
      %scan3A_275 = arith.constant 1 : i32
      %scan3A_276 = scf.for %scan3A_323 = %scan3A_272 to %scan3A_274 step %scan3A_275 iter_args(%scan3A_324 = %scan3A_271) -> (i32)  : i32 {
        %mul3A_325 = arith.constant 16 : i32
        %mul3A_326 = arith.muli %scan3A_323, %mul3A_325 : i32
        %get3A = arith.index_cast %mul3A_326 : i32 to index
        %get3A_327 = tpu.vector_load %arg19[%get3A] {strides = array<i32>} : memref<256xi32, #tpu.memory_space<vmem>>, vector<16xi32>,
        %jit3A_328 = arith.constant 0 : i32
        %jit3A_329 = arith.constant 10239 : i32
        %max3A = vector.broadcast %jit3A_328 : i32 to vector<16xi32>
        %max3A_330 = arith.maxsi %max3A, %get3A_327 : vector<16xi32>
        %min3A_331 = vector.broadcast %jit3A_329 : i32 to vector<16xi32>
        %min3A_332 = arith.minsi %min3A_331, %max3A_330 : vector<16xi32>
        %add3A_333 = arith.constant 30720 : i32
        %add3A_334 = vector.broadcast %add3A_333 : i32 to vector<16xi32>
        %add3A_335 = arith.addi %min3A_332, %add3A_334 : vector<16xi32>
        %mul3A_336 = arith.constant 16 : i32
        %mul3A_337 = arith.muli %scan3A_323, %mul3A_336 : i32
        %swap3A = arith.index_cast %mul3A_337 : i32 to index
        %swap3A_338 = tpu.vector_load %arg21[%swap3A] {strides = array<i32>} : memref<256xi32, #tpu.memory_space<vmem>>, vector<16xi32>,
        tpu.vector_store %arg21[%swap3A], %add3A_335 {strides = array<i32>} : memref<256xi32, #tpu.memory_space<vmem>>, vector<16xi32>,
        %scan3A_339 = arith.constant 0 : i32
        scf.yield %scan3A_339 : i32
      }
      %scan3A_277 = arith.constant 16 : i32
      %sub3A_278 = arith.subi %add3A_17, %mul3A_266 : i32
      %min3A = arith.constant 256 : i32
      %min3A_279 = arith.minsi %min3A, %sub3A_278 : i32
      %dma_start3A = arith.constant 0 : i32
      %dma_start3A_280 = arith.constant 0 : i32
      %dma_start3A_281 = tpu.memref_slice %arg22[%dma_start3A, %dma_start3A_280] : memref<256x64xf32, #tpu.memory_space<vmem>> -> memref<128x64xf32, #tpu.memory_space<vmem>>
      %dma_start3A_282 = arith.constant 0 : i32
      %dma_start3A_283 = tpu.memref_slice %arg21[%dma_start3A_282] : memref<256xi32, #tpu.memory_space<vmem>> -> memref<128xi32, #tpu.memory_space<vmem>>
      %dma_start3A_284 = arith.constant 0 : i32
      %dma_start3A_285 = arith.constant 0 : i32
      %dma_start3A_286 = tpu.memref_slice %arg4[%dma_start3A_284, %dma_start3A_285] : memref<40960x64xf32, #tpu.memory_space<hbm>> -> memref<40960x64xf32, #tpu.memory_space<hbm>>
      tpu.enqueue_indirect_dma source(%dma_start3A_286 : memref<40960x64xf32, #tpu.memory_space<hbm>>) target(%dma_start3A_281 : memref<128x64xf32, #tpu.memory_space<vmem>>) offsets(%dma_start3A_283 : memref<128xi32, #tpu.memory_space<vmem>>) semaphore(%arg29 : memref<!tpu.dma_semaphore, #tpu.memory_space<semaphore_mem>>)
      %dma_start3A_287 = arith.constant 128 : i32
      %dma_start3A_288 = arith.constant 0 : i32
      %dma_start3A_289 = tpu.memref_slice %arg22[%dma_start3A_287, %dma_start3A_288] : memref<256x64xf32, #tpu.memory_space<vmem>> -> memref<128x64xf32, #tpu.memory_space<vmem>>
      %dma_start3A_290 = arith.constant 128 : i32
      %dma_start3A_291 = tpu.memref_slice %arg21[%dma_start3A_290] : memref<256xi32, #tpu.memory_space<vmem>> -> memref<128xi32, #tpu.memory_space<vmem>>
      %dma_start3A_292 = arith.constant 0 : i32
      %dma_start3A_293 = arith.constant 0 : i32
      %dma_start3A_294 = tpu.memref_slice %arg4[%dma_start3A_292, %dma_start3A_293] : memref<40960x64xf32, #tpu.memory_space<hbm>> -> memref<40960x64xf32, #tpu.memory_space<hbm>>
      tpu.enqueue_indirect_dma source(%dma_start3A_294 : memref<40960x64xf32, #tpu.memory_space<hbm>>) target(%dma_start3A_289 : memref<128x64xf32, #tpu.memory_space<vmem>>) offsets(%dma_start3A_291 : memref<128xi32, #tpu.memory_space<vmem>>) semaphore(%arg29 : memref<!tpu.dma_semaphore, #tpu.memory_space<semaphore_mem>>)
      %dma_wait3A = arith.constant 0 : i32
      %dma_wait3A_295 = arith.constant 0 : i32
      %dma_wait3A_296 = tpu.memref_slice %arg22[%dma_wait3A, %dma_wait3A_295] : memref<256x64xf32, #tpu.memory_space<vmem>> -> memref<128x64xf32, #tpu.memory_space<vmem>>
      %dma_wait3A_297 = arith.constant 0 : i32
      %dma_wait3A_298 = tpu.memref_slice %arg21[%dma_wait3A_297] : memref<256xi32, #tpu.memory_space<vmem>> -> memref<128xi32, #tpu.memory_space<vmem>>
      %dma_wait3A_299 = arith.constant 0 : i32
      %dma_wait3A_300 = arith.constant 0 : i32
      %dma_wait3A_301 = tpu.memref_slice %arg4[%dma_wait3A_299, %dma_wait3A_300] : memref<40960x64xf32, #tpu.memory_space<hbm>> -> memref<40960x64xf32, #tpu.memory_space<hbm>>
      tpu.wait_indirect_dma semaphore(%arg29 : memref<!tpu.dma_semaphore, #tpu.memory_space<semaphore_mem>>) src(%dma_wait3A_301 : memref<40960x64xf32, #tpu.memory_space<hbm>>) dst(%dma_wait3A_296 : memref<128x64xf32, #tpu.memory_space<vmem>>)
      %dma_wait3A_302 = arith.constant 128 : i32
      %dma_wait3A_303 = arith.constant 0 : i32
      %dma_wait3A_304 = tpu.memref_slice %arg22[%dma_wait3A_302, %dma_wait3A_303] : memref<256x64xf32, #tpu.memory_space<vmem>> -> memref<128x64xf32, #tpu.memory_space<vmem>>
      %dma_wait3A_305 = arith.constant 128 : i32
      %dma_wait3A_306 = tpu.memref_slice %arg21[%dma_wait3A_305] : memref<256xi32, #tpu.memory_space<vmem>> -> memref<128xi32, #tpu.memory_space<vmem>>
      %dma_wait3A_307 = arith.constant 0 : i32
      %dma_wait3A_308 = arith.constant 0 : i32
      %dma_wait3A_309 = tpu.memref_slice %arg4[%dma_wait3A_307, %dma_wait3A_308] : memref<40960x64xf32, #tpu.memory_space<hbm>> -> memref<40960x64xf32, #tpu.memory_space<hbm>>
      tpu.wait_indirect_dma semaphore(%arg29 : memref<!tpu.dma_semaphore, #tpu.memory_space<semaphore_mem>>) src(%dma_wait3A_309 : memref<40960x64xf32, #tpu.memory_space<hbm>>) dst(%dma_wait3A_304 : memref<128x64xf32, #tpu.memory_space<vmem>>)
      %while3A_310 = arith.constant 0 : i32
      %while3A_311 = arith.constant 0 : i32
      %while3A_312 = arith.subi %min3A_279, %while3A_310 : i32
      %while3A_313 = arith.addi %while3A_310, %while3A_312 : i32
      %while3A_314 = arith.constant 1 : i32
      %while3A_315 = arith.divsi %while3A_312, %while3A_314 : i32
      %while3A_316 = arith.muli %while3A_315, %while3A_314 : i32
      %while3A_317 = arith.addi %while3A_310, %while3A_316 : i32
      %while3A_318 = arith.constant 1 : i32
      %while3A_319 = scf.for %while3A_323 = %while3A_310 to %while3A_317 step %while3A_318 iter_args(%while3A_324 = %while3A_311) -> (i32)  : i32 {
        %get3A = arith.index_cast %while3A_323 : i32 to index
        %get3A_325 = tpu.vector_load %arg20[%get3A] {strides = array<i32>} : memref<272xi32, #tpu.memory_space<vmem>>, vector<16xi32>,
        %slice3A = vector.extract_strided_slice %get3A_325 {offsets = [0], sizes = [1], strides = [1]} : vector<16xi32> to vector<1xi32>
        %squeeze3A = vector.extract %slice3A[0] : i32 from vector<1xi32>
        %get3A_326 = arith.index_cast %while3A_323 : i32 to index
        %get3A_327 = arith.constant 0 : index
        %get3A_328 = tpu.vector_load %arg22[%get3A_326, %get3A_327] {strides = array<i32>} : memref<256x64xf32, #tpu.memory_space<vmem>>, vector<16xf32>,
        %get3A_329 = arith.index_cast %squeeze3A : i32 to index
        %get3A_330 = arith.constant 0 : index
        %get3A_331 = tpu.vector_load %arg23[%get3A_329, %get3A_330] {strides = array<i32>} : memref<320x64xf32, #tpu.memory_space<vmem>>, vector<16xf32>,
        %add3A_332 = arith.addf %get3A_328, %get3A_331 : vector<16xf32>
        %max3A = arith.constant 0.000000e+00 : f32
        %max3A_333 = vector.broadcast %max3A : f32 to vector<16xf32>
        %max3A_334 = arith.maximumf %add3A_332, %max3A_333 : vector<16xf32>
        %swap3A = arith.index_cast %squeeze3A : i32 to index
        %swap3A_335 = arith.constant 0 : index
        %swap3A_336 = tpu.vector_load %arg24[%swap3A, %swap3A_335] {strides = array<i32>} : memref<320x64xf32, #tpu.memory_space<vmem>>, vector<16xf32>,
        tpu.vector_store %arg24[%swap3A, %swap3A_335], %max3A_334 {add = true, strides = array<i32>} : memref<320x64xf32, #tpu.memory_space<vmem>>, vector<16xf32>,
        %mul3A_337 = arith.mulf %max3A_334, %max3A_334 : vector<16xf32>
        %swap3A_338 = arith.index_cast %squeeze3A : i32 to index
        %swap3A_339 = arith.constant 0 : index
        %swap3A_340 = tpu.vector_load %arg25[%swap3A_338, %swap3A_339] {strides = array<i32>} : memref<320x64xf32, #tpu.memory_space<vmem>>, vector<16xf32>,
        tpu.vector_store %arg25[%swap3A_338, %swap3A_339], %mul3A_337 {add = true, strides = array<i32>} : memref<320x64xf32, #tpu.memory_space<vmem>>, vector<16xf32>,
        %get3A_341 = arith.index_cast %squeeze3A : i32 to index
        %get3A_342 = arith.constant 0 : index
        %get3A_343 = tpu.vector_load %arg26[%get3A_341, %get3A_342] {strides = array<i32>} : memref<320x64xf32, #tpu.memory_space<vmem>>, vector<16xf32>,
        %max3A_344 = arith.maximumf %get3A_343, %max3A_334 : vector<16xf32>
        %swap3A_345 = arith.index_cast %squeeze3A : i32 to index
        %swap3A_346 = arith.constant 0 : index
        %swap3A_347 = tpu.vector_load %arg26[%swap3A_345, %swap3A_346] {strides = array<i32>} : memref<320x64xf32, #tpu.memory_space<vmem>>, vector<16xf32>,
        tpu.vector_store %arg26[%swap3A_345, %swap3A_346], %max3A_344 {strides = array<i32>} : memref<320x64xf32, #tpu.memory_space<vmem>>, vector<16xf32>,
        %get3A_348 = arith.index_cast %squeeze3A : i32 to index
        %get3A_349 = arith.constant 0 : index
        %get3A_350 = tpu.vector_load %arg27[%get3A_348, %get3A_349] {strides = array<i32>} : memref<320x64xf32, #tpu.memory_space<vmem>>, vector<16xf32>,
        %min3A_351 = arith.minimumf %get3A_350, %max3A_334 : vector<16xf32>
        %swap3A_352 = arith.index_cast %squeeze3A : i32 to index
        %swap3A_353 = arith.constant 0 : index
        %swap3A_354 = tpu.vector_load %arg27[%swap3A_352, %swap3A_353] {strides = array<i32>} : memref<320x64xf32, #tpu.memory_space<vmem>>, vector<16xf32>,
        tpu.vector_store %arg27[%swap3A_352, %swap3A_353], %min3A_351 {strides = array<i32>} : memref<320x64xf32, #tpu.memory_space<vmem>>, vector<16xf32>,
        %get3A_355 = arith.index_cast %while3A_323 : i32 to index
        %get3A_356 = arith.constant 16 : index
        %get3A_357 = tpu.vector_load %arg22[%get3A_355, %get3A_356] {strides = array<i32>} : memref<256x64xf32, #tpu.memory_space<vmem>>, vector<16xf32>,
        %get3A_358 = arith.index_cast %squeeze3A : i32 to index
        %get3A_359 = arith.constant 16 : index
        %get3A_360 = tpu.vector_load %arg23[%get3A_358, %get3A_359] {strides = array<i32>} : memref<320x64xf32, #tpu.memory_space<vmem>>, vector<16xf32>,
        %add3A_361 = arith.addf %get3A_357, %get3A_360 : vector<16xf32>
        %max3A_362 = arith.constant 0.000000e+00 : f32
        %max3A_363 = vector.broadcast %max3A_362 : f32 to vector<16xf32>
        %max3A_364 = arith.maximumf %add3A_361, %max3A_363 : vector<16xf32>
        %swap3A_365 = arith.index_cast %squeeze3A : i32 to index
        %swap3A_366 = arith.constant 16 : index
        %swap3A_367 = tpu.vector_load %arg24[%swap3A_365, %swap3A_366] {strides = array<i32>} : memref<320x64xf32, #tpu.memory_space<vmem>>, vector<16xf32>,
        tpu.vector_store %arg24[%swap3A_365, %swap3A_366], %max3A_364 {add = true, strides = array<i32>} : memref<320x64xf32, #tpu.memory_space<vmem>>, vector<16xf32>,
        %mul3A_368 = arith.mulf %max3A_364, %max3A_364 : vector<16xf32>
        %swap3A_369 = arith.index_cast %squeeze3A : i32 to index
        %swap3A_370 = arith.constant 16 : index
        %swap3A_371 = tpu.vector_load %arg25[%swap3A_369, %swap3A_370] {strides = array<i32>} : memref<320x64xf32, #tpu.memory_space<vmem>>, vector<16xf32>,
        tpu.vector_store %arg25[%swap3A_369, %swap3A_370], %mul3A_368 {add = true, strides = array<i32>} : memref<320x64xf32, #tpu.memory_space<vmem>>, vector<16xf32>,
        %get3A_372 = arith.index_cast %squeeze3A : i32 to index
        %get3A_373 = arith.constant 16 : index
        %get3A_374 = tpu.vector_load %arg26[%get3A_372, %get3A_373] {strides = array<i32>} : memref<320x64xf32, #tpu.memory_space<vmem>>, vector<16xf32>,
        %max3A_375 = arith.maximumf %get3A_374, %max3A_364 : vector<16xf32>
        %swap3A_376 = arith.index_cast %squeeze3A : i32 to index
        %swap3A_377 = arith.constant 16 : index
        %swap3A_378 = tpu.vector_load %arg26[%swap3A_376, %swap3A_377] {strides = array<i32>} : memref<320x64xf32, #tpu.memory_space<vmem>>, vector<16xf32>,
        tpu.vector_store %arg26[%swap3A_376, %swap3A_377], %max3A_375 {strides = array<i32>} : memref<320x64xf32, #tpu.memory_space<vmem>>, vector<16xf32>,
        %get3A_379 = arith.index_cast %squeeze3A : i32 to index
        %get3A_380 = arith.constant 16 : index
        %get3A_381 = tpu.vector_load %arg27[%get3A_379, %get3A_380] {strides = array<i32>} : memref<320x64xf32, #tpu.memory_space<vmem>>, vector<16xf32>,
        %min3A_382 = arith.minimumf %get3A_381, %max3A_364 : vector<16xf32>
        %swap3A_383 = arith.index_cast %squeeze3A : i32 to index
        %swap3A_384 = arith.constant 16 : index
        %swap3A_385 = tpu.vector_load %arg27[%swap3A_383, %swap3A_384] {strides = array<i32>} : memref<320x64xf32, #tpu.memory_space<vmem>>, vector<16xf32>,
        tpu.vector_store %arg27[%swap3A_383, %swap3A_384], %min3A_382 {strides = array<i32>} : memref<320x64xf32, #tpu.memory_space<vmem>>, vector<16xf32>,
        %get3A_386 = arith.index_cast %while3A_323 : i32 to index
        %get3A_387 = arith.constant 32 : index
        %get3A_388 = tpu.vector_load %arg22[%get3A_386, %get3A_387] {strides = array<i32>} : memref<256x64xf32, #tpu.memory_space<vmem>>, vector<16xf32>,
        %get3A_389 = arith.index_cast %squeeze3A : i32 to index
        %get3A_390 = arith.constant 32 : index
        %get3A_391 = tpu.vector_load %arg23[%get3A_389, %get3A_390] {strides = array<i32>} : memref<320x64xf32, #tpu.memory_space<vmem>>, vector<16xf32>,
        %add3A_392 = arith.addf %get3A_388, %get3A_391 : vector<16xf32>
        %max3A_393 = arith.constant 0.000000e+00 : f32
        %max3A_394 = vector.broadcast %max3A_393 : f32 to vector<16xf32>
        %max3A_395 = arith.maximumf %add3A_392, %max3A_394 : vector<16xf32>
        %swap3A_396 = arith.index_cast %squeeze3A : i32 to index
        %swap3A_397 = arith.constant 32 : index
        %swap3A_398 = tpu.vector_load %arg24[%swap3A_396, %swap3A_397] {strides = array<i32>} : memref<320x64xf32, #tpu.memory_space<vmem>>, vector<16xf32>,
        tpu.vector_store %arg24[%swap3A_396, %swap3A_397], %max3A_395 {add = true, strides = array<i32>} : memref<320x64xf32, #tpu.memory_space<vmem>>, vector<16xf32>,
        %mul3A_399 = arith.mulf %max3A_395, %max3A_395 : vector<16xf32>
        %swap3A_400 = arith.index_cast %squeeze3A : i32 to index
        %swap3A_401 = arith.constant 32 : index
        %swap3A_402 = tpu.vector_load %arg25[%swap3A_400, %swap3A_401] {strides = array<i32>} : memref<320x64xf32, #tpu.memory_space<vmem>>, vector<16xf32>,
        tpu.vector_store %arg25[%swap3A_400, %swap3A_401], %mul3A_399 {add = true, strides = array<i32>} : memref<320x64xf32, #tpu.memory_space<vmem>>, vector<16xf32>,
        %get3A_403 = arith.index_cast %squeeze3A : i32 to index
        %get3A_404 = arith.constant 32 : index
        %get3A_405 = tpu.vector_load %arg26[%get3A_403, %get3A_404] {strides = array<i32>} : memref<320x64xf32, #tpu.memory_space<vmem>>, vector<16xf32>,
        %max3A_406 = arith.maximumf %get3A_405, %max3A_395 : vector<16xf32>
        %swap3A_407 = arith.index_cast %squeeze3A : i32 to index
        %swap3A_408 = arith.constant 32 : index
        %swap3A_409 = tpu.vector_load %arg26[%swap3A_407, %swap3A_408] {strides = array<i32>} : memref<320x64xf32, #tpu.memory_space<vmem>>, vector<16xf32>,
        tpu.vector_store %arg26[%swap3A_407, %swap3A_408], %max3A_406 {strides = array<i32>} : memref<320x64xf32, #tpu.memory_space<vmem>>, vector<16xf32>,
        %get3A_410 = arith.index_cast %squeeze3A : i32 to index
        %get3A_411 = arith.constant 32 : index
        %get3A_412 = tpu.vector_load %arg27[%get3A_410, %get3A_411] {strides = array<i32>} : memref<320x64xf32, #tpu.memory_space<vmem>>, vector<16xf32>,
        %min3A_413 = arith.minimumf %get3A_412, %max3A_395 : vector<16xf32>
        %swap3A_414 = arith.index_cast %squeeze3A : i32 to index
        %swap3A_415 = arith.constant 32 : index
        %swap3A_416 = tpu.vector_load %arg27[%swap3A_414, %swap3A_415] {strides = array<i32>} : memref<320x64xf32, #tpu.memory_space<vmem>>, vector<16xf32>,
        tpu.vector_store %arg27[%swap3A_414, %swap3A_415], %min3A_413 {strides = array<i32>} : memref<320x64xf32, #tpu.memory_space<vmem>>, vector<16xf32>,
        %get3A_417 = arith.index_cast %while3A_323 : i32 to index
        %get3A_418 = arith.constant 48 : index
        %get3A_419 = tpu.vector_load %arg22[%get3A_417, %get3A_418] {strides = array<i32>} : memref<256x64xf32, #tpu.memory_space<vmem>>, vector<16xf32>,
        %get3A_420 = arith.index_cast %squeeze3A : i32 to index
        %get3A_421 = arith.constant 48 : index
        %get3A_422 = tpu.vector_load %arg23[%get3A_420, %get3A_421] {strides = array<i32>} : memref<320x64xf32, #tpu.memory_space<vmem>>, vector<16xf32>,
        %add3A_423 = arith.addf %get3A_419, %get3A_422 : vector<16xf32>
        %max3A_424 = arith.constant 0.000000e+00 : f32
        %max3A_425 = vector.broadcast %max3A_424 : f32 to vector<16xf32>
        %max3A_426 = arith.maximumf %add3A_423, %max3A_425 : vector<16xf32>
        %swap3A_427 = arith.index_cast %squeeze3A : i32 to index
        %swap3A_428 = arith.constant 48 : index
        %swap3A_429 = tpu.vector_load %arg24[%swap3A_427, %swap3A_428] {strides = array<i32>} : memref<320x64xf32, #tpu.memory_space<vmem>>, vector<16xf32>,
        tpu.vector_store %arg24[%swap3A_427, %swap3A_428], %max3A_426 {add = true, strides = array<i32>} : memref<320x64xf32, #tpu.memory_space<vmem>>, vector<16xf32>,
        %mul3A_430 = arith.mulf %max3A_426, %max3A_426 : vector<16xf32>
        %swap3A_431 = arith.index_cast %squeeze3A : i32 to index
        %swap3A_432 = arith.constant 48 : index
        %swap3A_433 = tpu.vector_load %arg25[%swap3A_431, %swap3A_432] {strides = array<i32>} : memref<320x64xf32, #tpu.memory_space<vmem>>, vector<16xf32>,
        tpu.vector_store %arg25[%swap3A_431, %swap3A_432], %mul3A_430 {add = true, strides = array<i32>} : memref<320x64xf32, #tpu.memory_space<vmem>>, vector<16xf32>,
        %get3A_434 = arith.index_cast %squeeze3A : i32 to index
        %get3A_435 = arith.constant 48 : index
        %get3A_436 = tpu.vector_load %arg26[%get3A_434, %get3A_435] {strides = array<i32>} : memref<320x64xf32, #tpu.memory_space<vmem>>, vector<16xf32>,
        %max3A_437 = arith.maximumf %get3A_436, %max3A_426 : vector<16xf32>
        %swap3A_438 = arith.index_cast %squeeze3A : i32 to index
        %swap3A_439 = arith.constant 48 : index
        %swap3A_440 = tpu.vector_load %arg26[%swap3A_438, %swap3A_439] {strides = array<i32>} : memref<320x64xf32, #tpu.memory_space<vmem>>, vector<16xf32>,
        tpu.vector_store %arg26[%swap3A_438, %swap3A_439], %max3A_437 {strides = array<i32>} : memref<320x64xf32, #tpu.memory_space<vmem>>, vector<16xf32>,
        %get3A_441 = arith.index_cast %squeeze3A : i32 to index
        %get3A_442 = arith.constant 48 : index
        %get3A_443 = tpu.vector_load %arg27[%get3A_441, %get3A_442] {strides = array<i32>} : memref<320x64xf32, #tpu.memory_space<vmem>>, vector<16xf32>,
        %min3A_444 = arith.minimumf %get3A_443, %max3A_426 : vector<16xf32>
        %swap3A_445 = arith.index_cast %squeeze3A : i32 to index
        %swap3A_446 = arith.constant 48 : index
        %swap3A_447 = tpu.vector_load %arg27[%swap3A_445, %swap3A_446] {strides = array<i32>} : memref<320x64xf32, #tpu.memory_space<vmem>>, vector<16xf32>,
        tpu.vector_store %arg27[%swap3A_445, %swap3A_446], %min3A_444 {strides = array<i32>} : memref<320x64xf32, #tpu.memory_space<vmem>>, vector<16xf32>,
        %while3A_448 = arith.constant 0 : i32
        scf.yield %while3A_448 : i32
      }
      %while3A_320 = arith.constant 1 : i32
      %while3A_321 = scf.for %while3A_323 = %while3A_317 to %while3A_313 step %while3A_320 iter_args(%while3A_324 = %while3A_319) -> (i32)  : i32 {
        %get3A = arith.index_cast %while3A_323 : i32 to index
        %get3A_325 = tpu.vector_load %arg20[%get3A] {strides = array<i32>} : memref<272xi32, #tpu.memory_space<vmem>>, vector<16xi32>,
        %slice3A = vector.extract_strided_slice %get3A_325 {offsets = [0], sizes = [1], strides = [1]} : vector<16xi32> to vector<1xi32>
        %squeeze3A = vector.extract %slice3A[0] : i32 from vector<1xi32>
        %get3A_326 = arith.index_cast %while3A_323 : i32 to index
        %get3A_327 = arith.constant 0 : index
        %get3A_328 = tpu.vector_load %arg22[%get3A_326, %get3A_327] {strides = array<i32>} : memref<256x64xf32, #tpu.memory_space<vmem>>, vector<16xf32>,
        %get3A_329 = arith.index_cast %squeeze3A : i32 to index
        %get3A_330 = arith.constant 0 : index
        %get3A_331 = tpu.vector_load %arg23[%get3A_329, %get3A_330] {strides = array<i32>} : memref<320x64xf32, #tpu.memory_space<vmem>>, vector<16xf32>,
        %add3A_332 = arith.addf %get3A_328, %get3A_331 : vector<16xf32>
        %max3A = arith.constant 0.000000e+00 : f32
        %max3A_333 = vector.broadcast %max3A : f32 to vector<16xf32>
        %max3A_334 = arith.maximumf %add3A_332, %max3A_333 : vector<16xf32>
        %swap3A = arith.index_cast %squeeze3A : i32 to index
        %swap3A_335 = arith.constant 0 : index
        %swap3A_336 = tpu.vector_load %arg24[%swap3A, %swap3A_335] {strides = array<i32>} : memref<320x64xf32, #tpu.memory_space<vmem>>, vector<16xf32>,
        tpu.vector_store %arg24[%swap3A, %swap3A_335], %max3A_334 {add = true, strides = array<i32>} : memref<320x64xf32, #tpu.memory_space<vmem>>, vector<16xf32>,
        %mul3A_337 = arith.mulf %max3A_334, %max3A_334 : vector<16xf32>
        %swap3A_338 = arith.index_cast %squeeze3A : i32 to index
        %swap3A_339 = arith.constant 0 : index
        %swap3A_340 = tpu.vector_load %arg25[%swap3A_338, %swap3A_339] {strides = array<i32>} : memref<320x64xf32, #tpu.memory_space<vmem>>, vector<16xf32>,
        tpu.vector_store %arg25[%swap3A_338, %swap3A_339], %mul3A_337 {add = true, strides = array<i32>} : memref<320x64xf32, #tpu.memory_space<vmem>>, vector<16xf32>,
        %get3A_341 = arith.index_cast %squeeze3A : i32 to index
        %get3A_342 = arith.constant 0 : index
        %get3A_343 = tpu.vector_load %arg26[%get3A_341, %get3A_342] {strides = array<i32>} : memref<320x64xf32, #tpu.memory_space<vmem>>, vector<16xf32>,
        %max3A_344 = arith.maximumf %get3A_343, %max3A_334 : vector<16xf32>
        %swap3A_345 = arith.index_cast %squeeze3A : i32 to index
        %swap3A_346 = arith.constant 0 : index
        %swap3A_347 = tpu.vector_load %arg26[%swap3A_345, %swap3A_346] {strides = array<i32>} : memref<320x64xf32, #tpu.memory_space<vmem>>, vector<16xf32>,
        tpu.vector_store %arg26[%swap3A_345, %swap3A_346], %max3A_344 {strides = array<i32>} : memref<320x64xf32, #tpu.memory_space<vmem>>, vector<16xf32>,
        %get3A_348 = arith.index_cast %squeeze3A : i32 to index
        %get3A_349 = arith.constant 0 : index
        %get3A_350 = tpu.vector_load %arg27[%get3A_348, %get3A_349] {strides = array<i32>} : memref<320x64xf32, #tpu.memory_space<vmem>>, vector<16xf32>,
        %min3A_351 = arith.minimumf %get3A_350, %max3A_334 : vector<16xf32>
        %swap3A_352 = arith.index_cast %squeeze3A : i32 to index
        %swap3A_353 = arith.constant 0 : index
        %swap3A_354 = tpu.vector_load %arg27[%swap3A_352, %swap3A_353] {strides = array<i32>} : memref<320x64xf32, #tpu.memory_space<vmem>>, vector<16xf32>,
        tpu.vector_store %arg27[%swap3A_352, %swap3A_353], %min3A_351 {strides = array<i32>} : memref<320x64xf32, #tpu.memory_space<vmem>>, vector<16xf32>,
        %get3A_355 = arith.index_cast %while3A_323 : i32 to index
        %get3A_356 = arith.constant 16 : index
        %get3A_357 = tpu.vector_load %arg22[%get3A_355, %get3A_356] {strides = array<i32>} : memref<256x64xf32, #tpu.memory_space<vmem>>, vector<16xf32>,
        %get3A_358 = arith.index_cast %squeeze3A : i32 to index
        %get3A_359 = arith.constant 16 : index
        %get3A_360 = tpu.vector_load %arg23[%get3A_358, %get3A_359] {strides = array<i32>} : memref<320x64xf32, #tpu.memory_space<vmem>>, vector<16xf32>,
        %add3A_361 = arith.addf %get3A_357, %get3A_360 : vector<16xf32>
        %max3A_362 = arith.constant 0.000000e+00 : f32
        %max3A_363 = vector.broadcast %max3A_362 : f32 to vector<16xf32>
        %max3A_364 = arith.maximumf %add3A_361, %max3A_363 : vector<16xf32>
        %swap3A_365 = arith.index_cast %squeeze3A : i32 to index
        %swap3A_366 = arith.constant 16 : index
        %swap3A_367 = tpu.vector_load %arg24[%swap3A_365, %swap3A_366] {strides = array<i32>} : memref<320x64xf32, #tpu.memory_space<vmem>>, vector<16xf32>,
        tpu.vector_store %arg24[%swap3A_365, %swap3A_366], %max3A_364 {add = true, strides = array<i32>} : memref<320x64xf32, #tpu.memory_space<vmem>>, vector<16xf32>,
        %mul3A_368 = arith.mulf %max3A_364, %max3A_364 : vector<16xf32>
        %swap3A_369 = arith.index_cast %squeeze3A : i32 to index
        %swap3A_370 = arith.constant 16 : index
        %swap3A_371 = tpu.vector_load %arg25[%swap3A_369, %swap3A_370] {strides = array<i32>} : memref<320x64xf32, #tpu.memory_space<vmem>>, vector<16xf32>,
        tpu.vector_store %arg25[%swap3A_369, %swap3A_370], %mul3A_368 {add = true, strides = array<i32>} : memref<320x64xf32, #tpu.memory_space<vmem>>, vector<16xf32>,
        %get3A_372 = arith.index_cast %squeeze3A : i32 to index
        %get3A_373 = arith.constant 16 : index
        %get3A_374 = tpu.vector_load %arg26[%get3A_372, %get3A_373] {strides = array<i32>} : memref<320x64xf32, #tpu.memory_space<vmem>>, vector<16xf32>,
        %max3A_375 = arith.maximumf %get3A_374, %max3A_364 : vector<16xf32>
        %swap3A_376 = arith.index_cast %squeeze3A : i32 to index
        %swap3A_377 = arith.constant 16 : index
        %swap3A_378 = tpu.vector_load %arg26[%swap3A_376, %swap3A_377] {strides = array<i32>} : memref<320x64xf32, #tpu.memory_space<vmem>>, vector<16xf32>,
        tpu.vector_store %arg26[%swap3A_376, %swap3A_377], %max3A_375 {strides = array<i32>} : memref<320x64xf32, #tpu.memory_space<vmem>>, vector<16xf32>,
        %get3A_379 = arith.index_cast %squeeze3A : i32 to index
        %get3A_380 = arith.constant 16 : index
        %get3A_381 = tpu.vector_load %arg27[%get3A_379, %get3A_380] {strides = array<i32>} : memref<320x64xf32, #tpu.memory_space<vmem>>, vector<16xf32>,
        %min3A_382 = arith.minimumf %get3A_381, %max3A_364 : vector<16xf32>
        %swap3A_383 = arith.index_cast %squeeze3A : i32 to index
        %swap3A_384 = arith.constant 16 : index
        %swap3A_385 = tpu.vector_load %arg27[%swap3A_383, %swap3A_384] {strides = array<i32>} : memref<320x64xf32, #tpu.memory_space<vmem>>, vector<16xf32>,
        tpu.vector_store %arg27[%swap3A_383, %swap3A_384], %min3A_382 {strides = array<i32>} : memref<320x64xf32, #tpu.memory_space<vmem>>, vector<16xf32>,
        %get3A_386 = arith.index_cast %while3A_323 : i32 to index
        %get3A_387 = arith.constant 32 : index
        %get3A_388 = tpu.vector_load %arg22[%get3A_386, %get3A_387] {strides = array<i32>} : memref<256x64xf32, #tpu.memory_space<vmem>>, vector<16xf32>,
        %get3A_389 = arith.index_cast %squeeze3A : i32 to index
        %get3A_390 = arith.constant 32 : index
        %get3A_391 = tpu.vector_load %arg23[%get3A_389, %get3A_390] {strides = array<i32>} : memref<320x64xf32, #tpu.memory_space<vmem>>, vector<16xf32>,
        %add3A_392 = arith.addf %get3A_388, %get3A_391 : vector<16xf32>
        %max3A_393 = arith.constant 0.000000e+00 : f32
        %max3A_394 = vector.broadcast %max3A_393 : f32 to vector<16xf32>
        %max3A_395 = arith.maximumf %add3A_392, %max3A_394 : vector<16xf32>
        %swap3A_396 = arith.index_cast %squeeze3A : i32 to index
        %swap3A_397 = arith.constant 32 : index
        %swap3A_398 = tpu.vector_load %arg24[%swap3A_396, %swap3A_397] {strides = array<i32>} : memref<320x64xf32, #tpu.memory_space<vmem>>, vector<16xf32>,
        tpu.vector_store %arg24[%swap3A_396, %swap3A_397], %max3A_395 {add = true, strides = array<i32>} : memref<320x64xf32, #tpu.memory_space<vmem>>, vector<16xf32>,
        %mul3A_399 = arith.mulf %max3A_395, %max3A_395 : vector<16xf32>
        %swap3A_400 = arith.index_cast %squeeze3A : i32 to index
        %swap3A_401 = arith.constant 32 : index
        %swap3A_402 = tpu.vector_load %arg25[%swap3A_400, %swap3A_401] {strides = array<i32>} : memref<320x64xf32, #tpu.memory_space<vmem>>, vector<16xf32>,
        tpu.vector_store %arg25[%swap3A_400, %swap3A_401], %mul3A_399 {add = true, strides = array<i32>} : memref<320x64xf32, #tpu.memory_space<vmem>>, vector<16xf32>,
        %get3A_403 = arith.index_cast %squeeze3A : i32 to index
        %get3A_404 = arith.constant 32 : index
        %get3A_405 = tpu.vector_load %arg26[%get3A_403, %get3A_404] {strides = array<i32>} : memref<320x64xf32, #tpu.memory_space<vmem>>, vector<16xf32>,
        %max3A_406 = arith.maximumf %get3A_405, %max3A_395 : vector<16xf32>
        %swap3A_407 = arith.index_cast %squeeze3A : i32 to index
        %swap3A_408 = arith.constant 32 : index
        %swap3A_409 = tpu.vector_load %arg26[%swap3A_407, %swap3A_408] {strides = array<i32>} : memref<320x64xf32, #tpu.memory_space<vmem>>, vector<16xf32>,
        tpu.vector_store %arg26[%swap3A_407, %swap3A_408], %max3A_406 {strides = array<i32>} : memref<320x64xf32, #tpu.memory_space<vmem>>, vector<16xf32>,
        %get3A_410 = arith.index_cast %squeeze3A : i32 to index
        %get3A_411 = arith.constant 32 : index
        %get3A_412 = tpu.vector_load %arg27[%get3A_410, %get3A_411] {strides = array<i32>} : memref<320x64xf32, #tpu.memory_space<vmem>>, vector<16xf32>,
        %min3A_413 = arith.minimumf %get3A_412, %max3A_395 : vector<16xf32>
        %swap3A_414 = arith.index_cast %squeeze3A : i32 to index
        %swap3A_415 = arith.constant 32 : index
        %swap3A_416 = tpu.vector_load %arg27[%swap3A_414, %swap3A_415] {strides = array<i32>} : memref<320x64xf32, #tpu.memory_space<vmem>>, vector<16xf32>,
        tpu.vector_store %arg27[%swap3A_414, %swap3A_415], %min3A_413 {strides = array<i32>} : memref<320x64xf32, #tpu.memory_space<vmem>>, vector<16xf32>,
        %get3A_417 = arith.index_cast %while3A_323 : i32 to index
        %get3A_418 = arith.constant 48 : index
        %get3A_419 = tpu.vector_load %arg22[%get3A_417, %get3A_418] {strides = array<i32>} : memref<256x64xf32, #tpu.memory_space<vmem>>, vector<16xf32>,
        %get3A_420 = arith.index_cast %squeeze3A : i32 to index
        %get3A_421 = arith.constant 48 : index
        %get3A_422 = tpu.vector_load %arg23[%get3A_420, %get3A_421] {strides = array<i32>} : memref<320x64xf32, #tpu.memory_space<vmem>>, vector<16xf32>,
        %add3A_423 = arith.addf %get3A_419, %get3A_422 : vector<16xf32>
        %max3A_424 = arith.constant 0.000000e+00 : f32
        %max3A_425 = vector.broadcast %max3A_424 : f32 to vector<16xf32>
        %max3A_426 = arith.maximumf %add3A_423, %max3A_425 : vector<16xf32>
        %swap3A_427 = arith.index_cast %squeeze3A : i32 to index
        %swap3A_428 = arith.constant 48 : index
        %swap3A_429 = tpu.vector_load %arg24[%swap3A_427, %swap3A_428] {strides = array<i32>} : memref<320x64xf32, #tpu.memory_space<vmem>>, vector<16xf32>,
        tpu.vector_store %arg24[%swap3A_427, %swap3A_428], %max3A_426 {add = true, strides = array<i32>} : memref<320x64xf32, #tpu.memory_space<vmem>>, vector<16xf32>,
        %mul3A_430 = arith.mulf %max3A_426, %max3A_426 : vector<16xf32>
        %swap3A_431 = arith.index_cast %squeeze3A : i32 to index
        %swap3A_432 = arith.constant 48 : index
        %swap3A_433 = tpu.vector_load %arg25[%swap3A_431, %swap3A_432] {strides = array<i32>} : memref<320x64xf32, #tpu.memory_space<vmem>>, vector<16xf32>,
        tpu.vector_store %arg25[%swap3A_431, %swap3A_432], %mul3A_430 {add = true, strides = array<i32>} : memref<320x64xf32, #tpu.memory_space<vmem>>, vector<16xf32>,
        %get3A_434 = arith.index_cast %squeeze3A : i32 to index
        %get3A_435 = arith.constant 48 : index
        %get3A_436 = tpu.vector_load %arg26[%get3A_434, %get3A_435] {strides = array<i32>} : memref<320x64xf32, #tpu.memory_space<vmem>>, vector<16xf32>,
        %max3A_437 = arith.maximumf %get3A_436, %max3A_426 : vector<16xf32>
        %swap3A_438 = arith.index_cast %squeeze3A : i32 to index
        %swap3A_439 = arith.constant 48 : index
        %swap3A_440 = tpu.vector_load %arg26[%swap3A_438, %swap3A_439] {strides = array<i32>} : memref<320x64xf32, #tpu.memory_space<vmem>>, vector<16xf32>,
        tpu.vector_store %arg26[%swap3A_438, %swap3A_439], %max3A_437 {strides = array<i32>} : memref<320x64xf32, #tpu.memory_space<vmem>>, vector<16xf32>,
        %get3A_441 = arith.index_cast %squeeze3A : i32 to index
        %get3A_442 = arith.constant 48 : index
        %get3A_443 = tpu.vector_load %arg27[%get3A_441, %get3A_442] {strides = array<i32>} : memref<320x64xf32, #tpu.memory_space<vmem>>, vector<16xf32>,
        %min3A_444 = arith.minimumf %get3A_443, %max3A_426 : vector<16xf32>
        %swap3A_445 = arith.index_cast %squeeze3A : i32 to index
        %swap3A_446 = arith.constant 48 : index
        %swap3A_447 = tpu.vector_load %arg27[%swap3A_445, %swap3A_446] {strides = array<i32>} : memref<320x64xf32, #tpu.memory_space<vmem>>, vector<16xf32>,
        tpu.vector_store %arg27[%swap3A_445, %swap3A_446], %min3A_444 {strides = array<i32>} : memref<320x64xf32, #tpu.memory_space<vmem>>, vector<16xf32>,
        %while3A_448 = arith.constant 0 : i32
        scf.yield %while3A_448 : i32
      }
      %while3A_322 = arith.constant 0 : i32
      scf.yield %while3A_322 : i32
    }
    %while3A_253 = arith.constant 1 : i32
    %while3A_254 = scf.for %while3A_263 = %while3A_250 to %while3A_246 step %while3A_253 iter_args(%while3A_264 = %while3A_252) -> (i32)  : i32 {
      %mul3A_265 = arith.constant 256 : i32
      %mul3A_266 = arith.muli %while3A_263, %mul3A_265 : i32
      %add3A_267 = arith.addi %mul3A_6, %mul3A_266 : i32
      %multiple_of3A_268 = tpu.assume_multiple %add3A_267, 256 : i32
      "tpu.region"() ({
        %run_scoped3A_323 = tpu.sem_alloc : memref<!tpu.dma_semaphore, #tpu.memory_space<semaphore_mem>>
        %dma_start3A_324 = tpu.memref_slice %arg11[%multiple_of3A_268] : memref<5193728xi32, #tpu.memory_space<hbm>> -> memref<256xi32, #tpu.memory_space<hbm>>
        %dma_start3A_325 = tpu.memref_slice %arg11[%multiple_of3A_268] : memref<5193728xi32, #tpu.memory_space<hbm>> -> memref<256xi32, #tpu.memory_space<hbm>>
        tpu.enqueue_dma source(%dma_start3A_325 : memref<256xi32, #tpu.memory_space<hbm>>) target(%arg19 : memref<256xi32, #tpu.memory_space<vmem>>) target_semaphore(%run_scoped3A_323 : memref<!tpu.dma_semaphore, #tpu.memory_space<semaphore_mem>>)
        %dma_wait3A_326 = tpu.memref_slice %arg11[%multiple_of3A_268] : memref<5193728xi32, #tpu.memory_space<hbm>> -> memref<256xi32, #tpu.memory_space<hbm>>
        %dma_wait3A_327 = tpu.memref_slice %arg11[%multiple_of3A_268] : memref<5193728xi32, #tpu.memory_space<hbm>> -> memref<256xi32, #tpu.memory_space<hbm>>
        tpu.wait_dma2 semaphore(%run_scoped3A_323 : memref<!tpu.dma_semaphore, #tpu.memory_space<semaphore_mem>>) src(%dma_wait3A_327 : memref<256xi32, #tpu.memory_space<hbm>>) dst(%arg19 : memref<256xi32, #tpu.memory_space<vmem>>)
        tpu.yield
      }) : () -> ()
      %add3A_269 = arith.addi %mul3A_6, %mul3A_266 : i32
      %multiple_of3A_270 = tpu.assume_multiple %add3A_269, 256 : i32
      "tpu.region"() ({
        %run_scoped3A_323 = tpu.sem_alloc : memref<!tpu.dma_semaphore, #tpu.memory_space<semaphore_mem>>
        %dma_start3A_324 = arith.constant 0 : i32
        %dma_start3A_325 = tpu.memref_slice %arg20[%dma_start3A_324] : memref<272xi32, #tpu.memory_space<vmem>> -> memref<256xi32, #tpu.memory_space<vmem>>
        %dma_start3A_326 = tpu.memref_slice %arg12[%multiple_of3A_270] : memref<5193728xi32, #tpu.memory_space<hbm>> -> memref<256xi32, #tpu.memory_space<hbm>>
        %dma_start3A_327 = arith.constant 0 : i32
        %dma_start3A_328 = tpu.memref_slice %arg20[%dma_start3A_327] : memref<272xi32, #tpu.memory_space<vmem>> -> memref<256xi32, #tpu.memory_space<vmem>>
        %dma_start3A_329 = tpu.memref_slice %arg12[%multiple_of3A_270] : memref<5193728xi32, #tpu.memory_space<hbm>> -> memref<256xi32, #tpu.memory_space<hbm>>
        tpu.enqueue_dma source(%dma_start3A_329 : memref<256xi32, #tpu.memory_space<hbm>>) target(%dma_start3A_328 : memref<256xi32, #tpu.memory_space<vmem>>) target_semaphore(%run_scoped3A_323 : memref<!tpu.dma_semaphore, #tpu.memory_space<semaphore_mem>>)
        %dma_wait3A_330 = arith.constant 0 : i32
        %dma_wait3A_331 = tpu.memref_slice %arg20[%dma_wait3A_330] : memref<272xi32, #tpu.memory_space<vmem>> -> memref<256xi32, #tpu.memory_space<vmem>>
        %dma_wait3A_332 = tpu.memref_slice %arg12[%multiple_of3A_270] : memref<5193728xi32, #tpu.memory_space<hbm>> -> memref<256xi32, #tpu.memory_space<hbm>>
        %dma_wait3A_333 = arith.constant 0 : i32
        %dma_wait3A_334 = tpu.memref_slice %arg20[%dma_wait3A_333] : memref<272xi32, #tpu.memory_space<vmem>> -> memref<256xi32, #tpu.memory_space<vmem>>
        %dma_wait3A_335 = tpu.memref_slice %arg12[%multiple_of3A_270] : memref<5193728xi32, #tpu.memory_space<hbm>> -> memref<256xi32, #tpu.memory_space<hbm>>
        tpu.wait_dma2 semaphore(%run_scoped3A_323 : memref<!tpu.dma_semaphore, #tpu.memory_space<semaphore_mem>>) src(%dma_wait3A_335 : memref<256xi32, #tpu.memory_space<hbm>>) dst(%dma_wait3A_334 : memref<256xi32, #tpu.memory_space<vmem>>)
        tpu.yield
      }) : () -> ()
      %scan3A_271 = arith.constant 0 : i32
      %scan3A_272 = arith.constant 0 : i32
      %scan3A_273 = arith.constant 16 : i32
      %scan3A_274 = arith.addi %scan3A_272, %scan3A_273 : i32
      %scan3A_275 = arith.constant 1 : i32
      %scan3A_276 = scf.for %scan3A_323 = %scan3A_272 to %scan3A_274 step %scan3A_275 iter_args(%scan3A_324 = %scan3A_271) -> (i32)  : i32 {
        %mul3A_325 = arith.constant 16 : i32
        %mul3A_326 = arith.muli %scan3A_323, %mul3A_325 : i32
        %get3A = arith.index_cast %mul3A_326 : i32 to index
        %get3A_327 = tpu.vector_load %arg19[%get3A] {strides = array<i32>} : memref<256xi32, #tpu.memory_space<vmem>>, vector<16xi32>,
        %jit3A_328 = arith.constant 0 : i32
        %jit3A_329 = arith.constant 10239 : i32
        %max3A = vector.broadcast %jit3A_328 : i32 to vector<16xi32>
        %max3A_330 = arith.maxsi %max3A, %get3A_327 : vector<16xi32>
        %min3A_331 = vector.broadcast %jit3A_329 : i32 to vector<16xi32>
        %min3A_332 = arith.minsi %min3A_331, %max3A_330 : vector<16xi32>
        %add3A_333 = arith.constant 30720 : i32
        %add3A_334 = vector.broadcast %add3A_333 : i32 to vector<16xi32>
        %add3A_335 = arith.addi %min3A_332, %add3A_334 : vector<16xi32>
        %mul3A_336 = arith.constant 16 : i32
        %mul3A_337 = arith.muli %scan3A_323, %mul3A_336 : i32
        %swap3A = arith.index_cast %mul3A_337 : i32 to index
        %swap3A_338 = tpu.vector_load %arg21[%swap3A] {strides = array<i32>} : memref<256xi32, #tpu.memory_space<vmem>>, vector<16xi32>,
        tpu.vector_store %arg21[%swap3A], %add3A_335 {strides = array<i32>} : memref<256xi32, #tpu.memory_space<vmem>>, vector<16xi32>,
        %scan3A_339 = arith.constant 0 : i32
        scf.yield %scan3A_339 : i32
      }
      %scan3A_277 = arith.constant 16 : i32
      %sub3A_278 = arith.subi %add3A_17, %mul3A_266 : i32
      %min3A = arith.constant 256 : i32
      %min3A_279 = arith.minsi %min3A, %sub3A_278 : i32
      %dma_start3A = arith.constant 0 : i32
      %dma_start3A_280 = arith.constant 0 : i32
      %dma_start3A_281 = tpu.memref_slice %arg22[%dma_start3A, %dma_start3A_280] : memref<256x64xf32, #tpu.memory_space<vmem>> -> memref<128x64xf32, #tpu.memory_space<vmem>>
      %dma_start3A_282 = arith.constant 0 : i32
      %dma_start3A_283 = tpu.memref_slice %arg21[%dma_start3A_282] : memref<256xi32, #tpu.memory_space<vmem>> -> memref<128xi32, #tpu.memory_space<vmem>>
      %dma_start3A_284 = arith.constant 0 : i32
      %dma_start3A_285 = arith.constant 0 : i32
      %dma_start3A_286 = tpu.memref_slice %arg4[%dma_start3A_284, %dma_start3A_285] : memref<40960x64xf32, #tpu.memory_space<hbm>> -> memref<40960x64xf32, #tpu.memory_space<hbm>>
      tpu.enqueue_indirect_dma source(%dma_start3A_286 : memref<40960x64xf32, #tpu.memory_space<hbm>>) target(%dma_start3A_281 : memref<128x64xf32, #tpu.memory_space<vmem>>) offsets(%dma_start3A_283 : memref<128xi32, #tpu.memory_space<vmem>>) semaphore(%arg29 : memref<!tpu.dma_semaphore, #tpu.memory_space<semaphore_mem>>)
      %dma_start3A_287 = arith.constant 128 : i32
      %dma_start3A_288 = arith.constant 0 : i32
      %dma_start3A_289 = tpu.memref_slice %arg22[%dma_start3A_287, %dma_start3A_288] : memref<256x64xf32, #tpu.memory_space<vmem>> -> memref<128x64xf32, #tpu.memory_space<vmem>>
      %dma_start3A_290 = arith.constant 128 : i32
      %dma_start3A_291 = tpu.memref_slice %arg21[%dma_start3A_290] : memref<256xi32, #tpu.memory_space<vmem>> -> memref<128xi32, #tpu.memory_space<vmem>>
      %dma_start3A_292 = arith.constant 0 : i32
      %dma_start3A_293 = arith.constant 0 : i32
      %dma_start3A_294 = tpu.memref_slice %arg4[%dma_start3A_292, %dma_start3A_293] : memref<40960x64xf32, #tpu.memory_space<hbm>> -> memref<40960x64xf32, #tpu.memory_space<hbm>>
      tpu.enqueue_indirect_dma source(%dma_start3A_294 : memref<40960x64xf32, #tpu.memory_space<hbm>>) target(%dma_start3A_289 : memref<128x64xf32, #tpu.memory_space<vmem>>) offsets(%dma_start3A_291 : memref<128xi32, #tpu.memory_space<vmem>>) semaphore(%arg29 : memref<!tpu.dma_semaphore, #tpu.memory_space<semaphore_mem>>)
      %dma_wait3A = arith.constant 0 : i32
      %dma_wait3A_295 = arith.constant 0 : i32
      %dma_wait3A_296 = tpu.memref_slice %arg22[%dma_wait3A, %dma_wait3A_295] : memref<256x64xf32, #tpu.memory_space<vmem>> -> memref<128x64xf32, #tpu.memory_space<vmem>>
      %dma_wait3A_297 = arith.constant 0 : i32
      %dma_wait3A_298 = tpu.memref_slice %arg21[%dma_wait3A_297] : memref<256xi32, #tpu.memory_space<vmem>> -> memref<128xi32, #tpu.memory_space<vmem>>
      %dma_wait3A_299 = arith.constant 0 : i32
      %dma_wait3A_300 = arith.constant 0 : i32
      %dma_wait3A_301 = tpu.memref_slice %arg4[%dma_wait3A_299, %dma_wait3A_300] : memref<40960x64xf32, #tpu.memory_space<hbm>> -> memref<40960x64xf32, #tpu.memory_space<hbm>>
      tpu.wait_indirect_dma semaphore(%arg29 : memref<!tpu.dma_semaphore, #tpu.memory_space<semaphore_mem>>) src(%dma_wait3A_301 : memref<40960x64xf32, #tpu.memory_space<hbm>>) dst(%dma_wait3A_296 : memref<128x64xf32, #tpu.memory_space<vmem>>)
      %dma_wait3A_302 = arith.constant 128 : i32
      %dma_wait3A_303 = arith.constant 0 : i32
      %dma_wait3A_304 = tpu.memref_slice %arg22[%dma_wait3A_302, %dma_wait3A_303] : memref<256x64xf32, #tpu.memory_space<vmem>> -> memref<128x64xf32, #tpu.memory_space<vmem>>
      %dma_wait3A_305 = arith.constant 128 : i32
      %dma_wait3A_306 = tpu.memref_slice %arg21[%dma_wait3A_305] : memref<256xi32, #tpu.memory_space<vmem>> -> memref<128xi32, #tpu.memory_space<vmem>>
      %dma_wait3A_307 = arith.constant 0 : i32
      %dma_wait3A_308 = arith.constant 0 : i32
      %dma_wait3A_309 = tpu.memref_slice %arg4[%dma_wait3A_307, %dma_wait3A_308] : memref<40960x64xf32, #tpu.memory_space<hbm>> -> memref<40960x64xf32, #tpu.memory_space<hbm>>
      tpu.wait_indirect_dma semaphore(%arg29 : memref<!tpu.dma_semaphore, #tpu.memory_space<semaphore_mem>>) src(%dma_wait3A_309 : memref<40960x64xf32, #tpu.memory_space<hbm>>) dst(%dma_wait3A_304 : memref<128x64xf32, #tpu.memory_space<vmem>>)
      %while3A_310 = arith.constant 0 : i32
      %while3A_311 = arith.constant 0 : i32
      %while3A_312 = arith.subi %min3A_279, %while3A_310 : i32
      %while3A_313 = arith.addi %while3A_310, %while3A_312 : i32
      %while3A_314 = arith.constant 1 : i32
      %while3A_315 = arith.divsi %while3A_312, %while3A_314 : i32
      %while3A_316 = arith.muli %while3A_315, %while3A_314 : i32
      %while3A_317 = arith.addi %while3A_310, %while3A_316 : i32
      %while3A_318 = arith.constant 1 : i32
      %while3A_319 = scf.for %while3A_323 = %while3A_310 to %while3A_317 step %while3A_318 iter_args(%while3A_324 = %while3A_311) -> (i32)  : i32 {
        %get3A = arith.index_cast %while3A_323 : i32 to index
        %get3A_325 = tpu.vector_load %arg20[%get3A] {strides = array<i32>} : memref<272xi32, #tpu.memory_space<vmem>>, vector<16xi32>,
        %slice3A = vector.extract_strided_slice %get3A_325 {offsets = [0], sizes = [1], strides = [1]} : vector<16xi32> to vector<1xi32>
        %squeeze3A = vector.extract %slice3A[0] : i32 from vector<1xi32>
        %get3A_326 = arith.index_cast %while3A_323 : i32 to index
        %get3A_327 = arith.constant 0 : index
        %get3A_328 = tpu.vector_load %arg22[%get3A_326, %get3A_327] {strides = array<i32>} : memref<256x64xf32, #tpu.memory_space<vmem>>, vector<16xf32>,
        %get3A_329 = arith.index_cast %squeeze3A : i32 to index
        %get3A_330 = arith.constant 0 : index
        %get3A_331 = tpu.vector_load %arg23[%get3A_329, %get3A_330] {strides = array<i32>} : memref<320x64xf32, #tpu.memory_space<vmem>>, vector<16xf32>,
        %add3A_332 = arith.addf %get3A_328, %get3A_331 : vector<16xf32>
        %max3A = arith.constant 0.000000e+00 : f32
        %max3A_333 = vector.broadcast %max3A : f32 to vector<16xf32>
        %max3A_334 = arith.maximumf %add3A_332, %max3A_333 : vector<16xf32>
        %swap3A = arith.index_cast %squeeze3A : i32 to index
        %swap3A_335 = arith.constant 0 : index
        %swap3A_336 = tpu.vector_load %arg24[%swap3A, %swap3A_335] {strides = array<i32>} : memref<320x64xf32, #tpu.memory_space<vmem>>, vector<16xf32>,
        tpu.vector_store %arg24[%swap3A, %swap3A_335], %max3A_334 {add = true, strides = array<i32>} : memref<320x64xf32, #tpu.memory_space<vmem>>, vector<16xf32>,
        %mul3A_337 = arith.mulf %max3A_334, %max3A_334 : vector<16xf32>
        %swap3A_338 = arith.index_cast %squeeze3A : i32 to index
        %swap3A_339 = arith.constant 0 : index
        %swap3A_340 = tpu.vector_load %arg25[%swap3A_338, %swap3A_339] {strides = array<i32>} : memref<320x64xf32, #tpu.memory_space<vmem>>, vector<16xf32>,
        tpu.vector_store %arg25[%swap3A_338, %swap3A_339], %mul3A_337 {add = true, strides = array<i32>} : memref<320x64xf32, #tpu.memory_space<vmem>>, vector<16xf32>,
        %get3A_341 = arith.index_cast %squeeze3A : i32 to index
        %get3A_342 = arith.constant 0 : index
        %get3A_343 = tpu.vector_load %arg26[%get3A_341, %get3A_342] {strides = array<i32>} : memref<320x64xf32, #tpu.memory_space<vmem>>, vector<16xf32>,
        %max3A_344 = arith.maximumf %get3A_343, %max3A_334 : vector<16xf32>
        %swap3A_345 = arith.index_cast %squeeze3A : i32 to index
        %swap3A_346 = arith.constant 0 : index
        %swap3A_347 = tpu.vector_load %arg26[%swap3A_345, %swap3A_346] {strides = array<i32>} : memref<320x64xf32, #tpu.memory_space<vmem>>, vector<16xf32>,
        tpu.vector_store %arg26[%swap3A_345, %swap3A_346], %max3A_344 {strides = array<i32>} : memref<320x64xf32, #tpu.memory_space<vmem>>, vector<16xf32>,
        %get3A_348 = arith.index_cast %squeeze3A : i32 to index
        %get3A_349 = arith.constant 0 : index
        %get3A_350 = tpu.vector_load %arg27[%get3A_348, %get3A_349] {strides = array<i32>} : memref<320x64xf32, #tpu.memory_space<vmem>>, vector<16xf32>,
        %min3A_351 = arith.minimumf %get3A_350, %max3A_334 : vector<16xf32>
        %swap3A_352 = arith.index_cast %squeeze3A : i32 to index
        %swap3A_353 = arith.constant 0 : index
        %swap3A_354 = tpu.vector_load %arg27[%swap3A_352, %swap3A_353] {strides = array<i32>} : memref<320x64xf32, #tpu.memory_space<vmem>>, vector<16xf32>,
        tpu.vector_store %arg27[%swap3A_352, %swap3A_353], %min3A_351 {strides = array<i32>} : memref<320x64xf32, #tpu.memory_space<vmem>>, vector<16xf32>,
        %get3A_355 = arith.index_cast %while3A_323 : i32 to index
        %get3A_356 = arith.constant 16 : index
        %get3A_357 = tpu.vector_load %arg22[%get3A_355, %get3A_356] {strides = array<i32>} : memref<256x64xf32, #tpu.memory_space<vmem>>, vector<16xf32>,
        %get3A_358 = arith.index_cast %squeeze3A : i32 to index
        %get3A_359 = arith.constant 16 : index
        %get3A_360 = tpu.vector_load %arg23[%get3A_358, %get3A_359] {strides = array<i32>} : memref<320x64xf32, #tpu.memory_space<vmem>>, vector<16xf32>,
        %add3A_361 = arith.addf %get3A_357, %get3A_360 : vector<16xf32>
        %max3A_362 = arith.constant 0.000000e+00 : f32
        %max3A_363 = vector.broadcast %max3A_362 : f32 to vector<16xf32>
        %max3A_364 = arith.maximumf %add3A_361, %max3A_363 : vector<16xf32>
        %swap3A_365 = arith.index_cast %squeeze3A : i32 to index
        %swap3A_366 = arith.constant 16 : index
        %swap3A_367 = tpu.vector_load %arg24[%swap3A_365, %swap3A_366] {strides = array<i32>} : memref<320x64xf32, #tpu.memory_space<vmem>>, vector<16xf32>,
        tpu.vector_store %arg24[%swap3A_365, %swap3A_366], %max3A_364 {add = true, strides = array<i32>} : memref<320x64xf32, #tpu.memory_space<vmem>>, vector<16xf32>,
        %mul3A_368 = arith.mulf %max3A_364, %max3A_364 : vector<16xf32>
        %swap3A_369 = arith.index_cast %squeeze3A : i32 to index
        %swap3A_370 = arith.constant 16 : index
        %swap3A_371 = tpu.vector_load %arg25[%swap3A_369, %swap3A_370] {strides = array<i32>} : memref<320x64xf32, #tpu.memory_space<vmem>>, vector<16xf32>,
        tpu.vector_store %arg25[%swap3A_369, %swap3A_370], %mul3A_368 {add = true, strides = array<i32>} : memref<320x64xf32, #tpu.memory_space<vmem>>, vector<16xf32>,
        %get3A_372 = arith.index_cast %squeeze3A : i32 to index
        %get3A_373 = arith.constant 16 : index
        %get3A_374 = tpu.vector_load %arg26[%get3A_372, %get3A_373] {strides = array<i32>} : memref<320x64xf32, #tpu.memory_space<vmem>>, vector<16xf32>,
        %max3A_375 = arith.maximumf %get3A_374, %max3A_364 : vector<16xf32>
        %swap3A_376 = arith.index_cast %squeeze3A : i32 to index
        %swap3A_377 = arith.constant 16 : index
        %swap3A_378 = tpu.vector_load %arg26[%swap3A_376, %swap3A_377] {strides = array<i32>} : memref<320x64xf32, #tpu.memory_space<vmem>>, vector<16xf32>,
        tpu.vector_store %arg26[%swap3A_376, %swap3A_377], %max3A_375 {strides = array<i32>} : memref<320x64xf32, #tpu.memory_space<vmem>>, vector<16xf32>,
        %get3A_379 = arith.index_cast %squeeze3A : i32 to index
        %get3A_380 = arith.constant 16 : index
        %get3A_381 = tpu.vector_load %arg27[%get3A_379, %get3A_380] {strides = array<i32>} : memref<320x64xf32, #tpu.memory_space<vmem>>, vector<16xf32>,
        %min3A_382 = arith.minimumf %get3A_381, %max3A_364 : vector<16xf32>
        %swap3A_383 = arith.index_cast %squeeze3A : i32 to index
        %swap3A_384 = arith.constant 16 : index
        %swap3A_385 = tpu.vector_load %arg27[%swap3A_383, %swap3A_384] {strides = array<i32>} : memref<320x64xf32, #tpu.memory_space<vmem>>, vector<16xf32>,
        tpu.vector_store %arg27[%swap3A_383, %swap3A_384], %min3A_382 {strides = array<i32>} : memref<320x64xf32, #tpu.memory_space<vmem>>, vector<16xf32>,
        %get3A_386 = arith.index_cast %while3A_323 : i32 to index
        %get3A_387 = arith.constant 32 : index
        %get3A_388 = tpu.vector_load %arg22[%get3A_386, %get3A_387] {strides = array<i32>} : memref<256x64xf32, #tpu.memory_space<vmem>>, vector<16xf32>,
        %get3A_389 = arith.index_cast %squeeze3A : i32 to index
        %get3A_390 = arith.constant 32 : index
        %get3A_391 = tpu.vector_load %arg23[%get3A_389, %get3A_390] {strides = array<i32>} : memref<320x64xf32, #tpu.memory_space<vmem>>, vector<16xf32>,
        %add3A_392 = arith.addf %get3A_388, %get3A_391 : vector<16xf32>
        %max3A_393 = arith.constant 0.000000e+00 : f32
        %max3A_394 = vector.broadcast %max3A_393 : f32 to vector<16xf32>
        %max3A_395 = arith.maximumf %add3A_392, %max3A_394 : vector<16xf32>
        %swap3A_396 = arith.index_cast %squeeze3A : i32 to index
        %swap3A_397 = arith.constant 32 : index
        %swap3A_398 = tpu.vector_load %arg24[%swap3A_396, %swap3A_397] {strides = array<i32>} : memref<320x64xf32, #tpu.memory_space<vmem>>, vector<16xf32>,
        tpu.vector_store %arg24[%swap3A_396, %swap3A_397], %max3A_395 {add = true, strides = array<i32>} : memref<320x64xf32, #tpu.memory_space<vmem>>, vector<16xf32>,
        %mul3A_399 = arith.mulf %max3A_395, %max3A_395 : vector<16xf32>
        %swap3A_400 = arith.index_cast %squeeze3A : i32 to index
        %swap3A_401 = arith.constant 32 : index
        %swap3A_402 = tpu.vector_load %arg25[%swap3A_400, %swap3A_401] {strides = array<i32>} : memref<320x64xf32, #tpu.memory_space<vmem>>, vector<16xf32>,
        tpu.vector_store %arg25[%swap3A_400, %swap3A_401], %mul3A_399 {add = true, strides = array<i32>} : memref<320x64xf32, #tpu.memory_space<vmem>>, vector<16xf32>,
        %get3A_403 = arith.index_cast %squeeze3A : i32 to index
        %get3A_404 = arith.constant 32 : index
        %get3A_405 = tpu.vector_load %arg26[%get3A_403, %get3A_404] {strides = array<i32>} : memref<320x64xf32, #tpu.memory_space<vmem>>, vector<16xf32>,
        %max3A_406 = arith.maximumf %get3A_405, %max3A_395 : vector<16xf32>
        %swap3A_407 = arith.index_cast %squeeze3A : i32 to index
        %swap3A_408 = arith.constant 32 : index
        %swap3A_409 = tpu.vector_load %arg26[%swap3A_407, %swap3A_408] {strides = array<i32>} : memref<320x64xf32, #tpu.memory_space<vmem>>, vector<16xf32>,
        tpu.vector_store %arg26[%swap3A_407, %swap3A_408], %max3A_406 {strides = array<i32>} : memref<320x64xf32, #tpu.memory_space<vmem>>, vector<16xf32>,
        %get3A_410 = arith.index_cast %squeeze3A : i32 to index
        %get3A_411 = arith.constant 32 : index
        %get3A_412 = tpu.vector_load %arg27[%get3A_410, %get3A_411] {strides = array<i32>} : memref<320x64xf32, #tpu.memory_space<vmem>>, vector<16xf32>,
        %min3A_413 = arith.minimumf %get3A_412, %max3A_395 : vector<16xf32>
        %swap3A_414 = arith.index_cast %squeeze3A : i32 to index
        %swap3A_415 = arith.constant 32 : index
        %swap3A_416 = tpu.vector_load %arg27[%swap3A_414, %swap3A_415] {strides = array<i32>} : memref<320x64xf32, #tpu.memory_space<vmem>>, vector<16xf32>,
        tpu.vector_store %arg27[%swap3A_414, %swap3A_415], %min3A_413 {strides = array<i32>} : memref<320x64xf32, #tpu.memory_space<vmem>>, vector<16xf32>,
        %get3A_417 = arith.index_cast %while3A_323 : i32 to index
        %get3A_418 = arith.constant 48 : index
        %get3A_419 = tpu.vector_load %arg22[%get3A_417, %get3A_418] {strides = array<i32>} : memref<256x64xf32, #tpu.memory_space<vmem>>, vector<16xf32>,
        %get3A_420 = arith.index_cast %squeeze3A : i32 to index
        %get3A_421 = arith.constant 48 : index
        %get3A_422 = tpu.vector_load %arg23[%get3A_420, %get3A_421] {strides = array<i32>} : memref<320x64xf32, #tpu.memory_space<vmem>>, vector<16xf32>,
        %add3A_423 = arith.addf %get3A_419, %get3A_422 : vector<16xf32>
        %max3A_424 = arith.constant 0.000000e+00 : f32
        %max3A_425 = vector.broadcast %max3A_424 : f32 to vector<16xf32>
        %max3A_426 = arith.maximumf %add3A_423, %max3A_425 : vector<16xf32>
        %swap3A_427 = arith.index_cast %squeeze3A : i32 to index
        %swap3A_428 = arith.constant 48 : index
        %swap3A_429 = tpu.vector_load %arg24[%swap3A_427, %swap3A_428] {strides = array<i32>} : memref<320x64xf32, #tpu.memory_space<vmem>>, vector<16xf32>,
        tpu.vector_store %arg24[%swap3A_427, %swap3A_428], %max3A_426 {add = true, strides = array<i32>} : memref<320x64xf32, #tpu.memory_space<vmem>>, vector<16xf32>,
        %mul3A_430 = arith.mulf %max3A_426, %max3A_426 : vector<16xf32>
        %swap3A_431 = arith.index_cast %squeeze3A : i32 to index
        %swap3A_432 = arith.constant 48 : index
        %swap3A_433 = tpu.vector_load %arg25[%swap3A_431, %swap3A_432] {strides = array<i32>} : memref<320x64xf32, #tpu.memory_space<vmem>>, vector<16xf32>,
        tpu.vector_store %arg25[%swap3A_431, %swap3A_432], %mul3A_430 {add = true, strides = array<i32>} : memref<320x64xf32, #tpu.memory_space<vmem>>, vector<16xf32>,
        %get3A_434 = arith.index_cast %squeeze3A : i32 to index
        %get3A_435 = arith.constant 48 : index
        %get3A_436 = tpu.vector_load %arg26[%get3A_434, %get3A_435] {strides = array<i32>} : memref<320x64xf32, #tpu.memory_space<vmem>>, vector<16xf32>,
        %max3A_437 = arith.maximumf %get3A_436, %max3A_426 : vector<16xf32>
        %swap3A_438 = arith.index_cast %squeeze3A : i32 to index
        %swap3A_439 = arith.constant 48 : index
        %swap3A_440 = tpu.vector_load %arg26[%swap3A_438, %swap3A_439] {strides = array<i32>} : memref<320x64xf32, #tpu.memory_space<vmem>>, vector<16xf32>,
        tpu.vector_store %arg26[%swap3A_438, %swap3A_439], %max3A_437 {strides = array<i32>} : memref<320x64xf32, #tpu.memory_space<vmem>>, vector<16xf32>,
        %get3A_441 = arith.index_cast %squeeze3A : i32 to index
        %get3A_442 = arith.constant 48 : index
        %get3A_443 = tpu.vector_load %arg27[%get3A_441, %get3A_442] {strides = array<i32>} : memref<320x64xf32, #tpu.memory_space<vmem>>, vector<16xf32>,
        %min3A_444 = arith.minimumf %get3A_443, %max3A_426 : vector<16xf32>
        %swap3A_445 = arith.index_cast %squeeze3A : i32 to index
        %swap3A_446 = arith.constant 48 : index
        %swap3A_447 = tpu.vector_load %arg27[%swap3A_445, %swap3A_446] {strides = array<i32>} : memref<320x64xf32, #tpu.memory_space<vmem>>, vector<16xf32>,
        tpu.vector_store %arg27[%swap3A_445, %swap3A_446], %min3A_444 {strides = array<i32>} : memref<320x64xf32, #tpu.memory_space<vmem>>, vector<16xf32>,
        %while3A_448 = arith.constant 0 : i32
        scf.yield %while3A_448 : i32
      }
      %while3A_320 = arith.constant 1 : i32
      %while3A_321 = scf.for %while3A_323 = %while3A_317 to %while3A_313 step %while3A_320 iter_args(%while3A_324 = %while3A_319) -> (i32)  : i32 {
        %get3A = arith.index_cast %while3A_323 : i32 to index
        %get3A_325 = tpu.vector_load %arg20[%get3A] {strides = array<i32>} : memref<272xi32, #tpu.memory_space<vmem>>, vector<16xi32>,
        %slice3A = vector.extract_strided_slice %get3A_325 {offsets = [0], sizes = [1], strides = [1]} : vector<16xi32> to vector<1xi32>
        %squeeze3A = vector.extract %slice3A[0] : i32 from vector<1xi32>
        %get3A_326 = arith.index_cast %while3A_323 : i32 to index
        %get3A_327 = arith.constant 0 : index
        %get3A_328 = tpu.vector_load %arg22[%get3A_326, %get3A_327] {strides = array<i32>} : memref<256x64xf32, #tpu.memory_space<vmem>>, vector<16xf32>,
        %get3A_329 = arith.index_cast %squeeze3A : i32 to index
        %get3A_330 = arith.constant 0 : index
        %get3A_331 = tpu.vector_load %arg23[%get3A_329, %get3A_330] {strides = array<i32>} : memref<320x64xf32, #tpu.memory_space<vmem>>, vector<16xf32>,
        %add3A_332 = arith.addf %get3A_328, %get3A_331 : vector<16xf32>
        %max3A = arith.constant 0.000000e+00 : f32
        %max3A_333 = vector.broadcast %max3A : f32 to vector<16xf32>
        %max3A_334 = arith.maximumf %add3A_332, %max3A_333 : vector<16xf32>
        %swap3A = arith.index_cast %squeeze3A : i32 to index
        %swap3A_335 = arith.constant 0 : index
        %swap3A_336 = tpu.vector_load %arg24[%swap3A, %swap3A_335] {strides = array<i32>} : memref<320x64xf32, #tpu.memory_space<vmem>>, vector<16xf32>,
        tpu.vector_store %arg24[%swap3A, %swap3A_335], %max3A_334 {add = true, strides = array<i32>} : memref<320x64xf32, #tpu.memory_space<vmem>>, vector<16xf32>,
        %mul3A_337 = arith.mulf %max3A_334, %max3A_334 : vector<16xf32>
        %swap3A_338 = arith.index_cast %squeeze3A : i32 to index
        %swap3A_339 = arith.constant 0 : index
        %swap3A_340 = tpu.vector_load %arg25[%swap3A_338, %swap3A_339] {strides = array<i32>} : memref<320x64xf32, #tpu.memory_space<vmem>>, vector<16xf32>,
        tpu.vector_store %arg25[%swap3A_338, %swap3A_339], %mul3A_337 {add = true, strides = array<i32>} : memref<320x64xf32, #tpu.memory_space<vmem>>, vector<16xf32>,
        %get3A_341 = arith.index_cast %squeeze3A : i32 to index
        %get3A_342 = arith.constant 0 : index
        %get3A_343 = tpu.vector_load %arg26[%get3A_341, %get3A_342] {strides = array<i32>} : memref<320x64xf32, #tpu.memory_space<vmem>>, vector<16xf32>,
        %max3A_344 = arith.maximumf %get3A_343, %max3A_334 : vector<16xf32>
        %swap3A_345 = arith.index_cast %squeeze3A : i32 to index
        %swap3A_346 = arith.constant 0 : index
        %swap3A_347 = tpu.vector_load %arg26[%swap3A_345, %swap3A_346] {strides = array<i32>} : memref<320x64xf32, #tpu.memory_space<vmem>>, vector<16xf32>,
        tpu.vector_store %arg26[%swap3A_345, %swap3A_346], %max3A_344 {strides = array<i32>} : memref<320x64xf32, #tpu.memory_space<vmem>>, vector<16xf32>,
        %get3A_348 = arith.index_cast %squeeze3A : i32 to index
        %get3A_349 = arith.constant 0 : index
        %get3A_350 = tpu.vector_load %arg27[%get3A_348, %get3A_349] {strides = array<i32>} : memref<320x64xf32, #tpu.memory_space<vmem>>, vector<16xf32>,
        %min3A_351 = arith.minimumf %get3A_350, %max3A_334 : vector<16xf32>
        %swap3A_352 = arith.index_cast %squeeze3A : i32 to index
        %swap3A_353 = arith.constant 0 : index
        %swap3A_354 = tpu.vector_load %arg27[%swap3A_352, %swap3A_353] {strides = array<i32>} : memref<320x64xf32, #tpu.memory_space<vmem>>, vector<16xf32>,
        tpu.vector_store %arg27[%swap3A_352, %swap3A_353], %min3A_351 {strides = array<i32>} : memref<320x64xf32, #tpu.memory_space<vmem>>, vector<16xf32>,
        %get3A_355 = arith.index_cast %while3A_323 : i32 to index
        %get3A_356 = arith.constant 16 : index
        %get3A_357 = tpu.vector_load %arg22[%get3A_355, %get3A_356] {strides = array<i32>} : memref<256x64xf32, #tpu.memory_space<vmem>>, vector<16xf32>,
        %get3A_358 = arith.index_cast %squeeze3A : i32 to index
        %get3A_359 = arith.constant 16 : index
        %get3A_360 = tpu.vector_load %arg23[%get3A_358, %get3A_359] {strides = array<i32>} : memref<320x64xf32, #tpu.memory_space<vmem>>, vector<16xf32>,
        %add3A_361 = arith.addf %get3A_357, %get3A_360 : vector<16xf32>
        %max3A_362 = arith.constant 0.000000e+00 : f32
        %max3A_363 = vector.broadcast %max3A_362 : f32 to vector<16xf32>
        %max3A_364 = arith.maximumf %add3A_361, %max3A_363 : vector<16xf32>
        %swap3A_365 = arith.index_cast %squeeze3A : i32 to index
        %swap3A_366 = arith.constant 16 : index
        %swap3A_367 = tpu.vector_load %arg24[%swap3A_365, %swap3A_366] {strides = array<i32>} : memref<320x64xf32, #tpu.memory_space<vmem>>, vector<16xf32>,
        tpu.vector_store %arg24[%swap3A_365, %swap3A_366], %max3A_364 {add = true, strides = array<i32>} : memref<320x64xf32, #tpu.memory_space<vmem>>, vector<16xf32>,
        %mul3A_368 = arith.mulf %max3A_364, %max3A_364 : vector<16xf32>
        %swap3A_369 = arith.index_cast %squeeze3A : i32 to index
        %swap3A_370 = arith.constant 16 : index
        %swap3A_371 = tpu.vector_load %arg25[%swap3A_369, %swap3A_370] {strides = array<i32>} : memref<320x64xf32, #tpu.memory_space<vmem>>, vector<16xf32>,
        tpu.vector_store %arg25[%swap3A_369, %swap3A_370], %mul3A_368 {add = true, strides = array<i32>} : memref<320x64xf32, #tpu.memory_space<vmem>>, vector<16xf32>,
        %get3A_372 = arith.index_cast %squeeze3A : i32 to index
        %get3A_373 = arith.constant 16 : index
        %get3A_374 = tpu.vector_load %arg26[%get3A_372, %get3A_373] {strides = array<i32>} : memref<320x64xf32, #tpu.memory_space<vmem>>, vector<16xf32>,
        %max3A_375 = arith.maximumf %get3A_374, %max3A_364 : vector<16xf32>
        %swap3A_376 = arith.index_cast %squeeze3A : i32 to index
        %swap3A_377 = arith.constant 16 : index
        %swap3A_378 = tpu.vector_load %arg26[%swap3A_376, %swap3A_377] {strides = array<i32>} : memref<320x64xf32, #tpu.memory_space<vmem>>, vector<16xf32>,
        tpu.vector_store %arg26[%swap3A_376, %swap3A_377], %max3A_375 {strides = array<i32>} : memref<320x64xf32, #tpu.memory_space<vmem>>, vector<16xf32>,
        %get3A_379 = arith.index_cast %squeeze3A : i32 to index
        %get3A_380 = arith.constant 16 : index
        %get3A_381 = tpu.vector_load %arg27[%get3A_379, %get3A_380] {strides = array<i32>} : memref<320x64xf32, #tpu.memory_space<vmem>>, vector<16xf32>,
        %min3A_382 = arith.minimumf %get3A_381, %max3A_364 : vector<16xf32>
        %swap3A_383 = arith.index_cast %squeeze3A : i32 to index
        %swap3A_384 = arith.constant 16 : index
        %swap3A_385 = tpu.vector_load %arg27[%swap3A_383, %swap3A_384] {strides = array<i32>} : memref<320x64xf32, #tpu.memory_space<vmem>>, vector<16xf32>,
        tpu.vector_store %arg27[%swap3A_383, %swap3A_384], %min3A_382 {strides = array<i32>} : memref<320x64xf32, #tpu.memory_space<vmem>>, vector<16xf32>,
        %get3A_386 = arith.index_cast %while3A_323 : i32 to index
        %get3A_387 = arith.constant 32 : index
        %get3A_388 = tpu.vector_load %arg22[%get3A_386, %get3A_387] {strides = array<i32>} : memref<256x64xf32, #tpu.memory_space<vmem>>, vector<16xf32>,
        %get3A_389 = arith.index_cast %squeeze3A : i32 to index
        %get3A_390 = arith.constant 32 : index
        %get3A_391 = tpu.vector_load %arg23[%get3A_389, %get3A_390] {strides = array<i32>} : memref<320x64xf32, #tpu.memory_space<vmem>>, vector<16xf32>,
        %add3A_392 = arith.addf %get3A_388, %get3A_391 : vector<16xf32>
        %max3A_393 = arith.constant 0.000000e+00 : f32
        %max3A_394 = vector.broadcast %max3A_393 : f32 to vector<16xf32>
        %max3A_395 = arith.maximumf %add3A_392, %max3A_394 : vector<16xf32>
        %swap3A_396 = arith.index_cast %squeeze3A : i32 to index
        %swap3A_397 = arith.constant 32 : index
        %swap3A_398 = tpu.vector_load %arg24[%swap3A_396, %swap3A_397] {strides = array<i32>} : memref<320x64xf32, #tpu.memory_space<vmem>>, vector<16xf32>,
        tpu.vector_store %arg24[%swap3A_396, %swap3A_397], %max3A_395 {add = true, strides = array<i32>} : memref<320x64xf32, #tpu.memory_space<vmem>>, vector<16xf32>,
        %mul3A_399 = arith.mulf %max3A_395, %max3A_395 : vector<16xf32>
        %swap3A_400 = arith.index_cast %squeeze3A : i32 to index
        %swap3A_401 = arith.constant 32 : index
        %swap3A_402 = tpu.vector_load %arg25[%swap3A_400, %swap3A_401] {strides = array<i32>} : memref<320x64xf32, #tpu.memory_space<vmem>>, vector<16xf32>,
        tpu.vector_store %arg25[%swap3A_400, %swap3A_401], %mul3A_399 {add = true, strides = array<i32>} : memref<320x64xf32, #tpu.memory_space<vmem>>, vector<16xf32>,
        %get3A_403 = arith.index_cast %squeeze3A : i32 to index
        %get3A_404 = arith.constant 32 : index
        %get3A_405 = tpu.vector_load %arg26[%get3A_403, %get3A_404] {strides = array<i32>} : memref<320x64xf32, #tpu.memory_space<vmem>>, vector<16xf32>,
        %max3A_406 = arith.maximumf %get3A_405, %max3A_395 : vector<16xf32>
        %swap3A_407 = arith.index_cast %squeeze3A : i32 to index
        %swap3A_408 = arith.constant 32 : index
        %swap3A_409 = tpu.vector_load %arg26[%swap3A_407, %swap3A_408] {strides = array<i32>} : memref<320x64xf32, #tpu.memory_space<vmem>>, vector<16xf32>,
        tpu.vector_store %arg26[%swap3A_407, %swap3A_408], %max3A_406 {strides = array<i32>} : memref<320x64xf32, #tpu.memory_space<vmem>>, vector<16xf32>,
        %get3A_410 = arith.index_cast %squeeze3A : i32 to index
        %get3A_411 = arith.constant 32 : index
        %get3A_412 = tpu.vector_load %arg27[%get3A_410, %get3A_411] {strides = array<i32>} : memref<320x64xf32, #tpu.memory_space<vmem>>, vector<16xf32>,
        %min3A_413 = arith.minimumf %get3A_412, %max3A_395 : vector<16xf32>
        %swap3A_414 = arith.index_cast %squeeze3A : i32 to index
        %swap3A_415 = arith.constant 32 : index
        %swap3A_416 = tpu.vector_load %arg27[%swap3A_414, %swap3A_415] {strides = array<i32>} : memref<320x64xf32, #tpu.memory_space<vmem>>, vector<16xf32>,
        tpu.vector_store %arg27[%swap3A_414, %swap3A_415], %min3A_413 {strides = array<i32>} : memref<320x64xf32, #tpu.memory_space<vmem>>, vector<16xf32>,
        %get3A_417 = arith.index_cast %while3A_323 : i32 to index
        %get3A_418 = arith.constant 48 : index
        %get3A_419 = tpu.vector_load %arg22[%get3A_417, %get3A_418] {strides = array<i32>} : memref<256x64xf32, #tpu.memory_space<vmem>>, vector<16xf32>,
        %get3A_420 = arith.index_cast %squeeze3A : i32 to index
        %get3A_421 = arith.constant 48 : index
        %get3A_422 = tpu.vector_load %arg23[%get3A_420, %get3A_421] {strides = array<i32>} : memref<320x64xf32, #tpu.memory_space<vmem>>, vector<16xf32>,
        %add3A_423 = arith.addf %get3A_419, %get3A_422 : vector<16xf32>
        %max3A_424 = arith.constant 0.000000e+00 : f32
        %max3A_425 = vector.broadcast %max3A_424 : f32 to vector<16xf32>
        %max3A_426 = arith.maximumf %add3A_423, %max3A_425 : vector<16xf32>
        %swap3A_427 = arith.index_cast %squeeze3A : i32 to index
        %swap3A_428 = arith.constant 48 : index
        %swap3A_429 = tpu.vector_load %arg24[%swap3A_427, %swap3A_428] {strides = array<i32>} : memref<320x64xf32, #tpu.memory_space<vmem>>, vector<16xf32>,
        tpu.vector_store %arg24[%swap3A_427, %swap3A_428], %max3A_426 {add = true, strides = array<i32>} : memref<320x64xf32, #tpu.memory_space<vmem>>, vector<16xf32>,
        %mul3A_430 = arith.mulf %max3A_426, %max3A_426 : vector<16xf32>
        %swap3A_431 = arith.index_cast %squeeze3A : i32 to index
        %swap3A_432 = arith.constant 48 : index
        %swap3A_433 = tpu.vector_load %arg25[%swap3A_431, %swap3A_432] {strides = array<i32>} : memref<320x64xf32, #tpu.memory_space<vmem>>, vector<16xf32>,
        tpu.vector_store %arg25[%swap3A_431, %swap3A_432], %mul3A_430 {add = true, strides = array<i32>} : memref<320x64xf32, #tpu.memory_space<vmem>>, vector<16xf32>,
        %get3A_434 = arith.index_cast %squeeze3A : i32 to index
        %get3A_435 = arith.constant 48 : index
        %get3A_436 = tpu.vector_load %arg26[%get3A_434, %get3A_435] {strides = array<i32>} : memref<320x64xf32, #tpu.memory_space<vmem>>, vector<16xf32>,
        %max3A_437 = arith.maximumf %get3A_436, %max3A_426 : vector<16xf32>
        %swap3A_438 = arith.index_cast %squeeze3A : i32 to index
        %swap3A_439 = arith.constant 48 : index
        %swap3A_440 = tpu.vector_load %arg26[%swap3A_438, %swap3A_439] {strides = array<i32>} : memref<320x64xf32, #tpu.memory_space<vmem>>, vector<16xf32>,
        tpu.vector_store %arg26[%swap3A_438, %swap3A_439], %max3A_437 {strides = array<i32>} : memref<320x64xf32, #tpu.memory_space<vmem>>, vector<16xf32>,
        %get3A_441 = arith.index_cast %squeeze3A : i32 to index
        %get3A_442 = arith.constant 48 : index
        %get3A_443 = tpu.vector_load %arg27[%get3A_441, %get3A_442] {strides = array<i32>} : memref<320x64xf32, #tpu.memory_space<vmem>>, vector<16xf32>,
        %min3A_444 = arith.minimumf %get3A_443, %max3A_426 : vector<16xf32>
        %swap3A_445 = arith.index_cast %squeeze3A : i32 to index
        %swap3A_446 = arith.constant 48 : index
        %swap3A_447 = tpu.vector_load %arg27[%swap3A_445, %swap3A_446] {strides = array<i32>} : memref<320x64xf32, #tpu.memory_space<vmem>>, vector<16xf32>,
        tpu.vector_store %arg27[%swap3A_445, %swap3A_446], %min3A_444 {strides = array<i32>} : memref<320x64xf32, #tpu.memory_space<vmem>>, vector<16xf32>,
        %while3A_448 = arith.constant 0 : i32
        scf.yield %while3A_448 : i32
      }
      %while3A_322 = arith.constant 0 : i32
      scf.yield %while3A_322 : i32
    }
    %multiple_of3A_255 = tpu.assume_multiple %mul3A_2, 320 : i32
    %run_scoped3A_256 = arith.constant 3 : i32
    "tpu.region"() ({
      %run_scoped3A_263 = tpu.sem_alloc : memref<!tpu.dma_semaphore, #tpu.memory_space<semaphore_mem>>
      %dma_start3A = arith.constant 0 : i32
      %dma_start3A_264 = tpu.memref_slice %arg6[%run_scoped3A_256, %multiple_of3A_255, %dma_start3A] : memref<4x10240x64xf32, #tpu.memory_space<hbm>> -> memref<1x320x64xf32, #tpu.memory_space<hbm>>
      %dma_start3A_265 = tpu.memref_squeeze %dma_start3A_264 : memref<1x320x64xf32, #tpu.memory_space<hbm>> -> memref<320x64xf32, #tpu.memory_space<hbm>>
      %dma_start3A_266 = arith.constant 0 : i32
      %dma_start3A_267 = tpu.memref_slice %arg6[%run_scoped3A_256, %multiple_of3A_255, %dma_start3A_266] : memref<4x10240x64xf32, #tpu.memory_space<hbm>> -> memref<1x320x64xf32, #tpu.memory_space<hbm>>
      %dma_start3A_268 = tpu.memref_squeeze %dma_start3A_267 : memref<1x320x64xf32, #tpu.memory_space<hbm>> -> memref<320x64xf32, #tpu.memory_space<hbm>>
      tpu.enqueue_dma source(%arg24 : memref<320x64xf32, #tpu.memory_space<vmem>>) target(%dma_start3A_268 : memref<320x64xf32, #tpu.memory_space<hbm>>) target_semaphore(%run_scoped3A_263 : memref<!tpu.dma_semaphore, #tpu.memory_space<semaphore_mem>>)
      %dma_wait3A = arith.constant 0 : i32
      %dma_wait3A_269 = tpu.memref_slice %arg6[%run_scoped3A_256, %multiple_of3A_255, %dma_wait3A] : memref<4x10240x64xf32, #tpu.memory_space<hbm>> -> memref<1x320x64xf32, #tpu.memory_space<hbm>>
      %dma_wait3A_270 = tpu.memref_squeeze %dma_wait3A_269 : memref<1x320x64xf32, #tpu.memory_space<hbm>> -> memref<320x64xf32, #tpu.memory_space<hbm>>
      %dma_wait3A_271 = arith.constant 0 : i32
      %dma_wait3A_272 = tpu.memref_slice %arg6[%run_scoped3A_256, %multiple_of3A_255, %dma_wait3A_271] : memref<4x10240x64xf32, #tpu.memory_space<hbm>> -> memref<1x320x64xf32, #tpu.memory_space<hbm>>
      %dma_wait3A_273 = tpu.memref_squeeze %dma_wait3A_272 : memref<1x320x64xf32, #tpu.memory_space<hbm>> -> memref<320x64xf32, #tpu.memory_space<hbm>>
      tpu.wait_dma2 semaphore(%run_scoped3A_263 : memref<!tpu.dma_semaphore, #tpu.memory_space<semaphore_mem>>) src(%arg24 : memref<320x64xf32, #tpu.memory_space<vmem>>) dst(%dma_wait3A_273 : memref<320x64xf32, #tpu.memory_space<hbm>>)
      tpu.yield
    }) : () -> ()
    %multiple_of3A_257 = tpu.assume_multiple %mul3A_2, 320 : i32
    %run_scoped3A_258 = arith.constant 3 : i32
    "tpu.region"() ({
      %run_scoped3A_263 = tpu.sem_alloc : memref<!tpu.dma_semaphore, #tpu.memory_space<semaphore_mem>>
      %dma_start3A = arith.constant 0 : i32
      %dma_start3A_264 = tpu.memref_slice %arg7[%run_scoped3A_258, %multiple_of3A_257, %dma_start3A] : memref<4x10240x64xf32, #tpu.memory_space<hbm>> -> memref<1x320x64xf32, #tpu.memory_space<hbm>>
      %dma_start3A_265 = tpu.memref_squeeze %dma_start3A_264 : memref<1x320x64xf32, #tpu.memory_space<hbm>> -> memref<320x64xf32, #tpu.memory_space<hbm>>
      %dma_start3A_266 = arith.constant 0 : i32
      %dma_start3A_267 = tpu.memref_slice %arg7[%run_scoped3A_258, %multiple_of3A_257, %dma_start3A_266] : memref<4x10240x64xf32, #tpu.memory_space<hbm>> -> memref<1x320x64xf32, #tpu.memory_space<hbm>>
      %dma_start3A_268 = tpu.memref_squeeze %dma_start3A_267 : memref<1x320x64xf32, #tpu.memory_space<hbm>> -> memref<320x64xf32, #tpu.memory_space<hbm>>
      tpu.enqueue_dma source(%arg25 : memref<320x64xf32, #tpu.memory_space<vmem>>) target(%dma_start3A_268 : memref<320x64xf32, #tpu.memory_space<hbm>>) target_semaphore(%run_scoped3A_263 : memref<!tpu.dma_semaphore, #tpu.memory_space<semaphore_mem>>)
      %dma_wait3A = arith.constant 0 : i32
      %dma_wait3A_269 = tpu.memref_slice %arg7[%run_scoped3A_258, %multiple_of3A_257, %dma_wait3A] : memref<4x10240x64xf32, #tpu.memory_space<hbm>> -> memref<1x320x64xf32, #tpu.memory_space<hbm>>
      %dma_wait3A_270 = tpu.memref_squeeze %dma_wait3A_269 : memref<1x320x64xf32, #tpu.memory_space<hbm>> -> memref<320x64xf32, #tpu.memory_space<hbm>>
      %dma_wait3A_271 = arith.constant 0 : i32
      %dma_wait3A_272 = tpu.memref_slice %arg7[%run_scoped3A_258, %multiple_of3A_257, %dma_wait3A_271] : memref<4x10240x64xf32, #tpu.memory_space<hbm>> -> memref<1x320x64xf32, #tpu.memory_space<hbm>>
      %dma_wait3A_273 = tpu.memref_squeeze %dma_wait3A_272 : memref<1x320x64xf32, #tpu.memory_space<hbm>> -> memref<320x64xf32, #tpu.memory_space<hbm>>
      tpu.wait_dma2 semaphore(%run_scoped3A_263 : memref<!tpu.dma_semaphore, #tpu.memory_space<semaphore_mem>>) src(%arg25 : memref<320x64xf32, #tpu.memory_space<vmem>>) dst(%dma_wait3A_273 : memref<320x64xf32, #tpu.memory_space<hbm>>)
      tpu.yield
    }) : () -> ()
    %multiple_of3A_259 = tpu.assume_multiple %mul3A_2, 320 : i32
    %run_scoped3A_260 = arith.constant 3 : i32
    "tpu.region"() ({
      %run_scoped3A_263 = tpu.sem_alloc : memref<!tpu.dma_semaphore, #tpu.memory_space<semaphore_mem>>
      %dma_start3A = arith.constant 0 : i32
      %dma_start3A_264 = tpu.memref_slice %arg8[%run_scoped3A_260, %multiple_of3A_259, %dma_start3A] : memref<4x10240x64xf32, #tpu.memory_space<hbm>> -> memref<1x320x64xf32, #tpu.memory_space<hbm>>
      %dma_start3A_265 = tpu.memref_squeeze %dma_start3A_264 : memref<1x320x64xf32, #tpu.memory_space<hbm>> -> memref<320x64xf32, #tpu.memory_space<hbm>>
      %dma_start3A_266 = arith.constant 0 : i32
      %dma_start3A_267 = tpu.memref_slice %arg8[%run_scoped3A_260, %multiple_of3A_259, %dma_start3A_266] : memref<4x10240x64xf32, #tpu.memory_space<hbm>> -> memref<1x320x64xf32, #tpu.memory_space<hbm>>
      %dma_start3A_268 = tpu.memref_squeeze %dma_start3A_267 : memref<1x320x64xf32, #tpu.memory_space<hbm>> -> memref<320x64xf32, #tpu.memory_space<hbm>>
      tpu.enqueue_dma source(%arg26 : memref<320x64xf32, #tpu.memory_space<vmem>>) target(%dma_start3A_268 : memref<320x64xf32, #tpu.memory_space<hbm>>) target_semaphore(%run_scoped3A_263 : memref<!tpu.dma_semaphore, #tpu.memory_space<semaphore_mem>>)
      %dma_wait3A = arith.constant 0 : i32
      %dma_wait3A_269 = tpu.memref_slice %arg8[%run_scoped3A_260, %multiple_of3A_259, %dma_wait3A] : memref<4x10240x64xf32, #tpu.memory_space<hbm>> -> memref<1x320x64xf32, #tpu.memory_space<hbm>>
      %dma_wait3A_270 = tpu.memref_squeeze %dma_wait3A_269 : memref<1x320x64xf32, #tpu.memory_space<hbm>> -> memref<320x64xf32, #tpu.memory_space<hbm>>
      %dma_wait3A_271 = arith.constant 0 : i32
      %dma_wait3A_272 = tpu.memref_slice %arg8[%run_scoped3A_260, %multiple_of3A_259, %dma_wait3A_271] : memref<4x10240x64xf32, #tpu.memory_space<hbm>> -> memref<1x320x64xf32, #tpu.memory_space<hbm>>
      %dma_wait3A_273 = tpu.memref_squeeze %dma_wait3A_272 : memref<1x320x64xf32, #tpu.memory_space<hbm>> -> memref<320x64xf32, #tpu.memory_space<hbm>>
      tpu.wait_dma2 semaphore(%run_scoped3A_263 : memref<!tpu.dma_semaphore, #tpu.memory_space<semaphore_mem>>) src(%arg26 : memref<320x64xf32, #tpu.memory_space<vmem>>) dst(%dma_wait3A_273 : memref<320x64xf32, #tpu.memory_space<hbm>>)
      tpu.yield
    }) : () -> ()
    %multiple_of3A_261 = tpu.assume_multiple %mul3A_2, 320 : i32
    %run_scoped3A_262 = arith.constant 3 : i32
    "tpu.region"() ({
      %run_scoped3A_263 = tpu.sem_alloc : memref<!tpu.dma_semaphore, #tpu.memory_space<semaphore_mem>>
      %dma_start3A = arith.constant 0 : i32
      %dma_start3A_264 = tpu.memref_slice %arg9[%run_scoped3A_262, %multiple_of3A_261, %dma_start3A] : memref<4x10240x64xf32, #tpu.memory_space<hbm>> -> memref<1x320x64xf32, #tpu.memory_space<hbm>>
      %dma_start3A_265 = tpu.memref_squeeze %dma_start3A_264 : memref<1x320x64xf32, #tpu.memory_space<hbm>> -> memref<320x64xf32, #tpu.memory_space<hbm>>
      %dma_start3A_266 = arith.constant 0 : i32
      %dma_start3A_267 = tpu.memref_slice %arg9[%run_scoped3A_262, %multiple_of3A_261, %dma_start3A_266] : memref<4x10240x64xf32, #tpu.memory_space<hbm>> -> memref<1x320x64xf32, #tpu.memory_space<hbm>>
      %dma_start3A_268 = tpu.memref_squeeze %dma_start3A_267 : memref<1x320x64xf32, #tpu.memory_space<hbm>> -> memref<320x64xf32, #tpu.memory_space<hbm>>
      tpu.enqueue_dma source(%arg27 : memref<320x64xf32, #tpu.memory_space<vmem>>) target(%dma_start3A_268 : memref<320x64xf32, #tpu.memory_space<hbm>>) target_semaphore(%run_scoped3A_263 : memref<!tpu.dma_semaphore, #tpu.memory_space<semaphore_mem>>)
      %dma_wait3A = arith.constant 0 : i32
      %dma_wait3A_269 = tpu.memref_slice %arg9[%run_scoped3A_262, %multiple_of3A_261, %dma_wait3A] : memref<4x10240x64xf32, #tpu.memory_space<hbm>> -> memref<1x320x64xf32, #tpu.memory_space<hbm>>
      %dma_wait3A_270 = tpu.memref_squeeze %dma_wait3A_269 : memref<1x320x64xf32, #tpu.memory_space<hbm>> -> memref<320x64xf32, #tpu.memory_space<hbm>>
      %dma_wait3A_271 = arith.constant 0 : i32
      %dma_wait3A_272 = tpu.memref_slice %arg9[%run_scoped3A_262, %multiple_of3A_261, %dma_wait3A_271] : memref<4x10240x64xf32, #tpu.memory_space<hbm>> -> memref<1x320x64xf32, #tpu.memory_space<hbm>>
      %dma_wait3A_273 = tpu.memref_squeeze %dma_wait3A_272 : memref<1x320x64xf32, #tpu.memory_space<hbm>> -> memref<320x64xf32, #tpu.memory_space<hbm>>
      tpu.wait_dma2 semaphore(%run_scoped3A_263 : memref<!tpu.dma_semaphore, #tpu.memory_space<semaphore_mem>>) src(%arg27 : memref<320x64xf32, #tpu.memory_space<vmem>>) dst(%dma_wait3A_273 : memref<320x64xf32, #tpu.memory_space<hbm>>)
      tpu.yield
    }) : () -> ()
    return
  }
}

module attributes {stable_mosaic.version = 14 : i64} {
  func.func @_tc1_body(%arg0: i32, %arg1: memref<512x256xf32, #tpu.memory_space<vmem>>, %arg2: memref<4x64x64xf32, #tpu.memory_space<vmem>>, %arg3: memref<4x64x64xf32, #tpu.memory_space<vmem>>, %arg4: memref<4x64xf32, #tpu.memory_space<vmem>>, %arg5: memref<4x512x64xf32, #tpu.memory_space<vmem>>, %arg6: memref<4x512x64xf32, #tpu.memory_space<vmem>>) attributes {dimension_semantics = [#tpu.dimension_semantics<arbitrary>], iteration_bounds = array<i64: 20>, scalar_prefetch = 0 : i64, scratch_operands = 0 : i64, tpu.core_type = #tpu.core_type<tc>, window_params = [{transform_indices = @transform_0, window_bounds = array<i64: 512, 256>}, {pipeline_mode = #tpu.pipeline_mode<synchronous>, transform_indices = @transform_1, window_bounds = array<i64: 4, 64, 64>}, {pipeline_mode = #tpu.pipeline_mode<synchronous>, transform_indices = @transform_2, window_bounds = array<i64: 4, 64, 64>}, {pipeline_mode = #tpu.pipeline_mode<synchronous>, transform_indices = @transform_3, window_bounds = array<i64: 4, 64>}, {transform_indices = @transform_4, window_bounds = array<i64: 4, 512, 64>}, {transform_indices = @transform_5, window_bounds = array<i64: 4, 512, 64>}]} {
    %get3A = arith.constant 0 : index
    %get3A_0 = arith.constant 0 : index
    %get3A_1 = vector.load %arg1[%get3A, %get3A_0] : memref<512x256xf32, #tpu.memory_space<vmem>>, vector<512x256xf32>
    %slice3A = vector.extract_strided_slice %get3A_1 {offsets = [0, 0], sizes = [512, 64], strides = [1, 1]} : vector<512x256xf32> to vector<512x64xf32>
    %get3A_2 = arith.constant 0 : index
    %get3A_3 = arith.constant 0 : index
    %get3A_4 = arith.constant 0 : index
    %get3A_5 = vector.load %arg2[%get3A_2, %get3A_3, %get3A_4] : memref<4x64x64xf32, #tpu.memory_space<vmem>>, vector<1x64x64xf32>
    %get3A_6 = vector.shape_cast %get3A_5 : vector<1x64x64xf32> to vector<64x64xf32>
    %dot_general3A = arith.constant dense<0.000000e+00> : vector<512x64xf32>
    %dot_general3A_7 = tpu.matmul %slice3A, %get3A_6, %dot_general3A {dimension_numbers = #tpu.dot_dimension_numbers<[1], [0], [0], [1], [0, 0, 1, 1], [], []>, transpose_lhs_hint = false} : vector<512x64xf32>, vector<64x64xf32>, vector<512x64xf32> -> vector<512x64xf32>
    %swap3A = arith.constant 0 : index
    %swap3A_8 = arith.constant 0 : index
    %swap3A_9 = arith.constant 0 : index
    %swap3A_10 = vector.load %arg5[%swap3A, %swap3A_8, %swap3A_9] : memref<4x512x64xf32, #tpu.memory_space<vmem>>, vector<1x512x64xf32>
    %swap3A_11 = vector.shape_cast %swap3A_10 : vector<1x512x64xf32> to vector<512x64xf32>
    %swap3A_12 = vector.shape_cast %dot_general3A_7 : vector<512x64xf32> to vector<1x512x64xf32>
    tpu.vector_store %arg5[%swap3A, %swap3A_8, %swap3A_9], %swap3A_12 {strides = array<i32>} : memref<4x512x64xf32, #tpu.memory_space<vmem>>, vector<1x512x64xf32>,
    %get3A_13 = arith.constant 0 : index
    %get3A_14 = arith.constant 0 : index
    %get3A_15 = arith.constant 0 : index
    %get3A_16 = vector.load %arg3[%get3A_13, %get3A_14, %get3A_15] : memref<4x64x64xf32, #tpu.memory_space<vmem>>, vector<1x64x64xf32>
    %get3A_17 = vector.shape_cast %get3A_16 : vector<1x64x64xf32> to vector<64x64xf32>
    %dot_general3A_18 = arith.constant dense<0.000000e+00> : vector<512x64xf32>
    %dot_general3A_19 = tpu.matmul %slice3A, %get3A_17, %dot_general3A_18 {dimension_numbers = #tpu.dot_dimension_numbers<[1], [0], [0], [1], [0, 0, 1, 1], [], []>, transpose_lhs_hint = false} : vector<512x64xf32>, vector<64x64xf32>, vector<512x64xf32> -> vector<512x64xf32>
    %get3A_20 = arith.constant 0 : index
    %get3A_21 = arith.constant 0 : index
    %get3A_22 = vector.load %arg4[%get3A_20, %get3A_21] : memref<4x64xf32, #tpu.memory_space<vmem>>, vector<1x64xf32>
    %get3A_23 = vector.shape_cast %get3A_22 : vector<1x64xf32> to vector<64xf32>
    %broadcast_in_dim3A = vector.shape_cast %get3A_23 : vector<64xf32> to vector<1x64xf32>
    %add3A = vector.broadcast %broadcast_in_dim3A : vector<1x64xf32> to vector<512x64xf32>
    %add3A_24 = arith.addf %dot_general3A_19, %add3A : vector<512x64xf32>
    %swap3A_25 = arith.constant 0 : index
    %swap3A_26 = arith.constant 0 : index
    %swap3A_27 = arith.constant 0 : index
    %swap3A_28 = vector.load %arg6[%swap3A_25, %swap3A_26, %swap3A_27] : memref<4x512x64xf32, #tpu.memory_space<vmem>>, vector<1x512x64xf32>
    %swap3A_29 = vector.shape_cast %swap3A_28 : vector<1x512x64xf32> to vector<512x64xf32>
    %swap3A_30 = vector.shape_cast %add3A_24 : vector<512x64xf32> to vector<1x512x64xf32>
    tpu.vector_store %arg6[%swap3A_25, %swap3A_26, %swap3A_27], %swap3A_30 {strides = array<i32>} : memref<4x512x64xf32, #tpu.memory_space<vmem>>, vector<1x512x64xf32>,
    %slice3A_31 = vector.extract_strided_slice %get3A_1 {offsets = [0, 64], sizes = [512, 64], strides = [1, 1]} : vector<512x256xf32> to vector<512x64xf32>
    %get3A_32 = arith.constant 1 : index
    %get3A_33 = arith.constant 0 : index
    %get3A_34 = arith.constant 0 : index
    %get3A_35 = vector.load %arg2[%get3A_32, %get3A_33, %get3A_34] : memref<4x64x64xf32, #tpu.memory_space<vmem>>, vector<1x64x64xf32>
    %get3A_36 = vector.shape_cast %get3A_35 : vector<1x64x64xf32> to vector<64x64xf32>
    %dot_general3A_37 = arith.constant dense<0.000000e+00> : vector<512x64xf32>
    %dot_general3A_38 = tpu.matmul %slice3A_31, %get3A_36, %dot_general3A_37 {dimension_numbers = #tpu.dot_dimension_numbers<[1], [0], [0], [1], [0, 0, 1, 1], [], []>, transpose_lhs_hint = false} : vector<512x64xf32>, vector<64x64xf32>, vector<512x64xf32> -> vector<512x64xf32>
    %swap3A_39 = arith.constant 1 : index
    %swap3A_40 = arith.constant 0 : index
    %swap3A_41 = arith.constant 0 : index
    %swap3A_42 = vector.load %arg5[%swap3A_39, %swap3A_40, %swap3A_41] : memref<4x512x64xf32, #tpu.memory_space<vmem>>, vector<1x512x64xf32>
    %swap3A_43 = vector.shape_cast %swap3A_42 : vector<1x512x64xf32> to vector<512x64xf32>
    %swap3A_44 = vector.shape_cast %dot_general3A_38 : vector<512x64xf32> to vector<1x512x64xf32>
    tpu.vector_store %arg5[%swap3A_39, %swap3A_40, %swap3A_41], %swap3A_44 {strides = array<i32>} : memref<4x512x64xf32, #tpu.memory_space<vmem>>, vector<1x512x64xf32>,
    %get3A_45 = arith.constant 1 : index
    %get3A_46 = arith.constant 0 : index
    %get3A_47 = arith.constant 0 : index
    %get3A_48 = vector.load %arg3[%get3A_45, %get3A_46, %get3A_47] : memref<4x64x64xf32, #tpu.memory_space<vmem>>, vector<1x64x64xf32>
    %get3A_49 = vector.shape_cast %get3A_48 : vector<1x64x64xf32> to vector<64x64xf32>
    %dot_general3A_50 = arith.constant dense<0.000000e+00> : vector<512x64xf32>
    %dot_general3A_51 = tpu.matmul %slice3A_31, %get3A_49, %dot_general3A_50 {dimension_numbers = #tpu.dot_dimension_numbers<[1], [0], [0], [1], [0, 0, 1, 1], [], []>, transpose_lhs_hint = false} : vector<512x64xf32>, vector<64x64xf32>, vector<512x64xf32> -> vector<512x64xf32>
    %get3A_52 = arith.constant 1 : index
    %get3A_53 = arith.constant 0 : index
    %get3A_54 = vector.load %arg4[%get3A_52, %get3A_53] : memref<4x64xf32, #tpu.memory_space<vmem>>, vector<1x64xf32>
    %get3A_55 = vector.shape_cast %get3A_54 : vector<1x64xf32> to vector<64xf32>
    %broadcast_in_dim3A_56 = vector.shape_cast %get3A_55 : vector<64xf32> to vector<1x64xf32>
    %add3A_57 = vector.broadcast %broadcast_in_dim3A_56 : vector<1x64xf32> to vector<512x64xf32>
    %add3A_58 = arith.addf %dot_general3A_51, %add3A_57 : vector<512x64xf32>
    %swap3A_59 = arith.constant 1 : index
    %swap3A_60 = arith.constant 0 : index
    %swap3A_61 = arith.constant 0 : index
    %swap3A_62 = vector.load %arg6[%swap3A_59, %swap3A_60, %swap3A_61] : memref<4x512x64xf32, #tpu.memory_space<vmem>>, vector<1x512x64xf32>
    %swap3A_63 = vector.shape_cast %swap3A_62 : vector<1x512x64xf32> to vector<512x64xf32>
    %swap3A_64 = vector.shape_cast %add3A_58 : vector<512x64xf32> to vector<1x512x64xf32>
    tpu.vector_store %arg6[%swap3A_59, %swap3A_60, %swap3A_61], %swap3A_64 {strides = array<i32>} : memref<4x512x64xf32, #tpu.memory_space<vmem>>, vector<1x512x64xf32>,
    %slice3A_65 = vector.extract_strided_slice %get3A_1 {offsets = [0, 128], sizes = [512, 64], strides = [1, 1]} : vector<512x256xf32> to vector<512x64xf32>
    %get3A_66 = arith.constant 2 : index
    %get3A_67 = arith.constant 0 : index
    %get3A_68 = arith.constant 0 : index
    %get3A_69 = vector.load %arg2[%get3A_66, %get3A_67, %get3A_68] : memref<4x64x64xf32, #tpu.memory_space<vmem>>, vector<1x64x64xf32>
    %get3A_70 = vector.shape_cast %get3A_69 : vector<1x64x64xf32> to vector<64x64xf32>
    %dot_general3A_71 = arith.constant dense<0.000000e+00> : vector<512x64xf32>
    %dot_general3A_72 = tpu.matmul %slice3A_65, %get3A_70, %dot_general3A_71 {dimension_numbers = #tpu.dot_dimension_numbers<[1], [0], [0], [1], [0, 0, 1, 1], [], []>, transpose_lhs_hint = false} : vector<512x64xf32>, vector<64x64xf32>, vector<512x64xf32> -> vector<512x64xf32>
    %swap3A_73 = arith.constant 2 : index
    %swap3A_74 = arith.constant 0 : index
    %swap3A_75 = arith.constant 0 : index
    %swap3A_76 = vector.load %arg5[%swap3A_73, %swap3A_74, %swap3A_75] : memref<4x512x64xf32, #tpu.memory_space<vmem>>, vector<1x512x64xf32>
    %swap3A_77 = vector.shape_cast %swap3A_76 : vector<1x512x64xf32> to vector<512x64xf32>
    %swap3A_78 = vector.shape_cast %dot_general3A_72 : vector<512x64xf32> to vector<1x512x64xf32>
    tpu.vector_store %arg5[%swap3A_73, %swap3A_74, %swap3A_75], %swap3A_78 {strides = array<i32>} : memref<4x512x64xf32, #tpu.memory_space<vmem>>, vector<1x512x64xf32>,
    %get3A_79 = arith.constant 2 : index
    %get3A_80 = arith.constant 0 : index
    %get3A_81 = arith.constant 0 : index
    %get3A_82 = vector.load %arg3[%get3A_79, %get3A_80, %get3A_81] : memref<4x64x64xf32, #tpu.memory_space<vmem>>, vector<1x64x64xf32>
    %get3A_83 = vector.shape_cast %get3A_82 : vector<1x64x64xf32> to vector<64x64xf32>
    %dot_general3A_84 = arith.constant dense<0.000000e+00> : vector<512x64xf32>
    %dot_general3A_85 = tpu.matmul %slice3A_65, %get3A_83, %dot_general3A_84 {dimension_numbers = #tpu.dot_dimension_numbers<[1], [0], [0], [1], [0, 0, 1, 1], [], []>, transpose_lhs_hint = false} : vector<512x64xf32>, vector<64x64xf32>, vector<512x64xf32> -> vector<512x64xf32>
    %get3A_86 = arith.constant 2 : index
    %get3A_87 = arith.constant 0 : index
    %get3A_88 = vector.load %arg4[%get3A_86, %get3A_87] : memref<4x64xf32, #tpu.memory_space<vmem>>, vector<1x64xf32>
    %get3A_89 = vector.shape_cast %get3A_88 : vector<1x64xf32> to vector<64xf32>
    %broadcast_in_dim3A_90 = vector.shape_cast %get3A_89 : vector<64xf32> to vector<1x64xf32>
    %add3A_91 = vector.broadcast %broadcast_in_dim3A_90 : vector<1x64xf32> to vector<512x64xf32>
    %add3A_92 = arith.addf %dot_general3A_85, %add3A_91 : vector<512x64xf32>
    %swap3A_93 = arith.constant 2 : index
    %swap3A_94 = arith.constant 0 : index
    %swap3A_95 = arith.constant 0 : index
    %swap3A_96 = vector.load %arg6[%swap3A_93, %swap3A_94, %swap3A_95] : memref<4x512x64xf32, #tpu.memory_space<vmem>>, vector<1x512x64xf32>
    %swap3A_97 = vector.shape_cast %swap3A_96 : vector<1x512x64xf32> to vector<512x64xf32>
    %swap3A_98 = vector.shape_cast %add3A_92 : vector<512x64xf32> to vector<1x512x64xf32>
    tpu.vector_store %arg6[%swap3A_93, %swap3A_94, %swap3A_95], %swap3A_98 {strides = array<i32>} : memref<4x512x64xf32, #tpu.memory_space<vmem>>, vector<1x512x64xf32>,
    %slice3A_99 = vector.extract_strided_slice %get3A_1 {offsets = [0, 192], sizes = [512, 64], strides = [1, 1]} : vector<512x256xf32> to vector<512x64xf32>
    %get3A_100 = arith.constant 3 : index
    %get3A_101 = arith.constant 0 : index
    %get3A_102 = arith.constant 0 : index
    %get3A_103 = vector.load %arg2[%get3A_100, %get3A_101, %get3A_102] : memref<4x64x64xf32, #tpu.memory_space<vmem>>, vector<1x64x64xf32>
    %get3A_104 = vector.shape_cast %get3A_103 : vector<1x64x64xf32> to vector<64x64xf32>
    %dot_general3A_105 = arith.constant dense<0.000000e+00> : vector<512x64xf32>
    %dot_general3A_106 = tpu.matmul %slice3A_99, %get3A_104, %dot_general3A_105 {dimension_numbers = #tpu.dot_dimension_numbers<[1], [0], [0], [1], [0, 0, 1, 1], [], []>, transpose_lhs_hint = false} : vector<512x64xf32>, vector<64x64xf32>, vector<512x64xf32> -> vector<512x64xf32>
    %swap3A_107 = arith.constant 3 : index
    %swap3A_108 = arith.constant 0 : index
    %swap3A_109 = arith.constant 0 : index
    %swap3A_110 = vector.load %arg5[%swap3A_107, %swap3A_108, %swap3A_109] : memref<4x512x64xf32, #tpu.memory_space<vmem>>, vector<1x512x64xf32>
    %swap3A_111 = vector.shape_cast %swap3A_110 : vector<1x512x64xf32> to vector<512x64xf32>
    %swap3A_112 = vector.shape_cast %dot_general3A_106 : vector<512x64xf32> to vector<1x512x64xf32>
    tpu.vector_store %arg5[%swap3A_107, %swap3A_108, %swap3A_109], %swap3A_112 {strides = array<i32>} : memref<4x512x64xf32, #tpu.memory_space<vmem>>, vector<1x512x64xf32>,
    %get3A_113 = arith.constant 3 : index
    %get3A_114 = arith.constant 0 : index
    %get3A_115 = arith.constant 0 : index
    %get3A_116 = vector.load %arg3[%get3A_113, %get3A_114, %get3A_115] : memref<4x64x64xf32, #tpu.memory_space<vmem>>, vector<1x64x64xf32>
    %get3A_117 = vector.shape_cast %get3A_116 : vector<1x64x64xf32> to vector<64x64xf32>
    %dot_general3A_118 = arith.constant dense<0.000000e+00> : vector<512x64xf32>
    %dot_general3A_119 = tpu.matmul %slice3A_99, %get3A_117, %dot_general3A_118 {dimension_numbers = #tpu.dot_dimension_numbers<[1], [0], [0], [1], [0, 0, 1, 1], [], []>, transpose_lhs_hint = false} : vector<512x64xf32>, vector<64x64xf32>, vector<512x64xf32> -> vector<512x64xf32>
    %get3A_120 = arith.constant 3 : index
    %get3A_121 = arith.constant 0 : index
    %get3A_122 = vector.load %arg4[%get3A_120, %get3A_121] : memref<4x64xf32, #tpu.memory_space<vmem>>, vector<1x64xf32>
    %get3A_123 = vector.shape_cast %get3A_122 : vector<1x64xf32> to vector<64xf32>
    %broadcast_in_dim3A_124 = vector.shape_cast %get3A_123 : vector<64xf32> to vector<1x64xf32>
    %add3A_125 = vector.broadcast %broadcast_in_dim3A_124 : vector<1x64xf32> to vector<512x64xf32>
    %add3A_126 = arith.addf %dot_general3A_119, %add3A_125 : vector<512x64xf32>
    %swap3A_127 = arith.constant 3 : index
    %swap3A_128 = arith.constant 0 : index
    %swap3A_129 = arith.constant 0 : index
    %swap3A_130 = vector.load %arg6[%swap3A_127, %swap3A_128, %swap3A_129] : memref<4x512x64xf32, #tpu.memory_space<vmem>>, vector<1x512x64xf32>
    %swap3A_131 = vector.shape_cast %swap3A_130 : vector<1x512x64xf32> to vector<512x64xf32>
    %swap3A_132 = vector.shape_cast %add3A_126 : vector<512x64xf32> to vector<1x512x64xf32>
    tpu.vector_store %arg6[%swap3A_127, %swap3A_128, %swap3A_129], %swap3A_132 {strides = array<i32>} : memref<4x512x64xf32, #tpu.memory_space<vmem>>, vector<1x512x64xf32>,
    return
  }
  func.func @transform_0(%arg0: i32) -> (i32, i32) {
    %c0_i32 = arith.constant 0 : i32
    %c0_i32_0 = arith.constant 0 : i32
    return %arg0, %c0_i32 : i32, i32
  }
  func.func @transform_1(%arg0: i32) -> (i32, i32, i32) {
    %c0_i32 = arith.constant 0 : i32
    %c0_i32_0 = arith.constant 0 : i32
    %c0_i32_1 = arith.constant 0 : i32
    %c0_i32_2 = arith.constant 0 : i32
    return %c0_i32, %c0_i32_0, %c0_i32_1 : i32, i32, i32
  }
  func.func @transform_2(%arg0: i32) -> (i32, i32, i32) {
    %c0_i32 = arith.constant 0 : i32
    %c0_i32_0 = arith.constant 0 : i32
    %c0_i32_1 = arith.constant 0 : i32
    %c0_i32_2 = arith.constant 0 : i32
    return %c0_i32, %c0_i32_0, %c0_i32_1 : i32, i32, i32
  }
  func.func @transform_3(%arg0: i32) -> (i32, i32) {
    %c0_i32 = arith.constant 0 : i32
    %c0_i32_0 = arith.constant 0 : i32
    %c0_i32_1 = arith.constant 0 : i32
    return %c0_i32, %c0_i32_0 : i32, i32
  }
  func.func @transform_4(%arg0: i32) -> (i32, i32, i32) {
    %c0_i32 = arith.constant 0 : i32
    %c0_i32_0 = arith.constant 0 : i32
    %c0_i32_1 = arith.constant 0 : i32
    return %c0_i32, %arg0, %c0_i32_0 : i32, i32, i32
  }
  func.func @transform_5(%arg0: i32) -> (i32, i32, i32) {
    %c0_i32 = arith.constant 0 : i32
    %c0_i32_0 = arith.constant 0 : i32
    %c0_i32_1 = arith.constant 0 : i32
    return %c0_i32, %arg0, %c0_i32_0 : i32, i32, i32
  }
}

module attributes {stable_mosaic.version = 14 : i64} {
  func.func @_tc2_body(%arg0: i32, %arg1: memref<512x256xf32, #tpu.memory_space<vmem>>, %arg2: memref<4x512x64xf32, #tpu.memory_space<vmem>>, %arg3: memref<4x512x64xf32, #tpu.memory_space<vmem>>, %arg4: memref<4x512x64xf32, #tpu.memory_space<vmem>>, %arg5: memref<4x512x64xf32, #tpu.memory_space<vmem>>, %arg6: memref<512x128xf32, #tpu.memory_space<vmem>>, %arg7: memref<4x832x64xf32, #tpu.memory_space<vmem>>, %arg8: memref<4x64xf32, #tpu.memory_space<vmem>>, %arg9: memref<256x256xf32, #tpu.memory_space<vmem>>, %arg10: memref<1x256xf32, #tpu.memory_space<vmem>>, %arg11: memref<512x256xf32, #tpu.memory_space<vmem>>) attributes {dimension_semantics = [#tpu.dimension_semantics<arbitrary>], iteration_bounds = array<i64: 20>, scalar_prefetch = 0 : i64, scratch_operands = 0 : i64, tpu.core_type = #tpu.core_type<tc>, window_params = [{transform_indices = @transform_0, window_bounds = array<i64: 512, 256>}, {transform_indices = @transform_1, window_bounds = array<i64: 4, 512, 64>}, {transform_indices = @transform_2, window_bounds = array<i64: 4, 512, 64>}, {transform_indices = @transform_3, window_bounds = array<i64: 4, 512, 64>}, {transform_indices = @transform_4, window_bounds = array<i64: 4, 512, 64>}, {transform_indices = @transform_5, window_bounds = array<i64: 512, 128>}, {pipeline_mode = #tpu.pipeline_mode<synchronous>, transform_indices = @transform_6, window_bounds = array<i64: 4, 832, 64>}, {pipeline_mode = #tpu.pipeline_mode<synchronous>, transform_indices = @transform_7, window_bounds = array<i64: 4, 64>}, {pipeline_mode = #tpu.pipeline_mode<synchronous>, transform_indices = @transform_8, window_bounds = array<i64: 256, 256>}, {pipeline_mode = #tpu.pipeline_mode<synchronous>, transform_indices = @transform_9, window_bounds = array<i64: 1, 256>}, {transform_indices = @transform_10, window_bounds = array<i64: 512, 256>}]} {
    %get3A = arith.constant 0 : index
    %get3A_0 = arith.constant 0 : index
    %get3A_1 = vector.load %arg6[%get3A, %get3A_0] : memref<512x128xf32, #tpu.memory_space<vmem>>, vector<512x1xf32>
    %max3A = arith.constant 1.000000e+00 : f32
    %max3A_2 = vector.broadcast %max3A : f32 to vector<512x1xf32>
    %max3A_3 = arith.maximumf %get3A_1, %max3A_2 : vector<512x1xf32>
    %gt3A = arith.constant 0.000000e+00 : f32
    %gt3A_4 = vector.broadcast %gt3A : f32 to vector<512x1xf32>
    %gt3A_5 = arith.cmpf ogt, %get3A_1, %gt3A_4 : vector<512x1xf32>
    %add3A = arith.constant 1.000000e+00 : f32
    %add3A_6 = vector.broadcast %add3A : f32 to vector<512x1xf32>
    %add3A_7 = arith.addf %get3A_1, %add3A_6 : vector<512x1xf32>
    %log3A = math.log %add3A_7 : vector<512x1xf32>
    %mul3A = arith.constant 0.360673755 : f32
    %mul3A_8 = vector.broadcast %mul3A : f32 to vector<512x1xf32>
    %mul3A_9 = arith.mulf %log3A, %mul3A_8 : vector<512x1xf32>
    %max3A_10 = arith.constant 9.99999997E-7 : f32
    %max3A_11 = vector.broadcast %max3A_10 : f32 to vector<512x1xf32>
    %max3A_12 = arith.maximumf %log3A, %max3A_11 : vector<512x1xf32>
    %div3A = arith.constant 2.77258873 : f32
    %div3A_13 = vector.broadcast %div3A : f32 to vector<512x1xf32>
    %div3A_14 = arith.divf %div3A_13, %max3A_12 : vector<512x1xf32>
    %jit3A = arith.constant 0.000000e+00 : f32
    %broadcast_in_dim3A = vector.broadcast %jit3A : f32 to vector<512x1xf32>
    %select_n3A = arith.select %gt3A_5, %div3A_14, %broadcast_in_dim3A : vector<512x1xi1>, vector<512x1xf32>
    %get3A_15 = arith.constant 0 : index
    %get3A_16 = arith.constant 0 : index
    %get3A_17 = vector.load %arg1[%get3A_15, %get3A_16] : memref<512x256xf32, #tpu.memory_space<vmem>>, vector<512x256xf32>
    %get3A_18 = arith.constant 0 : index
    %get3A_19 = arith.constant 0 : index
    %get3A_20 = arith.constant 0 : index
    %get3A_21 = vector.load %arg2[%get3A_18, %get3A_19, %get3A_20] : memref<4x512x64xf32, #tpu.memory_space<vmem>>, vector<1x512x64xf32>
    %get3A_22 = vector.shape_cast %get3A_21 : vector<1x512x64xf32> to vector<512x64xf32>
    %div3A_23 = vector.broadcast %max3A_3 : vector<512x1xf32> to vector<512x64xf32>
    %div3A_24 = arith.divf %get3A_22, %div3A_23 : vector<512x64xf32>
    %get3A_25 = arith.constant 0 : index
    %get3A_26 = arith.constant 0 : index
    %get3A_27 = arith.constant 0 : index
    %get3A_28 = vector.load %arg3[%get3A_25, %get3A_26, %get3A_27] : memref<4x512x64xf32, #tpu.memory_space<vmem>>, vector<1x512x64xf32>
    %get3A_29 = vector.shape_cast %get3A_28 : vector<1x512x64xf32> to vector<512x64xf32>
    %div3A_30 = vector.broadcast %max3A_3 : vector<512x1xf32> to vector<512x64xf32>
    %div3A_31 = arith.divf %get3A_29, %div3A_30 : vector<512x64xf32>
    %mul3A_32 = arith.mulf %div3A_24, %div3A_24 : vector<512x64xf32>
    %sub3A = arith.subf %div3A_31, %mul3A_32 : vector<512x64xf32>
    %max3A_33 = arith.constant 0.000000e+00 : f32
    %max3A_34 = vector.broadcast %max3A_33 : f32 to vector<512x64xf32>
    %max3A_35 = arith.maximumf %sub3A, %max3A_34 : vector<512x64xf32>
    %add3A_36 = arith.constant 9.99999974E-6 : f32
    %add3A_37 = vector.broadcast %add3A_36 : f32 to vector<512x64xf32>
    %add3A_38 = arith.addf %max3A_35, %add3A_37 : vector<512x64xf32>
    %sqrt3A = math.sqrt %add3A_38 : vector<512x64xf32>
    %get3A_39 = arith.constant 0 : index
    %get3A_40 = arith.constant 0 : index
    %get3A_41 = arith.constant 0 : index
    %get3A_42 = vector.load %arg4[%get3A_39, %get3A_40, %get3A_41] : memref<4x512x64xf32, #tpu.memory_space<vmem>>, vector<1x512x64xf32>
    %get3A_43 = vector.shape_cast %get3A_42 : vector<1x512x64xf32> to vector<512x64xf32>
    %jit3A_44 = arith.constant 0.000000e+00 : f32
    %broadcast_in_dim3A_45 = vector.shape_cast %gt3A_5 : vector<512x1xi1> to vector<512x1xi1>
    %broadcast_in_dim3A_46 = vector.broadcast %broadcast_in_dim3A_45 : vector<512x1xi1> to vector<512x64xi1>
    %broadcast_in_dim3A_47 = vector.broadcast %jit3A_44 : f32 to vector<512x64xf32>
    %select_n3A_48 = arith.select %broadcast_in_dim3A_46, %get3A_43, %broadcast_in_dim3A_47 : vector<512x64xi1>, vector<512x64xf32>
    %get3A_49 = arith.constant 0 : index
    %get3A_50 = arith.constant 0 : index
    %get3A_51 = arith.constant 0 : index
    %get3A_52 = vector.load %arg5[%get3A_49, %get3A_50, %get3A_51] : memref<4x512x64xf32, #tpu.memory_space<vmem>>, vector<1x512x64xf32>
    %get3A_53 = vector.shape_cast %get3A_52 : vector<1x512x64xf32> to vector<512x64xf32>
    %jit3A_54 = arith.constant 0.000000e+00 : f32
    %broadcast_in_dim3A_55 = vector.shape_cast %gt3A_5 : vector<512x1xi1> to vector<512x1xi1>
    %broadcast_in_dim3A_56 = vector.broadcast %broadcast_in_dim3A_55 : vector<512x1xi1> to vector<512x64xi1>
    %broadcast_in_dim3A_57 = vector.broadcast %jit3A_54 : f32 to vector<512x64xf32>
    %select_n3A_58 = arith.select %broadcast_in_dim3A_56, %get3A_53, %broadcast_in_dim3A_57 : vector<512x64xi1>, vector<512x64xf32>
    %concatenate3A = tpu.concatenate %div3A_24, %select_n3A_48, %select_n3A_58, %sqrt3A in 1 : vector<512x64xf32>, vector<512x64xf32>, vector<512x64xf32>, vector<512x64xf32> -> vector<512x256xf32>
    %slice3A = vector.extract_strided_slice %get3A_17 {offsets = [0, 0], sizes = [512, 64], strides = [1, 1]} : vector<512x256xf32> to vector<512x64xf32>
    %get3A_59 = arith.constant 0 : index
    %get3A_60 = arith.constant 0 : index
    %get3A_61 = arith.constant 0 : index
    %get3A_62 = vector.load %arg7[%get3A_59, %get3A_60, %get3A_61] : memref<4x832x64xf32, #tpu.memory_space<vmem>>, vector<1x64x64xf32>
    %get3A_63 = vector.shape_cast %get3A_62 : vector<1x64x64xf32> to vector<64x64xf32>
    %dot_general3A = arith.constant dense<0.000000e+00> : vector<512x64xf32>
    %dot_general3A_64 = tpu.matmul %slice3A, %get3A_63, %dot_general3A {dimension_numbers = #tpu.dot_dimension_numbers<[1], [0], [0], [1], [0, 0, 1, 1], [], []>, transpose_lhs_hint = false} : vector<512x64xf32>, vector<64x64xf32>, vector<512x64xf32> -> vector<512x64xf32>
    %get3A_65 = arith.constant 0 : index
    %get3A_66 = arith.constant 64 : index
    %get3A_67 = arith.constant 0 : index
    %get3A_68 = vector.load %arg7[%get3A_65, %get3A_66, %get3A_67] : memref<4x832x64xf32, #tpu.memory_space<vmem>>, vector<1x256x64xf32>
    %get3A_69 = vector.shape_cast %get3A_68 : vector<1x256x64xf32> to vector<256x64xf32>
    %dot_general3A_70 = arith.constant dense<0.000000e+00> : vector<512x64xf32>
    %dot_general3A_71 = tpu.matmul %concatenate3A, %get3A_69, %dot_general3A_70 {dimension_numbers = #tpu.dot_dimension_numbers<[1], [0], [0], [1], [0, 0, 1, 1], [], []>, transpose_lhs_hint = false} : vector<512x256xf32>, vector<256x64xf32>, vector<512x64xf32> -> vector<512x64xf32>
    %add3A_72 = arith.addf %dot_general3A_64, %dot_general3A_71 : vector<512x64xf32>
    %get3A_73 = arith.constant 0 : index
    %get3A_74 = arith.constant 320 : index
    %get3A_75 = arith.constant 0 : index
    %get3A_76 = vector.load %arg7[%get3A_73, %get3A_74, %get3A_75] : memref<4x832x64xf32, #tpu.memory_space<vmem>>, vector<1x256x64xf32>
    %get3A_77 = vector.shape_cast %get3A_76 : vector<1x256x64xf32> to vector<256x64xf32>
    %dot_general3A_78 = arith.constant dense<0.000000e+00> : vector<512x64xf32>
    %dot_general3A_79 = tpu.matmul %concatenate3A, %get3A_77, %dot_general3A_78 {dimension_numbers = #tpu.dot_dimension_numbers<[1], [0], [0], [1], [0, 0, 1, 1], [], []>, transpose_lhs_hint = false} : vector<512x256xf32>, vector<256x64xf32>, vector<512x64xf32> -> vector<512x64xf32>
    %mul3A_80 = vector.broadcast %mul3A_9 : vector<512x1xf32> to vector<512x64xf32>
    %mul3A_81 = arith.mulf %mul3A_80, %dot_general3A_79 : vector<512x64xf32>
    %add3A_82 = arith.addf %add3A_72, %mul3A_81 : vector<512x64xf32>
    %get3A_83 = arith.constant 0 : index
    %get3A_84 = arith.constant 576 : index
    %get3A_85 = arith.constant 0 : index
    %get3A_86 = vector.load %arg7[%get3A_83, %get3A_84, %get3A_85] : memref<4x832x64xf32, #tpu.memory_space<vmem>>, vector<1x256x64xf32>
    %get3A_87 = vector.shape_cast %get3A_86 : vector<1x256x64xf32> to vector<256x64xf32>
    %dot_general3A_88 = arith.constant dense<0.000000e+00> : vector<512x64xf32>
    %dot_general3A_89 = tpu.matmul %concatenate3A, %get3A_87, %dot_general3A_88 {dimension_numbers = #tpu.dot_dimension_numbers<[1], [0], [0], [1], [0, 0, 1, 1], [], []>, transpose_lhs_hint = false} : vector<512x256xf32>, vector<256x64xf32>, vector<512x64xf32> -> vector<512x64xf32>
    %mul3A_90 = vector.broadcast %select_n3A : vector<512x1xf32> to vector<512x64xf32>
    %mul3A_91 = arith.mulf %mul3A_90, %dot_general3A_89 : vector<512x64xf32>
    %add3A_92 = arith.addf %add3A_82, %mul3A_91 : vector<512x64xf32>
    %get3A_93 = arith.constant 0 : index
    %get3A_94 = arith.constant 0 : index
    %get3A_95 = vector.load %arg8[%get3A_93, %get3A_94] : memref<4x64xf32, #tpu.memory_space<vmem>>, vector<1x64xf32>
    %get3A_96 = vector.shape_cast %get3A_95 : vector<1x64xf32> to vector<64xf32>
    %broadcast_in_dim3A_97 = vector.shape_cast %get3A_96 : vector<64xf32> to vector<1x64xf32>
    %add3A_98 = vector.broadcast %broadcast_in_dim3A_97 : vector<1x64xf32> to vector<512x64xf32>
    %add3A_99 = arith.addf %add3A_92, %add3A_98 : vector<512x64xf32>
    %max3A_100 = arith.constant 0.000000e+00 : f32
    %max3A_101 = vector.broadcast %max3A_100 : f32 to vector<512x64xf32>
    %max3A_102 = arith.maximumf %add3A_99, %max3A_101 : vector<512x64xf32>
    %get3A_103 = arith.constant 1 : index
    %get3A_104 = arith.constant 0 : index
    %get3A_105 = arith.constant 0 : index
    %get3A_106 = vector.load %arg2[%get3A_103, %get3A_104, %get3A_105] : memref<4x512x64xf32, #tpu.memory_space<vmem>>, vector<1x512x64xf32>
    %get3A_107 = vector.shape_cast %get3A_106 : vector<1x512x64xf32> to vector<512x64xf32>
    %div3A_108 = vector.broadcast %max3A_3 : vector<512x1xf32> to vector<512x64xf32>
    %div3A_109 = arith.divf %get3A_107, %div3A_108 : vector<512x64xf32>
    %get3A_110 = arith.constant 1 : index
    %get3A_111 = arith.constant 0 : index
    %get3A_112 = arith.constant 0 : index
    %get3A_113 = vector.load %arg3[%get3A_110, %get3A_111, %get3A_112] : memref<4x512x64xf32, #tpu.memory_space<vmem>>, vector<1x512x64xf32>
    %get3A_114 = vector.shape_cast %get3A_113 : vector<1x512x64xf32> to vector<512x64xf32>
    %div3A_115 = vector.broadcast %max3A_3 : vector<512x1xf32> to vector<512x64xf32>
    %div3A_116 = arith.divf %get3A_114, %div3A_115 : vector<512x64xf32>
    %mul3A_117 = arith.mulf %div3A_109, %div3A_109 : vector<512x64xf32>
    %sub3A_118 = arith.subf %div3A_116, %mul3A_117 : vector<512x64xf32>
    %max3A_119 = arith.constant 0.000000e+00 : f32
    %max3A_120 = vector.broadcast %max3A_119 : f32 to vector<512x64xf32>
    %max3A_121 = arith.maximumf %sub3A_118, %max3A_120 : vector<512x64xf32>
    %add3A_122 = arith.constant 9.99999974E-6 : f32
    %add3A_123 = vector.broadcast %add3A_122 : f32 to vector<512x64xf32>
    %add3A_124 = arith.addf %max3A_121, %add3A_123 : vector<512x64xf32>
    %sqrt3A_125 = math.sqrt %add3A_124 : vector<512x64xf32>
    %get3A_126 = arith.constant 1 : index
    %get3A_127 = arith.constant 0 : index
    %get3A_128 = arith.constant 0 : index
    %get3A_129 = vector.load %arg4[%get3A_126, %get3A_127, %get3A_128] : memref<4x512x64xf32, #tpu.memory_space<vmem>>, vector<1x512x64xf32>
    %get3A_130 = vector.shape_cast %get3A_129 : vector<1x512x64xf32> to vector<512x64xf32>
    %jit3A_131 = arith.constant 0.000000e+00 : f32
    %broadcast_in_dim3A_132 = vector.shape_cast %gt3A_5 : vector<512x1xi1> to vector<512x1xi1>
    %broadcast_in_dim3A_133 = vector.broadcast %broadcast_in_dim3A_132 : vector<512x1xi1> to vector<512x64xi1>
    %broadcast_in_dim3A_134 = vector.broadcast %jit3A_131 : f32 to vector<512x64xf32>
    %select_n3A_135 = arith.select %broadcast_in_dim3A_133, %get3A_130, %broadcast_in_dim3A_134 : vector<512x64xi1>, vector<512x64xf32>
    %get3A_136 = arith.constant 1 : index
    %get3A_137 = arith.constant 0 : index
    %get3A_138 = arith.constant 0 : index
    %get3A_139 = vector.load %arg5[%get3A_136, %get3A_137, %get3A_138] : memref<4x512x64xf32, #tpu.memory_space<vmem>>, vector<1x512x64xf32>
    %get3A_140 = vector.shape_cast %get3A_139 : vector<1x512x64xf32> to vector<512x64xf32>
    %jit3A_141 = arith.constant 0.000000e+00 : f32
    %broadcast_in_dim3A_142 = vector.shape_cast %gt3A_5 : vector<512x1xi1> to vector<512x1xi1>
    %broadcast_in_dim3A_143 = vector.broadcast %broadcast_in_dim3A_142 : vector<512x1xi1> to vector<512x64xi1>
    %broadcast_in_dim3A_144 = vector.broadcast %jit3A_141 : f32 to vector<512x64xf32>
    %select_n3A_145 = arith.select %broadcast_in_dim3A_143, %get3A_140, %broadcast_in_dim3A_144 : vector<512x64xi1>, vector<512x64xf32>
    %concatenate3A_146 = tpu.concatenate %div3A_109, %select_n3A_135, %select_n3A_145, %sqrt3A_125 in 1 : vector<512x64xf32>, vector<512x64xf32>, vector<512x64xf32>, vector<512x64xf32> -> vector<512x256xf32>
    %slice3A_147 = vector.extract_strided_slice %get3A_17 {offsets = [0, 64], sizes = [512, 64], strides = [1, 1]} : vector<512x256xf32> to vector<512x64xf32>
    %get3A_148 = arith.constant 1 : index
    %get3A_149 = arith.constant 0 : index
    %get3A_150 = arith.constant 0 : index
    %get3A_151 = vector.load %arg7[%get3A_148, %get3A_149, %get3A_150] : memref<4x832x64xf32, #tpu.memory_space<vmem>>, vector<1x64x64xf32>
    %get3A_152 = vector.shape_cast %get3A_151 : vector<1x64x64xf32> to vector<64x64xf32>
    %dot_general3A_153 = arith.constant dense<0.000000e+00> : vector<512x64xf32>
    %dot_general3A_154 = tpu.matmul %slice3A_147, %get3A_152, %dot_general3A_153 {dimension_numbers = #tpu.dot_dimension_numbers<[1], [0], [0], [1], [0, 0, 1, 1], [], []>, transpose_lhs_hint = false} : vector<512x64xf32>, vector<64x64xf32>, vector<512x64xf32> -> vector<512x64xf32>
    %get3A_155 = arith.constant 1 : index
    %get3A_156 = arith.constant 64 : index
    %get3A_157 = arith.constant 0 : index
    %get3A_158 = vector.load %arg7[%get3A_155, %get3A_156, %get3A_157] : memref<4x832x64xf32, #tpu.memory_space<vmem>>, vector<1x256x64xf32>
    %get3A_159 = vector.shape_cast %get3A_158 : vector<1x256x64xf32> to vector<256x64xf32>
    %dot_general3A_160 = arith.constant dense<0.000000e+00> : vector<512x64xf32>
    %dot_general3A_161 = tpu.matmul %concatenate3A_146, %get3A_159, %dot_general3A_160 {dimension_numbers = #tpu.dot_dimension_numbers<[1], [0], [0], [1], [0, 0, 1, 1], [], []>, transpose_lhs_hint = false} : vector<512x256xf32>, vector<256x64xf32>, vector<512x64xf32> -> vector<512x64xf32>
    %add3A_162 = arith.addf %dot_general3A_154, %dot_general3A_161 : vector<512x64xf32>
    %get3A_163 = arith.constant 1 : index
    %get3A_164 = arith.constant 320 : index
    %get3A_165 = arith.constant 0 : index
    %get3A_166 = vector.load %arg7[%get3A_163, %get3A_164, %get3A_165] : memref<4x832x64xf32, #tpu.memory_space<vmem>>, vector<1x256x64xf32>
    %get3A_167 = vector.shape_cast %get3A_166 : vector<1x256x64xf32> to vector<256x64xf32>
    %dot_general3A_168 = arith.constant dense<0.000000e+00> : vector<512x64xf32>
    %dot_general3A_169 = tpu.matmul %concatenate3A_146, %get3A_167, %dot_general3A_168 {dimension_numbers = #tpu.dot_dimension_numbers<[1], [0], [0], [1], [0, 0, 1, 1], [], []>, transpose_lhs_hint = false} : vector<512x256xf32>, vector<256x64xf32>, vector<512x64xf32> -> vector<512x64xf32>
    %mul3A_170 = vector.broadcast %mul3A_9 : vector<512x1xf32> to vector<512x64xf32>
    %mul3A_171 = arith.mulf %mul3A_170, %dot_general3A_169 : vector<512x64xf32>
    %add3A_172 = arith.addf %add3A_162, %mul3A_171 : vector<512x64xf32>
    %get3A_173 = arith.constant 1 : index
    %get3A_174 = arith.constant 576 : index
    %get3A_175 = arith.constant 0 : index
    %get3A_176 = vector.load %arg7[%get3A_173, %get3A_174, %get3A_175] : memref<4x832x64xf32, #tpu.memory_space<vmem>>, vector<1x256x64xf32>
    %get3A_177 = vector.shape_cast %get3A_176 : vector<1x256x64xf32> to vector<256x64xf32>
    %dot_general3A_178 = arith.constant dense<0.000000e+00> : vector<512x64xf32>
    %dot_general3A_179 = tpu.matmul %concatenate3A_146, %get3A_177, %dot_general3A_178 {dimension_numbers = #tpu.dot_dimension_numbers<[1], [0], [0], [1], [0, 0, 1, 1], [], []>, transpose_lhs_hint = false} : vector<512x256xf32>, vector<256x64xf32>, vector<512x64xf32> -> vector<512x64xf32>
    %mul3A_180 = vector.broadcast %select_n3A : vector<512x1xf32> to vector<512x64xf32>
    %mul3A_181 = arith.mulf %mul3A_180, %dot_general3A_179 : vector<512x64xf32>
    %add3A_182 = arith.addf %add3A_172, %mul3A_181 : vector<512x64xf32>
    %get3A_183 = arith.constant 1 : index
    %get3A_184 = arith.constant 0 : index
    %get3A_185 = vector.load %arg8[%get3A_183, %get3A_184] : memref<4x64xf32, #tpu.memory_space<vmem>>, vector<1x64xf32>
    %get3A_186 = vector.shape_cast %get3A_185 : vector<1x64xf32> to vector<64xf32>
    %broadcast_in_dim3A_187 = vector.shape_cast %get3A_186 : vector<64xf32> to vector<1x64xf32>
    %add3A_188 = vector.broadcast %broadcast_in_dim3A_187 : vector<1x64xf32> to vector<512x64xf32>
    %add3A_189 = arith.addf %add3A_182, %add3A_188 : vector<512x64xf32>
    %max3A_190 = arith.constant 0.000000e+00 : f32
    %max3A_191 = vector.broadcast %max3A_190 : f32 to vector<512x64xf32>
    %max3A_192 = arith.maximumf %add3A_189, %max3A_191 : vector<512x64xf32>
    %get3A_193 = arith.constant 2 : index
    %get3A_194 = arith.constant 0 : index
    %get3A_195 = arith.constant 0 : index
    %get3A_196 = vector.load %arg2[%get3A_193, %get3A_194, %get3A_195] : memref<4x512x64xf32, #tpu.memory_space<vmem>>, vector<1x512x64xf32>
    %get3A_197 = vector.shape_cast %get3A_196 : vector<1x512x64xf32> to vector<512x64xf32>
    %div3A_198 = vector.broadcast %max3A_3 : vector<512x1xf32> to vector<512x64xf32>
    %div3A_199 = arith.divf %get3A_197, %div3A_198 : vector<512x64xf32>
    %get3A_200 = arith.constant 2 : index
    %get3A_201 = arith.constant 0 : index
    %get3A_202 = arith.constant 0 : index
    %get3A_203 = vector.load %arg3[%get3A_200, %get3A_201, %get3A_202] : memref<4x512x64xf32, #tpu.memory_space<vmem>>, vector<1x512x64xf32>
    %get3A_204 = vector.shape_cast %get3A_203 : vector<1x512x64xf32> to vector<512x64xf32>
    %div3A_205 = vector.broadcast %max3A_3 : vector<512x1xf32> to vector<512x64xf32>
    %div3A_206 = arith.divf %get3A_204, %div3A_205 : vector<512x64xf32>
    %mul3A_207 = arith.mulf %div3A_199, %div3A_199 : vector<512x64xf32>
    %sub3A_208 = arith.subf %div3A_206, %mul3A_207 : vector<512x64xf32>
    %max3A_209 = arith.constant 0.000000e+00 : f32
    %max3A_210 = vector.broadcast %max3A_209 : f32 to vector<512x64xf32>
    %max3A_211 = arith.maximumf %sub3A_208, %max3A_210 : vector<512x64xf32>
    %add3A_212 = arith.constant 9.99999974E-6 : f32
    %add3A_213 = vector.broadcast %add3A_212 : f32 to vector<512x64xf32>
    %add3A_214 = arith.addf %max3A_211, %add3A_213 : vector<512x64xf32>
    %sqrt3A_215 = math.sqrt %add3A_214 : vector<512x64xf32>
    %get3A_216 = arith.constant 2 : index
    %get3A_217 = arith.constant 0 : index
    %get3A_218 = arith.constant 0 : index
    %get3A_219 = vector.load %arg4[%get3A_216, %get3A_217, %get3A_218] : memref<4x512x64xf32, #tpu.memory_space<vmem>>, vector<1x512x64xf32>
    %get3A_220 = vector.shape_cast %get3A_219 : vector<1x512x64xf32> to vector<512x64xf32>
    %jit3A_221 = arith.constant 0.000000e+00 : f32
    %broadcast_in_dim3A_222 = vector.shape_cast %gt3A_5 : vector<512x1xi1> to vector<512x1xi1>
    %broadcast_in_dim3A_223 = vector.broadcast %broadcast_in_dim3A_222 : vector<512x1xi1> to vector<512x64xi1>
    %broadcast_in_dim3A_224 = vector.broadcast %jit3A_221 : f32 to vector<512x64xf32>
    %select_n3A_225 = arith.select %broadcast_in_dim3A_223, %get3A_220, %broadcast_in_dim3A_224 : vector<512x64xi1>, vector<512x64xf32>
    %get3A_226 = arith.constant 2 : index
    %get3A_227 = arith.constant 0 : index
    %get3A_228 = arith.constant 0 : index
    %get3A_229 = vector.load %arg5[%get3A_226, %get3A_227, %get3A_228] : memref<4x512x64xf32, #tpu.memory_space<vmem>>, vector<1x512x64xf32>
    %get3A_230 = vector.shape_cast %get3A_229 : vector<1x512x64xf32> to vector<512x64xf32>
    %jit3A_231 = arith.constant 0.000000e+00 : f32
    %broadcast_in_dim3A_232 = vector.shape_cast %gt3A_5 : vector<512x1xi1> to vector<512x1xi1>
    %broadcast_in_dim3A_233 = vector.broadcast %broadcast_in_dim3A_232 : vector<512x1xi1> to vector<512x64xi1>
    %broadcast_in_dim3A_234 = vector.broadcast %jit3A_231 : f32 to vector<512x64xf32>
    %select_n3A_235 = arith.select %broadcast_in_dim3A_233, %get3A_230, %broadcast_in_dim3A_234 : vector<512x64xi1>, vector<512x64xf32>
    %concatenate3A_236 = tpu.concatenate %div3A_199, %select_n3A_225, %select_n3A_235, %sqrt3A_215 in 1 : vector<512x64xf32>, vector<512x64xf32>, vector<512x64xf32>, vector<512x64xf32> -> vector<512x256xf32>
    %slice3A_237 = vector.extract_strided_slice %get3A_17 {offsets = [0, 128], sizes = [512, 64], strides = [1, 1]} : vector<512x256xf32> to vector<512x64xf32>
    %get3A_238 = arith.constant 2 : index
    %get3A_239 = arith.constant 0 : index
    %get3A_240 = arith.constant 0 : index
    %get3A_241 = vector.load %arg7[%get3A_238, %get3A_239, %get3A_240] : memref<4x832x64xf32, #tpu.memory_space<vmem>>, vector<1x64x64xf32>
    %get3A_242 = vector.shape_cast %get3A_241 : vector<1x64x64xf32> to vector<64x64xf32>
    %dot_general3A_243 = arith.constant dense<0.000000e+00> : vector<512x64xf32>
    %dot_general3A_244 = tpu.matmul %slice3A_237, %get3A_242, %dot_general3A_243 {dimension_numbers = #tpu.dot_dimension_numbers<[1], [0], [0], [1], [0, 0, 1, 1], [], []>, transpose_lhs_hint = false} : vector<512x64xf32>, vector<64x64xf32>, vector<512x64xf32> -> vector<512x64xf32>
    %get3A_245 = arith.constant 2 : index
    %get3A_246 = arith.constant 64 : index
    %get3A_247 = arith.constant 0 : index
    %get3A_248 = vector.load %arg7[%get3A_245, %get3A_246, %get3A_247] : memref<4x832x64xf32, #tpu.memory_space<vmem>>, vector<1x256x64xf32>
    %get3A_249 = vector.shape_cast %get3A_248 : vector<1x256x64xf32> to vector<256x64xf32>
    %dot_general3A_250 = arith.constant dense<0.000000e+00> : vector<512x64xf32>
    %dot_general3A_251 = tpu.matmul %concatenate3A_236, %get3A_249, %dot_general3A_250 {dimension_numbers = #tpu.dot_dimension_numbers<[1], [0], [0], [1], [0, 0, 1, 1], [], []>, transpose_lhs_hint = false} : vector<512x256xf32>, vector<256x64xf32>, vector<512x64xf32> -> vector<512x64xf32>
    %add3A_252 = arith.addf %dot_general3A_244, %dot_general3A_251 : vector<512x64xf32>
    %get3A_253 = arith.constant 2 : index
    %get3A_254 = arith.constant 320 : index
    %get3A_255 = arith.constant 0 : index
    %get3A_256 = vector.load %arg7[%get3A_253, %get3A_254, %get3A_255] : memref<4x832x64xf32, #tpu.memory_space<vmem>>, vector<1x256x64xf32>
    %get3A_257 = vector.shape_cast %get3A_256 : vector<1x256x64xf32> to vector<256x64xf32>
    %dot_general3A_258 = arith.constant dense<0.000000e+00> : vector<512x64xf32>
    %dot_general3A_259 = tpu.matmul %concatenate3A_236, %get3A_257, %dot_general3A_258 {dimension_numbers = #tpu.dot_dimension_numbers<[1], [0], [0], [1], [0, 0, 1, 1], [], []>, transpose_lhs_hint = false} : vector<512x256xf32>, vector<256x64xf32>, vector<512x64xf32> -> vector<512x64xf32>
    %mul3A_260 = vector.broadcast %mul3A_9 : vector<512x1xf32> to vector<512x64xf32>
    %mul3A_261 = arith.mulf %mul3A_260, %dot_general3A_259 : vector<512x64xf32>
    %add3A_262 = arith.addf %add3A_252, %mul3A_261 : vector<512x64xf32>
    %get3A_263 = arith.constant 2 : index
    %get3A_264 = arith.constant 576 : index
    %get3A_265 = arith.constant 0 : index
    %get3A_266 = vector.load %arg7[%get3A_263, %get3A_264, %get3A_265] : memref<4x832x64xf32, #tpu.memory_space<vmem>>, vector<1x256x64xf32>
    %get3A_267 = vector.shape_cast %get3A_266 : vector<1x256x64xf32> to vector<256x64xf32>
    %dot_general3A_268 = arith.constant dense<0.000000e+00> : vector<512x64xf32>
    %dot_general3A_269 = tpu.matmul %concatenate3A_236, %get3A_267, %dot_general3A_268 {dimension_numbers = #tpu.dot_dimension_numbers<[1], [0], [0], [1], [0, 0, 1, 1], [], []>, transpose_lhs_hint = false} : vector<512x256xf32>, vector<256x64xf32>, vector<512x64xf32> -> vector<512x64xf32>
    %mul3A_270 = vector.broadcast %select_n3A : vector<512x1xf32> to vector<512x64xf32>
    %mul3A_271 = arith.mulf %mul3A_270, %dot_general3A_269 : vector<512x64xf32>
    %add3A_272 = arith.addf %add3A_262, %mul3A_271 : vector<512x64xf32>
    %get3A_273 = arith.constant 2 : index
    %get3A_274 = arith.constant 0 : index
    %get3A_275 = vector.load %arg8[%get3A_273, %get3A_274] : memref<4x64xf32, #tpu.memory_space<vmem>>, vector<1x64xf32>
    %get3A_276 = vector.shape_cast %get3A_275 : vector<1x64xf32> to vector<64xf32>
    %broadcast_in_dim3A_277 = vector.shape_cast %get3A_276 : vector<64xf32> to vector<1x64xf32>
    %add3A_278 = vector.broadcast %broadcast_in_dim3A_277 : vector<1x64xf32> to vector<512x64xf32>
    %add3A_279 = arith.addf %add3A_272, %add3A_278 : vector<512x64xf32>
    %max3A_280 = arith.constant 0.000000e+00 : f32
    %max3A_281 = vector.broadcast %max3A_280 : f32 to vector<512x64xf32>
    %max3A_282 = arith.maximumf %add3A_279, %max3A_281 : vector<512x64xf32>
    %get3A_283 = arith.constant 3 : index
    %get3A_284 = arith.constant 0 : index
    %get3A_285 = arith.constant 0 : index
    %get3A_286 = vector.load %arg2[%get3A_283, %get3A_284, %get3A_285] : memref<4x512x64xf32, #tpu.memory_space<vmem>>, vector<1x512x64xf32>
    %get3A_287 = vector.shape_cast %get3A_286 : vector<1x512x64xf32> to vector<512x64xf32>
    %div3A_288 = vector.broadcast %max3A_3 : vector<512x1xf32> to vector<512x64xf32>
    %div3A_289 = arith.divf %get3A_287, %div3A_288 : vector<512x64xf32>
    %get3A_290 = arith.constant 3 : index
    %get3A_291 = arith.constant 0 : index
    %get3A_292 = arith.constant 0 : index
    %get3A_293 = vector.load %arg3[%get3A_290, %get3A_291, %get3A_292] : memref<4x512x64xf32, #tpu.memory_space<vmem>>, vector<1x512x64xf32>
    %get3A_294 = vector.shape_cast %get3A_293 : vector<1x512x64xf32> to vector<512x64xf32>
    %div3A_295 = vector.broadcast %max3A_3 : vector<512x1xf32> to vector<512x64xf32>
    %div3A_296 = arith.divf %get3A_294, %div3A_295 : vector<512x64xf32>
    %mul3A_297 = arith.mulf %div3A_289, %div3A_289 : vector<512x64xf32>
    %sub3A_298 = arith.subf %div3A_296, %mul3A_297 : vector<512x64xf32>
    %max3A_299 = arith.constant 0.000000e+00 : f32
    %max3A_300 = vector.broadcast %max3A_299 : f32 to vector<512x64xf32>
    %max3A_301 = arith.maximumf %sub3A_298, %max3A_300 : vector<512x64xf32>
    %add3A_302 = arith.constant 9.99999974E-6 : f32
    %add3A_303 = vector.broadcast %add3A_302 : f32 to vector<512x64xf32>
    %add3A_304 = arith.addf %max3A_301, %add3A_303 : vector<512x64xf32>
    %sqrt3A_305 = math.sqrt %add3A_304 : vector<512x64xf32>
    %get3A_306 = arith.constant 3 : index
    %get3A_307 = arith.constant 0 : index
    %get3A_308 = arith.constant 0 : index
    %get3A_309 = vector.load %arg4[%get3A_306, %get3A_307, %get3A_308] : memref<4x512x64xf32, #tpu.memory_space<vmem>>, vector<1x512x64xf32>
    %get3A_310 = vector.shape_cast %get3A_309 : vector<1x512x64xf32> to vector<512x64xf32>
    %jit3A_311 = arith.constant 0.000000e+00 : f32
    %broadcast_in_dim3A_312 = vector.shape_cast %gt3A_5 : vector<512x1xi1> to vector<512x1xi1>
    %broadcast_in_dim3A_313 = vector.broadcast %broadcast_in_dim3A_312 : vector<512x1xi1> to vector<512x64xi1>
    %broadcast_in_dim3A_314 = vector.broadcast %jit3A_311 : f32 to vector<512x64xf32>
    %select_n3A_315 = arith.select %broadcast_in_dim3A_313, %get3A_310, %broadcast_in_dim3A_314 : vector<512x64xi1>, vector<512x64xf32>
    %get3A_316 = arith.constant 3 : index
    %get3A_317 = arith.constant 0 : index
    %get3A_318 = arith.constant 0 : index
    %get3A_319 = vector.load %arg5[%get3A_316, %get3A_317, %get3A_318] : memref<4x512x64xf32, #tpu.memory_space<vmem>>, vector<1x512x64xf32>
    %get3A_320 = vector.shape_cast %get3A_319 : vector<1x512x64xf32> to vector<512x64xf32>
    %jit3A_321 = arith.constant 0.000000e+00 : f32
    %broadcast_in_dim3A_322 = vector.shape_cast %gt3A_5 : vector<512x1xi1> to vector<512x1xi1>
    %broadcast_in_dim3A_323 = vector.broadcast %broadcast_in_dim3A_322 : vector<512x1xi1> to vector<512x64xi1>
    %broadcast_in_dim3A_324 = vector.broadcast %jit3A_321 : f32 to vector<512x64xf32>
    %select_n3A_325 = arith.select %broadcast_in_dim3A_323, %get3A_320, %broadcast_in_dim3A_324 : vector<512x64xi1>, vector<512x64xf32>
    %concatenate3A_326 = tpu.concatenate %div3A_289, %select_n3A_315, %select_n3A_325, %sqrt3A_305 in 1 : vector<512x64xf32>, vector<512x64xf32>, vector<512x64xf32>, vector<512x64xf32> -> vector<512x256xf32>
    %slice3A_327 = vector.extract_strided_slice %get3A_17 {offsets = [0, 192], sizes = [512, 64], strides = [1, 1]} : vector<512x256xf32> to vector<512x64xf32>
    %get3A_328 = arith.constant 3 : index
    %get3A_329 = arith.constant 0 : index
    %get3A_330 = arith.constant 0 : index
    %get3A_331 = vector.load %arg7[%get3A_328, %get3A_329, %get3A_330] : memref<4x832x64xf32, #tpu.memory_space<vmem>>, vector<1x64x64xf32>
    %get3A_332 = vector.shape_cast %get3A_331 : vector<1x64x64xf32> to vector<64x64xf32>
    %dot_general3A_333 = arith.constant dense<0.000000e+00> : vector<512x64xf32>
    %dot_general3A_334 = tpu.matmul %slice3A_327, %get3A_332, %dot_general3A_333 {dimension_numbers = #tpu.dot_dimension_numbers<[1], [0], [0], [1], [0, 0, 1, 1], [], []>, transpose_lhs_hint = false} : vector<512x64xf32>, vector<64x64xf32>, vector<512x64xf32> -> vector<512x64xf32>
    %get3A_335 = arith.constant 3 : index
    %get3A_336 = arith.constant 64 : index
    %get3A_337 = arith.constant 0 : index
    %get3A_338 = vector.load %arg7[%get3A_335, %get3A_336, %get3A_337] : memref<4x832x64xf32, #tpu.memory_space<vmem>>, vector<1x256x64xf32>
    %get3A_339 = vector.shape_cast %get3A_338 : vector<1x256x64xf32> to vector<256x64xf32>
    %dot_general3A_340 = arith.constant dense<0.000000e+00> : vector<512x64xf32>
    %dot_general3A_341 = tpu.matmul %concatenate3A_326, %get3A_339, %dot_general3A_340 {dimension_numbers = #tpu.dot_dimension_numbers<[1], [0], [0], [1], [0, 0, 1, 1], [], []>, transpose_lhs_hint = false} : vector<512x256xf32>, vector<256x64xf32>, vector<512x64xf32> -> vector<512x64xf32>
    %add3A_342 = arith.addf %dot_general3A_334, %dot_general3A_341 : vector<512x64xf32>
    %get3A_343 = arith.constant 3 : index
    %get3A_344 = arith.constant 320 : index
    %get3A_345 = arith.constant 0 : index
    %get3A_346 = vector.load %arg7[%get3A_343, %get3A_344, %get3A_345] : memref<4x832x64xf32, #tpu.memory_space<vmem>>, vector<1x256x64xf32>
    %get3A_347 = vector.shape_cast %get3A_346 : vector<1x256x64xf32> to vector<256x64xf32>
    %dot_general3A_348 = arith.constant dense<0.000000e+00> : vector<512x64xf32>
    %dot_general3A_349 = tpu.matmul %concatenate3A_326, %get3A_347, %dot_general3A_348 {dimension_numbers = #tpu.dot_dimension_numbers<[1], [0], [0], [1], [0, 0, 1, 1], [], []>, transpose_lhs_hint = false} : vector<512x256xf32>, vector<256x64xf32>, vector<512x64xf32> -> vector<512x64xf32>
    %mul3A_350 = vector.broadcast %mul3A_9 : vector<512x1xf32> to vector<512x64xf32>
    %mul3A_351 = arith.mulf %mul3A_350, %dot_general3A_349 : vector<512x64xf32>
    %add3A_352 = arith.addf %add3A_342, %mul3A_351 : vector<512x64xf32>
    %get3A_353 = arith.constant 3 : index
    %get3A_354 = arith.constant 576 : index
    %get3A_355 = arith.constant 0 : index
    %get3A_356 = vector.load %arg7[%get3A_353, %get3A_354, %get3A_355] : memref<4x832x64xf32, #tpu.memory_space<vmem>>, vector<1x256x64xf32>
    %get3A_357 = vector.shape_cast %get3A_356 : vector<1x256x64xf32> to vector<256x64xf32>
    %dot_general3A_358 = arith.constant dense<0.000000e+00> : vector<512x64xf32>
    %dot_general3A_359 = tpu.matmul %concatenate3A_326, %get3A_357, %dot_general3A_358 {dimension_numbers = #tpu.dot_dimension_numbers<[1], [0], [0], [1], [0, 0, 1, 1], [], []>, transpose_lhs_hint = false} : vector<512x256xf32>, vector<256x64xf32>, vector<512x64xf32> -> vector<512x64xf32>
    %mul3A_360 = vector.broadcast %select_n3A : vector<512x1xf32> to vector<512x64xf32>
    %mul3A_361 = arith.mulf %mul3A_360, %dot_general3A_359 : vector<512x64xf32>
    %add3A_362 = arith.addf %add3A_352, %mul3A_361 : vector<512x64xf32>
    %get3A_363 = arith.constant 3 : index
    %get3A_364 = arith.constant 0 : index
    %get3A_365 = vector.load %arg8[%get3A_363, %get3A_364] : memref<4x64xf32, #tpu.memory_space<vmem>>, vector<1x64xf32>
    %get3A_366 = vector.shape_cast %get3A_365 : vector<1x64xf32> to vector<64xf32>
    %broadcast_in_dim3A_367 = vector.shape_cast %get3A_366 : vector<64xf32> to vector<1x64xf32>
    %add3A_368 = vector.broadcast %broadcast_in_dim3A_367 : vector<1x64xf32> to vector<512x64xf32>
    %add3A_369 = arith.addf %add3A_362, %add3A_368 : vector<512x64xf32>
    %max3A_370 = arith.constant 0.000000e+00 : f32
    %max3A_371 = vector.broadcast %max3A_370 : f32 to vector<512x64xf32>
    %max3A_372 = arith.maximumf %add3A_369, %max3A_371 : vector<512x64xf32>
    %concatenate3A_373 = tpu.concatenate %max3A_102, %max3A_192, %max3A_282, %max3A_372 in 1 : vector<512x64xf32>, vector<512x64xf32>, vector<512x64xf32>, vector<512x64xf32> -> vector<512x256xf32>
    %get3A_374 = arith.constant 0 : index
    %get3A_375 = arith.constant 0 : index
    %get3A_376 = vector.load %arg9[%get3A_374, %get3A_375] : memref<256x256xf32, #tpu.memory_space<vmem>>, vector<256x256xf32>
    %dot_general3A_377 = arith.constant dense<0.000000e+00> : vector<512x256xf32>
    %dot_general3A_378 = tpu.matmul %concatenate3A_373, %get3A_376, %dot_general3A_377 {dimension_numbers = #tpu.dot_dimension_numbers<[1], [0], [0], [1], [0, 0, 1, 1], [], []>, transpose_lhs_hint = false} : vector<512x256xf32>, vector<256x256xf32>, vector<512x256xf32> -> vector<512x256xf32>
    %get3A_379 = arith.constant 0 : index
    %get3A_380 = arith.constant 0 : index
    %get3A_381 = vector.load %arg10[%get3A_379, %get3A_380] : memref<1x256xf32, #tpu.memory_space<vmem>>, vector<1x256xf32>
    %get3A_382 = vector.shape_cast %get3A_381 : vector<1x256xf32> to vector<256xf32>
    %broadcast_in_dim3A_383 = vector.shape_cast %get3A_382 : vector<256xf32> to vector<1x256xf32>
    %add3A_384 = vector.broadcast %broadcast_in_dim3A_383 : vector<1x256xf32> to vector<512x256xf32>
    %add3A_385 = arith.addf %dot_general3A_378, %add3A_384 : vector<512x256xf32>
    %max3A_386 = arith.constant 0.000000e+00 : f32
    %max3A_387 = vector.broadcast %max3A_386 : f32 to vector<512x256xf32>
    %max3A_388 = arith.maximumf %add3A_385, %max3A_387 : vector<512x256xf32>
    %add3A_389 = arith.addf %get3A_17, %max3A_388 : vector<512x256xf32>
    %swap3A = arith.constant 0 : index
    %swap3A_390 = arith.constant 0 : index
    %swap3A_391 = vector.load %arg11[%swap3A, %swap3A_390] : memref<512x256xf32, #tpu.memory_space<vmem>>, vector<512x256xf32>
    tpu.vector_store %arg11[%swap3A, %swap3A_390], %add3A_389 {strides = array<i32>} : memref<512x256xf32, #tpu.memory_space<vmem>>, vector<512x256xf32>,
    return
  }
  func.func @transform_0(%arg0: i32) -> (i32, i32) {
    %c0_i32 = arith.constant 0 : i32
    %c0_i32_0 = arith.constant 0 : i32
    return %arg0, %c0_i32 : i32, i32
  }
  func.func @transform_1(%arg0: i32) -> (i32, i32, i32) {
    %c0_i32 = arith.constant 0 : i32
    %c0_i32_0 = arith.constant 0 : i32
    %c0_i32_1 = arith.constant 0 : i32
    return %c0_i32, %arg0, %c0_i32_0 : i32, i32, i32
  }
  func.func @transform_2(%arg0: i32) -> (i32, i32, i32) {
    %c0_i32 = arith.constant 0 : i32
    %c0_i32_0 = arith.constant 0 : i32
    %c0_i32_1 = arith.constant 0 : i32
    return %c0_i32, %arg0, %c0_i32_0 : i32, i32, i32
  }
  func.func @transform_3(%arg0: i32) -> (i32, i32, i32) {
    %c0_i32 = arith.constant 0 : i32
    %c0_i32_0 = arith.constant 0 : i32
    %c0_i32_1 = arith.constant 0 : i32
    return %c0_i32, %arg0, %c0_i32_0 : i32, i32, i32
  }
  func.func @transform_4(%arg0: i32) -> (i32, i32, i32) {
    %c0_i32 = arith.constant 0 : i32
    %c0_i32_0 = arith.constant 0 : i32
    %c0_i32_1 = arith.constant 0 : i32
    return %c0_i32, %arg0, %c0_i32_0 : i32, i32, i32
  }
  func.func @transform_5(%arg0: i32) -> (i32, i32) {
    %c0_i32 = arith.constant 0 : i32
    %c0_i32_0 = arith.constant 0 : i32
    return %arg0, %c0_i32 : i32, i32
  }
  func.func @transform_6(%arg0: i32) -> (i32, i32, i32) {
    %c0_i32 = arith.constant 0 : i32
    %c0_i32_0 = arith.constant 0 : i32
    %c0_i32_1 = arith.constant 0 : i32
    %c0_i32_2 = arith.constant 0 : i32
    return %c0_i32, %c0_i32_0, %c0_i32_1 : i32, i32, i32
  }
  func.func @transform_7(%arg0: i32) -> (i32, i32) {
    %c0_i32 = arith.constant 0 : i32
    %c0_i32_0 = arith.constant 0 : i32
    %c0_i32_1 = arith.constant 0 : i32
    return %c0_i32, %c0_i32_0 : i32, i32
  }
  func.func @transform_8(%arg0: i32) -> (i32, i32) {
    %c0_i32 = arith.constant 0 : i32
    %c0_i32_0 = arith.constant 0 : i32
    %c0_i32_1 = arith.constant 0 : i32
    return %c0_i32, %c0_i32_0 : i32, i32
  }
  func.func @transform_9(%arg0: i32) -> (i32, i32) {
    %c0_i32 = arith.constant 0 : i32
    %c0_i32_0 = arith.constant 0 : i32
    %c0_i32_1 = arith.constant 0 : i32
    return %c0_i32, %c0_i32_0 : i32, i32
  }
  func.func @transform_10(%arg0: i32) -> (i32, i32) {
    %c0_i32 = arith.constant 0 : i32
    %c0_i32_0 = arith.constant 0 : i32
    return %arg0, %c0_i32 : i32, i32
  }
}

</mosaic_0001>

<sc_bundles>
// kernel: kernel.5.cloned.1.call-start
scs
__scs_entry_jumppad:
0x0: {  	(pc) =	sbr.rel $0x88, $3  }
0x1: {  	(tag) =	ssettag $0x0;
	lr =	simm.s32 $0x1  }
0x2: {  	[smem:$0x3F99] =	sst lr;
	_ =	strace $0xD0000000  }
0x3: {  	_ = 	snop  }
0x4: {  	_ = 	snop  }
0x5: {  	_ = 	snop  }
0x6: {  	_ = 	snop  }
0x7: {  	_ = 	snop  }
__scs_overlays_trampoline_lowered:
0x8: {  	[smem:$0x3FA8] =	sst s0  }
0x9: {  	[smem:$0x3FA9] =	sst s1  }
0xa: {  	[smem:$0x3FAA] =	sst s2  }
0xb: {  	[smem:$0x3FAB] =	sst s3  }
0xc: {  	[smem:$0x3FAC] =	sst s4  }
0xd: {  	[smem:$0x3FAD] =	sst s5  }
0xe: {  	[smem:$0x3FAE] =	sst s6  }
0xf: {  	[smem:$0x3FAF] =	sst s7  }
0x10: {  	[smem:$0x3FB0] =	sst s8  }
0x11: {  	[smem:$0x3FB1] =	sst s9;
	s0 =	simm.s32 @!p0 $0x0  }
0x12: {  	s1 =	sld [smem:$0x3F97];
	s0 =	simm.s32 @p0 $0x1  }
0x13: {  	[smem:$0x3FB2] =	sst s0;
	s0 =	simm.s32 @!p1 $0x0  }
0x14: {  	s2 =	sld [smem:$0x3F96];
	s0 =	simm.s32 @p1 $0x1  }
0x15: {  	[smem:$0x3FB3] =	sst s0;
	s0 =	simm.s32 @!p2 $0x0  }
0x16: {  	s3 =	sld [smem:$0x3FDB];
	s0 =	simm.s32 @p2 $0x1  }
0x17: {  	s4 =	simm.s32 $0x1BF5;
	[smem:$0x3FB5] =	sst s0  }
0x18: {  	s0 =	sld [smem:$0x3F98];
	_ =	swait.ge [sflag:s4], $0x0  }
0x19: {  	s7 =	sld [smem:$0x3F99]  }
0x1a: {  	s8 =	sadd.s32 $0xFFFFE003, lr  }
0x1b: {  	s9 =	sadd.s32 $0xFFFFFEF7, lr;
	s5 =	simm.s32 $0xFFFFFFFF;
	p2 =	slt.u32 s8, $0xFFFFF086  }
0x1c: {  	p1 =	slt.u32 s9, $0xF7A;
	s5 =	simm.s32 @!p2 $0x0  }
0x1d: {  	s5 =	simm.s32 @p1 $0x1;
	p0 =	seq.s32 s7, s2  }
0x1e: {  	s7 =	smul.u32 @!p0 $0xF7A, s2;
	p2 =	seq.s32 @!p0 s5, $0x0  }
0x1f: {  	s9 =	smul.u32 $0xF7A, s1;
	s8 =	simm.s32 @!p0 $0x1BF5;
	p2 =	por !p2, p0  }
0x20: {  	[sflag:s8] =	ssyncset.s32 @!p0 $0xFFFFF086;
	s6 =	sadd.s32 @!p0 s3, s7;
	s7 =	simm.s32 @!p0 $0x108  }
0x21: {  	s3 =	sadd.s32 s3, s9;
	s6 =	sadd.s32 @!p0 $0x88, s6;
	s7 =	simm.s32 @p2 $0x1082  }
0x22: {  	[simem:s7], [sflag:s8] =	dma.local @!p0 [hbm:s6], $0xF7A  }
0x23: {  	s9 =	sor.u32 $0xD0000000, s2;
	s6 =	simm.s32 $0x108;
	_ =	swait.ge @!p0 [sflag:s8], $0x0  }
0x24: {  	s3 =	sadd.s32 $0x88, s3;
	s6 =	simm.s32 @!p1 $0x1082;
	[sflag:s4] =	ssyncset.s32 $0xFFFFF086  }
0x25: {  	[simem:s6], [sflag:s4] =	dma.local [hbm:s3], $0xF7A  }
0x26: {  	[smem:$0x3F99] =	sst s1;
	(tag) =	ssettag s2;
	_ =	strace s9  }
0x27: {  	s1 =	sld [smem:$0x3FA9]  }
0x28: {  	s2 =	sld [smem:$0x3FAA]  }
0x29: {  	s4 =	sld [smem:$0x3FAC]  }
0x2a: {  	p0 =	seq.s32 s5, $0x0;
	s5 =	sld [smem:$0x3FAD]  }
0x2b: {  	s6 =	sld [smem:$0x3FAE]  }
0x2c: {  	s7 =	sld [smem:$0x3FAF]  }
0x2d: {  	s3 =	simm.s32 $0x108;
	s8 =	sld [smem:$0x3FB0]  }
0x2e: {  	s3 =	simm.s32 @!p0 $0x1082;
	s9 =	sld [smem:$0x3FB1]  }
0x2f: {  	lr =	sadd.s32 s0, s3;
	s0 =	sld [smem:$0x3FA8]  }
0x30: {  	s3 =	sld [smem:$0x3FAB]  }
0x31: {  	[smem:$0x3FB4] =	sst s10  }
0x32: {  	s10 =	sld [smem:$0x3FB2];
	_ =	sdelay $0x3  }
0x33: {  	p0 =	seq.s32 s10, $0x1;
	s10 =	sld [smem:$0x3FB4];
	_ =	sdelay $0x3  }
0x34: {  	[smem:$0x3FB4] =	sst s10  }
0x35: {  	s10 =	sld [smem:$0x3FB3];
	_ =	sdelay $0x3  }
0x36: {  	p1 =	seq.s32 s10, $0x1;
	s10 =	sld [smem:$0x3FB4];
	_ =	sdelay $0x3  }
0x37: {  	[smem:$0x3FB4] =	sst s10  }
0x38: {  	s10 =	sld [smem:$0x3FB5]  }
0x39: {  	_ = 	snop;
	(pc) =	sbr.ind lr, $3  }
0x3a: {  	_ = 	snop  }
0x3b: {  	_ = 	snop  }
0x3c: {  	p2 =	seq.s32 s10, $0x1;
	s10 =	sld [smem:$0x3FB4]  }
0x3d: {  	_ =	shalt  }
0x3e: {  	_ =	shalt  }
0x3f: {  	_ =	shalt  }
0x40: {  	_ =	shalt  }
0x41: {  	_ =	shalt  }
0x42: {  	_ =	shalt  }
0x43: {  	_ =	shalt  }
0x44: {  	_ =	shalt  }
0x45: {  	_ =	shalt  }
0x46: {  	_ =	shalt  }
0x47: {  	_ =	shalt  }
0x48: {  	_ =	shalt  }
0x49: {  	_ =	shalt  }
0x4a: {  	_ =	shalt  }
0x4b: {  	_ =	shalt  }
0x4c: {  	_ =	shalt  }
0x4d: {  	_ =	shalt  }
0x4e: {  	_ =	shalt  }
0x4f: {  	_ =	shalt  }
0x50: {  	_ =	shalt  }
0x51: {  	_ =	shalt  }
0x52: {  	_ =	shalt  }
0x53: {  	_ =	shalt  }
0x54: {  	_ =	shalt  }
0x55: {  	_ =	shalt  }
0x56: {  	_ =	shalt  }
0x57: {  	_ =	shalt  }
0x58: {  	_ =	shalt  }
0x59: {  	_ =	shalt  }
0x5a: {  	_ =	shalt  }
0x5b: {  	_ =	shalt  }
0x5c: {  	_ =	shalt  }
0x5d: {  	_ =	shalt  }
0x5e: {  	_ =	shalt  }
0x5f: {  	_ =	shalt  }
0x60: {  	_ =	shalt  }
0x61: {  	_ =	shalt  }
0x62: {  	_ =	shalt  }
0x63: {  	_ =	shalt  }
0x64: {  	_ =	shalt  }
0x65: {  	_ =	shalt  }
0x66: {  	_ =	shalt  }
0x67: {  	_ =	shalt  }
0x68: {  	_ =	shalt  }
0x69: {  	_ =	shalt  }
0x6a: {  	_ =	shalt  }
0x6b: {  	_ =	shalt  }
0x6c: {  	_ =	shalt  }
0x6d: {  	_ =	shalt  }
0x6e: {  	_ =	shalt  }
0x6f: {  	_ =	shalt  }
0x70: {  	_ =	shalt  }
0x71: {  	_ =	shalt  }
0x72: {  	_ =	shalt  }
0x73: {  	_ =	shalt  }
0x74: {  	_ =	shalt  }
0x75: {  	_ =	shalt  }
0x76: {  	_ =	shalt  }
0x77: {  	_ =	shalt  }
0x78: {  	_ =	shalt  }
0x79: {  	_ =	shalt  }
0x7a: {  	_ =	shalt  }
0x7b: {  	_ =	shalt  }
0x7c: {  	_ =	shalt  }
0x7d: {  	_ =	shalt  }
0x7e: {  	_ =	shalt  }
0x7f: {  	_ =	shalt  }
0x80: {  	_ =	shalt  }
0x81: {  	_ =	shalt  }
0x82: {  	_ =	shalt  }
0x83: {  	_ =	shalt  }
0x84: {  	_ =	shalt  }
0x85: {  	_ =	shalt  }
0x86: {  	_ =	shalt  }
0x87: {  	_ =	shalt  }
.Lfunc_end0:
.L_simem_size_0:
called_computation_lowered:
.L_overlay_start_0:
0x88: {  	s2 =	sld [smem:$0x3FD9]  }
0x89: {  	s3 =	sld [smem:$0x3FFE];
	_ =	sdelay $0x1  }
0x8a: {  	s1 =	srdreg.scid  }
0x8b: {  	s0 =	sand.u32 $0x1, s1  }
0x8c: {  	s17 =	sshll.u32 s0, $0xA;
	s2 =	sadd.s32 s3, s2  }
0x8d: {  	s2 =	sadd.s32 s2, s17  }
0x8e: {  	[smem:$0x3FC0] =	sst s2  }
0x8f: {  	_ = 	snop  }
0x90: {  	s2 =	sld [smem:$0x3FD0];
	(tm) =	ssettm $0x1  }
0x91: {  	s18 =	sld [smem:$0x3FFB];
	_ =	sdelay $0x3  }
0x92: {  	_ =	strace s18  }
0x93: {  	s3 =	sld [smem:$0x3FFC];
	_ =	sdelay $0x3  }
0x94: {  	_ =	strace s3  }
0x95: {  	s3 =	sld [smem:$0x3FFD];
	_ =	sdelay $0x3  }
0x96: {  	_ =	strace s3  }
0x97: {  	_ =	strace $0x8FFFFFFF  }
0x98: {  	s19 =	sld [smem:$0x3FDB];
	_ =	sdelay $0x1  }
0x99: {  	s4 =	simm.s32 $_scs_section_size  }
0x9a: {  	s5 =	simm.s32 $_size__tile_overlayer_lowered;
	s6 =	simm.s32 $_tile_overlayer_lowered  }
0x9b: {  	s22 =	simm.s32 $0x1BFF;
	s21 =	sshll.u32 s6, $0x1;
	s3 =	sadd.s32 s4, s19  }
0x9c: {  	s7 =	simm.s32 $0x0;
	s20 =	sshll.u32 s5, $0x1;
	s5 =	sadd.s32 s21, s3  }
0x9d: {  	[timem:s7], [sflag:s22] =	dma.local [hbm:s5], s20  }
0x9e: {  	_ =	swait.ge [sflag:s22], s20  }
0x9f: {  	s4 =	ssub.s32 $0x0, s20;
	[sflag:s22] =	ssyncset.done $0x0  }
0xa0: {  	[sflag:s22] =	ssyncadd.s32 s4;
	_ =	sdelay $0x1  }
0xa1: {  	s23 =	simm.s32 $0x1B8B  }
0xa2: {  	_ =	swait.ge [sflag:s23], $0x1  }
0xa3: {  	[sflag:s23] =	ssyncset.done $0x0  }
0xa4: {  	s25 =	simm.s32 $0x1B8E;
	s24 =	sld [smem:$0x3FFE];
	[sflag:s23] =	ssyncadd.s32 $0xFFFFFFFF  }
0xa5: {  	s26 =	simm.s32 $execute0_lowered;
	[smem:$0x3FD2] =	sst s25  }
0xa6: {  	s5 =	sshll.u32 s26, $0x1;
	_ =	strace $0x80000046;
	[dreg:$0x1] =	wrdreg $0xFFFFFFFF  }
0xa7: {  	s28 =	simm.s32 $_size_execute0_lowered;
	s3 =	sadd.s32 s3, s5;
	[dreg:$0x0] =	wrdreg $0x0  }
0xa8: {  	s5 =	sshll.u32 s28, $0x1;
	[dreg:$0x2] =	wrdreg s3  }
0xa9: {  	[dreg:$0x3] =	wrdreg s5  }
0xaa: {  	[dreg:$0x4] =	wrdreg $0xC0  }
0xab: {  	_ =	task [dreg:s7], $0x5FFFF  }
0xac: {  	[dreg:$0x1] =	wrdreg $0xFFFFFFFF  }
0xad: {  	[dreg:$0x0] =	wrdreg $0x60  }
0xae: {  	[dreg:$0x2] =	wrdreg s2  }
0xaf: {  	[dreg:$0x3] =	wrdreg s24  }
0xb0: {  	[dreg:$0x4] =	wrdreg $0x9  }
0xb1: {  	_ =	task.clear_ibuf [dreg:s7], $0x5FFFF;
	_ =	strace $0x90000046  }
0xb2: {  	s29 =	simm.s32 $0x9;
	_ =	strace $0x80000048  }
0xb3: {  	_ =	swait.ge [sflag:s29], $0x1  }
0xb4: {  	[sflag:s29] =	ssyncadd.s32 $0xFFFFFFFF  }
0xb5: {  	_ =	strace $0x90000048  }
0xb6: {  	_ =	sfence  }
0xb7: {  	s30 =	sld [smem:$0x0];
	_ =	sdelay $0x2  }
0xb8: {  	s31 =	sshll.u32 s1, $0xD;
	s1 =	sshrl.u32 s1, $0x2  }
0xb9: {  	s3 =	sand.u32 $0x4000, s31;
	s1 =	sadd.s32 s1, s30  }
0xba: {  	s0 =	sor.u32 s3, s0;
	s1 =	sshll.u32 s1, $0x11  }
0xbb: {  	s0 =	sor.u32 s1, s0  }
0xbc: {  	s0 =	sadd.s32 $0x8F2B, s0  }
0xbd: {  	[sflag:s0] =	ssyncadd.remote.s32 $0x1  }
0xbe: {  	_ =	sfence.sel $0xFFFF  }
0xbf: {  	[dreg:$0x0] =	wrdreg $0xFFFFFFFF;
	(pc) =	sbr.abs _section_cstart, $3  }
0xc0: {  	[dreg:$0x1] =	wrdreg $0xFFFFFFFF  }
0xc1: {  	_ =	task.clear_ibuf [dreg:s7], $0x2FFFF;
	_ =	strace $0x9FFFFFFF  }
0xc2: {  	(tm) =	ssettm $0x7FFFFFFF  }
0xc3: {  	_ =	shalt  }
tec
execute0_lowered:
.L_overlay_start_1:
0x0: {  	(tag) =	ssettag $0x1  }
0x1: {  	s1 =	rddreg [dreg:$0x0];
	s0 =	srdreg.scid  }
0x2: {  	s3 =	stileid.u32;
	s2 =	rddreg [dreg:$0x1]  }
0x3: {  	s5 =	simm.s32 $0x0;
	s0 =	sand.u32 $0x1, s0;
	s3 =	sshll.u32 s3, $0x1  }
0x4: {  	s4 =	sadd.s32 $0x191C00, s2;
	s25 =	sadd.s32 $0x370400, s2;
	s3 =	sor.u32 s0, s3  }
0x5: {  	[smem:$0x7FF] =	sst s5;
	s7 =	sadd.s32 $0x320400, s2;
	s6 =	smul.u32 $0x5000, s3  }
0x6: {  	s8 =	sadd.s32 $0x2D0400, s2;
	s9 =	sadd.s32 $0x280400, s2;
	s0 =	ssub.s32 $0x2, s0  }
0x7: {  	s10 =	sshrl.u32 s0, $0x1;
	s15 =	smul.u32 $0x140, s3;
	s6 =	sshrl.u32 s6, $0x3  }
0x8: {  	s30 =	smul.u32 $0xA00, s3;
	s0 =	ssub.s32 s0, s10;
	s26 =	sadd.s32 s4, s6  }
0x9: {  	s0 =	smax.u32 s0, $0x1;
	s28 =	sadd.s32 s25, s6;
	[dreg:$0x3] =	wrdreg s26  }
0xa: {  	s29 =	sadd.s32 s7, s6;
	s11 =	sadd.s32 s8, s6;
	[dreg:$0x4] =	wrdreg s28  }
0xb: {  	s31 =	sadd.s32 s9, s6;
	s12 =	sadd.s32 $0x14000, s6;
	[dreg:$0x5] =	wrdreg s29  }
0xc: {  	s4 =	sadd.s32 s4, s30;
	s18 =	sadd.s32 $0x28000, s6;
	[dreg:$0x6] =	wrdreg s11  }
0xd: {  	s6 =	sadd.s32 $0x3C000, s6;
	[dreg:$0x7] =	wrdreg s31;
	s13 =	sadd.s32 s25, s12  }
0xe: {  	s14 =	sadd.s32 s7, s12;
	s16 =	sadd.s32 s8, s12;
	[dreg:$0x8] =	wrdreg s13  }
0xf: {  	s17 =	sadd.s32 s9, s12;
	s19 =	sadd.s32 s25, s18;
	[dreg:$0x9] =	wrdreg s14  }
0x10: {  	s20 =	sadd.s32 s7, s18;
	s21 =	sadd.s32 s8, s18;
	[dreg:$0xa] =	wrdreg s16  }
0x11: {  	s10 =	sadd.s32 s9, s18;
	s5 =	sadd.s32 s25, s6;
	[dreg:$0xb] =	wrdreg s17  }
0x12: {  	s22 =	sadd.s32 s7, s6;
	s23 =	sadd.s32 s8, s6;
	[dreg:$0xc] =	wrdreg s19  }
0x13: {  	s24 =	sadd.s32 s9, s6;
	s25 =	sshrl.u32 s15, $0x3;
	[dreg:$0xd] =	wrdreg s20  }
0x14: {  	s28 =	sadd.s32 $0x14000, s4;
	s29 =	sadd.s32 $0x28000, s4;
	[dreg:$0xe] =	wrdreg s21  }
0x15: {  	s30 =	sadd.s32 $0x3C000, s4;
	s31 =	sadd.s32 $0x140, s15;
	[dreg:$0xf] =	wrdreg s10  }
0x16: {  	s4 =	simm.s32 $0x1220;
	s6 =	simm.s32 $0x1;
	[dreg:$0x10] =	wrdreg s5  }
0x17: {  	s7 =	simm.s32 $0x1240;
	s8 =	simm.s32 $0x1E550;
	[dreg:$0x11] =	wrdreg s22  }
0x18: {  	s9 =	simm.s32 $0x80;
	s11 =	simm.s32 $0x1550;
	[dreg:$0x12] =	wrdreg s23  }
0x19: {  	s12 =	simm.s32 $0x14D0;
	s18 =	simm.s32 $0x19550;
	[dreg:$0x13] =	wrdreg s24  }
0x1a: {  	s5 =	sadd.s32 s25, s2;
	s21 =	sadd.s32 $0xA1C00, s2;
	s22 =	sadd.s32 $0x51C00, s2  }
0x1b: {  	s23 =	sadd.s32 $0xA6C00, s2;
	s24 =	sadd.s32 $0x1E1C00, s2;
	s25 =	smul.u32 $0x27A00, s3  }
.Ltmp0:
0x1c: {  	_ =	strace $0x80000047;
	[dreg:$0x15] =	wrdreg s28;
	(pc) =	sbr.rel .LBB2_1-.Ltmp0, $4  }
0x1d: {  	s14 =	simm.s32 $0x2;
	s3 =	simm.s32 $0x1230;
	[dreg:$0x16] =	wrdreg s29  }
0x1e: {  	s10 =	simm.s32 $0x1450;
	s13 =	simm.s32 $0x3550;
	[dreg:$0x17] =	wrdreg s30  }
0x1f: {  	v2 =	vimm.f32 $0.0e+00;
	v3 =	vimm.f32 $3.000000010e+38;
	v4 =	vlaneseq.u32;
	s19 =	simm.s32 $0x1340;
	s26 =	sadd.s32 $0x145400, s5;
	[dreg:$0x18] =	wrdreg s0  }
0x20: {  	v5 =	vimm.f32 $1.000000000e+00;
	v0 =	vmov s15;
	v1 =	vmov s31;
	s20 =	simm.s32 $0x0;
	s0 =	simm.s32 $0x800;
	[dreg:$0x14] =	wrdreg s26  }
.LBB2_45:
0x21: {  	s2 =	simm.s32 $0x0;
	s5 =	rddreg [dreg:$0x10];
	s15 =	simm.s32 $0xA550  }
0x22: {  	[hbm4b:s5+s2] =	stream.linear.scatter [tilespmem:s15], [sflag:$0x2], $0x5000, $0x38;
	[tilespmem:$0x1E690] =	vst v63  }
0x23: {  	_ =	swait.ge [sflag:s14], $0x5000  }
0x24: {  	[sflag:s14] =	ssyncset.done $0x0  }
0x25: {  	s26 =	simm.s32 $0xF550;
	s17 =	rddreg [dreg:$0x11];
	[sflag:s14] =	ssyncadd.s32 $0xFFFFB000  }
0x26: {  	[hbm4b:s17+s2] =	stream.linear.scatter [tilespmem:s26], [sflag:$0x2], $0x5000, $0x38;
	[tilespmem:$0x1E690] =	vst v63  }
0x27: {  	_ =	swait.ge [sflag:s14], $0x5000  }
0x28: {  	[sflag:s14] =	ssyncset.done $0x0  }
0x29: {  	s29 =	simm.s32 $0x14550;
	s28 =	rddreg [dreg:$0x12];
	[sflag:s14] =	ssyncadd.s32 $0xFFFFB000  }
0x2a: {  	[hbm4b:s28+s2] =	stream.linear.scatter [tilespmem:s29], [sflag:$0x2], $0x5000, $0x38;
	[tilespmem:$0x1E690] =	vst v63  }
0x2b: {  	_ =	swait.ge [sflag:s14], $0x5000  }
0x2c: {  	[sflag:s14] =	ssyncset.done $0x0  }
0x2d: {  	s30 =	rddreg [dreg:$0x13];
	[sflag:s14] =	ssyncadd.s32 $0xFFFFB000  }
0x2e: {  	[hbm4b:s30+s2] =	stream.linear.scatter [tilespmem:s18], [sflag:$0x2], $0x5000, $0x38;
	[tilespmem:$0x1E690] =	vst v63  }
0x2f: {  	_ =	swait.ge [sflag:s14], $0x5000  }
0x30: {  	s20 =	sadd.s32 $0x1, s20;
	s31 =	rddreg [dreg:$0x18]  }
0x31: {  	p0 =	sne.s32 s20, s31  }
.Ltmp1:
0x32: {  	_ = 	snop;
	(pc) =	sbr.rel @!p0 .LBB2_46-.Ltmp1, $3  }
0x33: {  	_ =	sdelay $0x1  }
0x34: {  	[sflag:s14] =	ssyncset.done $0x0  }
0x35: {  	[sflag:s14] =	ssyncadd.s32 $0xFFFFB000  }
.LBB2_1:
0x36: {  	s28 =	simm.s32 $0x0;
	s26 =	simm.s32 $0x0;
	s2 =	simm.s32 $0x0  }
.LBB2_2:
0x37: {  	s5 =	sshll.u32 s2, $0x8  }
0x38: {  	s16 =	simm.s32 $0x0;
	s15 =	sadd.s32 s21, s5  }
0x39: {  	[tilespmem:s16], [sflag:$0x2] =	stream.linear.gather [hbm4b:s15+s16], $0x800, $0x38;
	[tilespmem:$0x1E690] =	vst v63  }
0x3a: {  	_ =	swait.ge [sflag:s14], $0x800  }
0x3b: {  	[sflag:s14] =	ssyncset.done $0x0  }
0x3c: {  	s5 =	sadd.s32 s1, s5;
	[sflag:s14] =	ssyncadd.s32 $0xFFFFF800  }
0x3d: {  	[tilespmem:s0], [sflag:$0x2] =	stream.linear.gather [hbm4b:s5+s16], $0x800, $0x38;
	[tilespmem:$0x1E690] =	vst v63  }
0x3e: {  	_ =	swait.ge [sflag:s14], $0x800  }
0x3f: {  	[sflag:s14] =	ssyncset.done $0x0  }
0x40: {  	s30 =	simm.s32 $0x0;
	[sflag:s14] =	ssyncadd.s32 $0xFFFFF800  }
0x41: {  	v6 =	vld [tilespmem:s30+$0x0];
	_ =	sdelay $0x4  }
0x42: {  	vm0 =	vge.s32 v6, v0;
	vm1 =	vlt.s32 v6, v1  }
0x43: {  	vm0 =	vmand vm0, vm1  }
0x44: {  	v7 =	vmpcnt.ones.xlane vm0;
	_ =	sdelay $0x1  }
0x45: {  	(v2sf) =	vpush v7, $0x0;
	_ =	sdelay $0x2  }
0x46: {  	v7 =	vld [tilespmem:s30+$0x800];
	_ =	sdelay $0x2  }
0x47: {  	v6 =	vsub.s32 v6, v0  }
0x48: {  	[tilespmem:s3+$0x0] =	vst.msk vm0, v6  }
0x49: {  	[tilespmem:s4+$0x0] =	vst.msk vm0, v7  }
0x4a: {  	v6 =	vld [tilespmem:$0x1230];
	_ =	sdelay $0x4  }
0x4b: {  	[tilespmem:s26+$0x1110] =	vst v6  }
0x4c: {  	v6 =	vld [tilespmem:$0x1220];
	s31 =	spop (v2sf)  }
0x4d: {  	s5 =	sadd.s32 s26, s31  }
0x4e: {  	p1 =	slt.s32 s5, $0x100  }
0x4f: {  	s15 =	sadd.s32 @!p1 s25, s28  }
0x50: {  	s16 =	simm.s32 @!p1 $0x2;
	s15 =	sshrl.u32 @!p1 s15, $0x3  }
0x51: {  	[tilespmem:s26+$0x1000] =	vst v6;
	s26 =	simm.s32 @!p1 $0x0;
	s29 =	simm.s32 @!p1 $0x1000;
	s17 =	sadd.s32 @!p1 s23, s15  }
0x52: {  	[hbm4b:s17+s26] =	stream.linear.scatter @!p1 [tilespmem:s29], [sflag:$0x2], $0x100, $0x38;
	[tilespmem:$0x1E690] =	vst v63  }
0x53: {  	_ =	swait.ge @!p1 [sflag:s16], $0x100  }
0x54: {  	[sflag:s16] =	ssyncset.done @!p1 $0x0  }
0x55: {  	s15 =	sadd.s32 @!p1 s24, s15;
	s17 =	simm.s32 @!p1 $0x1110;
	[sflag:s16] =	ssyncadd.s32 @!p1 $0xFFFFFF00  }
0x56: {  	[hbm4b:s15+s26] =	stream.linear.scatter @!p1 [tilespmem:s17], [sflag:$0x2], $0x100, $0x38;
	[tilespmem:$0x1E690] =	vst v63  }
0x57: {  	_ =	swait.ge @!p1 [sflag:s16], $0x100  }
0x58: {  	[sflag:s16] =	ssyncset.done @!p1 $0x0  }
0x59: {  	s15 =	sadd.s32 @!p1 $0x100, s28;
	[sflag:s16] =	ssyncadd.s32 @!p1 $0xFFFFFF00  }
0x5a: {  	s26 =	sadd.s32 @!p1 $0xFFFFFF00, s5;
	s15 =	smov.u32 @p1 s28;
	v7 =	vld @!p1 [tilespmem:$0x1100]  }
0x5b: {  	s26 =	smov.u32 @p1 s5;
	s5 =	simm.s32 $0x40;
	s28 =	smov.u32 s15;
	v6 =	vld @!p1 [tilespmem:$0x1210]  }
.LBB2_3:
0x5c: {  	_ =	sdelay $0x1  }
0x5d: {  	s15 =	smov.u32 s28  }
0x5e: {  	s16 =	smov.u32 s5;
	s5 =	sadd.s32 $0x40, s5;
	s17 =	smov.u32 s26;
	[tilespmem:$0x1000] =	vst @!p1 v7  }
0x5f: {  	s16 =	sshra.s32 s16, $0x2;
	p0 =	sne.s32 s5, $0x2000;
	[tilespmem:$0x1110] =	vst @!p1 v6  }
0x60: {  	v6 =	vld [tilespmem:s16+$0x0];
	_ =	sdelay $0x4  }
0x61: {  	vm0 =	vge.s32 v6, v0;
	vm1 =	vlt.s32 v6, v1  }
0x62: {  	vm0 =	vmand vm0, vm1  }
0x63: {  	v7 =	vmpcnt.ones.xlane vm0;
	_ =	sdelay $0x1  }
0x64: {  	(v2sf) =	vpush v7, $0x0;
	_ =	sdelay $0x2  }
0x65: {  	v7 =	vld [tilespmem:s16+$0x800];
	_ =	sdelay $0x2  }
0x66: {  	v6 =	vsub.s32 v6, v0  }
0x67: {  	[tilespmem:s3+$0x0] =	vst.msk vm0, v6  }
0x68: {  	[tilespmem:s4+$0x0] =	vst.msk vm0, v7  }
0x69: {  	v6 =	vld [tilespmem:$0x1230];
	_ =	sdelay $0x4  }
0x6a: {  	[tilespmem:s26+$0x1110] =	vst v6  }
0x6b: {  	v6 =	vld [tilespmem:$0x1220];
	s16 =	spop (v2sf)  }
0x6c: {  	s16 =	sadd.s32 s26, s16  }
0x6d: {  	p1 =	slt.s32 s16, $0x100  }
0x6e: {  	s29 =	sadd.s32 @!p1 s25, s28;
	s26 =	sadd.s32 @!p1 $0xFFFFFF00, s16;
	s28 =	sadd.s32 @!p1 $0x100, s28  }
0x6f: {  	s30 =	simm.s32 @!p1 $0x2;
	s29 =	sshrl.u32 @!p1 s29, $0x3;
	s26 =	smov.u32 @p1 s16  }
0x70: {  	s31 =	simm.s32 @!p1 $0x1000;
	[tilespmem:s17+$0x1000] =	vst v6;
	s16 =	sadd.s32 @!p1 s23, s29;
	s17 =	simm.s32 @!p1 $0x0  }
0x71: {  	[hbm4b:s16+s17] =	stream.linear.scatter @!p1 [tilespmem:s31], [sflag:$0x2], $0x100, $0x38;
	[tilespmem:$0x1E690] =	vst v63  }
0x72: {  	s28 =	smov.u32 @p1 s15;
	s16 =	sadd.s32 @!p1 s24, s29;
	_ =	swait.ge @!p1 [sflag:s30], $0x100  }
0x73: {  	[sflag:s30] =	ssyncset.done @!p1 $0x0  }
0x74: {  	s15 =	simm.s32 @!p1 $0x1110;
	[sflag:s30] =	ssyncadd.s32 @!p1 $0xFFFFFF00  }
0x75: {  	[hbm4b:s16+s17] =	stream.linear.scatter @!p1 [tilespmem:s15], [sflag:$0x2], $0x100, $0x38;
	[tilespmem:$0x1E690] =	vst v63  }
.Ltmp2:
0x76: {  	_ =	swait.ge @!p1 [sflag:s30], $0x100;
	(pc) =	sbr.rel @p0 .LBB2_3-.Ltmp2, $4  }
0x77: {  	[sflag:s30] =	ssyncset.done @!p1 $0x0  }
0x78: {  	[sflag:s30] =	ssyncadd.s32 @!p1 $0xFFFFFF00  }
0x79: {  	v7 =	vld @!p1 [tilespmem:$0x1100]  }
0x7a: {  	v6 =	vld @!p1 [tilespmem:$0x1210]  }
0x7b: {  	s2 =	sadd.s32 $0x1, s2  }
0x7c: {  	p0 =	sne.s32 s2, $0x4F  }
.Ltmp3:
0x7d: {  	_ = 	snop;
	(pc) =	sbr.rel @p0 .LBB2_2-.Ltmp3, $3  }
0x7e: {  	_ =	sdelay $0x1  }
0x7f: {  	[tilespmem:$0x1000] =	vst @!p1 v7  }
0x80: {  	[tilespmem:$0x1110] =	vst @!p1 v6  }
0x81: {  	s2 =	sadd.s32 s25, s28  }
0x82: {  	s2 =	sshrl.u32 s2, $0x3  }
0x83: {  	s15 =	simm.s32 $0x0;
	s16 =	simm.s32 $0x1000;
	s5 =	sadd.s32 s23, s2  }
0x84: {  	[hbm4b:s5+s15] =	stream.linear.scatter [tilespmem:s16], [sflag:$0x2], $0x100, $0x38;
	[tilespmem:$0x1E690] =	vst v63  }
0x85: {  	_ =	swait.ge [sflag:s14], $0x100  }
0x86: {  	[sflag:s14] =	ssyncset.done $0x0  }
0x87: {  	s31 =	simm.s32 $0x1110;
	s2 =	sadd.s32 s24, s2;
	[sflag:s14] =	ssyncadd.s32 $0xFFFFFF00  }
0x88: {  	[hbm4b:s2+s15] =	stream.linear.scatter [tilespmem:s31], [sflag:$0x2], $0x100, $0x38;
	[tilespmem:$0x1E690] =	vst v63  }
0x89: {  	_ =	swait.ge [sflag:s14], $0x100  }
0x8a: {  	[sflag:s14] =	ssyncset.done $0x0  }
0x8b: {  	s5 =	simm.s32 $0x100;
	s2 =	simm.s32 $0x0;
	[sflag:s14] =	ssyncadd.s32 $0xFFFFFF00  }
.LBB2_6:
0x8c: {  	p0 =	sne.s32 s5, $0x13F00;
	[tilespmem:s2+$0x19580] =	vst v3  }
0x8d: {  	[tilespmem:s2+$0xA550] =	vst v2  }
0x8e: {  	[tilespmem:s2+$0xF550] =	vst v2  }
0x8f: {  	[tilespmem:s2+$0x14550] =	vst v2  }
0x90: {  	[tilespmem:s2+$0x19550] =	vst v3  }
0x91: {  	[tilespmem:s2+$0xA560] =	vst v2  }
0x92: {  	[tilespmem:s2+$0xF560] =	vst v2  }
0x93: {  	[tilespmem:s2+$0x14560] =	vst v2  }
0x94: {  	[tilespmem:s2+$0x19560] =	vst v3  }
0x95: {  	[tilespmem:s2+$0xA570] =	vst v2  }
0x96: {  	[tilespmem:s2+$0xF570] =	vst v2  }
.Ltmp4:
0x97: {  	[tilespmem:s2+$0x14570] =	vst v2;
	(pc) =	sbr.rel @p0 .LBB2_6-.Ltmp4, $4  }
0x98: {  	[tilespmem:s2+$0x19570] =	vst v3  }
0x99: {  	[tilespmem:s2+$0xA580] =	vst v2  }
0x9a: {  	[tilespmem:s2+$0xF580] =	vst v2  }
0x9b: {  	[tilespmem:s2+$0x14580] =	vst v2;
	s2 =	sshra.s32 s5, $0x2;
	s5 =	sadd.s32 $0x100, s5  }
0x9c: {  	[tilespmem:s2+$0x19580] =	vst v3  }
0x9d: {  	[tilespmem:s2+$0xA550] =	vst v2  }
0x9e: {  	[tilespmem:s2+$0xF550] =	vst v2  }
0x9f: {  	[tilespmem:s2+$0x14550] =	vst v2  }
0xa0: {  	[tilespmem:s2+$0x19550] =	vst v3  }
0xa1: {  	[tilespmem:s2+$0xA560] =	vst v2  }
0xa2: {  	[tilespmem:s2+$0xF560] =	vst v2  }
0xa3: {  	[tilespmem:s2+$0x14560] =	vst v2  }
0xa4: {  	[tilespmem:s2+$0x19560] =	vst v3  }
0xa5: {  	[tilespmem:s2+$0xA570] =	vst v2  }
0xa6: {  	[tilespmem:s2+$0xF570] =	vst v2  }
0xa7: {  	[tilespmem:s2+$0x14570] =	vst v2  }
0xa8: {  	[tilespmem:s2+$0x19570] =	vst v3  }
0xa9: {  	[tilespmem:s2+$0xA580] =	vst v2  }
0xaa: {  	[tilespmem:s2+$0xF580] =	vst v2  }
0xab: {  	[tilespmem:s2+$0x14580] =	vst v2  }
0xac: {  	[tilespmem:$0x1E550] =	vst v2  }
0xad: {  	[tilespmem:$0x1E560] =	vst v2  }
0xae: {  	[tilespmem:$0x1E570] =	vst v2  }
0xaf: {  	[tilespmem:$0x1E580] =	vst v2  }
0xb0: {  	[tilespmem:$0x1E590] =	vst v2  }
0xb1: {  	[tilespmem:$0x1E5A0] =	vst v2  }
0xb2: {  	[tilespmem:$0x1E5B0] =	vst v2  }
0xb3: {  	[tilespmem:$0x1E5C0] =	vst v2  }
0xb4: {  	[tilespmem:$0x1E5D0] =	vst v2  }
0xb5: {  	[tilespmem:$0x1E5E0] =	vst v2  }
0xb6: {  	[tilespmem:$0x1E5F0] =	vst v2  }
0xb7: {  	[tilespmem:$0x1E600] =	vst v2  }
0xb8: {  	[tilespmem:$0x1E610] =	vst v2  }
0xb9: {  	[tilespmem:$0x1E620] =	vst v2  }
0xba: {  	[tilespmem:$0x1E630] =	vst v2  }
0xbb: {  	[tilespmem:$0x1E640] =	vst v2  }
0xbc: {  	[tilespmem:$0x1E650] =	vst v2  }
0xbd: {  	[tilespmem:$0x1E660] =	vst v2  }
0xbe: {  	s30 =	sadd.s32 s26, s28;
	s29 =	simm.s32 $0x0;
	[tilespmem:$0x1E670] =	vst v2  }
0xbf: {  	s15 =	rddreg [dreg:$0x3];
	s5 =	simm.s32 $0x5550;
	[tilespmem:$0x1E680] =	vst v2;
	s16 =	sadd.s32 $0xFF, s30  }
0xc0: {  	[tilespmem:s5], [sflag:$0x2] =	stream.linear.gather [hbm4b:s15+s29], $0x5000, $0x38;
	[tilespmem:$0x1E690] =	vst v63  }
0xc1: {  	s17 =	sand.u32 $0xFF, s16  }
0xc2: {  	s15 =	sshra.s32 s16, $0x1F;
	p0 =	slt.s32 s16, $0x1;
	p1 =	sne.s32 s17, $0x0  }
0xc3: {  	s26 =	sshrl.u32 s15, $0x18;
	p0 =	por !p0, !p1  }
0xc4: {  	s5 =	simm.s32 $0x1;
	s2 =	sadd.s32 s26, s16;
	p0 =	por !p0, !p0  }
0xc5: {  	s2 =	sshra.s32 s2, $0x8;
	s5 =	simm.s32 @!p0 $0x0  }
0xc6: {  	s28 =	ssub.s32 s2, s5  }
0xc7: {  	p0 =	slt.s32 s28, $0x1  }
.Ltmp5:
0xc8: {  	_ = 	snop;
	(pc) =	sbr.rel @!p0 .LBB2_8-.Ltmp5, $4  }
0xc9: {  	_ = 	snop  }
0xca: {  	_ =	swait.ge [sflag:s14], $0x5000  }
0xcb: {  	[sflag:s14] =	ssyncset.done $0x0  }
0xcc: {  	s31 =	simm.s32 $0x0;
	s26 =	smov.u32 s30;
	[sflag:s14] =	ssyncadd.s32 $0xFFFFB000  }
.LBB2_15:
0xcd: {  	s2 =	simm.s32 $0x0;
	s5 =	rddreg [dreg:$0x4];
	s15 =	simm.s32 $0xA550  }
0xce: {  	[hbm4b:s5+s2] =	stream.linear.scatter [tilespmem:s15], [sflag:$0x2], $0x5000, $0x38;
	[tilespmem:$0x1E690] =	vst v63  }
0xcf: {  	_ =	swait.ge [sflag:s14], $0x5000  }
0xd0: {  	[sflag:s14] =	ssyncset.done $0x0  }
0xd1: {  	s16 =	simm.s32 $0xF550;
	s15 =	rddreg [dreg:$0x5];
	[sflag:s14] =	ssyncadd.s32 $0xFFFFB000  }
0xd2: {  	[hbm4b:s15+s2] =	stream.linear.scatter [tilespmem:s16], [sflag:$0x2], $0x5000, $0x38;
	[tilespmem:$0x1E690] =	vst v63  }
0xd3: {  	_ =	swait.ge [sflag:s14], $0x5000  }
0xd4: {  	[sflag:s14] =	ssyncset.done $0x0  }
0xd5: {  	s26 =	simm.s32 $0x14550;
	s17 =	rddreg [dreg:$0x6];
	[sflag:s14] =	ssyncadd.s32 $0xFFFFB000  }
0xd6: {  	[hbm4b:s17+s2] =	stream.linear.scatter [tilespmem:s26], [sflag:$0x2], $0x5000, $0x38;
	[tilespmem:$0x1E690] =	vst v63  }
0xd7: {  	_ =	swait.ge [sflag:s14], $0x5000  }
0xd8: {  	[sflag:s14] =	ssyncset.done $0x0  }
0xd9: {  	s29 =	rddreg [dreg:$0x7];
	[sflag:s14] =	ssyncadd.s32 $0xFFFFB000  }
0xda: {  	[hbm4b:s29+s2] =	stream.linear.scatter [tilespmem:s18], [sflag:$0x2], $0x5000, $0x38;
	[tilespmem:$0x1E690] =	vst v63  }
0xdb: {  	_ =	swait.ge [sflag:s14], $0x5000  }
0xdc: {  	[sflag:s14] =	ssyncset.done $0x0  }
0xdd: {  	s31 =	rddreg [dreg:$0x14];
	[sflag:s14] =	ssyncadd.s32 $0xFFFFB000  }
0xde: {  	[hbm4b:s31+s2] =	stream.linear.scatter [tilespmem:s8], [sflag:$0x2], $0x140, $0x38;
	[tilespmem:$0x1E690] =	vst v63  }
0xdf: {  	_ =	swait.ge [sflag:s14], $0x140  }
0xe0: {  	[sflag:s14] =	ssyncset.done $0x0  }
0xe1: {  	s5 =	simm.s32 $0x100;
	s2 =	simm.s32 $0x0;
	[sflag:s14] =	ssyncadd.s32 $0xFFFFFEC0  }
.LBB2_16:
0xe2: {  	p1 =	sne.s32 s5, $0x13F00;
	[tilespmem:s2+$0x19580] =	vst v3  }
0xe3: {  	[tilespmem:s2+$0xA550] =	vst v2  }
0xe4: {  	[tilespmem:s2+$0xF550] =	vst v2  }
0xe5: {  	[tilespmem:s2+$0x14550] =	vst v2  }
0xe6: {  	[tilespmem:s2+$0x19550] =	vst v3  }
0xe7: {  	[tilespmem:s2+$0xA560] =	vst v2  }
0xe8: {  	[tilespmem:s2+$0xF560] =	vst v2  }
0xe9: {  	[tilespmem:s2+$0x14560] =	vst v2  }
0xea: {  	[tilespmem:s2+$0x19560] =	vst v3  }
0xeb: {  	[tilespmem:s2+$0xA570] =	vst v2  }
0xec: {  	[tilespmem:s2+$0xF570] =	vst v2  }
.Ltmp6:
0xed: {  	[tilespmem:s2+$0x14570] =	vst v2;
	(pc) =	sbr.rel @p1 .LBB2_16-.Ltmp6, $4  }
0xee: {  	[tilespmem:s2+$0x19570] =	vst v3  }
0xef: {  	[tilespmem:s2+$0xA580] =	vst v2  }
0xf0: {  	[tilespmem:s2+$0xF580] =	vst v2  }
0xf1: {  	[tilespmem:s2+$0x14580] =	vst v2;
	s2 =	sshra.s32 s5, $0x2;
	s5 =	sadd.s32 $0x100, s5  }
0xf2: {  	[tilespmem:s2+$0x19580] =	vst v3  }
0xf3: {  	[tilespmem:s2+$0xA550] =	vst v2  }
0xf4: {  	[tilespmem:s2+$0xF550] =	vst v2  }
0xf5: {  	[tilespmem:s2+$0x14550] =	vst v2  }
0xf6: {  	[tilespmem:s2+$0x19550] =	vst v3  }
0xf7: {  	[tilespmem:s2+$0xA560] =	vst v2  }
0xf8: {  	[tilespmem:s2+$0xF560] =	vst v2  }
0xf9: {  	[tilespmem:s2+$0x14560] =	vst v2  }
0xfa: {  	[tilespmem:s2+$0x19560] =	vst v3  }
0xfb: {  	[tilespmem:s2+$0xA570] =	vst v2  }
0xfc: {  	[tilespmem:s2+$0xF570] =	vst v2  }
0xfd: {  	[tilespmem:s2+$0x14570] =	vst v2  }
0xfe: {  	[tilespmem:s2+$0x19570] =	vst v3  }
0xff: {  	[tilespmem:s2+$0xA580] =	vst v2  }
0x100: {  	[tilespmem:s2+$0xF580] =	vst v2;
	s26 =	simm.s32 $0x0  }
.Ltmp7:
0x101: {  	[tilespmem:s2+$0x14580] =	vst v2;
	s17 =	rddreg [dreg:$0x15];
	s5 =	simm.s32 $0x5550;
	(pc) =	sbr.rel @!p0 .LBB2_18-.Ltmp7, $4  }
0x102: {  	[tilespmem:s5], [sflag:$0x2] =	stream.linear.gather [hbm4b:s17+s26], $0x5000, $0x38;
	[tilespmem:$0x1E690] =	vst v63  }
0x103: {  	_ =	swait.ge [sflag:s14], $0x5000  }
0x104: {  	[sflag:s14] =	ssyncset.done $0x0  }
0x105: {  	s29 =	smov.u32 s30;
	s31 =	simm.s32 $0x0;
	[sflag:s14] =	ssyncadd.s32 $0xFFFFB000  }
.LBB2_25:
0x106: {  	s2 =	simm.s32 $0x0;
	s5 =	rddreg [dreg:$0x8];
	s15 =	simm.s32 $0xA550  }
0x107: {  	[hbm4b:s5+s2] =	stream.linear.scatter [tilespmem:s15], [sflag:$0x2], $0x5000, $0x38;
	[tilespmem:$0x1E690] =	vst v63  }
0x108: {  	_ =	swait.ge [sflag:s14], $0x5000  }
0x109: {  	[sflag:s14] =	ssyncset.done $0x0  }
0x10a: {  	s17 =	simm.s32 $0xF550;
	s16 =	rddreg [dreg:$0x9];
	[sflag:s14] =	ssyncadd.s32 $0xFFFFB000  }
0x10b: {  	[hbm4b:s16+s2] =	stream.linear.scatter [tilespmem:s17], [sflag:$0x2], $0x5000, $0x38;
	[tilespmem:$0x1E690] =	vst v63  }
0x10c: {  	_ =	swait.ge [sflag:s14], $0x5000  }
0x10d: {  	[sflag:s14] =	ssyncset.done $0x0  }
0x10e: {  	s29 =	simm.s32 $0x14550;
	s26 =	rddreg [dreg:$0xa];
	[sflag:s14] =	ssyncadd.s32 $0xFFFFB000  }
0x10f: {  	[hbm4b:s26+s2] =	stream.linear.scatter [tilespmem:s29], [sflag:$0x2], $0x5000, $0x38;
	[tilespmem:$0x1E690] =	vst v63  }
0x110: {  	_ =	swait.ge [sflag:s14], $0x5000  }
0x111: {  	[sflag:s14] =	ssyncset.done $0x0  }
0x112: {  	s31 =	rddreg [dreg:$0xb];
	[sflag:s14] =	ssyncadd.s32 $0xFFFFB000  }
0x113: {  	[hbm4b:s31+s2] =	stream.linear.scatter [tilespmem:s18], [sflag:$0x2], $0x5000, $0x38;
	[tilespmem:$0x1E690] =	vst v63  }
0x114: {  	_ =	swait.ge [sflag:s14], $0x5000  }
0x115: {  	[sflag:s14] =	ssyncset.done $0x0  }
0x116: {  	s5 =	simm.s32 $0x100;
	s2 =	simm.s32 $0x0;
	[sflag:s14] =	ssyncadd.s32 $0xFFFFB000  }
.LBB2_26:
0x117: {  	p1 =	sne.s32 s5, $0x13F00;
	[tilespmem:s2+$0x19580] =	vst v3  }
0x118: {  	[tilespmem:s2+$0xA550] =	vst v2  }
0x119: {  	[tilespmem:s2+$0xF550] =	vst v2  }
0x11a: {  	[tilespmem:s2+$0x14550] =	vst v2  }
0x11b: {  	[tilespmem:s2+$0x19550] =	vst v3  }
0x11c: {  	[tilespmem:s2+$0xA560] =	vst v2  }
0x11d: {  	[tilespmem:s2+$0xF560] =	vst v2  }
0x11e: {  	[tilespmem:s2+$0x14560] =	vst v2  }
0x11f: {  	[tilespmem:s2+$0x19560] =	vst v3  }
0x120: {  	[tilespmem:s2+$0xA570] =	vst v2  }
0x121: {  	[tilespmem:s2+$0xF570] =	vst v2  }
.Ltmp8:
0x122: {  	[tilespmem:s2+$0x14570] =	vst v2;
	(pc) =	sbr.rel @p1 .LBB2_26-.Ltmp8, $4  }
0x123: {  	[tilespmem:s2+$0x19570] =	vst v3  }
0x124: {  	[tilespmem:s2+$0xA580] =	vst v2  }
0x125: {  	[tilespmem:s2+$0xF580] =	vst v2  }
0x126: {  	[tilespmem:s2+$0x14580] =	vst v2;
	s2 =	sshra.s32 s5, $0x2;
	s5 =	sadd.s32 $0x100, s5  }
0x127: {  	[tilespmem:s2+$0x19580] =	vst v3  }
0x128: {  	[tilespmem:s2+$0xA550] =	vst v2  }
0x129: {  	[tilespmem:s2+$0xF550] =	vst v2  }
0x12a: {  	[tilespmem:s2+$0x14550] =	vst v2  }
0x12b: {  	[tilespmem:s2+$0x19550] =	vst v3  }
0x12c: {  	[tilespmem:s2+$0xA560] =	vst v2  }
0x12d: {  	[tilespmem:s2+$0xF560] =	vst v2  }
0x12e: {  	[tilespmem:s2+$0x14560] =	vst v2  }
0x12f: {  	[tilespmem:s2+$0x19560] =	vst v3  }
0x130: {  	[tilespmem:s2+$0xA570] =	vst v2  }
0x131: {  	[tilespmem:s2+$0xF570] =	vst v2  }
0x132: {  	[tilespmem:s2+$0x14570] =	vst v2  }
0x133: {  	[tilespmem:s2+$0x19570] =	vst v3  }
0x134: {  	[tilespmem:s2+$0xA580] =	vst v2  }
0x135: {  	[tilespmem:s2+$0xF580] =	vst v2;
	s26 =	simm.s32 $0x0  }
.Ltmp9:
0x136: {  	[tilespmem:s2+$0x14580] =	vst v2;
	s17 =	rddreg [dreg:$0x16];
	s5 =	simm.s32 $0x5550;
	(pc) =	sbr.rel @!p0 .LBB2_28-.Ltmp9, $4  }
0x137: {  	[tilespmem:s5], [sflag:$0x2] =	stream.linear.gather [hbm4b:s17+s26], $0x5000, $0x38;
	[tilespmem:$0x1E690] =	vst v63  }
0x138: {  	_ =	swait.ge [sflag:s14], $0x5000  }
0x139: {  	[sflag:s14] =	ssyncset.done $0x0  }
0x13a: {  	s29 =	smov.u32 s30;
	s31 =	simm.s32 $0x0;
	[sflag:s14] =	ssyncadd.s32 $0xFFFFB000  }
.LBB2_35:
0x13b: {  	s2 =	simm.s32 $0x0;
	s5 =	rddreg [dreg:$0xc];
	s15 =	simm.s32 $0xA550  }
0x13c: {  	[hbm4b:s5+s2] =	stream.linear.scatter [tilespmem:s15], [sflag:$0x2], $0x5000, $0x38;
	[tilespmem:$0x1E690] =	vst v63  }
0x13d: {  	_ =	swait.ge [sflag:s14], $0x5000  }
0x13e: {  	[sflag:s14] =	ssyncset.done $0x0  }
0x13f: {  	s17 =	simm.s32 $0xF550;
	s16 =	rddreg [dreg:$0xd];
	[sflag:s14] =	ssyncadd.s32 $0xFFFFB000  }
0x140: {  	[hbm4b:s16+s2] =	stream.linear.scatter [tilespmem:s17], [sflag:$0x2], $0x5000, $0x38;
	[tilespmem:$0x1E690] =	vst v63  }
0x141: {  	_ =	swait.ge [sflag:s14], $0x5000  }
0x142: {  	[sflag:s14] =	ssyncset.done $0x0  }
0x143: {  	s29 =	simm.s32 $0x14550;
	s26 =	rddreg [dreg:$0xe];
	[sflag:s14] =	ssyncadd.s32 $0xFFFFB000  }
0x144: {  	[hbm4b:s26+s2] =	stream.linear.scatter [tilespmem:s29], [sflag:$0x2], $0x5000, $0x38;
	[tilespmem:$0x1E690] =	vst v63  }
0x145: {  	_ =	swait.ge [sflag:s14], $0x5000  }
0x146: {  	[sflag:s14] =	ssyncset.done $0x0  }
0x147: {  	s31 =	rddreg [dreg:$0xf];
	[sflag:s14] =	ssyncadd.s32 $0xFFFFB000  }
0x148: {  	[hbm4b:s31+s2] =	stream.linear.scatter [tilespmem:s18], [sflag:$0x2], $0x5000, $0x38;
	[tilespmem:$0x1E690] =	vst v63  }
0x149: {  	_ =	swait.ge [sflag:s14], $0x5000  }
0x14a: {  	[sflag:s14] =	ssyncset.done $0x0  }
0x14b: {  	s5 =	simm.s32 $0x100;
	s2 =	simm.s32 $0x0;
	[sflag:s14] =	ssyncadd.s32 $0xFFFFB000  }
.LBB2_36:
0x14c: {  	p1 =	sne.s32 s5, $0x13F00;
	[tilespmem:s2+$0x19580] =	vst v3  }
0x14d: {  	[tilespmem:s2+$0xA550] =	vst v2  }
0x14e: {  	[tilespmem:s2+$0xF550] =	vst v2  }
0x14f: {  	[tilespmem:s2+$0x14550] =	vst v2  }
0x150: {  	[tilespmem:s2+$0x19550] =	vst v3  }
0x151: {  	[tilespmem:s2+$0xA560] =	vst v2  }
0x152: {  	[tilespmem:s2+$0xF560] =	vst v2  }
0x153: {  	[tilespmem:s2+$0x14560] =	vst v2  }
0x154: {  	[tilespmem:s2+$0x19560] =	vst v3  }
0x155: {  	[tilespmem:s2+$0xA570] =	vst v2  }
0x156: {  	[tilespmem:s2+$0xF570] =	vst v2  }
.Ltmp10:
0x157: {  	[tilespmem:s2+$0x14570] =	vst v2;
	(pc) =	sbr.rel @p1 .LBB2_36-.Ltmp10, $4  }
0x158: {  	[tilespmem:s2+$0x19570] =	vst v3  }
0x159: {  	[tilespmem:s2+$0xA580] =	vst v2  }
0x15a: {  	[tilespmem:s2+$0xF580] =	vst v2  }
0x15b: {  	[tilespmem:s2+$0x14580] =	vst v2;
	s2 =	sshra.s32 s5, $0x2;
	s5 =	sadd.s32 $0x100, s5  }
0x15c: {  	[tilespmem:s2+$0x19580] =	vst v3  }
0x15d: {  	[tilespmem:s2+$0xA550] =	vst v2  }
0x15e: {  	[tilespmem:s2+$0xF550] =	vst v2  }
0x15f: {  	[tilespmem:s2+$0x14550] =	vst v2  }
0x160: {  	[tilespmem:s2+$0x19550] =	vst v3  }
0x161: {  	[tilespmem:s2+$0xA560] =	vst v2  }
0x162: {  	[tilespmem:s2+$0xF560] =	vst v2  }
0x163: {  	[tilespmem:s2+$0x14560] =	vst v2  }
0x164: {  	[tilespmem:s2+$0x19560] =	vst v3  }
0x165: {  	[tilespmem:s2+$0xA570] =	vst v2  }
0x166: {  	[tilespmem:s2+$0xF570] =	vst v2  }
0x167: {  	[tilespmem:s2+$0x14570] =	vst v2  }
0x168: {  	[tilespmem:s2+$0x19570] =	vst v3  }
0x169: {  	[tilespmem:s2+$0xA580] =	vst v2  }
0x16a: {  	[tilespmem:s2+$0xF580] =	vst v2  }
0x16b: {  	[tilespmem:s2+$0x14580] =	vst v2;
	s26 =	simm.s32 $0x0;
	s17 =	rddreg [dreg:$0x17];
	s5 =	simm.s32 $0x5550  }
0x16c: {  	[tilespmem:s5], [sflag:$0x2] =	stream.linear.gather [hbm4b:s17+s26], $0x5000, $0x38;
	[tilespmem:$0x1E690] =	vst v63  }
.Ltmp11:
0x16d: {  	_ = 	snop;
	(pc) =	sbr.rel @!p0 .LBB2_38-.Ltmp11, $4  }
.Ltmp12:
0x16e: {  	_ = 	snop;
	(pc) =	sbr.rel @p0 .LBB2_45-.Ltmp12, $4  }
0x16f: {  	_ =	swait.ge [sflag:s14], $0x5000  }
0x170: {  	[sflag:s14] =	ssyncset.done $0x0  }
0x171: {  	s29 =	smov.u32 s30;
	s31 =	simm.s32 $0x0;
	[sflag:s14] =	ssyncadd.s32 $0xFFFFB000  }
0x172: {  	_ = 	snop  }
.LBB2_13:
0x173: {  	v8 =	vmax.f32 v8, $0.0e+00  }
0x174: {  	[tilespmem:s15+$0xA580] =	vst.add.f32.msk $0xffff, v8;
	v7 =	vmax.f32 v7, v8  }
0x175: {  	v9 =	vmul.f32 v8, v8;
	v6 =	vmin.f32 v6, v8;
	[tilespmem:s15+$0x14580] =	vst v7  }
0x176: {  	[tilespmem:s15+$0x19580] =	vst v6  }
0x177: {  	[tilespmem:s15+$0xF580] =	vst.add.f32.msk $0xffff, v9  }
.LBB2_14:
0x178: {  	s31 =	sadd.s32 $0x1, s31  }
0x179: {  	p1 =	sne.s32 s31, s28  }
.Ltmp13:
0x17a: {  	_ = 	snop;
	(pc) =	sbr.rel @!p1 .LBB2_15-.Ltmp13, $2  }
0x17b: {  	_ =	sdelay $0x2  }
0x17c: {  	s26 =	sadd.s32 $0xFFFFFF00, s26  }
.LBB2_8:
0x17d: {  	s5 =	sshll.u32 s31, $0x8  }
0x17e: {  	s2 =	sadd.s32 s25, s5  }
0x17f: {  	s2 =	sshrl.u32 s2, $0x3  }
0x180: {  	s15 =	sadd.s32 s23, s2  }
0x181: {  	[tilespmem:s7], [sflag:$0x2] =	stream.linear.gather [hbm4b:s15+s29], $0x100, $0x38;
	[tilespmem:$0x1E690] =	vst v63  }
0x182: {  	_ =	swait.ge [sflag:s14], $0x100  }
0x183: {  	[sflag:s14] =	ssyncset.done $0x0  }
0x184: {  	s17 =	sadd.s32 s24, s2;
	s2 =	simm.s32 $0x1340;
	[sflag:s14] =	ssyncadd.s32 $0xFFFFFF00  }
0x185: {  	[tilespmem:s2], [sflag:$0x2] =	stream.linear.gather [hbm4b:s17+s29], $0x100, $0x38;
	[tilespmem:$0x1E690] =	vst v63  }
0x186: {  	_ =	swait.ge [sflag:s14], $0x100  }
0x187: {  	[sflag:s14] =	ssyncset.done $0x0  }
0x188: {  	[sflag:s14] =	ssyncadd.s32 $0xFFFFFF00  }
0x189: {  	v6 =	vld [tilespmem:$0x1240]  }
0x18a: {  	v7 =	vld [tilespmem:$0x1250]  }
0x18b: {  	v8 =	vld [tilespmem:$0x1260]  }
0x18c: {  	v9 =	vld [tilespmem:$0x1270]  }
0x18d: {  	v10 =	vld [tilespmem:$0x1280]  }
0x18e: {  	v11 =	vld [tilespmem:$0x1290];
	vm0 =	vgt.s32 v6, $0x0  }
0x18f: {  	v12 =	vld [tilespmem:$0x12A0];
	vm13 =	vgt.s32 v7, $0x0;
	v6 =	vnsel vm0, $0x0, v6  }
0x190: {  	v13 =	vld [tilespmem:$0x12B0];
	vm14 =	vgt.s32 v8, $0x0;
	v7 =	vnsel vm13, $0x0, v7;
	v6 =	vmin.u32 v6, $0x27FF  }
0x191: {  	vm15 =	vgt.s32 v9, $0x0;
	[tilespmem:$0x1450] =	vst v6;
	v6 =	vmin.u32 v7, $0x27FF;
	v7 =	vnsel vm14, $0x0, v8;
	v8 =	vld [tilespmem:$0x12C0]  }
0x192: {  	v58 =	vld [tilespmem:$0x12D0];
	vm4 =	vgt.s32 v10, $0x0;
	[tilespmem:$0x1460] =	vst v6;
	v6 =	vmin.u32 v7, $0x27FF;
	v7 =	vnsel vm15, $0x0, v9  }
0x193: {  	v59 =	vld [tilespmem:$0x12E0];
	vm5 =	vgt.s32 v11, $0x0;
	[tilespmem:$0x1470] =	vst v6;
	v6 =	vmin.u32 v7, $0x27FF;
	v7 =	vnsel vm4, $0x0, v10  }
0x194: {  	v60 =	vld [tilespmem:$0x12F0];
	vm6 =	vgt.s32 v12, $0x0;
	[tilespmem:$0x1480] =	vst v6;
	v6 =	vmin.u32 v7, $0x27FF;
	v7 =	vnsel vm5, $0x0, v11  }
0x195: {  	v61 =	vld [tilespmem:$0x1300];
	vm7 =	vgt.s32 v13, $0x0;
	[tilespmem:$0x1490] =	vst v6;
	v6 =	vmin.u32 v7, $0x27FF;
	v7 =	vnsel vm6, $0x0, v12  }
0x196: {  	v62 =	vld [tilespmem:$0x1310];
	[tilespmem:$0x14A0] =	vst v6;
	v6 =	vmin.u32 v7, $0x27FF;
	v7 =	vnsel vm7, $0x0, v13;
	vm8 =	vgt.s32 v8, $0x0  }
0x197: {  	vm9 =	vgt.s32 v58, $0x0;
	[tilespmem:$0x14B0] =	vst v6;
	v6 =	vmin.u32 v7, $0x27FF;
	v7 =	vnsel vm8, $0x0, v8;
	v8 =	vld [tilespmem:$0x1320]  }
0x198: {  	v63 =	vld [tilespmem:$0x1330];
	vm10 =	vgt.s32 v59, $0x0;
	[tilespmem:$0x14C0] =	vst v6;
	v6 =	vmin.u32 v7, $0x27FF;
	v7 =	vnsel vm9, $0x0, v58  }
0x199: {  	vm11 =	vgt.s32 v60, $0x0;
	[tilespmem:$0x14D0] =	vst v6;
	v6 =	vmin.u32 v7, $0x27FF;
	v7 =	vnsel vm10, $0x0, v59  }
0x19a: {  	vm12 =	vgt.s32 v61, $0x0;
	[tilespmem:$0x14E0] =	vst v6;
	v6 =	vmin.u32 v7, $0x27FF;
	v7 =	vnsel vm11, $0x0, v60  }
0x19b: {  	vm13 =	vgt.s32 v62, $0x0;
	[tilespmem:$0x14F0] =	vst v6;
	v6 =	vmin.u32 v7, $0x27FF;
	v7 =	vnsel vm12, $0x0, v61  }
0x19c: {  	[tilespmem:$0x1500] =	vst v6;
	v6 =	vmin.u32 v7, $0x27FF;
	v7 =	vnsel vm13, $0x0, v62;
	vm14 =	vgt.s32 v8, $0x0  }
0x19d: {  	vm15 =	vgt.s32 v63, $0x0;
	[tilespmem:$0x1510] =	vst v6;
	v6 =	vmin.u32 v7, $0x27FF;
	v7 =	vnsel vm14, $0x0, v8  }
0x19e: {  	p1 =	sgt.s32 s26, $0x1;
	s5 =	ssub.s32 s30, s5;
	[tilespmem:$0x1520] =	vst v6;
	v6 =	vnsel vm15, $0x0, v63;
	v7 =	vmin.u32 v7, $0x27FF  }
0x19f: {  	p2 =	slt.s32 s5, $0x100;
	s15 =	smov.u32 s26;
	s17 =	smov.u32 s5;
	[tilespmem:$0x1530] =	vst v7;
	v6 =	vmin.u32 v6, $0x27FF  }
0x1a0: {  	s15 =	simm.s32 @!p1 $0x1;
	s17 =	simm.s32 @!p2 $0x100;
	[tilespmem:$0x1540] =	vst v6  }
0x1a1: {  	s16 =	smin.u32 s15, $0x100;
	s15 =	simm.s32 $0x10;
	v6 =	vmov s17;
	s17 =	simm.s32 $0x0;
	v7 =	vld [tilespmem:s2+$0x0]  }
.LBB2_9:
0x1a2: {  	p1 =	sne.s32 s15, $0xF0;
	v8 =	vor.u32 s17, v4;
	s17 =	smov.u32 s15  }
0x1a3: {  	vm0 =	vlt.s32 v8, v6;
	_ =	sdelay $0x2  }
.Ltmp14:
0x1a4: {  	(pc) =	sbr.rel @p1 .LBB2_9-.Ltmp14, $3  }
0x1a5: {  	_ =	sdelay $0x1  }
0x1a6: {  	s2 =	sadd.s32 $0x10, s2;
	[tilespmem:v7+s8+$0x0] =	vst.idx.add.f32.msk vm0, v5  }
0x1a7: {  	s15 =	sadd.s32 $0x10, s15;
	v7 =	vld [tilespmem:s2+$0x0]  }
0x1a8: {  	_ = 	snop  }
0x1a9: {  	v8 =	vor.u32 s17, v4  }
0x1aa: {  	vm0 =	vlt.s32 v8, v6;
	_ =	sdelay $0x5  }
0x1ab: {  	[tilespmem:v7+s8+$0x0] =	vst.idx.add.f32.msk vm0, v5  }
0x1ac: {  	[tilespmem:s11], [sflag:$0x1] =	stream.indirect.gather [hbm4b:s22+s9], $0x40, s10, s9, $0xb8;
	[tilespmem:$0x1E690] =	vst v63  }
0x1ad: {  	_ = 	snop  }
0x1ae: {  	[tilespmem:s13], [sflag:$0x1] =	stream.indirect.gather [hbm4b:s22+s9], $0x40, s12, s9, $0xb8;
	[tilespmem:$0x1E690] =	vst v63  }
0x1af: {  	p1 =	slt.s32 s5, $0x1;
	_ =	swait.ge [sflag:s6], $0x2000  }
.Ltmp15:
0x1b0: {  	[sflag:s6] =	ssyncset.done $0x0;
	(pc) =	sbr.rel @p1 .LBB2_14-.Ltmp15, $4  }
0x1b1: {  	[sflag:s6] =	ssyncadd.s32 $0xFFFFE000  }
0x1b2: {  	_ =	swait.ge [sflag:s6], $0x2000  }
0x1b3: {  	[sflag:s6] =	ssyncset.done $0x0  }
0x1b4: {  	[sflag:s6] =	ssyncadd.s32 $0xFFFFE000  }
0x1b5: {  	s2 =	simm.s32 $0x1340  }
0x1b6: {  	v6 =	vld [tilespmem:s2+$0x0];
	_ =	sdelay $0x4  }
0x1b7: {  	(v2sf) =	vpush v6, $0x0;
	_ =	sdelay $0xe  }
0x1b8: {  	s5 =	simm.s32 $0x1570;
	s15 =	spop (v2sf)  }
0x1b9: {  	v6 =	vld [tilespmem:s5+$0xFFFFFFE0];
	s15 =	sshll.u32 s15, $0x6  }
0x1ba: {  	v7 =	vld [tilespmem:s15+$0x5550];
	_ =	sdelay $0x2  }
0x1bb: {  	v8 =	vld [tilespmem:s15+$0x14550]  }
0x1bc: {  	v9 =	vld [tilespmem:s15+$0x19550]  }
0x1bd: {  	v6 =	vadd.f32 v7, v6;
	_ =	sdelay $0x1  }
0x1be: {  	v6 =	vmax.f32 v6, $0.0e+00  }
0x1bf: {  	[tilespmem:s15+$0xA550] =	vst.add.f32.msk $0xffff, v6;
	v8 =	vmax.f32 v8, v6  }
0x1c0: {  	v7 =	vmul.f32 v6, v6;
	v6 =	vmin.f32 v9, v6;
	[tilespmem:s15+$0x14550] =	vst v8  }
0x1c1: {  	[tilespmem:s15+$0x19550] =	vst v6;
	v6 =	vld [tilespmem:s15+$0x5560]  }
0x1c2: {  	[tilespmem:s15+$0xF550] =	vst.add.f32.msk $0xffff, v7  }
0x1c3: {  	v7 =	vld [tilespmem:s5+$0xFFFFFFF0];
	_ =	sdelay $0x2  }
0x1c4: {  	v8 =	vld [tilespmem:s15+$0x14560]  }
0x1c5: {  	v9 =	vld [tilespmem:s15+$0x19560]  }
0x1c6: {  	v6 =	vadd.f32 v6, v7;
	_ =	sdelay $0x1  }
0x1c7: {  	v6 =	vmax.f32 v6, $0.0e+00  }
0x1c8: {  	[tilespmem:s15+$0xA560] =	vst.add.f32.msk $0xffff, v6;
	v8 =	vmax.f32 v8, v6  }
0x1c9: {  	v7 =	vmul.f32 v6, v6;
	v6 =	vmin.f32 v9, v6;
	[tilespmem:s15+$0x14560] =	vst v8  }
0x1ca: {  	[tilespmem:s15+$0x19560] =	vst v6;
	v6 =	vld [tilespmem:s15+$0x5570]  }
0x1cb: {  	[tilespmem:s15+$0xF560] =	vst.add.f32.msk $0xffff, v7  }
0x1cc: {  	v7 =	vld [tilespmem:s5+$0x0];
	_ =	sdelay $0x2  }
0x1cd: {  	v8 =	vld [tilespmem:s15+$0x14570]  }
0x1ce: {  	v9 =	vld [tilespmem:s15+$0x19570]  }
0x1cf: {  	v6 =	vadd.f32 v6, v7;
	_ =	sdelay $0x1  }
0x1d0: {  	v6 =	vmax.f32 v6, $0.0e+00  }
0x1d1: {  	[tilespmem:s15+$0xA570] =	vst.add.f32.msk $0xffff, v6;
	v8 =	vmax.f32 v8, v6  }
0x1d2: {  	v7 =	vmul.f32 v6, v6;
	v6 =	vmin.f32 v9, v6;
	[tilespmem:s15+$0x14570] =	vst v8  }
0x1d3: {  	[tilespmem:s15+$0x19570] =	vst v6;
	v8 =	vld [tilespmem:s15+$0x5580]  }
0x1d4: {  	[tilespmem:s15+$0xF570] =	vst.add.f32.msk $0xffff, v7  }
0x1d5: {  	v9 =	vld [tilespmem:s5+$0x10]  }
0x1d6: {  	p1 =	sne.s32 s16, $0x1  }
.Ltmp16:
0x1d7: {  	v6 =	vld [tilespmem:s15+$0x19580];
	(pc) =	sbr.rel @!p1 .LBB2_13-.Ltmp16, $3  }
0x1d8: {  	v7 =	vld [tilespmem:s15+$0x14580];
	_ =	sdelay $0x1  }
0x1d9: {  	v8 =	vadd.f32 v8, v9  }
0x1da: {  	s16 =	sadd.s32 $0xFFFFFFFF, s16  }
.LBB2_12:
0x1db: {  	p1 =	sne.s32 s16, $0x1;
	v8 =	vmax.f32 v8, $0.0e+00;
	s2 =	sadd.s32 $0x1, s2;
	s5 =	sadd.s32 $0x40, s5  }
0x1dc: {  	s16 =	sadd.s32 $0xFFFFFFFF, s16;
	[tilespmem:s15+$0xA580] =	vst.add.f32.msk $0xffff, v8;
	v9 =	vmul.f32 v8, v8;
	v7 =	vmax.f32 v7, v8;
	v6 =	vmin.f32 v6, v8  }
0x1dd: {  	[tilespmem:s15+$0x14580] =	vst v7  }
0x1de: {  	[tilespmem:s15+$0xF580] =	vst.add.f32.msk $0xffff, v9  }
0x1df: {  	[tilespmem:s15+$0x19580] =	vst v6  }
0x1e0: {  	v6 =	vld [tilespmem:s2+$0x0];
	_ =	sdelay $0x4  }
0x1e1: {  	(v2sf) =	vpush v6, $0x0;
	_ =	sdelay $0xe  }
0x1e2: {  	s15 =	spop (v2sf)  }
0x1e3: {  	v6 =	vld [tilespmem:s5+$0xFFFFFFE0];
	s15 =	sshll.u32 s15, $0x6  }
0x1e4: {  	v7 =	vld [tilespmem:s15+$0x5550];
	_ =	sdelay $0x1  }
0x1e5: {  	v8 =	vld [tilespmem:s15+$0x19550]  }
0x1e6: {  	v9 =	vld [tilespmem:s15+$0x14550];
	_ =	sdelay $0x1  }
0x1e7: {  	v6 =	vadd.f32 v7, v6;
	_ =	sdelay $0x1  }
0x1e8: {  	v6 =	vmax.f32 v6, $0.0e+00  }
0x1e9: {  	[tilespmem:s15+$0xA550] =	vst.add.f32.msk $0xffff, v6;
	v7 =	vmul.f32 v6, v6;
	v9 =	vmax.f32 v9, v6;
	v6 =	vmin.f32 v8, v6  }
0x1ea: {  	[tilespmem:s15+$0x14550] =	vst v9  }
0x1eb: {  	[tilespmem:s15+$0xF550] =	vst.add.f32.msk $0xffff, v7  }
0x1ec: {  	[tilespmem:s15+$0x19550] =	vst v6;
	v6 =	vld [tilespmem:s15+$0x5560]  }
0x1ed: {  	v7 =	vld [tilespmem:s5+$0xFFFFFFF0];
	_ =	sdelay $0x1  }
0x1ee: {  	v8 =	vld [tilespmem:s15+$0x19560]  }
0x1ef: {  	v9 =	vld [tilespmem:s15+$0x14560];
	_ =	sdelay $0x1  }
0x1f0: {  	v6 =	vadd.f32 v6, v7;
	_ =	sdelay $0x1  }
0x1f1: {  	v6 =	vmax.f32 v6, $0.0e+00  }
0x1f2: {  	[tilespmem:s15+$0xA560] =	vst.add.f32.msk $0xffff, v6;
	v7 =	vmul.f32 v6, v6;
	v9 =	vmax.f32 v9, v6;
	v6 =	vmin.f32 v8, v6  }
0x1f3: {  	[tilespmem:s15+$0x14560] =	vst v9  }
0x1f4: {  	[tilespmem:s15+$0xF560] =	vst.add.f32.msk $0xffff, v7  }
0x1f5: {  	[tilespmem:s15+$0x19560] =	vst v6;
	v6 =	vld [tilespmem:s15+$0x5570]  }
0x1f6: {  	v7 =	vld [tilespmem:s5+$0x0];
	_ =	sdelay $0x1  }
0x1f7: {  	v8 =	vld [tilespmem:s15+$0x19570]  }
0x1f8: {  	v9 =	vld [tilespmem:s15+$0x14570];
	_ =	sdelay $0x1  }
0x1f9: {  	v6 =	vadd.f32 v6, v7;
	_ =	sdelay $0x1  }
0x1fa: {  	v6 =	vmax.f32 v6, $0.0e+00  }
0x1fb: {  	[tilespmem:s15+$0xA570] =	vst.add.f32.msk $0xffff, v6;
	v7 =	vmul.f32 v6, v6;
	v9 =	vmax.f32 v9, v6;
	v6 =	vmin.f32 v8, v6  }
0x1fc: {  	[tilespmem:s15+$0x14570] =	vst v9  }
0x1fd: {  	[tilespmem:s15+$0xF570] =	vst.add.f32.msk $0xffff, v7  }
0x1fe: {  	[tilespmem:s15+$0x19570] =	vst v6;
	v8 =	vld [tilespmem:s15+$0x5580]  }
0x1ff: {  	v9 =	vld [tilespmem:s5+$0x10]  }
.Ltmp17:
0x200: {  	(pc) =	sbr.rel @p1 .LBB2_12-.Ltmp17, $3  }
0x201: {  	v6 =	vld [tilespmem:s15+$0x19580]  }
0x202: {  	v7 =	vld [tilespmem:s15+$0x14580];
	_ =	sdelay $0x1  }
0x203: {  	v8 =	vadd.f32 v8, v9  }
.Ltmp18:
0x204: {  	_ = 	snop;
	(pc) =	sbr.rel .LBB2_13-.Ltmp18, $1  }
0x205: {  	_ =	sdelay $0x3  }
.LBB2_23:
0x206: {  	v8 =	vmax.f32 v8, $0.0e+00  }
0x207: {  	[tilespmem:s15+$0xA580] =	vst.add.f32.msk $0xffff, v8;
	v7 =	vmax.f32 v7, v8  }
0x208: {  	v9 =	vmul.f32 v8, v8;
	v6 =	vmin.f32 v6, v8;
	[tilespmem:s15+$0x14580] =	vst v7  }
0x209: {  	[tilespmem:s15+$0x19580] =	vst v6  }
0x20a: {  	[tilespmem:s15+$0xF580] =	vst.add.f32.msk $0xffff, v9  }
.LBB2_24:
0x20b: {  	s31 =	sadd.s32 $0x1, s31  }
0x20c: {  	p1 =	sne.s32 s31, s28  }
.Ltmp19:
0x20d: {  	_ = 	snop;
	(pc) =	sbr.rel @!p1 .LBB2_25-.Ltmp19, $2  }
0x20e: {  	_ =	sdelay $0x2  }
0x20f: {  	s29 =	sadd.s32 $0xFFFFFF00, s29  }
.LBB2_18:
0x210: {  	s2 =	sshll.u32 s31, $0x8  }
0x211: {  	s5 =	sadd.s32 s25, s2  }
0x212: {  	s5 =	sshrl.u32 s5, $0x3  }
0x213: {  	s15 =	sadd.s32 s23, s5  }
0x214: {  	[tilespmem:s7], [sflag:$0x2] =	stream.linear.gather [hbm4b:s15+s26], $0x100, $0x38;
	[tilespmem:$0x1E690] =	vst v63  }
0x215: {  	_ =	swait.ge [sflag:s14], $0x100  }
0x216: {  	[sflag:s14] =	ssyncset.done $0x0  }
0x217: {  	s5 =	sadd.s32 s24, s5;
	[sflag:s14] =	ssyncadd.s32 $0xFFFFFF00  }
0x218: {  	[tilespmem:s19], [sflag:$0x2] =	stream.linear.gather [hbm4b:s5+s26], $0x100, $0x38;
	[tilespmem:$0x1E690] =	vst v63  }
0x219: {  	_ =	swait.ge [sflag:s14], $0x100  }
0x21a: {  	[sflag:s14] =	ssyncset.done $0x0  }
0x21b: {  	s5 =	simm.s32 $0x0;
	[sflag:s14] =	ssyncadd.s32 $0xFFFFFF00  }
0x21c: {  	v6 =	vld [tilespmem:s5+$0x1240]  }
0x21d: {  	p1 =	sgt.s32 s29, $0x1;
	s15 =	smov.u32 s29  }
0x21e: {  	s15 =	simm.s32 @!p1 $0x1  }
0x21f: {  	s16 =	smin.u32 s15, $0x100;
	s15 =	simm.s32 $0x40  }
.LBB2_19:
0x220: {  	p1 =	sne.s32 s15, $0x3C0  }
.Ltmp20:
0x221: {  	s17 =	sshra.s32 s15, $0x2;
	s15 =	sadd.s32 $0x40, s15;
	vm0 =	vgt.s32 v6, $0x0;
	(pc) =	sbr.rel @p1 .LBB2_19-.Ltmp20, $4  }
0x222: {  	v7 =	vnsel vm0, $0x0, v6;
	v6 =	vld [tilespmem:s17+$0x1240]  }
0x223: {  	v7 =	vmin.u32 v7, $0x27FF  }
0x224: {  	v7 =	vadd.s32 $0x2800, v7  }
0x225: {  	[tilespmem:s5+$0x1450] =	vst v7;
	s5 =	smov.u32 s17  }
0x226: {  	_ = 	snop  }
0x227: {  	vm0 =	vgt.s32 v6, $0x0  }
0x228: {  	v6 =	vnsel vm0, $0x0, v6  }
0x229: {  	v6 =	vmin.u32 v6, $0x27FF  }
0x22a: {  	v6 =	vadd.s32 $0x2800, v6  }
0x22b: {  	[tilespmem:s5+$0x1450] =	vst v6  }
0x22c: {  	[tilespmem:s11], [sflag:$0x1] =	stream.indirect.gather [hbm4b:s22+s9], $0x40, s10, s9, $0xb8;
	[tilespmem:$0x1E690] =	vst v63  }
0x22d: {  	s2 =	ssub.s32 s30, s2  }
0x22e: {  	[tilespmem:s13], [sflag:$0x1] =	stream.indirect.gather [hbm4b:s22+s9], $0x40, s12, s9, $0xb8;
	[tilespmem:$0x1E690] =	vst v63  }
0x22f: {  	p1 =	slt.s32 s2, $0x1;
	_ =	swait.ge [sflag:s6], $0x2000  }
.Ltmp21:
0x230: {  	[sflag:s6] =	ssyncset.done $0x0;
	(pc) =	sbr.rel @p1 .LBB2_24-.Ltmp21, $4  }
0x231: {  	[sflag:s6] =	ssyncadd.s32 $0xFFFFE000  }
0x232: {  	_ =	swait.ge [sflag:s6], $0x2000  }
0x233: {  	[sflag:s6] =	ssyncset.done $0x0  }
0x234: {  	[sflag:s6] =	ssyncadd.s32 $0xFFFFE000  }
0x235: {  	s2 =	simm.s32 $0x1340  }
0x236: {  	v6 =	vld [tilespmem:s2+$0x0];
	_ =	sdelay $0x4  }
0x237: {  	(v2sf) =	vpush v6, $0x0;
	_ =	sdelay $0xe  }
0x238: {  	s5 =	simm.s32 $0x1570;
	s15 =	spop (v2sf)  }
0x239: {  	v6 =	vld [tilespmem:s5+$0xFFFFFFE0];
	s15 =	sshll.u32 s15, $0x6  }
0x23a: {  	v7 =	vld [tilespmem:s15+$0x5550];
	_ =	sdelay $0x2  }
0x23b: {  	v8 =	vld [tilespmem:s15+$0x14550]  }
0x23c: {  	v9 =	vld [tilespmem:s15+$0x19550]  }
0x23d: {  	v6 =	vadd.f32 v7, v6;
	_ =	sdelay $0x1  }
0x23e: {  	v6 =	vmax.f32 v6, $0.0e+00  }
0x23f: {  	[tilespmem:s15+$0xA550] =	vst.add.f32.msk $0xffff, v6;
	v8 =	vmax.f32 v8, v6  }
0x240: {  	v7 =	vmul.f32 v6, v6;
	v6 =	vmin.f32 v9, v6;
	[tilespmem:s15+$0x14550] =	vst v8  }
0x241: {  	[tilespmem:s15+$0x19550] =	vst v6;
	v6 =	vld [tilespmem:s15+$0x5560]  }
0x242: {  	[tilespmem:s15+$0xF550] =	vst.add.f32.msk $0xffff, v7  }
0x243: {  	v7 =	vld [tilespmem:s5+$0xFFFFFFF0];
	_ =	sdelay $0x2  }
0x244: {  	v8 =	vld [tilespmem:s15+$0x14560]  }
0x245: {  	v9 =	vld [tilespmem:s15+$0x19560]  }
0x246: {  	v6 =	vadd.f32 v6, v7;
	_ =	sdelay $0x1  }
0x247: {  	v6 =	vmax.f32 v6, $0.0e+00  }
0x248: {  	[tilespmem:s15+$0xA560] =	vst.add.f32.msk $0xffff, v6;
	v8 =	vmax.f32 v8, v6  }
0x249: {  	v7 =	vmul.f32 v6, v6;
	v6 =	vmin.f32 v9, v6;
	[tilespmem:s15+$0x14560] =	vst v8  }
0x24a: {  	[tilespmem:s15+$0x19560] =	vst v6;
	v6 =	vld [tilespmem:s15+$0x5570]  }
0x24b: {  	[tilespmem:s15+$0xF560] =	vst.add.f32.msk $0xffff, v7  }
0x24c: {  	v7 =	vld [tilespmem:s5+$0x0];
	_ =	sdelay $0x2  }
0x24d: {  	v8 =	vld [tilespmem:s15+$0x14570]  }
0x24e: {  	v9 =	vld [tilespmem:s15+$0x19570]  }
0x24f: {  	v6 =	vadd.f32 v6, v7;
	_ =	sdelay $0x1  }
0x250: {  	v6 =	vmax.f32 v6, $0.0e+00  }
0x251: {  	[tilespmem:s15+$0xA570] =	vst.add.f32.msk $0xffff, v6;
	v8 =	vmax.f32 v8, v6  }
0x252: {  	v7 =	vmul.f32 v6, v6;
	v6 =	vmin.f32 v9, v6;
	[tilespmem:s15+$0x14570] =	vst v8  }
0x253: {  	[tilespmem:s15+$0x19570] =	vst v6;
	v8 =	vld [tilespmem:s15+$0x5580]  }
0x254: {  	[tilespmem:s15+$0xF570] =	vst.add.f32.msk $0xffff, v7  }
0x255: {  	v9 =	vld [tilespmem:s5+$0x10]  }
0x256: {  	p1 =	sne.s32 s16, $0x1  }
.Ltmp22:
0x257: {  	v6 =	vld [tilespmem:s15+$0x19580];
	(pc) =	sbr.rel @!p1 .LBB2_23-.Ltmp22, $3  }
0x258: {  	v7 =	vld [tilespmem:s15+$0x14580];
	_ =	sdelay $0x1  }
0x259: {  	v8 =	vadd.f32 v8, v9  }
0x25a: {  	s16 =	sadd.s32 $0xFFFFFFFF, s16  }
.LBB2_22:
0x25b: {  	p1 =	sne.s32 s16, $0x1;
	v8 =	vmax.f32 v8, $0.0e+00;
	s2 =	sadd.s32 $0x1, s2;
	s5 =	sadd.s32 $0x40, s5  }
0x25c: {  	s16 =	sadd.s32 $0xFFFFFFFF, s16;
	[tilespmem:s15+$0xA580] =	vst.add.f32.msk $0xffff, v8;
	v9 =	vmul.f32 v8, v8;
	v7 =	vmax.f32 v7, v8;
	v6 =	vmin.f32 v6, v8  }
0x25d: {  	[tilespmem:s15+$0x14580] =	vst v7  }
0x25e: {  	[tilespmem:s15+$0xF580] =	vst.add.f32.msk $0xffff, v9  }
0x25f: {  	[tilespmem:s15+$0x19580] =	vst v6  }
0x260: {  	v6 =	vld [tilespmem:s2+$0x0];
	_ =	sdelay $0x4  }
0x261: {  	(v2sf) =	vpush v6, $0x0;
	_ =	sdelay $0xe  }
0x262: {  	s15 =	spop (v2sf)  }
0x263: {  	v6 =	vld [tilespmem:s5+$0xFFFFFFE0];
	s15 =	sshll.u32 s15, $0x6  }
0x264: {  	v7 =	vld [tilespmem:s15+$0x5550];
	_ =	sdelay $0x1  }
0x265: {  	v8 =	vld [tilespmem:s15+$0x19550]  }
0x266: {  	v9 =	vld [tilespmem:s15+$0x14550];
	_ =	sdelay $0x1  }
0x267: {  	v6 =	vadd.f32 v7, v6;
	_ =	sdelay $0x1  }
0x268: {  	v6 =	vmax.f32 v6, $0.0e+00  }
0x269: {  	[tilespmem:s15+$0xA550] =	vst.add.f32.msk $0xffff, v6;
	v7 =	vmul.f32 v6, v6;
	v9 =	vmax.f32 v9, v6;
	v6 =	vmin.f32 v8, v6  }
0x26a: {  	[tilespmem:s15+$0x14550] =	vst v9  }
0x26b: {  	[tilespmem:s15+$0xF550] =	vst.add.f32.msk $0xffff, v7  }
0x26c: {  	[tilespmem:s15+$0x19550] =	vst v6;
	v6 =	vld [tilespmem:s15+$0x5560]  }
0x26d: {  	v7 =	vld [tilespmem:s5+$0xFFFFFFF0];
	_ =	sdelay $0x1  }
0x26e: {  	v8 =	vld [tilespmem:s15+$0x19560]  }
0x26f: {  	v9 =	vld [tilespmem:s15+$0x14560];
	_ =	sdelay $0x1  }
0x270: {  	v6 =	vadd.f32 v6, v7;
	_ =	sdelay $0x1  }
0x271: {  	v6 =	vmax.f32 v6, $0.0e+00  }
0x272: {  	[tilespmem:s15+$0xA560] =	vst.add.f32.msk $0xffff, v6;
	v7 =	vmul.f32 v6, v6;
	v9 =	vmax.f32 v9, v6;
	v6 =	vmin.f32 v8, v6  }
0x273: {  	[tilespmem:s15+$0x14560] =	vst v9  }
0x274: {  	[tilespmem:s15+$0xF560] =	vst.add.f32.msk $0xffff, v7  }
0x275: {  	[tilespmem:s15+$0x19560] =	vst v6;
	v6 =	vld [tilespmem:s15+$0x5570]  }
0x276: {  	v7 =	vld [tilespmem:s5+$0x0];
	_ =	sdelay $0x1  }
0x277: {  	v8 =	vld [tilespmem:s15+$0x19570]  }
0x278: {  	v9 =	vld [tilespmem:s15+$0x14570];
	_ =	sdelay $0x1  }
0x279: {  	v6 =	vadd.f32 v6, v7;
	_ =	sdelay $0x1  }
0x27a: {  	v6 =	vmax.f32 v6, $0.0e+00  }
0x27b: {  	[tilespmem:s15+$0xA570] =	vst.add.f32.msk $0xffff, v6;
	v7 =	vmul.f32 v6, v6;
	v9 =	vmax.f32 v9, v6;
	v6 =	vmin.f32 v8, v6  }
0x27c: {  	[tilespmem:s15+$0x14570] =	vst v9  }
0x27d: {  	[tilespmem:s15+$0xF570] =	vst.add.f32.msk $0xffff, v7  }
0x27e: {  	[tilespmem:s15+$0x19570] =	vst v6;
	v8 =	vld [tilespmem:s15+$0x5580]  }
0x27f: {  	v9 =	vld [tilespmem:s5+$0x10]  }
.Ltmp23:
0x280: {  	(pc) =	sbr.rel @p1 .LBB2_22-.Ltmp23, $3  }
0x281: {  	v6 =	vld [tilespmem:s15+$0x19580]  }
0x282: {  	v7 =	vld [tilespmem:s15+$0x14580];
	_ =	sdelay $0x1  }
0x283: {  	v8 =	vadd.f32 v8, v9  }
.Ltmp24:
0x284: {  	_ = 	snop;
	(pc) =	sbr.rel .LBB2_23-.Ltmp24, $1  }
0x285: {  	_ =	sdelay $0x3  }
.LBB2_33:
0x286: {  	v8 =	vmax.f32 v8, $0.0e+00  }
0x287: {  	[tilespmem:s15+$0xA580] =	vst.add.f32.msk $0xffff, v8;
	v7 =	vmax.f32 v7, v8  }
0x288: {  	v9 =	vmul.f32 v8, v8;
	v6 =	vmin.f32 v6, v8;
	[tilespmem:s15+$0x14580] =	vst v7  }
0x289: {  	[tilespmem:s15+$0x19580] =	vst v6  }
0x28a: {  	[tilespmem:s15+$0xF580] =	vst.add.f32.msk $0xffff, v9  }
.LBB2_34:
0x28b: {  	s31 =	sadd.s32 $0x1, s31  }
0x28c: {  	p1 =	sne.s32 s31, s28  }
.Ltmp25:
0x28d: {  	_ = 	snop;
	(pc) =	sbr.rel @!p1 .LBB2_35-.Ltmp25, $2  }
0x28e: {  	_ =	sdelay $0x2  }
0x28f: {  	s29 =	sadd.s32 $0xFFFFFF00, s29  }
.LBB2_28:
0x290: {  	s2 =	sshll.u32 s31, $0x8  }
0x291: {  	s5 =	sadd.s32 s25, s2  }
0x292: {  	s5 =	sshrl.u32 s5, $0x3  }
0x293: {  	s15 =	sadd.s32 s23, s5  }
0x294: {  	[tilespmem:s7], [sflag:$0x2] =	stream.linear.gather [hbm4b:s15+s26], $0x100, $0x38;
	[tilespmem:$0x1E690] =	vst v63  }
0x295: {  	_ =	swait.ge [sflag:s14], $0x100  }
0x296: {  	[sflag:s14] =	ssyncset.done $0x0  }
0x297: {  	s5 =	sadd.s32 s24, s5;
	[sflag:s14] =	ssyncadd.s32 $0xFFFFFF00  }
0x298: {  	[tilespmem:s19], [sflag:$0x2] =	stream.linear.gather [hbm4b:s5+s26], $0x100, $0x38;
	[tilespmem:$0x1E690] =	vst v63  }
0x299: {  	_ =	swait.ge [sflag:s14], $0x100  }
0x29a: {  	[sflag:s14] =	ssyncset.done $0x0  }
0x29b: {  	s5 =	simm.s32 $0x0;
	[sflag:s14] =	ssyncadd.s32 $0xFFFFFF00  }
0x29c: {  	v6 =	vld [tilespmem:s5+$0x1240]  }
0x29d: {  	p1 =	sgt.s32 s29, $0x1;
	s15 =	smov.u32 s29  }
0x29e: {  	s15 =	simm.s32 @!p1 $0x1  }
0x29f: {  	s16 =	smin.u32 s15, $0x100;
	s15 =	simm.s32 $0x40  }
.LBB2_29:
0x2a0: {  	p1 =	sne.s32 s15, $0x3C0  }
.Ltmp26:
0x2a1: {  	s17 =	sshra.s32 s15, $0x2;
	s15 =	sadd.s32 $0x40, s15;
	vm0 =	vgt.s32 v6, $0x0;
	(pc) =	sbr.rel @p1 .LBB2_29-.Ltmp26, $4  }
0x2a2: {  	v7 =	vnsel vm0, $0x0, v6;
	v6 =	vld [tilespmem:s17+$0x1240]  }
0x2a3: {  	v7 =	vmin.u32 v7, $0x27FF  }
0x2a4: {  	v7 =	vadd.s32 $0x5000, v7  }
0x2a5: {  	[tilespmem:s5+$0x1450] =	vst v7;
	s5 =	smov.u32 s17  }
0x2a6: {  	_ = 	snop  }
0x2a7: {  	vm0 =	vgt.s32 v6, $0x0  }
0x2a8: {  	v6 =	vnsel vm0, $0x0, v6  }
0x2a9: {  	v6 =	vmin.u32 v6, $0x27FF  }
0x2aa: {  	v6 =	vadd.s32 $0x5000, v6  }
0x2ab: {  	[tilespmem:s5+$0x1450] =	vst v6  }
0x2ac: {  	[tilespmem:s11], [sflag:$0x1] =	stream.indirect.gather [hbm4b:s22+s9], $0x40, s10, s9, $0xb8;
	[tilespmem:$0x1E690] =	vst v63  }
0x2ad: {  	s2 =	ssub.s32 s30, s2  }
0x2ae: {  	[tilespmem:s13], [sflag:$0x1] =	stream.indirect.gather [hbm4b:s22+s9], $0x40, s12, s9, $0xb8;
	[tilespmem:$0x1E690] =	vst v63  }
0x2af: {  	p1 =	slt.s32 s2, $0x1;
	_ =	swait.ge [sflag:s6], $0x2000  }
.Ltmp27:
0x2b0: {  	[sflag:s6] =	ssyncset.done $0x0;
	(pc) =	sbr.rel @p1 .LBB2_34-.Ltmp27, $4  }
0x2b1: {  	[sflag:s6] =	ssyncadd.s32 $0xFFFFE000  }
0x2b2: {  	_ =	swait.ge [sflag:s6], $0x2000  }
0x2b3: {  	[sflag:s6] =	ssyncset.done $0x0  }
0x2b4: {  	[sflag:s6] =	ssyncadd.s32 $0xFFFFE000  }
0x2b5: {  	s2 =	simm.s32 $0x1340  }
0x2b6: {  	v6 =	vld [tilespmem:s2+$0x0];
	_ =	sdelay $0x4  }
0x2b7: {  	(v2sf) =	vpush v6, $0x0;
	_ =	sdelay $0xe  }
0x2b8: {  	s5 =	simm.s32 $0x1570;
	s15 =	spop (v2sf)  }
0x2b9: {  	v6 =	vld [tilespmem:s5+$0xFFFFFFE0];
	s15 =	sshll.u32 s15, $0x6  }
0x2ba: {  	v7 =	vld [tilespmem:s15+$0x5550];
	_ =	sdelay $0x2  }
0x2bb: {  	v8 =	vld [tilespmem:s15+$0x14550]  }
0x2bc: {  	v9 =	vld [tilespmem:s15+$0x19550]  }
0x2bd: {  	v6 =	vadd.f32 v7, v6;
	_ =	sdelay $0x1  }
0x2be: {  	v6 =	vmax.f32 v6, $0.0e+00  }
0x2bf: {  	[tilespmem:s15+$0xA550] =	vst.add.f32.msk $0xffff, v6;
	v8 =	vmax.f32 v8, v6  }
0x2c0: {  	v7 =	vmul.f32 v6, v6;
	v6 =	vmin.f32 v9, v6;
	[tilespmem:s15+$0x14550] =	vst v8  }
0x2c1: {  	[tilespmem:s15+$0x19550] =	vst v6;
	v6 =	vld [tilespmem:s15+$0x5560]  }
0x2c2: {  	[tilespmem:s15+$0xF550] =	vst.add.f32.msk $0xffff, v7  }
0x2c3: {  	v7 =	vld [tilespmem:s5+$0xFFFFFFF0];
	_ =	sdelay $0x2  }
0x2c4: {  	v8 =	vld [tilespmem:s15+$0x14560]  }
0x2c5: {  	v9 =	vld [tilespmem:s15+$0x19560]  }
0x2c6: {  	v6 =	vadd.f32 v6, v7;
	_ =	sdelay $0x1  }
0x2c7: {  	v6 =	vmax.f32 v6, $0.0e+00  }
0x2c8: {  	[tilespmem:s15+$0xA560] =	vst.add.f32.msk $0xffff, v6;
	v8 =	vmax.f32 v8, v6  }
0x2c9: {  	v7 =	vmul.f32 v6, v6;
	v6 =	vmin.f32 v9, v6;
	[tilespmem:s15+$0x14560] =	vst v8  }
0x2ca: {  	[tilespmem:s15+$0x19560] =	vst v6;
	v6 =	vld [tilespmem:s15+$0x5570]  }
0x2cb: {  	[tilespmem:s15+$0xF560] =	vst.add.f32.msk $0xffff, v7  }
0x2cc: {  	v7 =	vld [tilespmem:s5+$0x0];
	_ =	sdelay $0x2  }
0x2cd: {  	v8 =	vld [tilespmem:s15+$0x14570]  }
0x2ce: {  	v9 =	vld [tilespmem:s15+$0x19570]  }
0x2cf: {  	v6 =	vadd.f32 v6, v7;
	_ =	sdelay $0x1  }
0x2d0: {  	v6 =	vmax.f32 v6, $0.0e+00  }
0x2d1: {  	[tilespmem:s15+$0xA570] =	vst.add.f32.msk $0xffff, v6;
	v8 =	vmax.f32 v8, v6  }
0x2d2: {  	v7 =	vmul.f32 v6, v6;
	v6 =	vmin.f32 v9, v6;
	[tilespmem:s15+$0x14570] =	vst v8  }
0x2d3: {  	[tilespmem:s15+$0x19570] =	vst v6;
	v8 =	vld [tilespmem:s15+$0x5580]  }
0x2d4: {  	[tilespmem:s15+$0xF570] =	vst.add.f32.msk $0xffff, v7  }
0x2d5: {  	v9 =	vld [tilespmem:s5+$0x10]  }
0x2d6: {  	p1 =	sne.s32 s16, $0x1  }
.Ltmp28:
0x2d7: {  	v6 =	vld [tilespmem:s15+$0x19580];
	(pc) =	sbr.rel @!p1 .LBB2_33-.Ltmp28, $3  }
0x2d8: {  	v7 =	vld [tilespmem:s15+$0x14580];
	_ =	sdelay $0x1  }
0x2d9: {  	v8 =	vadd.f32 v8, v9  }
0x2da: {  	s16 =	sadd.s32 $0xFFFFFFFF, s16  }
.LBB2_32:
0x2db: {  	p1 =	sne.s32 s16, $0x1;
	v8 =	vmax.f32 v8, $0.0e+00;
	s2 =	sadd.s32 $0x1, s2;
	s5 =	sadd.s32 $0x40, s5  }
0x2dc: {  	s16 =	sadd.s32 $0xFFFFFFFF, s16;
	[tilespmem:s15+$0xA580] =	vst.add.f32.msk $0xffff, v8;
	v9 =	vmul.f32 v8, v8;
	v7 =	vmax.f32 v7, v8;
	v6 =	vmin.f32 v6, v8  }
0x2dd: {  	[tilespmem:s15+$0x14580] =	vst v7  }
0x2de: {  	[tilespmem:s15+$0xF580] =	vst.add.f32.msk $0xffff, v9  }
0x2df: {  	[tilespmem:s15+$0x19580] =	vst v6  }
0x2e0: {  	v6 =	vld [tilespmem:s2+$0x0];
	_ =	sdelay $0x4  }
0x2e1: {  	(v2sf) =	vpush v6, $0x0;
	_ =	sdelay $0xe  }
0x2e2: {  	s15 =	spop (v2sf)  }
0x2e3: {  	v6 =	vld [tilespmem:s5+$0xFFFFFFE0];
	s15 =	sshll.u32 s15, $0x6  }
0x2e4: {  	v7 =	vld [tilespmem:s15+$0x5550];
	_ =	sdelay $0x1  }
0x2e5: {  	v8 =	vld [tilespmem:s15+$0x19550]  }
0x2e6: {  	v9 =	vld [tilespmem:s15+$0x14550];
	_ =	sdelay $0x1  }
0x2e7: {  	v6 =	vadd.f32 v7, v6;
	_ =	sdelay $0x1  }
0x2e8: {  	v6 =	vmax.f32 v6, $0.0e+00  }
0x2e9: {  	[tilespmem:s15+$0xA550] =	vst.add.f32.msk $0xffff, v6;
	v7 =	vmul.f32 v6, v6;
	v9 =	vmax.f32 v9, v6;
	v6 =	vmin.f32 v8, v6  }
0x2ea: {  	[tilespmem:s15+$0x14550] =	vst v9  }
0x2eb: {  	[tilespmem:s15+$0xF550] =	vst.add.f32.msk $0xffff, v7  }
0x2ec: {  	[tilespmem:s15+$0x19550] =	vst v6;
	v6 =	vld [tilespmem:s15+$0x5560]  }
0x2ed: {  	v7 =	vld [tilespmem:s5+$0xFFFFFFF0];
	_ =	sdelay $0x1  }
0x2ee: {  	v8 =	vld [tilespmem:s15+$0x19560]  }
0x2ef: {  	v9 =	vld [tilespmem:s15+$0x14560];
	_ =	sdelay $0x1  }
0x2f0: {  	v6 =	vadd.f32 v6, v7;
	_ =	sdelay $0x1  }
0x2f1: {  	v6 =	vmax.f32 v6, $0.0e+00  }
0x2f2: {  	[tilespmem:s15+$0xA560] =	vst.add.f32.msk $0xffff, v6;
	v7 =	vmul.f32 v6, v6;
	v9 =	vmax.f32 v9, v6;
	v6 =	vmin.f32 v8, v6  }
0x2f3: {  	[tilespmem:s15+$0x14560] =	vst v9  }
0x2f4: {  	[tilespmem:s15+$0xF560] =	vst.add.f32.msk $0xffff, v7  }
0x2f5: {  	[tilespmem:s15+$0x19560] =	vst v6;
	v6 =	vld [tilespmem:s15+$0x5570]  }
0x2f6: {  	v7 =	vld [tilespmem:s5+$0x0];
	_ =	sdelay $0x1  }
0x2f7: {  	v8 =	vld [tilespmem:s15+$0x19570]  }
0x2f8: {  	v9 =	vld [tilespmem:s15+$0x14570];
	_ =	sdelay $0x1  }
0x2f9: {  	v6 =	vadd.f32 v6, v7;
	_ =	sdelay $0x1  }
0x2fa: {  	v6 =	vmax.f32 v6, $0.0e+00  }
0x2fb: {  	[tilespmem:s15+$0xA570] =	vst.add.f32.msk $0xffff, v6;
	v7 =	vmul.f32 v6, v6;
	v9 =	vmax.f32 v9, v6;
	v6 =	vmin.f32 v8, v6  }
0x2fc: {  	[tilespmem:s15+$0x14570] =	vst v9  }
0x2fd: {  	[tilespmem:s15+$0xF570] =	vst.add.f32.msk $0xffff, v7  }
0x2fe: {  	[tilespmem:s15+$0x19570] =	vst v6;
	v8 =	vld [tilespmem:s15+$0x5580]  }
0x2ff: {  	v9 =	vld [tilespmem:s5+$0x10]  }
.Ltmp29:
0x300: {  	(pc) =	sbr.rel @p1 .LBB2_32-.Ltmp29, $3  }
0x301: {  	v6 =	vld [tilespmem:s15+$0x19580]  }
0x302: {  	v7 =	vld [tilespmem:s15+$0x14580];
	_ =	sdelay $0x1  }
0x303: {  	v8 =	vadd.f32 v8, v9  }
.Ltmp30:
0x304: {  	_ = 	snop;
	(pc) =	sbr.rel .LBB2_33-.Ltmp30, $1  }
0x305: {  	_ =	sdelay $0x3  }
.LBB2_43:
0x306: {  	v8 =	vmax.f32 v8, $0.0e+00  }
0x307: {  	[tilespmem:s15+$0xA580] =	vst.add.f32.msk $0xffff, v8;
	v7 =	vmax.f32 v7, v8  }
0x308: {  	v9 =	vmul.f32 v8, v8;
	v6 =	vmin.f32 v6, v8;
	[tilespmem:s15+$0x14580] =	vst v7  }
0x309: {  	[tilespmem:s15+$0x19580] =	vst v6  }
0x30a: {  	[tilespmem:s15+$0xF580] =	vst.add.f32.msk $0xffff, v9  }
.LBB2_44:
0x30b: {  	s31 =	sadd.s32 $0x1, s31  }
0x30c: {  	p0 =	sne.s32 s31, s28  }
.Ltmp31:
0x30d: {  	_ = 	snop;
	(pc) =	sbr.rel @!p0 .LBB2_45-.Ltmp31, $2  }
0x30e: {  	_ =	sdelay $0x2  }
0x30f: {  	s29 =	sadd.s32 $0xFFFFFF00, s29  }
.LBB2_38:
0x310: {  	s2 =	sshll.u32 s31, $0x8  }
0x311: {  	s5 =	sadd.s32 s25, s2  }
0x312: {  	s5 =	sshrl.u32 s5, $0x3  }
0x313: {  	s15 =	sadd.s32 s23, s5  }
0x314: {  	[tilespmem:s7], [sflag:$0x2] =	stream.linear.gather [hbm4b:s15+s26], $0x100, $0x38;
	[tilespmem:$0x1E690] =	vst v63  }
0x315: {  	_ =	swait.ge [sflag:s14], $0x100  }
0x316: {  	[sflag:s14] =	ssyncset.done $0x0  }
0x317: {  	s5 =	sadd.s32 s24, s5;
	[sflag:s14] =	ssyncadd.s32 $0xFFFFFF00  }
0x318: {  	[tilespmem:s19], [sflag:$0x2] =	stream.linear.gather [hbm4b:s5+s26], $0x100, $0x38;
	[tilespmem:$0x1E690] =	vst v63  }
0x319: {  	_ =	swait.ge [sflag:s14], $0x100  }
0x31a: {  	[sflag:s14] =	ssyncset.done $0x0  }
0x31b: {  	s5 =	simm.s32 $0x0;
	[sflag:s14] =	ssyncadd.s32 $0xFFFFFF00  }
0x31c: {  	v6 =	vld [tilespmem:s5+$0x1240]  }
0x31d: {  	p0 =	sgt.s32 s29, $0x1;
	s15 =	smov.u32 s29  }
0x31e: {  	s15 =	simm.s32 @!p0 $0x1  }
0x31f: {  	s16 =	smin.u32 s15, $0x100;
	s15 =	simm.s32 $0x40  }
.LBB2_39:
0x320: {  	p0 =	sne.s32 s15, $0x3C0  }
.Ltmp32:
0x321: {  	s17 =	sshra.s32 s15, $0x2;
	s15 =	sadd.s32 $0x40, s15;
	vm0 =	vgt.s32 v6, $0x0;
	(pc) =	sbr.rel @p0 .LBB2_39-.Ltmp32, $4  }
0x322: {  	v7 =	vnsel vm0, $0x0, v6;
	v6 =	vld [tilespmem:s17+$0x1240]  }
0x323: {  	v7 =	vmin.u32 v7, $0x27FF  }
0x324: {  	v7 =	vadd.s32 $0x7800, v7  }
0x325: {  	[tilespmem:s5+$0x1450] =	vst v7;
	s5 =	smov.u32 s17  }
0x326: {  	_ = 	snop  }
0x327: {  	vm0 =	vgt.s32 v6, $0x0  }
0x328: {  	v6 =	vnsel vm0, $0x0, v6  }
0x329: {  	v6 =	vmin.u32 v6, $0x27FF  }
0x32a: {  	v6 =	vadd.s32 $0x7800, v6  }
0x32b: {  	[tilespmem:s5+$0x1450] =	vst v6  }
0x32c: {  	[tilespmem:s11], [sflag:$0x1] =	stream.indirect.gather [hbm4b:s22+s9], $0x40, s10, s9, $0xb8;
	[tilespmem:$0x1E690] =	vst v63  }
0x32d: {  	s2 =	ssub.s32 s30, s2  }
0x32e: {  	[tilespmem:s13], [sflag:$0x1] =	stream.indirect.gather [hbm4b:s22+s9], $0x40, s12, s9, $0xb8;
	[tilespmem:$0x1E690] =	vst v63  }
0x32f: {  	p0 =	slt.s32 s2, $0x1;
	_ =	swait.ge [sflag:s6], $0x2000  }
.Ltmp33:
0x330: {  	[sflag:s6] =	ssyncset.done $0x0;
	(pc) =	sbr.rel @p0 .LBB2_44-.Ltmp33, $4  }
0x331: {  	[sflag:s6] =	ssyncadd.s32 $0xFFFFE000  }
0x332: {  	_ =	swait.ge [sflag:s6], $0x2000  }
0x333: {  	[sflag:s6] =	ssyncset.done $0x0  }
0x334: {  	[sflag:s6] =	ssyncadd.s32 $0xFFFFE000  }
0x335: {  	s2 =	simm.s32 $0x1340  }
0x336: {  	v6 =	vld [tilespmem:s2+$0x0];
	_ =	sdelay $0x4  }
0x337: {  	(v2sf) =	vpush v6, $0x0;
	_ =	sdelay $0xe  }
0x338: {  	s5 =	simm.s32 $0x1570;
	s15 =	spop (v2sf)  }
0x339: {  	v6 =	vld [tilespmem:s5+$0xFFFFFFE0];
	s15 =	sshll.u32 s15, $0x6  }
0x33a: {  	v7 =	vld [tilespmem:s15+$0x5550];
	_ =	sdelay $0x2  }
0x33b: {  	v8 =	vld [tilespmem:s15+$0x14550]  }
0x33c: {  	v9 =	vld [tilespmem:s15+$0x19550]  }
0x33d: {  	v6 =	vadd.f32 v7, v6;
	_ =	sdelay $0x1  }
0x33e: {  	v6 =	vmax.f32 v6, $0.0e+00  }
0x33f: {  	[tilespmem:s15+$0xA550] =	vst.add.f32.msk $0xffff, v6;
	v8 =	vmax.f32 v8, v6  }
0x340: {  	v7 =	vmul.f32 v6, v6;
	v6 =	vmin.f32 v9, v6;
	[tilespmem:s15+$0x14550] =	vst v8  }
0x341: {  	[tilespmem:s15+$0x19550] =	vst v6;
	v6 =	vld [tilespmem:s15+$0x5560]  }
0x342: {  	[tilespmem:s15+$0xF550] =	vst.add.f32.msk $0xffff, v7  }
0x343: {  	v7 =	vld [tilespmem:s5+$0xFFFFFFF0];
	_ =	sdelay $0x2  }
0x344: {  	v8 =	vld [tilespmem:s15+$0x14560]  }
0x345: {  	v9 =	vld [tilespmem:s15+$0x19560]  }
0x346: {  	v6 =	vadd.f32 v6, v7;
	_ =	sdelay $0x1  }
0x347: {  	v6 =	vmax.f32 v6, $0.0e+00  }
0x348: {  	[tilespmem:s15+$0xA560] =	vst.add.f32.msk $0xffff, v6;
	v8 =	vmax.f32 v8, v6  }
0x349: {  	v7 =	vmul.f32 v6, v6;
	v6 =	vmin.f32 v9, v6;
	[tilespmem:s15+$0x14560] =	vst v8  }
0x34a: {  	[tilespmem:s15+$0x19560] =	vst v6;
	v6 =	vld [tilespmem:s15+$0x5570]  }
0x34b: {  	[tilespmem:s15+$0xF560] =	vst.add.f32.msk $0xffff, v7  }
0x34c: {  	v7 =	vld [tilespmem:s5+$0x0];
	_ =	sdelay $0x2  }
0x34d: {  	v8 =	vld [tilespmem:s15+$0x14570]  }
0x34e: {  	v9 =	vld [tilespmem:s15+$0x19570]  }
0x34f: {  	v6 =	vadd.f32 v6, v7;
	_ =	sdelay $0x1  }
0x350: {  	v6 =	vmax.f32 v6, $0.0e+00  }
0x351: {  	[tilespmem:s15+$0xA570] =	vst.add.f32.msk $0xffff, v6;
	v8 =	vmax.f32 v8, v6  }
0x352: {  	v7 =	vmul.f32 v6, v6;
	v6 =	vmin.f32 v9, v6;
	[tilespmem:s15+$0x14570] =	vst v8  }
0x353: {  	[tilespmem:s15+$0x19570] =	vst v6;
	v8 =	vld [tilespmem:s15+$0x5580]  }
0x354: {  	[tilespmem:s15+$0xF570] =	vst.add.f32.msk $0xffff, v7  }
0x355: {  	v9 =	vld [tilespmem:s5+$0x10]  }
0x356: {  	p0 =	sne.s32 s16, $0x1  }
.Ltmp34:
0x357: {  	v6 =	vld [tilespmem:s15+$0x19580];
	(pc) =	sbr.rel @!p0 .LBB2_43-.Ltmp34, $3  }
0x358: {  	v7 =	vld [tilespmem:s15+$0x14580];
	_ =	sdelay $0x1  }
0x359: {  	v8 =	vadd.f32 v8, v9  }
0x35a: {  	s16 =	sadd.s32 $0xFFFFFFFF, s16  }
.LBB2_42:
0x35b: {  	p0 =	sne.s32 s16, $0x1;
	v8 =	vmax.f32 v8, $0.0e+00;
	s2 =	sadd.s32 $0x1, s2;
	s5 =	sadd.s32 $0x40, s5  }
0x35c: {  	s16 =	sadd.s32 $0xFFFFFFFF, s16;
	[tilespmem:s15+$0xA580] =	vst.add.f32.msk $0xffff, v8;
	v9 =	vmul.f32 v8, v8;
	v7 =	vmax.f32 v7, v8;
	v6 =	vmin.f32 v6, v8  }
0x35d: {  	[tilespmem:s15+$0x14580] =	vst v7  }
0x35e: {  	[tilespmem:s15+$0xF580] =	vst.add.f32.msk $0xffff, v9  }
0x35f: {  	[tilespmem:s15+$0x19580] =	vst v6  }
0x360: {  	v6 =	vld [tilespmem:s2+$0x0];
	_ =	sdelay $0x4  }
0x361: {  	(v2sf) =	vpush v6, $0x0;
	_ =	sdelay $0xe  }
0x362: {  	s15 =	spop (v2sf)  }
0x363: {  	v6 =	vld [tilespmem:s5+$0xFFFFFFE0];
	s15 =	sshll.u32 s15, $0x6  }
0x364: {  	v7 =	vld [tilespmem:s15+$0x5550];
	_ =	sdelay $0x1  }
0x365: {  	v8 =	vld [tilespmem:s15+$0x19550]  }
0x366: {  	v9 =	vld [tilespmem:s15+$0x14550];
	_ =	sdelay $0x1  }
0x367: {  	v6 =	vadd.f32 v7, v6;
	_ =	sdelay $0x1  }
0x368: {  	v6 =	vmax.f32 v6, $0.0e+00  }
0x369: {  	[tilespmem:s15+$0xA550] =	vst.add.f32.msk $0xffff, v6;
	v7 =	vmul.f32 v6, v6;
	v9 =	vmax.f32 v9, v6;
	v6 =	vmin.f32 v8, v6  }
0x36a: {  	[tilespmem:s15+$0x14550] =	vst v9  }
0x36b: {  	[tilespmem:s15+$0xF550] =	vst.add.f32.msk $0xffff, v7  }
0x36c: {  	[tilespmem:s15+$0x19550] =	vst v6;
	v6 =	vld [tilespmem:s15+$0x5560]  }
0x36d: {  	v7 =	vld [tilespmem:s5+$0xFFFFFFF0];
	_ =	sdelay $0x1  }
0x36e: {  	v8 =	vld [tilespmem:s15+$0x19560]  }
0x36f: {  	v9 =	vld [tilespmem:s15+$0x14560];
	_ =	sdelay $0x1  }
0x370: {  	v6 =	vadd.f32 v6, v7;
	_ =	sdelay $0x1  }
0x371: {  	v6 =	vmax.f32 v6, $0.0e+00  }
0x372: {  	[tilespmem:s15+$0xA560] =	vst.add.f32.msk $0xffff, v6;
	v7 =	vmul.f32 v6, v6;
	v9 =	vmax.f32 v9, v6;
	v6 =	vmin.f32 v8, v6  }
0x373: {  	[tilespmem:s15+$0x14560] =	vst v9  }
0x374: {  	[tilespmem:s15+$0xF560] =	vst.add.f32.msk $0xffff, v7  }
0x375: {  	[tilespmem:s15+$0x19560] =	vst v6;
	v6 =	vld [tilespmem:s15+$0x5570]  }
0x376: {  	v7 =	vld [tilespmem:s5+$0x0];
	_ =	sdelay $0x1  }
0x377: {  	v8 =	vld [tilespmem:s15+$0x19570]  }
0x378: {  	v9 =	vld [tilespmem:s15+$0x14570];
	_ =	sdelay $0x1  }
0x379: {  	v6 =	vadd.f32 v6, v7;
	_ =	sdelay $0x1  }
0x37a: {  	v6 =	vmax.f32 v6, $0.0e+00  }
0x37b: {  	[tilespmem:s15+$0xA570] =	vst.add.f32.msk $0xffff, v6;
	v7 =	vmul.f32 v6, v6;
	v9 =	vmax.f32 v9, v6;
	v6 =	vmin.f32 v8, v6  }
0x37c: {  	[tilespmem:s15+$0x14570] =	vst v9  }
0x37d: {  	[tilespmem:s15+$0xF570] =	vst.add.f32.msk $0xffff, v7  }
0x37e: {  	[tilespmem:s15+$0x19570] =	vst v6;
	v8 =	vld [tilespmem:s15+$0x5580]  }
0x37f: {  	v9 =	vld [tilespmem:s5+$0x10]  }
.Ltmp35:
0x380: {  	(pc) =	sbr.rel @p0 .LBB2_42-.Ltmp35, $3  }
0x381: {  	v6 =	vld [tilespmem:s15+$0x19580]  }
0x382: {  	v7 =	vld [tilespmem:s15+$0x14580];
	_ =	sdelay $0x1  }
0x383: {  	v8 =	vadd.f32 v8, v9  }
.Ltmp36:
0x384: {  	_ = 	snop;
	(pc) =	sbr.rel .LBB2_43-.Ltmp36, $1  }
0x385: {  	_ =	sdelay $0x3  }
.LBB2_46:
0x386: {  	_ =	sfence.sel $0x180000  }
0x387: {  	[bflag:$0x0] =	sbarrier.arrive $0xFFFF  }
0x388: {  	_ =	strace $0x90000047  }
0x389: {  	s0 =	stileid.u32;
	[bflag:$0x2] =	sbarrier.arrive $0xFFFF  }
0x38a: {  	p0 =	sne.s32 s0, $0x0;
	s0 =	rddreg [dreg:$0x2]  }
0x38b: {  	s0 =	sadd.s32 @!p0 $0x100000, s0  }
0x38c: {  	[sflag:s0] =	ssyncadd.tile.s32 @!p0 $0x1;
	_ =	shalt  }
.Lfunc_end2:
_tile_overlayer_lowered:
.L_overlay_start_2:
0x38d: {  	(tag) =	ssettag $0x2  }
0x38e: {  	s0 =	rddreg [dreg:$0x0];
	s2 =	stileid.u32  }
0x38f: {  	s1 =	rddreg [dreg:$0x1];
	p0 =	sne.s32 s2, $0x0  }
0x390: {  	s3 =	rddreg [dreg:$0x2];
	[bflag:$0x3] =	sbarrier.arrive $0xFFFF;
	s2 =	simm.s32 @!p0 $0x1C02  }
0x391: {  	[timem:s3], [sflag:s2] =	dma.local @!p0 [hbm:s0], s1  }
0x392: {  	s0 =	simm.s32 @!p0 $0x2  }
0x393: {  	_ =	swait.ge @!p0 [sflag:s0], s1  }
0x394: {  	s1 =	ssub.s32 @!p0 $0x0, s1;
	[sflag:s0] =	ssyncset.done @!p0 $0x0  }
0x395: {  	[sflag:s0] =	ssyncadd.s32 @!p0 s1  }
0x396: {  	[bflag:$0x3] =	sbarrier.arrive $0xFFFF  }
0x397: {  	_ =	shalt  }

</sc_bundles>
